<compile_context>
chip_gen: v7x
topology: tpu7x:2x2x1
jax: 0.10.2.dev20260603
libtpu: 0.0.44.dev20260713+nightly
codegen_flags: <defaults>
</compile_context>

<pallas_src>
import functools

import jax
import jax.numpy as jnp
from jax import lax
from jax.experimental import pallas as pl
from jax.experimental.pallas import tpu as pltpu
from jax.experimental.pallas import tpu_sc as plsc

_B, _N, _C = 32, 16384, 81
_TB = 24
_SCR = _B - _TB
_NW = 32
_WPR = _NW // _SCR
_SEG = _N // _WPR
_G = 256
_NG = _SEG // _G
_SB = _G // 16

_LN2 = 0.6931471805599453
_SQRT2 = 1.4142135381698608



def _tc_body(conf_ref, minf_ref, out_ref):
    x = conf_ref[0]
    C = x.shape[-1]
    y = jnp.exp(x)
    ones_r = jnp.ones((1, C), jnp.float32)
    dn = (((1,), (1,)), ((), ()))
    s = jax.lax.dot_general(ones_r, y, dn, precision=jax.lax.Precision.HIGHEST,
                            preferred_element_type=jnp.float32)
    e0_r = (jax.lax.broadcasted_iota(jnp.int32, (1, C), 1) == 0).astype(jnp.float32)
    x0 = jax.lax.dot_general(e0_r, x, dn, precision=jax.lax.Precision.HIGHEST,
                             preferred_element_type=jnp.float32)
    loss = jnp.log(s) - x0 + minf_ref[0]
    rmax = jnp.max(loss)
    t = (rmax * 0.0) * 0.0
    out_ref[0] = loss + t



def _log16(s):
    xi = plsc.bitcast(s, jnp.int32)
    e = lax.shift_right_arithmetic(xi, 23) - 127
    mi = jnp.bitwise_or(jnp.bitwise_and(xi, 0x007FFFFF), 0x3F800000)
    m = plsc.bitcast(mi, jnp.float32)
    big = m > _SQRT2
    m = jnp.where(big, m * 0.5, m)
    e = jnp.where(big, e + 1, e)
    z = (m - 1.0) / (m + 1.0)
    z2 = z * z
    p = jnp.float32(1.0 / 9.0)
    p = p * z2 + jnp.float32(1.0 / 7.0)
    p = p * z2 + jnp.float32(0.2)
    p = p * z2 + jnp.float32(1.0 / 3.0)
    p = p * z2 + jnp.float32(1.0)
    return e.astype(jnp.float32) * jnp.float32(_LN2) + 2.0 * z * p


def _sc_body(conf_hbm, cat_hbm, out_hbm, rmax_hbm,
             buf0, buf1, cat_v, loss_v, rmax_v, sem0, sem1):
    wid = lax.axis_index("s") * 2 + lax.axis_index("c")
    row = _TB + wid // _WPR
    seg0 = (wid % _WPR) * _SEG
    pltpu.sync_copy(cat_hbm.at[row, pl.ds(seg0, _SEG)], cat_v)
    iota16 = lax.iota(jnp.int32, 16)
    ninf = jnp.full((16,), -jnp.inf, jnp.float32)

    def process(g, buf, rmax):
        def sb_body(sb, rmax):
            rows = iota16 + sb * 16
            v0 = plsc.load_gather(buf, [rows, jnp.zeros((16,), jnp.int32)])
            s = jnp.exp(v0)
            for c in range(1, _C):
                s = s + jnp.exp(
                    plsc.load_gather(buf, [rows, jnp.full((16,), c, jnp.int32)]))
            loss = _log16(s) - v0
            off = g * _G + sb * 16
            loss = jnp.where(cat_v[pl.ds(off, 16)] > 0, ninf, loss)
            loss_v[pl.ds(off, 16)] = loss
            return jnp.maximum(rmax, loss)

        return lax.fori_loop(0, _SB, sb_body, rmax)

    pltpu.async_copy(conf_hbm.at[row, pl.ds(seg0, _G), :], buf0, sem0)

    def g_body(i, rmax):
        g0 = 2 * i
        g1 = g0 + 1
        pltpu.async_copy(
            conf_hbm.at[row, pl.ds(seg0 + g1 * _G, _G), :], buf1, sem1)
        pltpu.make_async_copy(conf_hbm.at[0, pl.ds(0, _G), :], buf0, sem0).wait()
        rmax = process(g0, buf0, rmax)

        @pl.when(g1 + 1 < _NG)
        def _():
            pltpu.async_copy(
                conf_hbm.at[row, pl.ds(seg0 + (g1 + 1) * _G, _G), :], buf0, sem0)

        pltpu.make_async_copy(conf_hbm.at[0, pl.ds(0, _G), :], buf1, sem1).wait()
        return process(g1, buf1, rmax)

    rmax = lax.fori_loop(0, _NG // 2, g_body, ninf)
    rmax_v[...] = rmax
    pltpu.sync_copy(rmax_v, rmax_hbm.at[wid])
    pltpu.sync_copy(loss_v, out_hbm.at[row - _TB, pl.ds(seg0, _SEG)])


_sc_kernel = functools.partial(
    pl.kernel,
    out_type=(jax.ShapeDtypeStruct((_SCR, _N), jnp.float32),
              jax.ShapeDtypeStruct((_NW, 16), jnp.float32)),
    mesh=plsc.VectorSubcoreMesh(core_axis_name="c", subcore_axis_name="s"),
    compiler_params=pltpu.CompilerParams(needs_layout_passes=False),
    scratch_types=[
        pltpu.VMEM((_G, _C), jnp.float32),
        pltpu.VMEM((_G, _C), jnp.float32),
        pltpu.VMEM((_SEG,), jnp.int32),
        pltpu.VMEM((_SEG,), jnp.float32),
        pltpu.VMEM((16,), jnp.float32),
        pltpu.SemaphoreType.DMA,
        pltpu.SemaphoreType.DMA,
    ],
)(_sc_body)


def kernel(predicted_boxes, confidences, target_boxes, target_categories):
    B, N, C = confidences.shape
    cat = target_categories.astype(jnp.int32)

    sc_loss, sc_rmax = _sc_kernel(confidences, cat)

    minf = jnp.where(cat > 0, -jnp.inf, 0.0).astype(jnp.float32)
    tc_out = pl.pallas_call(
        _tc_body,
        grid=(_TB,),
        in_specs=[
            pl.BlockSpec((1, N, C), lambda b: (b, 0, 0)),
            pl.BlockSpec((1, 1, N), lambda b: (b, 0, 0)),
        ],
        out_specs=pl.BlockSpec((1, 1, N), lambda b: (b, 0, 0)),
        out_shape=jax.ShapeDtypeStruct((_TB, 1, N), jnp.float32),
    )(confidences, minf.reshape(B, 1, N))

    rmax8 = jnp.max(sc_rmax.reshape(_SCR, _WPR * 16), axis=1)
    t8 = (rmax8 * 0.0) * 0.0
    sc_out = sc_loss + t8[:, None]

    out = jnp.concatenate([tc_out.reshape(_TB, N), sc_out], axis=0)
    return jax.lax.stop_gradient(out)

# --- scband reference (transcript-rebuilt; emitter-appended) ---
"""Pipeline reference for scband-rotated-multi-box-loss-14757507629523 (READ-ONLY COPY).

The authoritative reference and input builder live on the scoring server;
editing this copy changes nothing except your own understanding.
"""

import jax, jax.numpy as jnp
import numpy as np

NUM_CLASSES = 81
OVERLAP_THRESHOLD = 0.5
POS_NEG_RATIO = 3.0


def setup_inputs(seed: int = 0) -> dict:
    key = jax.random.key(seed)
    k1, k2, k3, k4 = jax.random.split(key, 4)
    B, N, C = 32, 16384, NUM_CLASSES
    return {
        "predicted_boxes": jax.random.normal(k1, (B, N, 5), dtype=jnp.float32),
        "confidences": jax.random.normal(k2, (B, N, C), dtype=jnp.float32),
        "target_boxes": jax.random.normal(k3, (B, N, 5), dtype=jnp.float32),
        "target_categories": jax.random.randint(k4, (B, N), 0, C),
    }


def reference(predicted_boxes, confidences, target_boxes, target_categories):
    # loss = -F.log_softmax(confidences, dim=2)[:, :, 0]  (under torch.no_grad())
    loss = -jax.nn.log_softmax(confidences, axis=2)[:, :, 0]
    # calculate_hard_negative_mining_mask body (as written in the torch source):
    positive_mask = target_categories > 0
    positive_count = jnp.sum(positive_mask, axis=1, keepdims=True)
    negative_count = positive_count * POS_NEG_RATIO
    # log_softmax_loss[positive_mask] = -inf
    loss = jnp.where(positive_mask, -jnp.inf, loss)
    # _, indexes = loss.sort(dim=1, descending=True)
    indexes = jnp.argsort(-loss, axis=1)
    # (the torch helper stops here / returns nothing further; we touch the
    #  sorted indexes so the sort is not dead code, matching the executed work)
    loss = loss + 0.0 * jnp.take_along_axis(loss, indexes, axis=1)[:, :1] * 0.0
    # forward runs entirely under torch.no_grad() -> stop_gradient
    return jax.lax.stop_gradient(loss)

if __name__ == "__main__":
    import jax
    _d = setup_inputs()
    print(jax.jit(kernel)(*tuple(_d.values())))

</pallas_src>

<mosaic_0001>
#map = affine_map<(d0, d1) -> (0, 0, 0)>
#map1 = affine_map<(d0, d1) -> (0, 0)>
module attributes {stable_mosaic.version = 14 : i64} {
  func.func @_sc_body(%arg0: i32, %arg1: i32, %arg2: memref<32x16384x81xf32, #tpu.memory_space<hbm>>, %arg3: memref<32x16384xi32, #tpu.memory_space<hbm>>, %arg4: memref<8x16384xf32, #tpu.memory_space<hbm>>, %arg5: memref<32x16xf32, #tpu.memory_space<hbm>>, %arg6: memref<256x81xf32, #tpu.memory_space<vmem>>, %arg7: memref<256x81xf32, #tpu.memory_space<vmem>>, %arg8: memref<4096xi32, #tpu.memory_space<vmem>>, %arg9: memref<4096xf32, #tpu.memory_space<vmem>>, %arg10: memref<16xf32, #tpu.memory_space<vmem>>, %arg11: memref<!tpu.dma_semaphore, #tpu.memory_space<semaphore_mem>>, %arg12: memref<!tpu.dma_semaphore, #tpu.memory_space<semaphore_mem>>) attributes {dimension_semantics = [#tpu.dimension_semantics<core_parallel>, #tpu.dimension_semantics<subcore_parallel>], iteration_bounds = array<i64: 2, 16>, scalar_prefetch = 0 : i64, scratch_operands = 7 : i64, tpu.core_type = #tpu.core_type<sc_vector_subcore>, window_params = [{transform_indices = #map}, {transform_indices = #map1}, {transform_indices = #map1}, {transform_indices = #map1}]} {
    %mul3A = arith.constant 2 : i32
    %mul3A_0 = arith.muli %arg1, %mul3A : i32
    %add3A = arith.addi %mul3A_0, %arg0 : i32
    %jit3A = arith.constant 4 : i32
    %div3A = arith.divsi %add3A, %jit3A : i32
    %sign3A = arith.constant 0 : i32
    %sign3A_1 = arith.cmpi sgt, %add3A, %sign3A : i32
    %sign3A_2 = arith.extui %sign3A_1 : i1 to i32
    %sign3A_3 = arith.constant 0 : i32
    %sign3A_4 = arith.cmpi slt, %add3A, %sign3A_3 : i32
    %sign3A_5 = arith.extui %sign3A_4 : i1 to i32
    %sign3A_6 = arith.subi %sign3A_2, %sign3A_5 : i32
    %sign3A_7 = arith.constant 0 : i32
    %sign3A_8 = arith.cmpi sgt, %jit3A, %sign3A_7 : i32
    %sign3A_9 = arith.extui %sign3A_8 : i1 to i32
    %sign3A_10 = arith.constant 0 : i32
    %sign3A_11 = arith.cmpi slt, %jit3A, %sign3A_10 : i32
    %sign3A_12 = arith.extui %sign3A_11 : i1 to i32
    %sign3A_13 = arith.subi %sign3A_9, %sign3A_12 : i32
    %ne3A = arith.cmpi ne, %sign3A_6, %sign3A_13 : i32
    %rem3A = arith.remsi %add3A, %jit3A : i32
    %ne3A_14 = arith.constant 0 : i32
    %ne3A_15 = arith.cmpi ne, %rem3A, %ne3A_14 : i32
    %and3A = arith.andi %ne3A, %ne3A_15 : i1
    %sub3A = arith.constant 1 : i32
    %sub3A_16 = arith.subi %div3A, %sub3A : i32
    %select_n3A = arith.select %and3A, %sub3A_16, %div3A : i32
    %add3A_17 = arith.constant 24 : i32
    %add3A_18 = arith.addi %add3A_17, %select_n3A : i32
    %jit3A_19 = arith.constant 4 : i32
    %eq3A = arith.constant 0 : i32
    %eq3A_20 = arith.cmpi eq, %jit3A_19, %eq3A : i32
    %jit3A_21 = arith.constant 1 : i32
    %select_n3A_22 = arith.select %eq3A_20, %jit3A_21, %jit3A_19 : i32
    %rem3A_23 = arith.remsi %add3A, %select_n3A_22 : i32
    %ne3A_24 = arith.constant 0 : i32
    %ne3A_25 = arith.cmpi ne, %rem3A_23, %ne3A_24 : i32
    %lt3A = arith.constant 0 : i32
    %lt3A_26 = arith.cmpi slt, %rem3A_23, %lt3A : i32
    %lt3A_27 = arith.constant 0 : i32
    %lt3A_28 = arith.cmpi slt, %select_n3A_22, %lt3A_27 : i32
    %ne3A_29 = arith.xori %lt3A_26, %lt3A_28 : i1
    %and3A_30 = arith.andi %ne3A_29, %ne3A_25 : i1
    %add3A_31 = arith.addi %rem3A_23, %select_n3A_22 : i32
    %select_n3A_32 = arith.select %and3A_30, %add3A_31, %rem3A_23 : i32
    %mul3A_33 = arith.constant 4096 : i32
    %mul3A_34 = arith.muli %select_n3A_32, %mul3A_33 : i32
    "tpu.region"() ({
      %run_scoped3A = tpu.sem_alloc : memref<!tpu.dma_semaphore, #tpu.memory_space<semaphore_mem>>
      %dma_start3A_49 = tpu.memref_slice %arg3[%add3A_18, %mul3A_34] : memref<32x16384xi32, #tpu.memory_space<hbm>> -> memref<1x4096xi32, #tpu.memory_space<hbm>>
      %dma_start3A_50 = tpu.memref_squeeze %dma_start3A_49 : memref<1x4096xi32, #tpu.memory_space<hbm>> -> memref<4096xi32, #tpu.memory_space<hbm>>
      %dma_start3A_51 = tpu.memref_slice %arg3[%add3A_18, %mul3A_34] : memref<32x16384xi32, #tpu.memory_space<hbm>> -> memref<1x4096xi32, #tpu.memory_space<hbm>>
      %dma_start3A_52 = tpu.memref_squeeze %dma_start3A_51 : memref<1x4096xi32, #tpu.memory_space<hbm>> -> memref<4096xi32, #tpu.memory_space<hbm>>
      tpu.enqueue_dma source(%dma_start3A_52 : memref<4096xi32, #tpu.memory_space<hbm>>) target(%arg8 : memref<4096xi32, #tpu.memory_space<vmem>>) target_semaphore(%run_scoped3A : memref<!tpu.dma_semaphore, #tpu.memory_space<semaphore_mem>>)
      %dma_wait3A = tpu.memref_slice %arg3[%add3A_18, %mul3A_34] : memref<32x16384xi32, #tpu.memory_space<hbm>> -> memref<1x4096xi32, #tpu.memory_space<hbm>>
      %dma_wait3A_53 = tpu.memref_squeeze %dma_wait3A : memref<1x4096xi32, #tpu.memory_space<hbm>> -> memref<4096xi32, #tpu.memory_space<hbm>>
      %dma_wait3A_54 = tpu.memref_slice %arg3[%add3A_18, %mul3A_34] : memref<32x16384xi32, #tpu.memory_space<hbm>> -> memref<1x4096xi32, #tpu.memory_space<hbm>>
      %dma_wait3A_55 = tpu.memref_squeeze %dma_wait3A_54 : memref<1x4096xi32, #tpu.memory_space<hbm>> -> memref<4096xi32, #tpu.memory_space<hbm>>
      tpu.wait_dma2 semaphore(%run_scoped3A : memref<!tpu.dma_semaphore, #tpu.memory_space<semaphore_mem>>) src(%dma_wait3A_55 : memref<4096xi32, #tpu.memory_space<hbm>>) dst(%arg8 : memref<4096xi32, #tpu.memory_space<vmem>>)
      tpu.yield
    }) : () -> ()
    %iota3A = tpu.iota {dimensions = array<i32: 0>} : vector<16xi32>
    %broadcast_in_dim3A = arith.constant 0xFF800000 : f32
    %broadcast_in_dim3A_35 = vector.broadcast %broadcast_in_dim3A : f32 to vector<16xf32>
    %dma_start3A = arith.constant 0 : i32
    %dma_start3A_36 = tpu.memref_slice %arg2[%add3A_18, %mul3A_34, %dma_start3A] : memref<32x16384x81xf32, #tpu.memory_space<hbm>> -> memref<1x256x81xf32, #tpu.memory_space<hbm>>
    %dma_start3A_37 = tpu.memref_squeeze %dma_start3A_36 : memref<1x256x81xf32, #tpu.memory_space<hbm>> -> memref<256x81xf32, #tpu.memory_space<hbm>>
    %dma_start3A_38 = arith.constant 0 : i32
    %dma_start3A_39 = tpu.memref_slice %arg2[%add3A_18, %mul3A_34, %dma_start3A_38] : memref<32x16384x81xf32, #tpu.memory_space<hbm>> -> memref<1x256x81xf32, #tpu.memory_space<hbm>>
    %dma_start3A_40 = tpu.memref_squeeze %dma_start3A_39 : memref<1x256x81xf32, #tpu.memory_space<hbm>> -> memref<256x81xf32, #tpu.memory_space<hbm>>
    tpu.enqueue_dma source(%dma_start3A_40 : memref<256x81xf32, #tpu.memory_space<hbm>>) target(%arg6 : memref<256x81xf32, #tpu.memory_space<vmem>>) target_semaphore(%arg11 : memref<!tpu.dma_semaphore, #tpu.memory_space<semaphore_mem>>)
    %scan3A = arith.constant 0 : i32
    %scan3A_41 = arith.constant 8 : i32
    %scan3A_42 = arith.addi %scan3A, %scan3A_41 : i32
    %scan3A_43 = arith.constant 1 : i32
    %scan3A_44 = scf.for %scan3A_49 = %scan3A to %scan3A_42 step %scan3A_43 iter_args(%scan3A_50 = %broadcast_in_dim3A_35) -> (vector<16xf32>)  : i32 {
      %mul3A_51 = arith.constant 2 : i32
      %mul3A_52 = arith.muli %mul3A_51, %scan3A_49 : i32
      %add3A_53 = arith.constant 1 : i32
      %add3A_54 = arith.addi %mul3A_52, %add3A_53 : i32
      %mul3A_55 = arith.constant 256 : i32
      %mul3A_56 = arith.muli %add3A_54, %mul3A_55 : i32
      %add3A_57 = arith.addi %mul3A_34, %mul3A_56 : i32
      %dma_start3A_58 = arith.constant 0 : i32
      %dma_start3A_59 = tpu.memref_slice %arg2[%add3A_18, %add3A_57, %dma_start3A_58] : memref<32x16384x81xf32, #tpu.memory_space<hbm>> -> memref<1x256x81xf32, #tpu.memory_space<hbm>>
      %dma_start3A_60 = tpu.memref_squeeze %dma_start3A_59 : memref<1x256x81xf32, #tpu.memory_space<hbm>> -> memref<256x81xf32, #tpu.memory_space<hbm>>
      %dma_start3A_61 = arith.constant 0 : i32
      %dma_start3A_62 = tpu.memref_slice %arg2[%add3A_18, %add3A_57, %dma_start3A_61] : memref<32x16384x81xf32, #tpu.memory_space<hbm>> -> memref<1x256x81xf32, #tpu.memory_space<hbm>>
      %dma_start3A_63 = tpu.memref_squeeze %dma_start3A_62 : memref<1x256x81xf32, #tpu.memory_space<hbm>> -> memref<256x81xf32, #tpu.memory_space<hbm>>
      tpu.enqueue_dma source(%dma_start3A_63 : memref<256x81xf32, #tpu.memory_space<hbm>>) target(%arg7 : memref<256x81xf32, #tpu.memory_space<vmem>>) target_semaphore(%arg12 : memref<!tpu.dma_semaphore, #tpu.memory_space<semaphore_mem>>)
      %dma_wait3A = arith.constant 0 : i32
      %dma_wait3A_64 = arith.constant 0 : i32
      %dma_wait3A_65 = arith.constant 0 : i32
      %dma_wait3A_66 = tpu.memref_slice %arg2[%dma_wait3A, %dma_wait3A_64, %dma_wait3A_65] : memref<32x16384x81xf32, #tpu.memory_space<hbm>> -> memref<1x256x81xf32, #tpu.memory_space<hbm>>
      %dma_wait3A_67 = tpu.memref_squeeze %dma_wait3A_66 : memref<1x256x81xf32, #tpu.memory_space<hbm>> -> memref<256x81xf32, #tpu.memory_space<hbm>>
      %dma_wait3A_68 = arith.constant 0 : i32
      %dma_wait3A_69 = arith.constant 0 : i32
      %dma_wait3A_70 = tpu.memref_slice %arg2[%dma_wait3A, %dma_wait3A_68, %dma_wait3A_69] : memref<32x16384x81xf32, #tpu.memory_space<hbm>> -> memref<1x256x81xf32, #tpu.memory_space<hbm>>
      %dma_wait3A_71 = tpu.memref_squeeze %dma_wait3A_70 : memref<1x256x81xf32, #tpu.memory_space<hbm>> -> memref<256x81xf32, #tpu.memory_space<hbm>>
      tpu.wait_dma2 semaphore(%arg11 : memref<!tpu.dma_semaphore, #tpu.memory_space<semaphore_mem>>) src(%dma_wait3A_71 : memref<256x81xf32, #tpu.memory_space<hbm>>) dst(%arg6 : memref<256x81xf32, #tpu.memory_space<vmem>>)
      %scan3A_72 = arith.constant 0 : i32
      %scan3A_73 = arith.constant 16 : i32
      %scan3A_74 = arith.addi %scan3A_72, %scan3A_73 : i32
      %scan3A_75 = arith.constant 1 : i32
      %scan3A_76 = scf.for %scan3A_98 = %scan3A_72 to %scan3A_74 step %scan3A_75 iter_args(%scan3A_99 = %scan3A_50) -> (vector<16xf32>)  : i32 {
        %mul3A_100 = arith.constant 16 : i32
        %mul3A_101 = arith.muli %scan3A_98, %mul3A_100 : i32
        %add3A_102 = vector.broadcast %mul3A_101 : i32 to vector<16xi32>
        %add3A_103 = arith.addi %iota3A, %add3A_102 : vector<16xi32>
        %broadcast_in_dim3A_104 = arith.constant 0 : i32
        %broadcast_in_dim3A_105 = vector.broadcast %broadcast_in_dim3A_104 : i32 to vector<16xi32>
        %gather3A = tpu.vector_load_idx %arg6[%add3A_103, %broadcast_in_dim3A_105] : memref<256x81xf32, #tpu.memory_space<vmem>>[vector<16xi32>, vector<16xi32>], vector<16xf32>,
        %exp3A = math.exp %gather3A : vector<16xf32>
        %broadcast_in_dim3A_106 = arith.constant 1 : i32
        %broadcast_in_dim3A_107 = vector.broadcast %broadcast_in_dim3A_106 : i32 to vector<16xi32>
        %gather3A_108 = tpu.vector_load_idx %arg6[%add3A_103, %broadcast_in_dim3A_107] : memref<256x81xf32, #tpu.memory_space<vmem>>[vector<16xi32>, vector<16xi32>], vector<16xf32>,
        %exp3A_109 = math.exp %gather3A_108 : vector<16xf32>
        %add3A_110 = arith.addf %exp3A, %exp3A_109 : vector<16xf32>
        %broadcast_in_dim3A_111 = arith.constant 2 : i32
        %broadcast_in_dim3A_112 = vector.broadcast %broadcast_in_dim3A_111 : i32 to vector<16xi32>
        %gather3A_113 = tpu.vector_load_idx %arg6[%add3A_103, %broadcast_in_dim3A_112] : memref<256x81xf32, #tpu.memory_space<vmem>>[vector<16xi32>, vector<16xi32>], vector<16xf32>,
        %exp3A_114 = math.exp %gather3A_113 : vector<16xf32>
        %add3A_115 = arith.addf %add3A_110, %exp3A_114 : vector<16xf32>
        %broadcast_in_dim3A_116 = arith.constant 3 : i32
        %broadcast_in_dim3A_117 = vector.broadcast %broadcast_in_dim3A_116 : i32 to vector<16xi32>
        %gather3A_118 = tpu.vector_load_idx %arg6[%add3A_103, %broadcast_in_dim3A_117] : memref<256x81xf32, #tpu.memory_space<vmem>>[vector<16xi32>, vector<16xi32>], vector<16xf32>,
        %exp3A_119 = math.exp %gather3A_118 : vector<16xf32>
        %add3A_120 = arith.addf %add3A_115, %exp3A_119 : vector<16xf32>
        %broadcast_in_dim3A_121 = arith.constant 4 : i32
        %broadcast_in_dim3A_122 = vector.broadcast %broadcast_in_dim3A_121 : i32 to vector<16xi32>
        %gather3A_123 = tpu.vector_load_idx %arg6[%add3A_103, %broadcast_in_dim3A_122] : memref<256x81xf32, #tpu.memory_space<vmem>>[vector<16xi32>, vector<16xi32>], vector<16xf32>,
        %exp3A_124 = math.exp %gather3A_123 : vector<16xf32>
        %add3A_125 = arith.addf %add3A_120, %exp3A_124 : vector<16xf32>
        %broadcast_in_dim3A_126 = arith.constant 5 : i32
        %broadcast_in_dim3A_127 = vector.broadcast %broadcast_in_dim3A_126 : i32 to vector<16xi32>
        %gather3A_128 = tpu.vector_load_idx %arg6[%add3A_103, %broadcast_in_dim3A_127] : memref<256x81xf32, #tpu.memory_space<vmem>>[vector<16xi32>, vector<16xi32>], vector<16xf32>,
        %exp3A_129 = math.exp %gather3A_128 : vector<16xf32>
        %add3A_130 = arith.addf %add3A_125, %exp3A_129 : vector<16xf32>
        %broadcast_in_dim3A_131 = arith.constant 6 : i32
        %broadcast_in_dim3A_132 = vector.broadcast %broadcast_in_dim3A_131 : i32 to vector<16xi32>
        %gather3A_133 = tpu.vector_load_idx %arg6[%add3A_103, %broadcast_in_dim3A_132] : memref<256x81xf32, #tpu.memory_space<vmem>>[vector<16xi32>, vector<16xi32>], vector<16xf32>,
        %exp3A_134 = math.exp %gather3A_133 : vector<16xf32>
        %add3A_135 = arith.addf %add3A_130, %exp3A_134 : vector<16xf32>
        %broadcast_in_dim3A_136 = arith.constant 7 : i32
        %broadcast_in_dim3A_137 = vector.broadcast %broadcast_in_dim3A_136 : i32 to vector<16xi32>
        %gather3A_138 = tpu.vector_load_idx %arg6[%add3A_103, %broadcast_in_dim3A_137] : memref<256x81xf32, #tpu.memory_space<vmem>>[vector<16xi32>, vector<16xi32>], vector<16xf32>,
        %exp3A_139 = math.exp %gather3A_138 : vector<16xf32>
        %add3A_140 = arith.addf %add3A_135, %exp3A_139 : vector<16xf32>
        %broadcast_in_dim3A_141 = arith.constant 8 : i32
        %broadcast_in_dim3A_142 = vector.broadcast %broadcast_in_dim3A_141 : i32 to vector<16xi32>
        %gather3A_143 = tpu.vector_load_idx %arg6[%add3A_103, %broadcast_in_dim3A_142] : memref<256x81xf32, #tpu.memory_space<vmem>>[vector<16xi32>, vector<16xi32>], vector<16xf32>,
        %exp3A_144 = math.exp %gather3A_143 : vector<16xf32>
        %add3A_145 = arith.addf %add3A_140, %exp3A_144 : vector<16xf32>
        %broadcast_in_dim3A_146 = arith.constant 9 : i32
        %broadcast_in_dim3A_147 = vector.broadcast %broadcast_in_dim3A_146 : i32 to vector<16xi32>
        %gather3A_148 = tpu.vector_load_idx %arg6[%add3A_103, %broadcast_in_dim3A_147] : memref<256x81xf32, #tpu.memory_space<vmem>>[vector<16xi32>, vector<16xi32>], vector<16xf32>,
        %exp3A_149 = math.exp %gather3A_148 : vector<16xf32>
        %add3A_150 = arith.addf %add3A_145, %exp3A_149 : vector<16xf32>
        %broadcast_in_dim3A_151 = arith.constant 10 : i32
        %broadcast_in_dim3A_152 = vector.broadcast %broadcast_in_dim3A_151 : i32 to vector<16xi32>
        %gather3A_153 = tpu.vector_load_idx %arg6[%add3A_103, %broadcast_in_dim3A_152] : memref<256x81xf32, #tpu.memory_space<vmem>>[vector<16xi32>, vector<16xi32>], vector<16xf32>,
        %exp3A_154 = math.exp %gather3A_153 : vector<16xf32>
        %add3A_155 = arith.addf %add3A_150, %exp3A_154 : vector<16xf32>
        %broadcast_in_dim3A_156 = arith.constant 11 : i32
        %broadcast_in_dim3A_157 = vector.broadcast %broadcast_in_dim3A_156 : i32 to vector<16xi32>
        %gather3A_158 = tpu.vector_load_idx %arg6[%add3A_103, %broadcast_in_dim3A_157] : memref<256x81xf32, #tpu.memory_space<vmem>>[vector<16xi32>, vector<16xi32>], vector<16xf32>,
        %exp3A_159 = math.exp %gather3A_158 : vector<16xf32>
        %add3A_160 = arith.addf %add3A_155, %exp3A_159 : vector<16xf32>
        %broadcast_in_dim3A_161 = arith.constant 12 : i32
        %broadcast_in_dim3A_162 = vector.broadcast %broadcast_in_dim3A_161 : i32 to vector<16xi32>
        %gather3A_163 = tpu.vector_load_idx %arg6[%add3A_103, %broadcast_in_dim3A_162] : memref<256x81xf32, #tpu.memory_space<vmem>>[vector<16xi32>, vector<16xi32>], vector<16xf32>,
        %exp3A_164 = math.exp %gather3A_163 : vector<16xf32>
        %add3A_165 = arith.addf %add3A_160, %exp3A_164 : vector<16xf32>
        %broadcast_in_dim3A_166 = arith.constant 13 : i32
        %broadcast_in_dim3A_167 = vector.broadcast %broadcast_in_dim3A_166 : i32 to vector<16xi32>
        %gather3A_168 = tpu.vector_load_idx %arg6[%add3A_103, %broadcast_in_dim3A_167] : memref<256x81xf32, #tpu.memory_space<vmem>>[vector<16xi32>, vector<16xi32>], vector<16xf32>,
        %exp3A_169 = math.exp %gather3A_168 : vector<16xf32>
        %add3A_170 = arith.addf %add3A_165, %exp3A_169 : vector<16xf32>
        %broadcast_in_dim3A_171 = arith.constant 14 : i32
        %broadcast_in_dim3A_172 = vector.broadcast %broadcast_in_dim3A_171 : i32 to vector<16xi32>
        %gather3A_173 = tpu.vector_load_idx %arg6[%add3A_103, %broadcast_in_dim3A_172] : memref<256x81xf32, #tpu.memory_space<vmem>>[vector<16xi32>, vector<16xi32>], vector<16xf32>,
        %exp3A_174 = math.exp %gather3A_173 : vector<16xf32>
        %add3A_175 = arith.addf %add3A_170, %exp3A_174 : vector<16xf32>
        %broadcast_in_dim3A_176 = arith.constant 15 : i32
        %broadcast_in_dim3A_177 = vector.broadcast %broadcast_in_dim3A_176 : i32 to vector<16xi32>
        %gather3A_178 = tpu.vector_load_idx %arg6[%add3A_103, %broadcast_in_dim3A_177] : memref<256x81xf32, #tpu.memory_space<vmem>>[vector<16xi32>, vector<16xi32>], vector<16xf32>,
        %exp3A_179 = math.exp %gather3A_178 : vector<16xf32>
        %add3A_180 = arith.addf %add3A_175, %exp3A_179 : vector<16xf32>
        %broadcast_in_dim3A_181 = arith.constant 16 : i32
        %broadcast_in_dim3A_182 = vector.broadcast %broadcast_in_dim3A_181 : i32 to vector<16xi32>
        %gather3A_183 = tpu.vector_load_idx %arg6[%add3A_103, %broadcast_in_dim3A_182] : memref<256x81xf32, #tpu.memory_space<vmem>>[vector<16xi32>, vector<16xi32>], vector<16xf32>,
        %exp3A_184 = math.exp %gather3A_183 : vector<16xf32>
        %add3A_185 = arith.addf %add3A_180, %exp3A_184 : vector<16xf32>
        %broadcast_in_dim3A_186 = arith.constant 17 : i32
        %broadcast_in_dim3A_187 = vector.broadcast %broadcast_in_dim3A_186 : i32 to vector<16xi32>
        %gather3A_188 = tpu.vector_load_idx %arg6[%add3A_103, %broadcast_in_dim3A_187] : memref<256x81xf32, #tpu.memory_space<vmem>>[vector<16xi32>, vector<16xi32>], vector<16xf32>,
        %exp3A_189 = math.exp %gather3A_188 : vector<16xf32>
        %add3A_190 = arith.addf %add3A_185, %exp3A_189 : vector<16xf32>
        %broadcast_in_dim3A_191 = arith.constant 18 : i32
        %broadcast_in_dim3A_192 = vector.broadcast %broadcast_in_dim3A_191 : i32 to vector<16xi32>
        %gather3A_193 = tpu.vector_load_idx %arg6[%add3A_103, %broadcast_in_dim3A_192] : memref<256x81xf32, #tpu.memory_space<vmem>>[vector<16xi32>, vector<16xi32>], vector<16xf32>,
        %exp3A_194 = math.exp %gather3A_193 : vector<16xf32>
        %add3A_195 = arith.addf %add3A_190, %exp3A_194 : vector<16xf32>
        %broadcast_in_dim3A_196 = arith.constant 19 : i32
        %broadcast_in_dim3A_197 = vector.broadcast %broadcast_in_dim3A_196 : i32 to vector<16xi32>
        %gather3A_198 = tpu.vector_load_idx %arg6[%add3A_103, %broadcast_in_dim3A_197] : memref<256x81xf32, #tpu.memory_space<vmem>>[vector<16xi32>, vector<16xi32>], vector<16xf32>,
        %exp3A_199 = math.exp %gather3A_198 : vector<16xf32>
        %add3A_200 = arith.addf %add3A_195, %exp3A_199 : vector<16xf32>
        %broadcast_in_dim3A_201 = arith.constant 20 : i32
        %broadcast_in_dim3A_202 = vector.broadcast %broadcast_in_dim3A_201 : i32 to vector<16xi32>
        %gather3A_203 = tpu.vector_load_idx %arg6[%add3A_103, %broadcast_in_dim3A_202] : memref<256x81xf32, #tpu.memory_space<vmem>>[vector<16xi32>, vector<16xi32>], vector<16xf32>,
        %exp3A_204 = math.exp %gather3A_203 : vector<16xf32>
        %add3A_205 = arith.addf %add3A_200, %exp3A_204 : vector<16xf32>
        %broadcast_in_dim3A_206 = arith.constant 21 : i32
        %broadcast_in_dim3A_207 = vector.broadcast %broadcast_in_dim3A_206 : i32 to vector<16xi32>
        %gather3A_208 = tpu.vector_load_idx %arg6[%add3A_103, %broadcast_in_dim3A_207] : memref<256x81xf32, #tpu.memory_space<vmem>>[vector<16xi32>, vector<16xi32>], vector<16xf32>,
        %exp3A_209 = math.exp %gather3A_208 : vector<16xf32>
        %add3A_210 = arith.addf %add3A_205, %exp3A_209 : vector<16xf32>
        %broadcast_in_dim3A_211 = arith.constant 22 : i32
        %broadcast_in_dim3A_212 = vector.broadcast %broadcast_in_dim3A_211 : i32 to vector<16xi32>
        %gather3A_213 = tpu.vector_load_idx %arg6[%add3A_103, %broadcast_in_dim3A_212] : memref<256x81xf32, #tpu.memory_space<vmem>>[vector<16xi32>, vector<16xi32>], vector<16xf32>,
        %exp3A_214 = math.exp %gather3A_213 : vector<16xf32>
        %add3A_215 = arith.addf %add3A_210, %exp3A_214 : vector<16xf32>
        %broadcast_in_dim3A_216 = arith.constant 23 : i32
        %broadcast_in_dim3A_217 = vector.broadcast %broadcast_in_dim3A_216 : i32 to vector<16xi32>
        %gather3A_218 = tpu.vector_load_idx %arg6[%add3A_103, %broadcast_in_dim3A_217] : memref<256x81xf32, #tpu.memory_space<vmem>>[vector<16xi32>, vector<16xi32>], vector<16xf32>,
        %exp3A_219 = math.exp %gather3A_218 : vector<16xf32>
        %add3A_220 = arith.addf %add3A_215, %exp3A_219 : vector<16xf32>
        %broadcast_in_dim3A_221 = arith.constant 24 : i32
        %broadcast_in_dim3A_222 = vector.broadcast %broadcast_in_dim3A_221 : i32 to vector<16xi32>
        %gather3A_223 = tpu.vector_load_idx %arg6[%add3A_103, %broadcast_in_dim3A_222] : memref<256x81xf32, #tpu.memory_space<vmem>>[vector<16xi32>, vector<16xi32>], vector<16xf32>,
        %exp3A_224 = math.exp %gather3A_223 : vector<16xf32>
        %add3A_225 = arith.addf %add3A_220, %exp3A_224 : vector<16xf32>
        %broadcast_in_dim3A_226 = arith.constant 25 : i32
        %broadcast_in_dim3A_227 = vector.broadcast %broadcast_in_dim3A_226 : i32 to vector<16xi32>
        %gather3A_228 = tpu.vector_load_idx %arg6[%add3A_103, %broadcast_in_dim3A_227] : memref<256x81xf32, #tpu.memory_space<vmem>>[vector<16xi32>, vector<16xi32>], vector<16xf32>,
        %exp3A_229 = math.exp %gather3A_228 : vector<16xf32>
        %add3A_230 = arith.addf %add3A_225, %exp3A_229 : vector<16xf32>
        %broadcast_in_dim3A_231 = arith.constant 26 : i32
        %broadcast_in_dim3A_232 = vector.broadcast %broadcast_in_dim3A_231 : i32 to vector<16xi32>
        %gather3A_233 = tpu.vector_load_idx %arg6[%add3A_103, %broadcast_in_dim3A_232] : memref<256x81xf32, #tpu.memory_space<vmem>>[vector<16xi32>, vector<16xi32>], vector<16xf32>,
        %exp3A_234 = math.exp %gather3A_233 : vector<16xf32>
        %add3A_235 = arith.addf %add3A_230, %exp3A_234 : vector<16xf32>
        %broadcast_in_dim3A_236 = arith.constant 27 : i32
        %broadcast_in_dim3A_237 = vector.broadcast %broadcast_in_dim3A_236 : i32 to vector<16xi32>
        %gather3A_238 = tpu.vector_load_idx %arg6[%add3A_103, %broadcast_in_dim3A_237] : memref<256x81xf32, #tpu.memory_space<vmem>>[vector<16xi32>, vector<16xi32>], vector<16xf32>,
        %exp3A_239 = math.exp %gather3A_238 : vector<16xf32>
        %add3A_240 = arith.addf %add3A_235, %exp3A_239 : vector<16xf32>
        %broadcast_in_dim3A_241 = arith.constant 28 : i32
        %broadcast_in_dim3A_242 = vector.broadcast %broadcast_in_dim3A_241 : i32 to vector<16xi32>
        %gather3A_243 = tpu.vector_load_idx %arg6[%add3A_103, %broadcast_in_dim3A_242] : memref<256x81xf32, #tpu.memory_space<vmem>>[vector<16xi32>, vector<16xi32>], vector<16xf32>,
        %exp3A_244 = math.exp %gather3A_243 : vector<16xf32>
        %add3A_245 = arith.addf %add3A_240, %exp3A_244 : vector<16xf32>
        %broadcast_in_dim3A_246 = arith.constant 29 : i32
        %broadcast_in_dim3A_247 = vector.broadcast %broadcast_in_dim3A_246 : i32 to vector<16xi32>
        %gather3A_248 = tpu.vector_load_idx %arg6[%add3A_103, %broadcast_in_dim3A_247] : memref<256x81xf32, #tpu.memory_space<vmem>>[vector<16xi32>, vector<16xi32>], vector<16xf32>,
        %exp3A_249 = math.exp %gather3A_248 : vector<16xf32>
        %add3A_250 = arith.addf %add3A_245, %exp3A_249 : vector<16xf32>
        %broadcast_in_dim3A_251 = arith.constant 30 : i32
        %broadcast_in_dim3A_252 = vector.broadcast %broadcast_in_dim3A_251 : i32 to vector<16xi32>
        %gather3A_253 = tpu.vector_load_idx %arg6[%add3A_103, %broadcast_in_dim3A_252] : memref<256x81xf32, #tpu.memory_space<vmem>>[vector<16xi32>, vector<16xi32>], vector<16xf32>,
        %exp3A_254 = math.exp %gather3A_253 : vector<16xf32>
        %add3A_255 = arith.addf %add3A_250, %exp3A_254 : vector<16xf32>
        %broadcast_in_dim3A_256 = arith.constant 31 : i32
        %broadcast_in_dim3A_257 = vector.broadcast %broadcast_in_dim3A_256 : i32 to vector<16xi32>
        %gather3A_258 = tpu.vector_load_idx %arg6[%add3A_103, %broadcast_in_dim3A_257] : memref<256x81xf32, #tpu.memory_space<vmem>>[vector<16xi32>, vector<16xi32>], vector<16xf32>,
        %exp3A_259 = math.exp %gather3A_258 : vector<16xf32>
        %add3A_260 = arith.addf %add3A_255, %exp3A_259 : vector<16xf32>
        %broadcast_in_dim3A_261 = arith.constant 32 : i32
        %broadcast_in_dim3A_262 = vector.broadcast %broadcast_in_dim3A_261 : i32 to vector<16xi32>
        %gather3A_263 = tpu.vector_load_idx %arg6[%add3A_103, %broadcast_in_dim3A_262] : memref<256x81xf32, #tpu.memory_space<vmem>>[vector<16xi32>, vector<16xi32>], vector<16xf32>,
        %exp3A_264 = math.exp %gather3A_263 : vector<16xf32>
        %add3A_265 = arith.addf %add3A_260, %exp3A_264 : vector<16xf32>
        %broadcast_in_dim3A_266 = arith.constant 33 : i32
        %broadcast_in_dim3A_267 = vector.broadcast %broadcast_in_dim3A_266 : i32 to vector<16xi32>
        %gather3A_268 = tpu.vector_load_idx %arg6[%add3A_103, %broadcast_in_dim3A_267] : memref<256x81xf32, #tpu.memory_space<vmem>>[vector<16xi32>, vector<16xi32>], vector<16xf32>,
        %exp3A_269 = math.exp %gather3A_268 : vector<16xf32>
        %add3A_270 = arith.addf %add3A_265, %exp3A_269 : vector<16xf32>
        %broadcast_in_dim3A_271 = arith.constant 34 : i32
        %broadcast_in_dim3A_272 = vector.broadcast %broadcast_in_dim3A_271 : i32 to vector<16xi32>
        %gather3A_273 = tpu.vector_load_idx %arg6[%add3A_103, %broadcast_in_dim3A_272] : memref<256x81xf32, #tpu.memory_space<vmem>>[vector<16xi32>, vector<16xi32>], vector<16xf32>,
        %exp3A_274 = math.exp %gather3A_273 : vector<16xf32>
        %add3A_275 = arith.addf %add3A_270, %exp3A_274 : vector<16xf32>
        %broadcast_in_dim3A_276 = arith.constant 35 : i32
        %broadcast_in_dim3A_277 = vector.broadcast %broadcast_in_dim3A_276 : i32 to vector<16xi32>
        %gather3A_278 = tpu.vector_load_idx %arg6[%add3A_103, %broadcast_in_dim3A_277] : memref<256x81xf32, #tpu.memory_space<vmem>>[vector<16xi32>, vector<16xi32>], vector<16xf32>,
        %exp3A_279 = math.exp %gather3A_278 : vector<16xf32>
        %add3A_280 = arith.addf %add3A_275, %exp3A_279 : vector<16xf32>
        %broadcast_in_dim3A_281 = arith.constant 36 : i32
        %broadcast_in_dim3A_282 = vector.broadcast %broadcast_in_dim3A_281 : i32 to vector<16xi32>
        %gather3A_283 = tpu.vector_load_idx %arg6[%add3A_103, %broadcast_in_dim3A_282] : memref<256x81xf32, #tpu.memory_space<vmem>>[vector<16xi32>, vector<16xi32>], vector<16xf32>,
        %exp3A_284 = math.exp %gather3A_283 : vector<16xf32>
        %add3A_285 = arith.addf %add3A_280, %exp3A_284 : vector<16xf32>
        %broadcast_in_dim3A_286 = arith.constant 37 : i32
        %broadcast_in_dim3A_287 = vector.broadcast %broadcast_in_dim3A_286 : i32 to vector<16xi32>
        %gather3A_288 = tpu.vector_load_idx %arg6[%add3A_103, %broadcast_in_dim3A_287] : memref<256x81xf32, #tpu.memory_space<vmem>>[vector<16xi32>, vector<16xi32>], vector<16xf32>,
        %exp3A_289 = math.exp %gather3A_288 : vector<16xf32>
        %add3A_290 = arith.addf %add3A_285, %exp3A_289 : vector<16xf32>
        %broadcast_in_dim3A_291 = arith.constant 38 : i32
        %broadcast_in_dim3A_292 = vector.broadcast %broadcast_in_dim3A_291 : i32 to vector<16xi32>
        %gather3A_293 = tpu.vector_load_idx %arg6[%add3A_103, %broadcast_in_dim3A_292] : memref<256x81xf32, #tpu.memory_space<vmem>>[vector<16xi32>, vector<16xi32>], vector<16xf32>,
        %exp3A_294 = math.exp %gather3A_293 : vector<16xf32>
        %add3A_295 = arith.addf %add3A_290, %exp3A_294 : vector<16xf32>
        %broadcast_in_dim3A_296 = arith.constant 39 : i32
        %broadcast_in_dim3A_297 = vector.broadcast %broadcast_in_dim3A_296 : i32 to vector<16xi32>
        %gather3A_298 = tpu.vector_load_idx %arg6[%add3A_103, %broadcast_in_dim3A_297] : memref<256x81xf32, #tpu.memory_space<vmem>>[vector<16xi32>, vector<16xi32>], vector<16xf32>,
        %exp3A_299 = math.exp %gather3A_298 : vector<16xf32>
        %add3A_300 = arith.addf %add3A_295, %exp3A_299 : vector<16xf32>
        %broadcast_in_dim3A_301 = arith.constant 40 : i32
        %broadcast_in_dim3A_302 = vector.broadcast %broadcast_in_dim3A_301 : i32 to vector<16xi32>
        %gather3A_303 = tpu.vector_load_idx %arg6[%add3A_103, %broadcast_in_dim3A_302] : memref<256x81xf32, #tpu.memory_space<vmem>>[vector<16xi32>, vector<16xi32>], vector<16xf32>,
        %exp3A_304 = math.exp %gather3A_303 : vector<16xf32>
        %add3A_305 = arith.addf %add3A_300, %exp3A_304 : vector<16xf32>
        %broadcast_in_dim3A_306 = arith.constant 41 : i32
        %broadcast_in_dim3A_307 = vector.broadcast %broadcast_in_dim3A_306 : i32 to vector<16xi32>
        %gather3A_308 = tpu.vector_load_idx %arg6[%add3A_103, %broadcast_in_dim3A_307] : memref<256x81xf32, #tpu.memory_space<vmem>>[vector<16xi32>, vector<16xi32>], vector<16xf32>,
        %exp3A_309 = math.exp %gather3A_308 : vector<16xf32>
        %add3A_310 = arith.addf %add3A_305, %exp3A_309 : vector<16xf32>
        %broadcast_in_dim3A_311 = arith.constant 42 : i32
        %broadcast_in_dim3A_312 = vector.broadcast %broadcast_in_dim3A_311 : i32 to vector<16xi32>
        %gather3A_313 = tpu.vector_load_idx %arg6[%add3A_103, %broadcast_in_dim3A_312] : memref<256x81xf32, #tpu.memory_space<vmem>>[vector<16xi32>, vector<16xi32>], vector<16xf32>,
        %exp3A_314 = math.exp %gather3A_313 : vector<16xf32>
        %add3A_315 = arith.addf %add3A_310, %exp3A_314 : vector<16xf32>
        %broadcast_in_dim3A_316 = arith.constant 43 : i32
        %broadcast_in_dim3A_317 = vector.broadcast %broadcast_in_dim3A_316 : i32 to vector<16xi32>
        %gather3A_318 = tpu.vector_load_idx %arg6[%add3A_103, %broadcast_in_dim3A_317] : memref<256x81xf32, #tpu.memory_space<vmem>>[vector<16xi32>, vector<16xi32>], vector<16xf32>,
        %exp3A_319 = math.exp %gather3A_318 : vector<16xf32>
        %add3A_320 = arith.addf %add3A_315, %exp3A_319 : vector<16xf32>
        %broadcast_in_dim3A_321 = arith.constant 44 : i32
        %broadcast_in_dim3A_322 = vector.broadcast %broadcast_in_dim3A_321 : i32 to vector<16xi32>
        %gather3A_323 = tpu.vector_load_idx %arg6[%add3A_103, %broadcast_in_dim3A_322] : memref<256x81xf32, #tpu.memory_space<vmem>>[vector<16xi32>, vector<16xi32>], vector<16xf32>,
        %exp3A_324 = math.exp %gather3A_323 : vector<16xf32>
        %add3A_325 = arith.addf %add3A_320, %exp3A_324 : vector<16xf32>
        %broadcast_in_dim3A_326 = arith.constant 45 : i32
        %broadcast_in_dim3A_327 = vector.broadcast %broadcast_in_dim3A_326 : i32 to vector<16xi32>
        %gather3A_328 = tpu.vector_load_idx %arg6[%add3A_103, %broadcast_in_dim3A_327] : memref<256x81xf32, #tpu.memory_space<vmem>>[vector<16xi32>, vector<16xi32>], vector<16xf32>,
        %exp3A_329 = math.exp %gather3A_328 : vector<16xf32>
        %add3A_330 = arith.addf %add3A_325, %exp3A_329 : vector<16xf32>
        %broadcast_in_dim3A_331 = arith.constant 46 : i32
        %broadcast_in_dim3A_332 = vector.broadcast %broadcast_in_dim3A_331 : i32 to vector<16xi32>
        %gather3A_333 = tpu.vector_load_idx %arg6[%add3A_103, %broadcast_in_dim3A_332] : memref<256x81xf32, #tpu.memory_space<vmem>>[vector<16xi32>, vector<16xi32>], vector<16xf32>,
        %exp3A_334 = math.exp %gather3A_333 : vector<16xf32>
        %add3A_335 = arith.addf %add3A_330, %exp3A_334 : vector<16xf32>
        %broadcast_in_dim3A_336 = arith.constant 47 : i32
        %broadcast_in_dim3A_337 = vector.broadcast %broadcast_in_dim3A_336 : i32 to vector<16xi32>
        %gather3A_338 = tpu.vector_load_idx %arg6[%add3A_103, %broadcast_in_dim3A_337] : memref<256x81xf32, #tpu.memory_space<vmem>>[vector<16xi32>, vector<16xi32>], vector<16xf32>,
        %exp3A_339 = math.exp %gather3A_338 : vector<16xf32>
        %add3A_340 = arith.addf %add3A_335, %exp3A_339 : vector<16xf32>
        %broadcast_in_dim3A_341 = arith.constant 48 : i32
        %broadcast_in_dim3A_342 = vector.broadcast %broadcast_in_dim3A_341 : i32 to vector<16xi32>
        %gather3A_343 = tpu.vector_load_idx %arg6[%add3A_103, %broadcast_in_dim3A_342] : memref<256x81xf32, #tpu.memory_space<vmem>>[vector<16xi32>, vector<16xi32>], vector<16xf32>,
        %exp3A_344 = math.exp %gather3A_343 : vector<16xf32>
        %add3A_345 = arith.addf %add3A_340, %exp3A_344 : vector<16xf32>
        %broadcast_in_dim3A_346 = arith.constant 49 : i32
        %broadcast_in_dim3A_347 = vector.broadcast %broadcast_in_dim3A_346 : i32 to vector<16xi32>
        %gather3A_348 = tpu.vector_load_idx %arg6[%add3A_103, %broadcast_in_dim3A_347] : memref<256x81xf32, #tpu.memory_space<vmem>>[vector<16xi32>, vector<16xi32>], vector<16xf32>,
        %exp3A_349 = math.exp %gather3A_348 : vector<16xf32>
        %add3A_350 = arith.addf %add3A_345, %exp3A_349 : vector<16xf32>
        %broadcast_in_dim3A_351 = arith.constant 50 : i32
        %broadcast_in_dim3A_352 = vector.broadcast %broadcast_in_dim3A_351 : i32 to vector<16xi32>
        %gather3A_353 = tpu.vector_load_idx %arg6[%add3A_103, %broadcast_in_dim3A_352] : memref<256x81xf32, #tpu.memory_space<vmem>>[vector<16xi32>, vector<16xi32>], vector<16xf32>,
        %exp3A_354 = math.exp %gather3A_353 : vector<16xf32>
        %add3A_355 = arith.addf %add3A_350, %exp3A_354 : vector<16xf32>
        %broadcast_in_dim3A_356 = arith.constant 51 : i32
        %broadcast_in_dim3A_357 = vector.broadcast %broadcast_in_dim3A_356 : i32 to vector<16xi32>
        %gather3A_358 = tpu.vector_load_idx %arg6[%add3A_103, %broadcast_in_dim3A_357] : memref<256x81xf32, #tpu.memory_space<vmem>>[vector<16xi32>, vector<16xi32>], vector<16xf32>,
        %exp3A_359 = math.exp %gather3A_358 : vector<16xf32>
        %add3A_360 = arith.addf %add3A_355, %exp3A_359 : vector<16xf32>
        %broadcast_in_dim3A_361 = arith.constant 52 : i32
        %broadcast_in_dim3A_362 = vector.broadcast %broadcast_in_dim3A_361 : i32 to vector<16xi32>
        %gather3A_363 = tpu.vector_load_idx %arg6[%add3A_103, %broadcast_in_dim3A_362] : memref<256x81xf32, #tpu.memory_space<vmem>>[vector<16xi32>, vector<16xi32>], vector<16xf32>,
        %exp3A_364 = math.exp %gather3A_363 : vector<16xf32>
        %add3A_365 = arith.addf %add3A_360, %exp3A_364 : vector<16xf32>
        %broadcast_in_dim3A_366 = arith.constant 53 : i32
        %broadcast_in_dim3A_367 = vector.broadcast %broadcast_in_dim3A_366 : i32 to vector<16xi32>
        %gather3A_368 = tpu.vector_load_idx %arg6[%add3A_103, %broadcast_in_dim3A_367] : memref<256x81xf32, #tpu.memory_space<vmem>>[vector<16xi32>, vector<16xi32>], vector<16xf32>,
        %exp3A_369 = math.exp %gather3A_368 : vector<16xf32>
        %add3A_370 = arith.addf %add3A_365, %exp3A_369 : vector<16xf32>
        %broadcast_in_dim3A_371 = arith.constant 54 : i32
        %broadcast_in_dim3A_372 = vector.broadcast %broadcast_in_dim3A_371 : i32 to vector<16xi32>
        %gather3A_373 = tpu.vector_load_idx %arg6[%add3A_103, %broadcast_in_dim3A_372] : memref<256x81xf32, #tpu.memory_space<vmem>>[vector<16xi32>, vector<16xi32>], vector<16xf32>,
        %exp3A_374 = math.exp %gather3A_373 : vector<16xf32>
        %add3A_375 = arith.addf %add3A_370, %exp3A_374 : vector<16xf32>
        %broadcast_in_dim3A_376 = arith.constant 55 : i32
        %broadcast_in_dim3A_377 = vector.broadcast %broadcast_in_dim3A_376 : i32 to vector<16xi32>
        %gather3A_378 = tpu.vector_load_idx %arg6[%add3A_103, %broadcast_in_dim3A_377] : memref<256x81xf32, #tpu.memory_space<vmem>>[vector<16xi32>, vector<16xi32>], vector<16xf32>,
        %exp3A_379 = math.exp %gather3A_378 : vector<16xf32>
        %add3A_380 = arith.addf %add3A_375, %exp3A_379 : vector<16xf32>
        %broadcast_in_dim3A_381 = arith.constant 56 : i32
        %broadcast_in_dim3A_382 = vector.broadcast %broadcast_in_dim3A_381 : i32 to vector<16xi32>
        %gather3A_383 = tpu.vector_load_idx %arg6[%add3A_103, %broadcast_in_dim3A_382] : memref<256x81xf32, #tpu.memory_space<vmem>>[vector<16xi32>, vector<16xi32>], vector<16xf32>,
        %exp3A_384 = math.exp %gather3A_383 : vector<16xf32>
        %add3A_385 = arith.addf %add3A_380, %exp3A_384 : vector<16xf32>
        %broadcast_in_dim3A_386 = arith.constant 57 : i32
        %broadcast_in_dim3A_387 = vector.broadcast %broadcast_in_dim3A_386 : i32 to vector<16xi32>
        %gather3A_388 = tpu.vector_load_idx %arg6[%add3A_103, %broadcast_in_dim3A_387] : memref<256x81xf32, #tpu.memory_space<vmem>>[vector<16xi32>, vector<16xi32>], vector<16xf32>,
        %exp3A_389 = math.exp %gather3A_388 : vector<16xf32>
        %add3A_390 = arith.addf %add3A_385, %exp3A_389 : vector<16xf32>
        %broadcast_in_dim3A_391 = arith.constant 58 : i32
        %broadcast_in_dim3A_392 = vector.broadcast %broadcast_in_dim3A_391 : i32 to vector<16xi32>
        %gather3A_393 = tpu.vector_load_idx %arg6[%add3A_103, %broadcast_in_dim3A_392] : memref<256x81xf32, #tpu.memory_space<vmem>>[vector<16xi32>, vector<16xi32>], vector<16xf32>,
        %exp3A_394 = math.exp %gather3A_393 : vector<16xf32>
        %add3A_395 = arith.addf %add3A_390, %exp3A_394 : vector<16xf32>
        %broadcast_in_dim3A_396 = arith.constant 59 : i32
        %broadcast_in_dim3A_397 = vector.broadcast %broadcast_in_dim3A_396 : i32 to vector<16xi32>
        %gather3A_398 = tpu.vector_load_idx %arg6[%add3A_103, %broadcast_in_dim3A_397] : memref<256x81xf32, #tpu.memory_space<vmem>>[vector<16xi32>, vector<16xi32>], vector<16xf32>,
        %exp3A_399 = math.exp %gather3A_398 : vector<16xf32>
        %add3A_400 = arith.addf %add3A_395, %exp3A_399 : vector<16xf32>
        %broadcast_in_dim3A_401 = arith.constant 60 : i32
        %broadcast_in_dim3A_402 = vector.broadcast %broadcast_in_dim3A_401 : i32 to vector<16xi32>
        %gather3A_403 = tpu.vector_load_idx %arg6[%add3A_103, %broadcast_in_dim3A_402] : memref<256x81xf32, #tpu.memory_space<vmem>>[vector<16xi32>, vector<16xi32>], vector<16xf32>,
        %exp3A_404 = math.exp %gather3A_403 : vector<16xf32>
        %add3A_405 = arith.addf %add3A_400, %exp3A_404 : vector<16xf32>
        %broadcast_in_dim3A_406 = arith.constant 61 : i32
        %broadcast_in_dim3A_407 = vector.broadcast %broadcast_in_dim3A_406 : i32 to vector<16xi32>
        %gather3A_408 = tpu.vector_load_idx %arg6[%add3A_103, %broadcast_in_dim3A_407] : memref<256x81xf32, #tpu.memory_space<vmem>>[vector<16xi32>, vector<16xi32>], vector<16xf32>,
        %exp3A_409 = math.exp %gather3A_408 : vector<16xf32>
        %add3A_410 = arith.addf %add3A_405, %exp3A_409 : vector<16xf32>
        %broadcast_in_dim3A_411 = arith.constant 62 : i32
        %broadcast_in_dim3A_412 = vector.broadcast %broadcast_in_dim3A_411 : i32 to vector<16xi32>
        %gather3A_413 = tpu.vector_load_idx %arg6[%add3A_103, %broadcast_in_dim3A_412] : memref<256x81xf32, #tpu.memory_space<vmem>>[vector<16xi32>, vector<16xi32>], vector<16xf32>,
        %exp3A_414 = math.exp %gather3A_413 : vector<16xf32>
        %add3A_415 = arith.addf %add3A_410, %exp3A_414 : vector<16xf32>
        %broadcast_in_dim3A_416 = arith.constant 63 : i32
        %broadcast_in_dim3A_417 = vector.broadcast %broadcast_in_dim3A_416 : i32 to vector<16xi32>
        %gather3A_418 = tpu.vector_load_idx %arg6[%add3A_103, %broadcast_in_dim3A_417] : memref<256x81xf32, #tpu.memory_space<vmem>>[vector<16xi32>, vector<16xi32>], vector<16xf32>,
        %exp3A_419 = math.exp %gather3A_418 : vector<16xf32>
        %add3A_420 = arith.addf %add3A_415, %exp3A_419 : vector<16xf32>
        %broadcast_in_dim3A_421 = arith.constant 64 : i32
        %broadcast_in_dim3A_422 = vector.broadcast %broadcast_in_dim3A_421 : i32 to vector<16xi32>
        %gather3A_423 = tpu.vector_load_idx %arg6[%add3A_103, %broadcast_in_dim3A_422] : memref<256x81xf32, #tpu.memory_space<vmem>>[vector<16xi32>, vector<16xi32>], vector<16xf32>,
        %exp3A_424 = math.exp %gather3A_423 : vector<16xf32>
        %add3A_425 = arith.addf %add3A_420, %exp3A_424 : vector<16xf32>
        %broadcast_in_dim3A_426 = arith.constant 65 : i32
        %broadcast_in_dim3A_427 = vector.broadcast %broadcast_in_dim3A_426 : i32 to vector<16xi32>
        %gather3A_428 = tpu.vector_load_idx %arg6[%add3A_103, %broadcast_in_dim3A_427] : memref<256x81xf32, #tpu.memory_space<vmem>>[vector<16xi32>, vector<16xi32>], vector<16xf32>,
        %exp3A_429 = math.exp %gather3A_428 : vector<16xf32>
        %add3A_430 = arith.addf %add3A_425, %exp3A_429 : vector<16xf32>
        %broadcast_in_dim3A_431 = arith.constant 66 : i32
        %broadcast_in_dim3A_432 = vector.broadcast %broadcast_in_dim3A_431 : i32 to vector<16xi32>
        %gather3A_433 = tpu.vector_load_idx %arg6[%add3A_103, %broadcast_in_dim3A_432] : memref<256x81xf32, #tpu.memory_space<vmem>>[vector<16xi32>, vector<16xi32>], vector<16xf32>,
        %exp3A_434 = math.exp %gather3A_433 : vector<16xf32>
        %add3A_435 = arith.addf %add3A_430, %exp3A_434 : vector<16xf32>
        %broadcast_in_dim3A_436 = arith.constant 67 : i32
        %broadcast_in_dim3A_437 = vector.broadcast %broadcast_in_dim3A_436 : i32 to vector<16xi32>
        %gather3A_438 = tpu.vector_load_idx %arg6[%add3A_103, %broadcast_in_dim3A_437] : memref<256x81xf32, #tpu.memory_space<vmem>>[vector<16xi32>, vector<16xi32>], vector<16xf32>,
        %exp3A_439 = math.exp %gather3A_438 : vector<16xf32>
        %add3A_440 = arith.addf %add3A_435, %exp3A_439 : vector<16xf32>
        %broadcast_in_dim3A_441 = arith.constant 68 : i32
        %broadcast_in_dim3A_442 = vector.broadcast %broadcast_in_dim3A_441 : i32 to vector<16xi32>
        %gather3A_443 = tpu.vector_load_idx %arg6[%add3A_103, %broadcast_in_dim3A_442] : memref<256x81xf32, #tpu.memory_space<vmem>>[vector<16xi32>, vector<16xi32>], vector<16xf32>,
        %exp3A_444 = math.exp %gather3A_443 : vector<16xf32>
        %add3A_445 = arith.addf %add3A_440, %exp3A_444 : vector<16xf32>
        %broadcast_in_dim3A_446 = arith.constant 69 : i32
        %broadcast_in_dim3A_447 = vector.broadcast %broadcast_in_dim3A_446 : i32 to vector<16xi32>
        %gather3A_448 = tpu.vector_load_idx %arg6[%add3A_103, %broadcast_in_dim3A_447] : memref<256x81xf32, #tpu.memory_space<vmem>>[vector<16xi32>, vector<16xi32>], vector<16xf32>,
        %exp3A_449 = math.exp %gather3A_448 : vector<16xf32>
        %add3A_450 = arith.addf %add3A_445, %exp3A_449 : vector<16xf32>
        %broadcast_in_dim3A_451 = arith.constant 70 : i32
        %broadcast_in_dim3A_452 = vector.broadcast %broadcast_in_dim3A_451 : i32 to vector<16xi32>
        %gather3A_453 = tpu.vector_load_idx %arg6[%add3A_103, %broadcast_in_dim3A_452] : memref<256x81xf32, #tpu.memory_space<vmem>>[vector<16xi32>, vector<16xi32>], vector<16xf32>,
        %exp3A_454 = math.exp %gather3A_453 : vector<16xf32>
        %add3A_455 = arith.addf %add3A_450, %exp3A_454 : vector<16xf32>
        %broadcast_in_dim3A_456 = arith.constant 71 : i32
        %broadcast_in_dim3A_457 = vector.broadcast %broadcast_in_dim3A_456 : i32 to vector<16xi32>
        %gather3A_458 = tpu.vector_load_idx %arg6[%add3A_103, %broadcast_in_dim3A_457] : memref<256x81xf32, #tpu.memory_space<vmem>>[vector<16xi32>, vector<16xi32>], vector<16xf32>,
        %exp3A_459 = math.exp %gather3A_458 : vector<16xf32>
        %add3A_460 = arith.addf %add3A_455, %exp3A_459 : vector<16xf32>
        %broadcast_in_dim3A_461 = arith.constant 72 : i32
        %broadcast_in_dim3A_462 = vector.broadcast %broadcast_in_dim3A_461 : i32 to vector<16xi32>
        %gather3A_463 = tpu.vector_load_idx %arg6[%add3A_103, %broadcast_in_dim3A_462] : memref<256x81xf32, #tpu.memory_space<vmem>>[vector<16xi32>, vector<16xi32>], vector<16xf32>,
        %exp3A_464 = math.exp %gather3A_463 : vector<16xf32>
        %add3A_465 = arith.addf %add3A_460, %exp3A_464 : vector<16xf32>
        %broadcast_in_dim3A_466 = arith.constant 73 : i32
        %broadcast_in_dim3A_467 = vector.broadcast %broadcast_in_dim3A_466 : i32 to vector<16xi32>
        %gather3A_468 = tpu.vector_load_idx %arg6[%add3A_103, %broadcast_in_dim3A_467] : memref<256x81xf32, #tpu.memory_space<vmem>>[vector<16xi32>, vector<16xi32>], vector<16xf32>,
        %exp3A_469 = math.exp %gather3A_468 : vector<16xf32>
        %add3A_470 = arith.addf %add3A_465, %exp3A_469 : vector<16xf32>
        %broadcast_in_dim3A_471 = arith.constant 74 : i32
        %broadcast_in_dim3A_472 = vector.broadcast %broadcast_in_dim3A_471 : i32 to vector<16xi32>
        %gather3A_473 = tpu.vector_load_idx %arg6[%add3A_103, %broadcast_in_dim3A_472] : memref<256x81xf32, #tpu.memory_space<vmem>>[vector<16xi32>, vector<16xi32>], vector<16xf32>,
        %exp3A_474 = math.exp %gather3A_473 : vector<16xf32>
        %add3A_475 = arith.addf %add3A_470, %exp3A_474 : vector<16xf32>
        %broadcast_in_dim3A_476 = arith.constant 75 : i32
        %broadcast_in_dim3A_477 = vector.broadcast %broadcast_in_dim3A_476 : i32 to vector<16xi32>
        %gather3A_478 = tpu.vector_load_idx %arg6[%add3A_103, %broadcast_in_dim3A_477] : memref<256x81xf32, #tpu.memory_space<vmem>>[vector<16xi32>, vector<16xi32>], vector<16xf32>,
        %exp3A_479 = math.exp %gather3A_478 : vector<16xf32>
        %add3A_480 = arith.addf %add3A_475, %exp3A_479 : vector<16xf32>
        %broadcast_in_dim3A_481 = arith.constant 76 : i32
        %broadcast_in_dim3A_482 = vector.broadcast %broadcast_in_dim3A_481 : i32 to vector<16xi32>
        %gather3A_483 = tpu.vector_load_idx %arg6[%add3A_103, %broadcast_in_dim3A_482] : memref<256x81xf32, #tpu.memory_space<vmem>>[vector<16xi32>, vector<16xi32>], vector<16xf32>,
        %exp3A_484 = math.exp %gather3A_483 : vector<16xf32>
        %add3A_485 = arith.addf %add3A_480, %exp3A_484 : vector<16xf32>
        %broadcast_in_dim3A_486 = arith.constant 77 : i32
        %broadcast_in_dim3A_487 = vector.broadcast %broadcast_in_dim3A_486 : i32 to vector<16xi32>
        %gather3A_488 = tpu.vector_load_idx %arg6[%add3A_103, %broadcast_in_dim3A_487] : memref<256x81xf32, #tpu.memory_space<vmem>>[vector<16xi32>, vector<16xi32>], vector<16xf32>,
        %exp3A_489 = math.exp %gather3A_488 : vector<16xf32>
        %add3A_490 = arith.addf %add3A_485, %exp3A_489 : vector<16xf32>
        %broadcast_in_dim3A_491 = arith.constant 78 : i32
        %broadcast_in_dim3A_492 = vector.broadcast %broadcast_in_dim3A_491 : i32 to vector<16xi32>
        %gather3A_493 = tpu.vector_load_idx %arg6[%add3A_103, %broadcast_in_dim3A_492] : memref<256x81xf32, #tpu.memory_space<vmem>>[vector<16xi32>, vector<16xi32>], vector<16xf32>,
        %exp3A_494 = math.exp %gather3A_493 : vector<16xf32>
        %add3A_495 = arith.addf %add3A_490, %exp3A_494 : vector<16xf32>
        %broadcast_in_dim3A_496 = arith.constant 79 : i32
        %broadcast_in_dim3A_497 = vector.broadcast %broadcast_in_dim3A_496 : i32 to vector<16xi32>
        %gather3A_498 = tpu.vector_load_idx %arg6[%add3A_103, %broadcast_in_dim3A_497] : memref<256x81xf32, #tpu.memory_space<vmem>>[vector<16xi32>, vector<16xi32>], vector<16xf32>,
        %exp3A_499 = math.exp %gather3A_498 : vector<16xf32>
        %add3A_500 = arith.addf %add3A_495, %exp3A_499 : vector<16xf32>
        %broadcast_in_dim3A_501 = arith.constant 80 : i32
        %broadcast_in_dim3A_502 = vector.broadcast %broadcast_in_dim3A_501 : i32 to vector<16xi32>
        %gather3A_503 = tpu.vector_load_idx %arg6[%add3A_103, %broadcast_in_dim3A_502] : memref<256x81xf32, #tpu.memory_space<vmem>>[vector<16xi32>, vector<16xi32>], vector<16xf32>,
        %exp3A_504 = math.exp %gather3A_503 : vector<16xf32>
        %add3A_505 = arith.addf %add3A_500, %exp3A_504 : vector<16xf32>
        %bitcast3A = vector.bitcast %add3A_505 : vector<16xf32> to vector<16xi32>
        %shift_right_arithmetic3A = arith.constant 23 : i32
        %shift_right_arithmetic3A_506 = vector.broadcast %shift_right_arithmetic3A : i32 to vector<16xi32>
        %shift_right_arithmetic3A_507 = arith.shrsi %bitcast3A, %shift_right_arithmetic3A_506 : vector<16xi32>
        %sub3A_508 = arith.constant 127 : i32
        %sub3A_509 = vector.broadcast %sub3A_508 : i32 to vector<16xi32>
        %sub3A_510 = arith.subi %shift_right_arithmetic3A_507, %sub3A_509 : vector<16xi32>
        %and3A_511 = arith.constant 8388607 : i32
        %and3A_512 = vector.broadcast %and3A_511 : i32 to vector<16xi32>
        %and3A_513 = arith.andi %bitcast3A, %and3A_512 : vector<16xi32>
        %or3A = arith.constant 1065353216 : i32
        %or3A_514 = vector.broadcast %or3A : i32 to vector<16xi32>
        %or3A_515 = arith.ori %and3A_513, %or3A_514 : vector<16xi32>
        %bitcast3A_516 = vector.bitcast %or3A_515 : vector<16xi32> to vector<16xf32>
        %gt3A = arith.constant 1.41421354 : f32
        %gt3A_517 = vector.broadcast %gt3A : f32 to vector<16xf32>
        %gt3A_518 = arith.cmpf ogt, %bitcast3A_516, %gt3A_517 : vector<16xf32>
        %mul3A_519 = arith.constant 5.000000e-01 : f32
        %mul3A_520 = vector.broadcast %mul3A_519 : f32 to vector<16xf32>
        %mul3A_521 = arith.mulf %bitcast3A_516, %mul3A_520 : vector<16xf32>
        %select_n3A_522 = arith.select %gt3A_518, %mul3A_521, %bitcast3A_516 : vector<16xi1>, vector<16xf32>
        %add3A_523 = arith.constant 1 : i32
        %add3A_524 = vector.broadcast %add3A_523 : i32 to vector<16xi32>
        %add3A_525 = arith.addi %sub3A_510, %add3A_524 : vector<16xi32>
        %select_n3A_526 = arith.select %gt3A_518, %add3A_525, %sub3A_510 : vector<16xi1>, vector<16xi32>
        %sub3A_527 = arith.constant 1.000000e+00 : f32
        %sub3A_528 = vector.broadcast %sub3A_527 : f32 to vector<16xf32>
        %sub3A_529 = arith.subf %select_n3A_522, %sub3A_528 : vector<16xf32>
        %add3A_530 = arith.constant 1.000000e+00 : f32
        %add3A_531 = vector.broadcast %add3A_530 : f32 to vector<16xf32>
        %add3A_532 = arith.addf %select_n3A_522, %add3A_531 : vector<16xf32>
        %div3A_533 = arith.divf %sub3A_529, %add3A_532 : vector<16xf32>
        %mul3A_534 = arith.mulf %div3A_533, %div3A_533 : vector<16xf32>
        %mul3A_535 = arith.constant 0.111111112 : f32
        %mul3A_536 = vector.broadcast %mul3A_535 : f32 to vector<16xf32>
        %mul3A_537 = arith.mulf %mul3A_536, %mul3A_534 : vector<16xf32>
        %add3A_538 = arith.constant 0.142857149 : f32
        %add3A_539 = vector.broadcast %add3A_538 : f32 to vector<16xf32>
        %add3A_540 = arith.addf %mul3A_537, %add3A_539 : vector<16xf32>
        %mul3A_541 = arith.mulf %add3A_540, %mul3A_534 : vector<16xf32>
        %add3A_542 = arith.constant 2.000000e-01 : f32
        %add3A_543 = vector.broadcast %add3A_542 : f32 to vector<16xf32>
        %add3A_544 = arith.addf %mul3A_541, %add3A_543 : vector<16xf32>
        %mul3A_545 = arith.mulf %add3A_544, %mul3A_534 : vector<16xf32>
        %add3A_546 = arith.constant 0.333333343 : f32
        %add3A_547 = vector.broadcast %add3A_546 : f32 to vector<16xf32>
        %add3A_548 = arith.addf %mul3A_545, %add3A_547 : vector<16xf32>
        %mul3A_549 = arith.mulf %add3A_548, %mul3A_534 : vector<16xf32>
        %add3A_550 = arith.constant 1.000000e+00 : f32
        %add3A_551 = vector.broadcast %add3A_550 : f32 to vector<16xf32>
        %add3A_552 = arith.addf %mul3A_549, %add3A_551 : vector<16xf32>
        %convert_element_type3A_553 = arith.sitofp %select_n3A_526 : vector<16xi32> to vector<16xf32>
        %mul3A_554 = arith.constant 0.693147182 : f32
        %mul3A_555 = vector.broadcast %mul3A_554 : f32 to vector<16xf32>
        %mul3A_556 = arith.mulf %convert_element_type3A_553, %mul3A_555 : vector<16xf32>
        %mul3A_557 = arith.constant 2.000000e+00 : f32
        %mul3A_558 = vector.broadcast %mul3A_557 : f32 to vector<16xf32>
        %mul3A_559 = arith.mulf %mul3A_558, %div3A_533 : vector<16xf32>
        %mul3A_560 = arith.mulf %mul3A_559, %add3A_552 : vector<16xf32>
        %add3A_561 = arith.addf %mul3A_556, %mul3A_560 : vector<16xf32>
        %sub3A_562 = arith.subf %add3A_561, %gather3A : vector<16xf32>
        %mul3A_563 = arith.constant 256 : i32
        %mul3A_564 = arith.muli %mul3A_52, %mul3A_563 : i32
        %mul3A_565 = arith.constant 16 : i32
        %mul3A_566 = arith.muli %scan3A_98, %mul3A_565 : i32
        %add3A_567 = arith.addi %mul3A_564, %mul3A_566 : i32
        %get3A = arith.index_cast %add3A_567 : i32 to index
        %get3A_568 = tpu.vector_load %arg8[%get3A] {strides = array<i32>} : memref<4096xi32, #tpu.memory_space<vmem>>, vector<16xi32>,
        %gt3A_569 = arith.constant 0 : i32
        %gt3A_570 = vector.broadcast %gt3A_569 : i32 to vector<16xi32>
        %gt3A_571 = arith.cmpi sgt, %get3A_568, %gt3A_570 : vector<16xi32>
        %select_n3A_572 = arith.select %gt3A_571, %broadcast_in_dim3A_35, %sub3A_562 : vector<16xi1>, vector<16xf32>
        %swap3A_573 = arith.index_cast %add3A_567 : i32 to index
        %swap3A_574 = tpu.vector_load %arg9[%swap3A_573] {strides = array<i32>} : memref<4096xf32, #tpu.memory_space<vmem>>, vector<16xf32>,
        tpu.vector_store %arg9[%swap3A_573], %select_n3A_572 {strides = array<i32>} : memref<4096xf32, #tpu.memory_space<vmem>>, vector<16xf32>,
        %max3A = arith.maximumf %scan3A_99, %select_n3A_572 : vector<16xf32>
        scf.yield %max3A : vector<16xf32>
      }
      %scan3A_77 = arith.constant 16 : i32
      %add3A_78 = arith.constant 1 : i32
      %add3A_79 = arith.addi %add3A_54, %add3A_78 : i32
      %lt3A_80 = arith.constant 16 : i32
      %lt3A_81 = arith.cmpi slt, %add3A_79, %lt3A_80 : i32
      %convert_element_type3A = arith.extui %lt3A_81 : i1 to i32
      %cond3A = arith.constant 0 : i32
      %cond3A_82 = arith.cmpi ne, %convert_element_type3A, %cond3A : i32
      scf.if %cond3A_82 {
        %add3A_98 = arith.constant 1 : i32
        %add3A_99 = arith.addi %add3A_54, %add3A_98 : i32
        %mul3A_100 = arith.constant 256 : i32
        %mul3A_101 = arith.muli %add3A_99, %mul3A_100 : i32
        %add3A_102 = arith.addi %mul3A_34, %mul3A_101 : i32
        %dma_start3A_103 = arith.constant 0 : i32
        %dma_start3A_104 = tpu.memref_slice %arg2[%add3A_18, %add3A_102, %dma_start3A_103] : memref<32x16384x81xf32, #tpu.memory_space<hbm>> -> memref<1x256x81xf32, #tpu.memory_space<hbm>>
        %dma_start3A_105 = tpu.memref_squeeze %dma_start3A_104 : memref<1x256x81xf32, #tpu.memory_space<hbm>> -> memref<256x81xf32, #tpu.memory_space<hbm>>
        %dma_start3A_106 = arith.constant 0 : i32
        %dma_start3A_107 = tpu.memref_slice %arg2[%add3A_18, %add3A_102, %dma_start3A_106] : memref<32x16384x81xf32, #tpu.memory_space<hbm>> -> memref<1x256x81xf32, #tpu.memory_space<hbm>>
        %dma_start3A_108 = tpu.memref_squeeze %dma_start3A_107 : memref<1x256x81xf32, #tpu.memory_space<hbm>> -> memref<256x81xf32, #tpu.memory_space<hbm>>
        tpu.enqueue_dma source(%dma_start3A_108 : memref<256x81xf32, #tpu.memory_space<hbm>>) target(%arg6 : memref<256x81xf32, #tpu.memory_space<vmem>>) target_semaphore(%arg11 : memref<!tpu.dma_semaphore, #tpu.memory_space<semaphore_mem>>)
      } else {
      }
      %dma_wait3A_83 = arith.constant 0 : i32
      %dma_wait3A_84 = arith.constant 0 : i32
      %dma_wait3A_85 = arith.constant 0 : i32
      %dma_wait3A_86 = tpu.memref_slice %arg2[%dma_wait3A_83, %dma_wait3A_84, %dma_wait3A_85] : memref<32x16384x81xf32, #tpu.memory_space<hbm>> -> memref<1x256x81xf32, #tpu.memory_space<hbm>>
      %dma_wait3A_87 = tpu.memref_squeeze %dma_wait3A_86 : memref<1x256x81xf32, #tpu.memory_space<hbm>> -> memref<256x81xf32, #tpu.memory_space<hbm>>
      %dma_wait3A_88 = arith.constant 0 : i32
      %dma_wait3A_89 = arith.constant 0 : i32
      %dma_wait3A_90 = tpu.memref_slice %arg2[%dma_wait3A_83, %dma_wait3A_88, %dma_wait3A_89] : memref<32x16384x81xf32, #tpu.memory_space<hbm>> -> memref<1x256x81xf32, #tpu.memory_space<hbm>>
      %dma_wait3A_91 = tpu.memref_squeeze %dma_wait3A_90 : memref<1x256x81xf32, #tpu.memory_space<hbm>> -> memref<256x81xf32, #tpu.memory_space<hbm>>
      tpu.wait_dma2 semaphore(%arg12 : memref<!tpu.dma_semaphore, #tpu.memory_space<semaphore_mem>>) src(%dma_wait3A_91 : memref<256x81xf32, #tpu.memory_space<hbm>>) dst(%arg7 : memref<256x81xf32, #tpu.memory_space<vmem>>)
      %scan3A_92 = arith.constant 0 : i32
      %scan3A_93 = arith.constant 16 : i32
      %scan3A_94 = arith.addi %scan3A_92, %scan3A_93 : i32
      %scan3A_95 = arith.constant 1 : i32
      %scan3A_96 = scf.for %scan3A_98 = %scan3A_92 to %scan3A_94 step %scan3A_95 iter_args(%scan3A_99 = %scan3A_76) -> (vector<16xf32>)  : i32 {
        %mul3A_100 = arith.constant 16 : i32
        %mul3A_101 = arith.muli %scan3A_98, %mul3A_100 : i32
        %add3A_102 = vector.broadcast %mul3A_101 : i32 to vector<16xi32>
        %add3A_103 = arith.addi %iota3A, %add3A_102 : vector<16xi32>
        %broadcast_in_dim3A_104 = arith.constant 0 : i32
        %broadcast_in_dim3A_105 = vector.broadcast %broadcast_in_dim3A_104 : i32 to vector<16xi32>
        %gather3A = tpu.vector_load_idx %arg7[%add3A_103, %broadcast_in_dim3A_105] : memref<256x81xf32, #tpu.memory_space<vmem>>[vector<16xi32>, vector<16xi32>], vector<16xf32>,
        %exp3A = math.exp %gather3A : vector<16xf32>
        %broadcast_in_dim3A_106 = arith.constant 1 : i32
        %broadcast_in_dim3A_107 = vector.broadcast %broadcast_in_dim3A_106 : i32 to vector<16xi32>
        %gather3A_108 = tpu.vector_load_idx %arg7[%add3A_103, %broadcast_in_dim3A_107] : memref<256x81xf32, #tpu.memory_space<vmem>>[vector<16xi32>, vector<16xi32>], vector<16xf32>,
        %exp3A_109 = math.exp %gather3A_108 : vector<16xf32>
        %add3A_110 = arith.addf %exp3A, %exp3A_109 : vector<16xf32>
        %broadcast_in_dim3A_111 = arith.constant 2 : i32
        %broadcast_in_dim3A_112 = vector.broadcast %broadcast_in_dim3A_111 : i32 to vector<16xi32>
        %gather3A_113 = tpu.vector_load_idx %arg7[%add3A_103, %broadcast_in_dim3A_112] : memref<256x81xf32, #tpu.memory_space<vmem>>[vector<16xi32>, vector<16xi32>], vector<16xf32>,
        %exp3A_114 = math.exp %gather3A_113 : vector<16xf32>
        %add3A_115 = arith.addf %add3A_110, %exp3A_114 : vector<16xf32>
        %broadcast_in_dim3A_116 = arith.constant 3 : i32
        %broadcast_in_dim3A_117 = vector.broadcast %broadcast_in_dim3A_116 : i32 to vector<16xi32>
        %gather3A_118 = tpu.vector_load_idx %arg7[%add3A_103, %broadcast_in_dim3A_117] : memref<256x81xf32, #tpu.memory_space<vmem>>[vector<16xi32>, vector<16xi32>], vector<16xf32>,
        %exp3A_119 = math.exp %gather3A_118 : vector<16xf32>
        %add3A_120 = arith.addf %add3A_115, %exp3A_119 : vector<16xf32>
        %broadcast_in_dim3A_121 = arith.constant 4 : i32
        %broadcast_in_dim3A_122 = vector.broadcast %broadcast_in_dim3A_121 : i32 to vector<16xi32>
        %gather3A_123 = tpu.vector_load_idx %arg7[%add3A_103, %broadcast_in_dim3A_122] : memref<256x81xf32, #tpu.memory_space<vmem>>[vector<16xi32>, vector<16xi32>], vector<16xf32>,
        %exp3A_124 = math.exp %gather3A_123 : vector<16xf32>
        %add3A_125 = arith.addf %add3A_120, %exp3A_124 : vector<16xf32>
        %broadcast_in_dim3A_126 = arith.constant 5 : i32
        %broadcast_in_dim3A_127 = vector.broadcast %broadcast_in_dim3A_126 : i32 to vector<16xi32>
        %gather3A_128 = tpu.vector_load_idx %arg7[%add3A_103, %broadcast_in_dim3A_127] : memref<256x81xf32, #tpu.memory_space<vmem>>[vector<16xi32>, vector<16xi32>], vector<16xf32>,
        %exp3A_129 = math.exp %gather3A_128 : vector<16xf32>
        %add3A_130 = arith.addf %add3A_125, %exp3A_129 : vector<16xf32>
        %broadcast_in_dim3A_131 = arith.constant 6 : i32
        %broadcast_in_dim3A_132 = vector.broadcast %broadcast_in_dim3A_131 : i32 to vector<16xi32>
        %gather3A_133 = tpu.vector_load_idx %arg7[%add3A_103, %broadcast_in_dim3A_132] : memref<256x81xf32, #tpu.memory_space<vmem>>[vector<16xi32>, vector<16xi32>], vector<16xf32>,
        %exp3A_134 = math.exp %gather3A_133 : vector<16xf32>
        %add3A_135 = arith.addf %add3A_130, %exp3A_134 : vector<16xf32>
        %broadcast_in_dim3A_136 = arith.constant 7 : i32
        %broadcast_in_dim3A_137 = vector.broadcast %broadcast_in_dim3A_136 : i32 to vector<16xi32>
        %gather3A_138 = tpu.vector_load_idx %arg7[%add3A_103, %broadcast_in_dim3A_137] : memref<256x81xf32, #tpu.memory_space<vmem>>[vector<16xi32>, vector<16xi32>], vector<16xf32>,
        %exp3A_139 = math.exp %gather3A_138 : vector<16xf32>
        %add3A_140 = arith.addf %add3A_135, %exp3A_139 : vector<16xf32>
        %broadcast_in_dim3A_141 = arith.constant 8 : i32
        %broadcast_in_dim3A_142 = vector.broadcast %broadcast_in_dim3A_141 : i32 to vector<16xi32>
        %gather3A_143 = tpu.vector_load_idx %arg7[%add3A_103, %broadcast_in_dim3A_142] : memref<256x81xf32, #tpu.memory_space<vmem>>[vector<16xi32>, vector<16xi32>], vector<16xf32>,
        %exp3A_144 = math.exp %gather3A_143 : vector<16xf32>
        %add3A_145 = arith.addf %add3A_140, %exp3A_144 : vector<16xf32>
        %broadcast_in_dim3A_146 = arith.constant 9 : i32
        %broadcast_in_dim3A_147 = vector.broadcast %broadcast_in_dim3A_146 : i32 to vector<16xi32>
        %gather3A_148 = tpu.vector_load_idx %arg7[%add3A_103, %broadcast_in_dim3A_147] : memref<256x81xf32, #tpu.memory_space<vmem>>[vector<16xi32>, vector<16xi32>], vector<16xf32>,
        %exp3A_149 = math.exp %gather3A_148 : vector<16xf32>
        %add3A_150 = arith.addf %add3A_145, %exp3A_149 : vector<16xf32>
        %broadcast_in_dim3A_151 = arith.constant 10 : i32
        %broadcast_in_dim3A_152 = vector.broadcast %broadcast_in_dim3A_151 : i32 to vector<16xi32>
        %gather3A_153 = tpu.vector_load_idx %arg7[%add3A_103, %broadcast_in_dim3A_152] : memref<256x81xf32, #tpu.memory_space<vmem>>[vector<16xi32>, vector<16xi32>], vector<16xf32>,
        %exp3A_154 = math.exp %gather3A_153 : vector<16xf32>
        %add3A_155 = arith.addf %add3A_150, %exp3A_154 : vector<16xf32>
        %broadcast_in_dim3A_156 = arith.constant 11 : i32
        %broadcast_in_dim3A_157 = vector.broadcast %broadcast_in_dim3A_156 : i32 to vector<16xi32>
        %gather3A_158 = tpu.vector_load_idx %arg7[%add3A_103, %broadcast_in_dim3A_157] : memref<256x81xf32, #tpu.memory_space<vmem>>[vector<16xi32>, vector<16xi32>], vector<16xf32>,
        %exp3A_159 = math.exp %gather3A_158 : vector<16xf32>
        %add3A_160 = arith.addf %add3A_155, %exp3A_159 : vector<16xf32>
        %broadcast_in_dim3A_161 = arith.constant 12 : i32
        %broadcast_in_dim3A_162 = vector.broadcast %broadcast_in_dim3A_161 : i32 to vector<16xi32>
        %gather3A_163 = tpu.vector_load_idx %arg7[%add3A_103, %broadcast_in_dim3A_162] : memref<256x81xf32, #tpu.memory_space<vmem>>[vector<16xi32>, vector<16xi32>], vector<16xf32>,
        %exp3A_164 = math.exp %gather3A_163 : vector<16xf32>
        %add3A_165 = arith.addf %add3A_160, %exp3A_164 : vector<16xf32>
        %broadcast_in_dim3A_166 = arith.constant 13 : i32
        %broadcast_in_dim3A_167 = vector.broadcast %broadcast_in_dim3A_166 : i32 to vector<16xi32>
        %gather3A_168 = tpu.vector_load_idx %arg7[%add3A_103, %broadcast_in_dim3A_167] : memref<256x81xf32, #tpu.memory_space<vmem>>[vector<16xi32>, vector<16xi32>], vector<16xf32>,
        %exp3A_169 = math.exp %gather3A_168 : vector<16xf32>
        %add3A_170 = arith.addf %add3A_165, %exp3A_169 : vector<16xf32>
        %broadcast_in_dim3A_171 = arith.constant 14 : i32
        %broadcast_in_dim3A_172 = vector.broadcast %broadcast_in_dim3A_171 : i32 to vector<16xi32>
        %gather3A_173 = tpu.vector_load_idx %arg7[%add3A_103, %broadcast_in_dim3A_172] : memref<256x81xf32, #tpu.memory_space<vmem>>[vector<16xi32>, vector<16xi32>], vector<16xf32>,
        %exp3A_174 = math.exp %gather3A_173 : vector<16xf32>
        %add3A_175 = arith.addf %add3A_170, %exp3A_174 : vector<16xf32>
        %broadcast_in_dim3A_176 = arith.constant 15 : i32
        %broadcast_in_dim3A_177 = vector.broadcast %broadcast_in_dim3A_176 : i32 to vector<16xi32>
        %gather3A_178 = tpu.vector_load_idx %arg7[%add3A_103, %broadcast_in_dim3A_177] : memref<256x81xf32, #tpu.memory_space<vmem>>[vector<16xi32>, vector<16xi32>], vector<16xf32>,
        %exp3A_179 = math.exp %gather3A_178 : vector<16xf32>
        %add3A_180 = arith.addf %add3A_175, %exp3A_179 : vector<16xf32>
        %broadcast_in_dim3A_181 = arith.constant 16 : i32
        %broadcast_in_dim3A_182 = vector.broadcast %broadcast_in_dim3A_181 : i32 to vector<16xi32>
        %gather3A_183 = tpu.vector_load_idx %arg7[%add3A_103, %broadcast_in_dim3A_182] : memref<256x81xf32, #tpu.memory_space<vmem>>[vector<16xi32>, vector<16xi32>], vector<16xf32>,
        %exp3A_184 = math.exp %gather3A_183 : vector<16xf32>
        %add3A_185 = arith.addf %add3A_180, %exp3A_184 : vector<16xf32>
        %broadcast_in_dim3A_186 = arith.constant 17 : i32
        %broadcast_in_dim3A_187 = vector.broadcast %broadcast_in_dim3A_186 : i32 to vector<16xi32>
        %gather3A_188 = tpu.vector_load_idx %arg7[%add3A_103, %broadcast_in_dim3A_187] : memref<256x81xf32, #tpu.memory_space<vmem>>[vector<16xi32>, vector<16xi32>], vector<16xf32>,
        %exp3A_189 = math.exp %gather3A_188 : vector<16xf32>
        %add3A_190 = arith.addf %add3A_185, %exp3A_189 : vector<16xf32>
        %broadcast_in_dim3A_191 = arith.constant 18 : i32
        %broadcast_in_dim3A_192 = vector.broadcast %broadcast_in_dim3A_191 : i32 to vector<16xi32>
        %gather3A_193 = tpu.vector_load_idx %arg7[%add3A_103, %broadcast_in_dim3A_192] : memref<256x81xf32, #tpu.memory_space<vmem>>[vector<16xi32>, vector<16xi32>], vector<16xf32>,
        %exp3A_194 = math.exp %gather3A_193 : vector<16xf32>
        %add3A_195 = arith.addf %add3A_190, %exp3A_194 : vector<16xf32>
        %broadcast_in_dim3A_196 = arith.constant 19 : i32
        %broadcast_in_dim3A_197 = vector.broadcast %broadcast_in_dim3A_196 : i32 to vector<16xi32>
        %gather3A_198 = tpu.vector_load_idx %arg7[%add3A_103, %broadcast_in_dim3A_197] : memref<256x81xf32, #tpu.memory_space<vmem>>[vector<16xi32>, vector<16xi32>], vector<16xf32>,
        %exp3A_199 = math.exp %gather3A_198 : vector<16xf32>
        %add3A_200 = arith.addf %add3A_195, %exp3A_199 : vector<16xf32>
        %broadcast_in_dim3A_201 = arith.constant 20 : i32
        %broadcast_in_dim3A_202 = vector.broadcast %broadcast_in_dim3A_201 : i32 to vector<16xi32>
        %gather3A_203 = tpu.vector_load_idx %arg7[%add3A_103, %broadcast_in_dim3A_202] : memref<256x81xf32, #tpu.memory_space<vmem>>[vector<16xi32>, vector<16xi32>], vector<16xf32>,
        %exp3A_204 = math.exp %gather3A_203 : vector<16xf32>
        %add3A_205 = arith.addf %add3A_200, %exp3A_204 : vector<16xf32>
        %broadcast_in_dim3A_206 = arith.constant 21 : i32
        %broadcast_in_dim3A_207 = vector.broadcast %broadcast_in_dim3A_206 : i32 to vector<16xi32>
        %gather3A_208 = tpu.vector_load_idx %arg7[%add3A_103, %broadcast_in_dim3A_207] : memref<256x81xf32, #tpu.memory_space<vmem>>[vector<16xi32>, vector<16xi32>], vector<16xf32>,
        %exp3A_209 = math.exp %gather3A_208 : vector<16xf32>
        %add3A_210 = arith.addf %add3A_205, %exp3A_209 : vector<16xf32>
        %broadcast_in_dim3A_211 = arith.constant 22 : i32
        %broadcast_in_dim3A_212 = vector.broadcast %broadcast_in_dim3A_211 : i32 to vector<16xi32>
        %gather3A_213 = tpu.vector_load_idx %arg7[%add3A_103, %broadcast_in_dim3A_212] : memref<256x81xf32, #tpu.memory_space<vmem>>[vector<16xi32>, vector<16xi32>], vector<16xf32>,
        %exp3A_214 = math.exp %gather3A_213 : vector<16xf32>
        %add3A_215 = arith.addf %add3A_210, %exp3A_214 : vector<16xf32>
        %broadcast_in_dim3A_216 = arith.constant 23 : i32
        %broadcast_in_dim3A_217 = vector.broadcast %broadcast_in_dim3A_216 : i32 to vector<16xi32>
        %gather3A_218 = tpu.vector_load_idx %arg7[%add3A_103, %broadcast_in_dim3A_217] : memref<256x81xf32, #tpu.memory_space<vmem>>[vector<16xi32>, vector<16xi32>], vector<16xf32>,
        %exp3A_219 = math.exp %gather3A_218 : vector<16xf32>
        %add3A_220 = arith.addf %add3A_215, %exp3A_219 : vector<16xf32>
        %broadcast_in_dim3A_221 = arith.constant 24 : i32
        %broadcast_in_dim3A_222 = vector.broadcast %broadcast_in_dim3A_221 : i32 to vector<16xi32>
        %gather3A_223 = tpu.vector_load_idx %arg7[%add3A_103, %broadcast_in_dim3A_222] : memref<256x81xf32, #tpu.memory_space<vmem>>[vector<16xi32>, vector<16xi32>], vector<16xf32>,
        %exp3A_224 = math.exp %gather3A_223 : vector<16xf32>
        %add3A_225 = arith.addf %add3A_220, %exp3A_224 : vector<16xf32>
        %broadcast_in_dim3A_226 = arith.constant 25 : i32
        %broadcast_in_dim3A_227 = vector.broadcast %broadcast_in_dim3A_226 : i32 to vector<16xi32>
        %gather3A_228 = tpu.vector_load_idx %arg7[%add3A_103, %broadcast_in_dim3A_227] : memref<256x81xf32, #tpu.memory_space<vmem>>[vector<16xi32>, vector<16xi32>], vector<16xf32>,
        %exp3A_229 = math.exp %gather3A_228 : vector<16xf32>
        %add3A_230 = arith.addf %add3A_225, %exp3A_229 : vector<16xf32>
        %broadcast_in_dim3A_231 = arith.constant 26 : i32
        %broadcast_in_dim3A_232 = vector.broadcast %broadcast_in_dim3A_231 : i32 to vector<16xi32>
        %gather3A_233 = tpu.vector_load_idx %arg7[%add3A_103, %broadcast_in_dim3A_232] : memref<256x81xf32, #tpu.memory_space<vmem>>[vector<16xi32>, vector<16xi32>], vector<16xf32>,
        %exp3A_234 = math.exp %gather3A_233 : vector<16xf32>
        %add3A_235 = arith.addf %add3A_230, %exp3A_234 : vector<16xf32>
        %broadcast_in_dim3A_236 = arith.constant 27 : i32
        %broadcast_in_dim3A_237 = vector.broadcast %broadcast_in_dim3A_236 : i32 to vector<16xi32>
        %gather3A_238 = tpu.vector_load_idx %arg7[%add3A_103, %broadcast_in_dim3A_237] : memref<256x81xf32, #tpu.memory_space<vmem>>[vector<16xi32>, vector<16xi32>], vector<16xf32>,
        %exp3A_239 = math.exp %gather3A_238 : vector<16xf32>
        %add3A_240 = arith.addf %add3A_235, %exp3A_239 : vector<16xf32>
        %broadcast_in_dim3A_241 = arith.constant 28 : i32
        %broadcast_in_dim3A_242 = vector.broadcast %broadcast_in_dim3A_241 : i32 to vector<16xi32>
        %gather3A_243 = tpu.vector_load_idx %arg7[%add3A_103, %broadcast_in_dim3A_242] : memref<256x81xf32, #tpu.memory_space<vmem>>[vector<16xi32>, vector<16xi32>], vector<16xf32>,
        %exp3A_244 = math.exp %gather3A_243 : vector<16xf32>
        %add3A_245 = arith.addf %add3A_240, %exp3A_244 : vector<16xf32>
        %broadcast_in_dim3A_246 = arith.constant 29 : i32
        %broadcast_in_dim3A_247 = vector.broadcast %broadcast_in_dim3A_246 : i32 to vector<16xi32>
        %gather3A_248 = tpu.vector_load_idx %arg7[%add3A_103, %broadcast_in_dim3A_247] : memref<256x81xf32, #tpu.memory_space<vmem>>[vector<16xi32>, vector<16xi32>], vector<16xf32>,
        %exp3A_249 = math.exp %gather3A_248 : vector<16xf32>
        %add3A_250 = arith.addf %add3A_245, %exp3A_249 : vector<16xf32>
        %broadcast_in_dim3A_251 = arith.constant 30 : i32
        %broadcast_in_dim3A_252 = vector.broadcast %broadcast_in_dim3A_251 : i32 to vector<16xi32>
        %gather3A_253 = tpu.vector_load_idx %arg7[%add3A_103, %broadcast_in_dim3A_252] : memref<256x81xf32, #tpu.memory_space<vmem>>[vector<16xi32>, vector<16xi32>], vector<16xf32>,
        %exp3A_254 = math.exp %gather3A_253 : vector<16xf32>
        %add3A_255 = arith.addf %add3A_250, %exp3A_254 : vector<16xf32>
        %broadcast_in_dim3A_256 = arith.constant 31 : i32
        %broadcast_in_dim3A_257 = vector.broadcast %broadcast_in_dim3A_256 : i32 to vector<16xi32>
        %gather3A_258 = tpu.vector_load_idx %arg7[%add3A_103, %broadcast_in_dim3A_257] : memref<256x81xf32, #tpu.memory_space<vmem>>[vector<16xi32>, vector<16xi32>], vector<16xf32>,
        %exp3A_259 = math.exp %gather3A_258 : vector<16xf32>
        %add3A_260 = arith.addf %add3A_255, %exp3A_259 : vector<16xf32>
        %broadcast_in_dim3A_261 = arith.constant 32 : i32
        %broadcast_in_dim3A_262 = vector.broadcast %broadcast_in_dim3A_261 : i32 to vector<16xi32>
        %gather3A_263 = tpu.vector_load_idx %arg7[%add3A_103, %broadcast_in_dim3A_262] : memref<256x81xf32, #tpu.memory_space<vmem>>[vector<16xi32>, vector<16xi32>], vector<16xf32>,
        %exp3A_264 = math.exp %gather3A_263 : vector<16xf32>
        %add3A_265 = arith.addf %add3A_260, %exp3A_264 : vector<16xf32>
        %broadcast_in_dim3A_266 = arith.constant 33 : i32
        %broadcast_in_dim3A_267 = vector.broadcast %broadcast_in_dim3A_266 : i32 to vector<16xi32>
        %gather3A_268 = tpu.vector_load_idx %arg7[%add3A_103, %broadcast_in_dim3A_267] : memref<256x81xf32, #tpu.memory_space<vmem>>[vector<16xi32>, vector<16xi32>], vector<16xf32>,
        %exp3A_269 = math.exp %gather3A_268 : vector<16xf32>
        %add3A_270 = arith.addf %add3A_265, %exp3A_269 : vector<16xf32>
        %broadcast_in_dim3A_271 = arith.constant 34 : i32
        %broadcast_in_dim3A_272 = vector.broadcast %broadcast_in_dim3A_271 : i32 to vector<16xi32>
        %gather3A_273 = tpu.vector_load_idx %arg7[%add3A_103, %broadcast_in_dim3A_272] : memref<256x81xf32, #tpu.memory_space<vmem>>[vector<16xi32>, vector<16xi32>], vector<16xf32>,
        %exp3A_274 = math.exp %gather3A_273 : vector<16xf32>
        %add3A_275 = arith.addf %add3A_270, %exp3A_274 : vector<16xf32>
        %broadcast_in_dim3A_276 = arith.constant 35 : i32
        %broadcast_in_dim3A_277 = vector.broadcast %broadcast_in_dim3A_276 : i32 to vector<16xi32>
        %gather3A_278 = tpu.vector_load_idx %arg7[%add3A_103, %broadcast_in_dim3A_277] : memref<256x81xf32, #tpu.memory_space<vmem>>[vector<16xi32>, vector<16xi32>], vector<16xf32>,
        %exp3A_279 = math.exp %gather3A_278 : vector<16xf32>
        %add3A_280 = arith.addf %add3A_275, %exp3A_279 : vector<16xf32>
        %broadcast_in_dim3A_281 = arith.constant 36 : i32
        %broadcast_in_dim3A_282 = vector.broadcast %broadcast_in_dim3A_281 : i32 to vector<16xi32>
        %gather3A_283 = tpu.vector_load_idx %arg7[%add3A_103, %broadcast_in_dim3A_282] : memref<256x81xf32, #tpu.memory_space<vmem>>[vector<16xi32>, vector<16xi32>], vector<16xf32>,
        %exp3A_284 = math.exp %gather3A_283 : vector<16xf32>
        %add3A_285 = arith.addf %add3A_280, %exp3A_284 : vector<16xf32>
        %broadcast_in_dim3A_286 = arith.constant 37 : i32
        %broadcast_in_dim3A_287 = vector.broadcast %broadcast_in_dim3A_286 : i32 to vector<16xi32>
        %gather3A_288 = tpu.vector_load_idx %arg7[%add3A_103, %broadcast_in_dim3A_287] : memref<256x81xf32, #tpu.memory_space<vmem>>[vector<16xi32>, vector<16xi32>], vector<16xf32>,
        %exp3A_289 = math.exp %gather3A_288 : vector<16xf32>
        %add3A_290 = arith.addf %add3A_285, %exp3A_289 : vector<16xf32>
        %broadcast_in_dim3A_291 = arith.constant 38 : i32
        %broadcast_in_dim3A_292 = vector.broadcast %broadcast_in_dim3A_291 : i32 to vector<16xi32>
        %gather3A_293 = tpu.vector_load_idx %arg7[%add3A_103, %broadcast_in_dim3A_292] : memref<256x81xf32, #tpu.memory_space<vmem>>[vector<16xi32>, vector<16xi32>], vector<16xf32>,
        %exp3A_294 = math.exp %gather3A_293 : vector<16xf32>
        %add3A_295 = arith.addf %add3A_290, %exp3A_294 : vector<16xf32>
        %broadcast_in_dim3A_296 = arith.constant 39 : i32
        %broadcast_in_dim3A_297 = vector.broadcast %broadcast_in_dim3A_296 : i32 to vector<16xi32>
        %gather3A_298 = tpu.vector_load_idx %arg7[%add3A_103, %broadcast_in_dim3A_297] : memref<256x81xf32, #tpu.memory_space<vmem>>[vector<16xi32>, vector<16xi32>], vector<16xf32>,
        %exp3A_299 = math.exp %gather3A_298 : vector<16xf32>
        %add3A_300 = arith.addf %add3A_295, %exp3A_299 : vector<16xf32>
        %broadcast_in_dim3A_301 = arith.constant 40 : i32
        %broadcast_in_dim3A_302 = vector.broadcast %broadcast_in_dim3A_301 : i32 to vector<16xi32>
        %gather3A_303 = tpu.vector_load_idx %arg7[%add3A_103, %broadcast_in_dim3A_302] : memref<256x81xf32, #tpu.memory_space<vmem>>[vector<16xi32>, vector<16xi32>], vector<16xf32>,
        %exp3A_304 = math.exp %gather3A_303 : vector<16xf32>
        %add3A_305 = arith.addf %add3A_300, %exp3A_304 : vector<16xf32>
        %broadcast_in_dim3A_306 = arith.constant 41 : i32
        %broadcast_in_dim3A_307 = vector.broadcast %broadcast_in_dim3A_306 : i32 to vector<16xi32>
        %gather3A_308 = tpu.vector_load_idx %arg7[%add3A_103, %broadcast_in_dim3A_307] : memref<256x81xf32, #tpu.memory_space<vmem>>[vector<16xi32>, vector<16xi32>], vector<16xf32>,
        %exp3A_309 = math.exp %gather3A_308 : vector<16xf32>
        %add3A_310 = arith.addf %add3A_305, %exp3A_309 : vector<16xf32>
        %broadcast_in_dim3A_311 = arith.constant 42 : i32
        %broadcast_in_dim3A_312 = vector.broadcast %broadcast_in_dim3A_311 : i32 to vector<16xi32>
        %gather3A_313 = tpu.vector_load_idx %arg7[%add3A_103, %broadcast_in_dim3A_312] : memref<256x81xf32, #tpu.memory_space<vmem>>[vector<16xi32>, vector<16xi32>], vector<16xf32>,
        %exp3A_314 = math.exp %gather3A_313 : vector<16xf32>
        %add3A_315 = arith.addf %add3A_310, %exp3A_314 : vector<16xf32>
        %broadcast_in_dim3A_316 = arith.constant 43 : i32
        %broadcast_in_dim3A_317 = vector.broadcast %broadcast_in_dim3A_316 : i32 to vector<16xi32>
        %gather3A_318 = tpu.vector_load_idx %arg7[%add3A_103, %broadcast_in_dim3A_317] : memref<256x81xf32, #tpu.memory_space<vmem>>[vector<16xi32>, vector<16xi32>], vector<16xf32>,
        %exp3A_319 = math.exp %gather3A_318 : vector<16xf32>
        %add3A_320 = arith.addf %add3A_315, %exp3A_319 : vector<16xf32>
        %broadcast_in_dim3A_321 = arith.constant 44 : i32
        %broadcast_in_dim3A_322 = vector.broadcast %broadcast_in_dim3A_321 : i32 to vector<16xi32>
        %gather3A_323 = tpu.vector_load_idx %arg7[%add3A_103, %broadcast_in_dim3A_322] : memref<256x81xf32, #tpu.memory_space<vmem>>[vector<16xi32>, vector<16xi32>], vector<16xf32>,
        %exp3A_324 = math.exp %gather3A_323 : vector<16xf32>
        %add3A_325 = arith.addf %add3A_320, %exp3A_324 : vector<16xf32>
        %broadcast_in_dim3A_326 = arith.constant 45 : i32
        %broadcast_in_dim3A_327 = vector.broadcast %broadcast_in_dim3A_326 : i32 to vector<16xi32>
        %gather3A_328 = tpu.vector_load_idx %arg7[%add3A_103, %broadcast_in_dim3A_327] : memref<256x81xf32, #tpu.memory_space<vmem>>[vector<16xi32>, vector<16xi32>], vector<16xf32>,
        %exp3A_329 = math.exp %gather3A_328 : vector<16xf32>
        %add3A_330 = arith.addf %add3A_325, %exp3A_329 : vector<16xf32>
        %broadcast_in_dim3A_331 = arith.constant 46 : i32
        %broadcast_in_dim3A_332 = vector.broadcast %broadcast_in_dim3A_331 : i32 to vector<16xi32>
        %gather3A_333 = tpu.vector_load_idx %arg7[%add3A_103, %broadcast_in_dim3A_332] : memref<256x81xf32, #tpu.memory_space<vmem>>[vector<16xi32>, vector<16xi32>], vector<16xf32>,
        %exp3A_334 = math.exp %gather3A_333 : vector<16xf32>
        %add3A_335 = arith.addf %add3A_330, %exp3A_334 : vector<16xf32>
        %broadcast_in_dim3A_336 = arith.constant 47 : i32
        %broadcast_in_dim3A_337 = vector.broadcast %broadcast_in_dim3A_336 : i32 to vector<16xi32>
        %gather3A_338 = tpu.vector_load_idx %arg7[%add3A_103, %broadcast_in_dim3A_337] : memref<256x81xf32, #tpu.memory_space<vmem>>[vector<16xi32>, vector<16xi32>], vector<16xf32>,
        %exp3A_339 = math.exp %gather3A_338 : vector<16xf32>
        %add3A_340 = arith.addf %add3A_335, %exp3A_339 : vector<16xf32>
        %broadcast_in_dim3A_341 = arith.constant 48 : i32
        %broadcast_in_dim3A_342 = vector.broadcast %broadcast_in_dim3A_341 : i32 to vector<16xi32>
        %gather3A_343 = tpu.vector_load_idx %arg7[%add3A_103, %broadcast_in_dim3A_342] : memref<256x81xf32, #tpu.memory_space<vmem>>[vector<16xi32>, vector<16xi32>], vector<16xf32>,
        %exp3A_344 = math.exp %gather3A_343 : vector<16xf32>
        %add3A_345 = arith.addf %add3A_340, %exp3A_344 : vector<16xf32>
        %broadcast_in_dim3A_346 = arith.constant 49 : i32
        %broadcast_in_dim3A_347 = vector.broadcast %broadcast_in_dim3A_346 : i32 to vector<16xi32>
        %gather3A_348 = tpu.vector_load_idx %arg7[%add3A_103, %broadcast_in_dim3A_347] : memref<256x81xf32, #tpu.memory_space<vmem>>[vector<16xi32>, vector<16xi32>], vector<16xf32>,
        %exp3A_349 = math.exp %gather3A_348 : vector<16xf32>
        %add3A_350 = arith.addf %add3A_345, %exp3A_349 : vector<16xf32>
        %broadcast_in_dim3A_351 = arith.constant 50 : i32
        %broadcast_in_dim3A_352 = vector.broadcast %broadcast_in_dim3A_351 : i32 to vector<16xi32>
        %gather3A_353 = tpu.vector_load_idx %arg7[%add3A_103, %broadcast_in_dim3A_352] : memref<256x81xf32, #tpu.memory_space<vmem>>[vector<16xi32>, vector<16xi32>], vector<16xf32>,
        %exp3A_354 = math.exp %gather3A_353 : vector<16xf32>
        %add3A_355 = arith.addf %add3A_350, %exp3A_354 : vector<16xf32>
        %broadcast_in_dim3A_356 = arith.constant 51 : i32
        %broadcast_in_dim3A_357 = vector.broadcast %broadcast_in_dim3A_356 : i32 to vector<16xi32>
        %gather3A_358 = tpu.vector_load_idx %arg7[%add3A_103, %broadcast_in_dim3A_357] : memref<256x81xf32, #tpu.memory_space<vmem>>[vector<16xi32>, vector<16xi32>], vector<16xf32>,
        %exp3A_359 = math.exp %gather3A_358 : vector<16xf32>
        %add3A_360 = arith.addf %add3A_355, %exp3A_359 : vector<16xf32>
        %broadcast_in_dim3A_361 = arith.constant 52 : i32
        %broadcast_in_dim3A_362 = vector.broadcast %broadcast_in_dim3A_361 : i32 to vector<16xi32>
        %gather3A_363 = tpu.vector_load_idx %arg7[%add3A_103, %broadcast_in_dim3A_362] : memref<256x81xf32, #tpu.memory_space<vmem>>[vector<16xi32>, vector<16xi32>], vector<16xf32>,
        %exp3A_364 = math.exp %gather3A_363 : vector<16xf32>
        %add3A_365 = arith.addf %add3A_360, %exp3A_364 : vector<16xf32>
        %broadcast_in_dim3A_366 = arith.constant 53 : i32
        %broadcast_in_dim3A_367 = vector.broadcast %broadcast_in_dim3A_366 : i32 to vector<16xi32>
        %gather3A_368 = tpu.vector_load_idx %arg7[%add3A_103, %broadcast_in_dim3A_367] : memref<256x81xf32, #tpu.memory_space<vmem>>[vector<16xi32>, vector<16xi32>], vector<16xf32>,
        %exp3A_369 = math.exp %gather3A_368 : vector<16xf32>
        %add3A_370 = arith.addf %add3A_365, %exp3A_369 : vector<16xf32>
        %broadcast_in_dim3A_371 = arith.constant 54 : i32
        %broadcast_in_dim3A_372 = vector.broadcast %broadcast_in_dim3A_371 : i32 to vector<16xi32>
        %gather3A_373 = tpu.vector_load_idx %arg7[%add3A_103, %broadcast_in_dim3A_372] : memref<256x81xf32, #tpu.memory_space<vmem>>[vector<16xi32>, vector<16xi32>], vector<16xf32>,
        %exp3A_374 = math.exp %gather3A_373 : vector<16xf32>
        %add3A_375 = arith.addf %add3A_370, %exp3A_374 : vector<16xf32>
        %broadcast_in_dim3A_376 = arith.constant 55 : i32
        %broadcast_in_dim3A_377 = vector.broadcast %broadcast_in_dim3A_376 : i32 to vector<16xi32>
        %gather3A_378 = tpu.vector_load_idx %arg7[%add3A_103, %broadcast_in_dim3A_377] : memref<256x81xf32, #tpu.memory_space<vmem>>[vector<16xi32>, vector<16xi32>], vector<16xf32>,
        %exp3A_379 = math.exp %gather3A_378 : vector<16xf32>
        %add3A_380 = arith.addf %add3A_375, %exp3A_379 : vector<16xf32>
        %broadcast_in_dim3A_381 = arith.constant 56 : i32
        %broadcast_in_dim3A_382 = vector.broadcast %broadcast_in_dim3A_381 : i32 to vector<16xi32>
        %gather3A_383 = tpu.vector_load_idx %arg7[%add3A_103, %broadcast_in_dim3A_382] : memref<256x81xf32, #tpu.memory_space<vmem>>[vector<16xi32>, vector<16xi32>], vector<16xf32>,
        %exp3A_384 = math.exp %gather3A_383 : vector<16xf32>
        %add3A_385 = arith.addf %add3A_380, %exp3A_384 : vector<16xf32>
        %broadcast_in_dim3A_386 = arith.constant 57 : i32
        %broadcast_in_dim3A_387 = vector.broadcast %broadcast_in_dim3A_386 : i32 to vector<16xi32>
        %gather3A_388 = tpu.vector_load_idx %arg7[%add3A_103, %broadcast_in_dim3A_387] : memref<256x81xf32, #tpu.memory_space<vmem>>[vector<16xi32>, vector<16xi32>], vector<16xf32>,
        %exp3A_389 = math.exp %gather3A_388 : vector<16xf32>
        %add3A_390 = arith.addf %add3A_385, %exp3A_389 : vector<16xf32>
        %broadcast_in_dim3A_391 = arith.constant 58 : i32
        %broadcast_in_dim3A_392 = vector.broadcast %broadcast_in_dim3A_391 : i32 to vector<16xi32>
        %gather3A_393 = tpu.vector_load_idx %arg7[%add3A_103, %broadcast_in_dim3A_392] : memref<256x81xf32, #tpu.memory_space<vmem>>[vector<16xi32>, vector<16xi32>], vector<16xf32>,
        %exp3A_394 = math.exp %gather3A_393 : vector<16xf32>
        %add3A_395 = arith.addf %add3A_390, %exp3A_394 : vector<16xf32>
        %broadcast_in_dim3A_396 = arith.constant 59 : i32
        %broadcast_in_dim3A_397 = vector.broadcast %broadcast_in_dim3A_396 : i32 to vector<16xi32>
        %gather3A_398 = tpu.vector_load_idx %arg7[%add3A_103, %broadcast_in_dim3A_397] : memref<256x81xf32, #tpu.memory_space<vmem>>[vector<16xi32>, vector<16xi32>], vector<16xf32>,
        %exp3A_399 = math.exp %gather3A_398 : vector<16xf32>
        %add3A_400 = arith.addf %add3A_395, %exp3A_399 : vector<16xf32>
        %broadcast_in_dim3A_401 = arith.constant 60 : i32
        %broadcast_in_dim3A_402 = vector.broadcast %broadcast_in_dim3A_401 : i32 to vector<16xi32>
        %gather3A_403 = tpu.vector_load_idx %arg7[%add3A_103, %broadcast_in_dim3A_402] : memref<256x81xf32, #tpu.memory_space<vmem>>[vector<16xi32>, vector<16xi32>], vector<16xf32>,
        %exp3A_404 = math.exp %gather3A_403 : vector<16xf32>
        %add3A_405 = arith.addf %add3A_400, %exp3A_404 : vector<16xf32>
        %broadcast_in_dim3A_406 = arith.constant 61 : i32
        %broadcast_in_dim3A_407 = vector.broadcast %broadcast_in_dim3A_406 : i32 to vector<16xi32>
        %gather3A_408 = tpu.vector_load_idx %arg7[%add3A_103, %broadcast_in_dim3A_407] : memref<256x81xf32, #tpu.memory_space<vmem>>[vector<16xi32>, vector<16xi32>], vector<16xf32>,
        %exp3A_409 = math.exp %gather3A_408 : vector<16xf32>
        %add3A_410 = arith.addf %add3A_405, %exp3A_409 : vector<16xf32>
        %broadcast_in_dim3A_411 = arith.constant 62 : i32
        %broadcast_in_dim3A_412 = vector.broadcast %broadcast_in_dim3A_411 : i32 to vector<16xi32>
        %gather3A_413 = tpu.vector_load_idx %arg7[%add3A_103, %broadcast_in_dim3A_412] : memref<256x81xf32, #tpu.memory_space<vmem>>[vector<16xi32>, vector<16xi32>], vector<16xf32>,
        %exp3A_414 = math.exp %gather3A_413 : vector<16xf32>
        %add3A_415 = arith.addf %add3A_410, %exp3A_414 : vector<16xf32>
        %broadcast_in_dim3A_416 = arith.constant 63 : i32
        %broadcast_in_dim3A_417 = vector.broadcast %broadcast_in_dim3A_416 : i32 to vector<16xi32>
        %gather3A_418 = tpu.vector_load_idx %arg7[%add3A_103, %broadcast_in_dim3A_417] : memref<256x81xf32, #tpu.memory_space<vmem>>[vector<16xi32>, vector<16xi32>], vector<16xf32>,
        %exp3A_419 = math.exp %gather3A_418 : vector<16xf32>
        %add3A_420 = arith.addf %add3A_415, %exp3A_419 : vector<16xf32>
        %broadcast_in_dim3A_421 = arith.constant 64 : i32
        %broadcast_in_dim3A_422 = vector.broadcast %broadcast_in_dim3A_421 : i32 to vector<16xi32>
        %gather3A_423 = tpu.vector_load_idx %arg7[%add3A_103, %broadcast_in_dim3A_422] : memref<256x81xf32, #tpu.memory_space<vmem>>[vector<16xi32>, vector<16xi32>], vector<16xf32>,
        %exp3A_424 = math.exp %gather3A_423 : vector<16xf32>
        %add3A_425 = arith.addf %add3A_420, %exp3A_424 : vector<16xf32>
        %broadcast_in_dim3A_426 = arith.constant 65 : i32
        %broadcast_in_dim3A_427 = vector.broadcast %broadcast_in_dim3A_426 : i32 to vector<16xi32>
        %gather3A_428 = tpu.vector_load_idx %arg7[%add3A_103, %broadcast_in_dim3A_427] : memref<256x81xf32, #tpu.memory_space<vmem>>[vector<16xi32>, vector<16xi32>], vector<16xf32>,
        %exp3A_429 = math.exp %gather3A_428 : vector<16xf32>
        %add3A_430 = arith.addf %add3A_425, %exp3A_429 : vector<16xf32>
        %broadcast_in_dim3A_431 = arith.constant 66 : i32
        %broadcast_in_dim3A_432 = vector.broadcast %broadcast_in_dim3A_431 : i32 to vector<16xi32>
        %gather3A_433 = tpu.vector_load_idx %arg7[%add3A_103, %broadcast_in_dim3A_432] : memref<256x81xf32, #tpu.memory_space<vmem>>[vector<16xi32>, vector<16xi32>], vector<16xf32>,
        %exp3A_434 = math.exp %gather3A_433 : vector<16xf32>
        %add3A_435 = arith.addf %add3A_430, %exp3A_434 : vector<16xf32>
        %broadcast_in_dim3A_436 = arith.constant 67 : i32
        %broadcast_in_dim3A_437 = vector.broadcast %broadcast_in_dim3A_436 : i32 to vector<16xi32>
        %gather3A_438 = tpu.vector_load_idx %arg7[%add3A_103, %broadcast_in_dim3A_437] : memref<256x81xf32, #tpu.memory_space<vmem>>[vector<16xi32>, vector<16xi32>], vector<16xf32>,
        %exp3A_439 = math.exp %gather3A_438 : vector<16xf32>
        %add3A_440 = arith.addf %add3A_435, %exp3A_439 : vector<16xf32>
        %broadcast_in_dim3A_441 = arith.constant 68 : i32
        %broadcast_in_dim3A_442 = vector.broadcast %broadcast_in_dim3A_441 : i32 to vector<16xi32>
        %gather3A_443 = tpu.vector_load_idx %arg7[%add3A_103, %broadcast_in_dim3A_442] : memref<256x81xf32, #tpu.memory_space<vmem>>[vector<16xi32>, vector<16xi32>], vector<16xf32>,
        %exp3A_444 = math.exp %gather3A_443 : vector<16xf32>
        %add3A_445 = arith.addf %add3A_440, %exp3A_444 : vector<16xf32>
        %broadcast_in_dim3A_446 = arith.constant 69 : i32
        %broadcast_in_dim3A_447 = vector.broadcast %broadcast_in_dim3A_446 : i32 to vector<16xi32>
        %gather3A_448 = tpu.vector_load_idx %arg7[%add3A_103, %broadcast_in_dim3A_447] : memref<256x81xf32, #tpu.memory_space<vmem>>[vector<16xi32>, vector<16xi32>], vector<16xf32>,
        %exp3A_449 = math.exp %gather3A_448 : vector<16xf32>
        %add3A_450 = arith.addf %add3A_445, %exp3A_449 : vector<16xf32>
        %broadcast_in_dim3A_451 = arith.constant 70 : i32
        %broadcast_in_dim3A_452 = vector.broadcast %broadcast_in_dim3A_451 : i32 to vector<16xi32>
        %gather3A_453 = tpu.vector_load_idx %arg7[%add3A_103, %broadcast_in_dim3A_452] : memref<256x81xf32, #tpu.memory_space<vmem>>[vector<16xi32>, vector<16xi32>], vector<16xf32>,
        %exp3A_454 = math.exp %gather3A_453 : vector<16xf32>
        %add3A_455 = arith.addf %add3A_450, %exp3A_454 : vector<16xf32>
        %broadcast_in_dim3A_456 = arith.constant 71 : i32
        %broadcast_in_dim3A_457 = vector.broadcast %broadcast_in_dim3A_456 : i32 to vector<16xi32>
        %gather3A_458 = tpu.vector_load_idx %arg7[%add3A_103, %broadcast_in_dim3A_457] : memref<256x81xf32, #tpu.memory_space<vmem>>[vector<16xi32>, vector<16xi32>], vector<16xf32>,
        %exp3A_459 = math.exp %gather3A_458 : vector<16xf32>
        %add3A_460 = arith.addf %add3A_455, %exp3A_459 : vector<16xf32>
        %broadcast_in_dim3A_461 = arith.constant 72 : i32
        %broadcast_in_dim3A_462 = vector.broadcast %broadcast_in_dim3A_461 : i32 to vector<16xi32>
        %gather3A_463 = tpu.vector_load_idx %arg7[%add3A_103, %broadcast_in_dim3A_462] : memref<256x81xf32, #tpu.memory_space<vmem>>[vector<16xi32>, vector<16xi32>], vector<16xf32>,
        %exp3A_464 = math.exp %gather3A_463 : vector<16xf32>
        %add3A_465 = arith.addf %add3A_460, %exp3A_464 : vector<16xf32>
        %broadcast_in_dim3A_466 = arith.constant 73 : i32
        %broadcast_in_dim3A_467 = vector.broadcast %broadcast_in_dim3A_466 : i32 to vector<16xi32>
        %gather3A_468 = tpu.vector_load_idx %arg7[%add3A_103, %broadcast_in_dim3A_467] : memref<256x81xf32, #tpu.memory_space<vmem>>[vector<16xi32>, vector<16xi32>], vector<16xf32>,
        %exp3A_469 = math.exp %gather3A_468 : vector<16xf32>
        %add3A_470 = arith.addf %add3A_465, %exp3A_469 : vector<16xf32>
        %broadcast_in_dim3A_471 = arith.constant 74 : i32
        %broadcast_in_dim3A_472 = vector.broadcast %broadcast_in_dim3A_471 : i32 to vector<16xi32>
        %gather3A_473 = tpu.vector_load_idx %arg7[%add3A_103, %broadcast_in_dim3A_472] : memref<256x81xf32, #tpu.memory_space<vmem>>[vector<16xi32>, vector<16xi32>], vector<16xf32>,
        %exp3A_474 = math.exp %gather3A_473 : vector<16xf32>
        %add3A_475 = arith.addf %add3A_470, %exp3A_474 : vector<16xf32>
        %broadcast_in_dim3A_476 = arith.constant 75 : i32
        %broadcast_in_dim3A_477 = vector.broadcast %broadcast_in_dim3A_476 : i32 to vector<16xi32>
        %gather3A_478 = tpu.vector_load_idx %arg7[%add3A_103, %broadcast_in_dim3A_477] : memref<256x81xf32, #tpu.memory_space<vmem>>[vector<16xi32>, vector<16xi32>], vector<16xf32>,
        %exp3A_479 = math.exp %gather3A_478 : vector<16xf32>
        %add3A_480 = arith.addf %add3A_475, %exp3A_479 : vector<16xf32>
        %broadcast_in_dim3A_481 = arith.constant 76 : i32
        %broadcast_in_dim3A_482 = vector.broadcast %broadcast_in_dim3A_481 : i32 to vector<16xi32>
        %gather3A_483 = tpu.vector_load_idx %arg7[%add3A_103, %broadcast_in_dim3A_482] : memref<256x81xf32, #tpu.memory_space<vmem>>[vector<16xi32>, vector<16xi32>], vector<16xf32>,
        %exp3A_484 = math.exp %gather3A_483 : vector<16xf32>
        %add3A_485 = arith.addf %add3A_480, %exp3A_484 : vector<16xf32>
        %broadcast_in_dim3A_486 = arith.constant 77 : i32
        %broadcast_in_dim3A_487 = vector.broadcast %broadcast_in_dim3A_486 : i32 to vector<16xi32>
        %gather3A_488 = tpu.vector_load_idx %arg7[%add3A_103, %broadcast_in_dim3A_487] : memref<256x81xf32, #tpu.memory_space<vmem>>[vector<16xi32>, vector<16xi32>], vector<16xf32>,
        %exp3A_489 = math.exp %gather3A_488 : vector<16xf32>
        %add3A_490 = arith.addf %add3A_485, %exp3A_489 : vector<16xf32>
        %broadcast_in_dim3A_491 = arith.constant 78 : i32
        %broadcast_in_dim3A_492 = vector.broadcast %broadcast_in_dim3A_491 : i32 to vector<16xi32>
        %gather3A_493 = tpu.vector_load_idx %arg7[%add3A_103, %broadcast_in_dim3A_492] : memref<256x81xf32, #tpu.memory_space<vmem>>[vector<16xi32>, vector<16xi32>], vector<16xf32>,
        %exp3A_494 = math.exp %gather3A_493 : vector<16xf32>
        %add3A_495 = arith.addf %add3A_490, %exp3A_494 : vector<16xf32>
        %broadcast_in_dim3A_496 = arith.constant 79 : i32
        %broadcast_in_dim3A_497 = vector.broadcast %broadcast_in_dim3A_496 : i32 to vector<16xi32>
        %gather3A_498 = tpu.vector_load_idx %arg7[%add3A_103, %broadcast_in_dim3A_497] : memref<256x81xf32, #tpu.memory_space<vmem>>[vector<16xi32>, vector<16xi32>], vector<16xf32>,
        %exp3A_499 = math.exp %gather3A_498 : vector<16xf32>
        %add3A_500 = arith.addf %add3A_495, %exp3A_499 : vector<16xf32>
        %broadcast_in_dim3A_501 = arith.constant 80 : i32
        %broadcast_in_dim3A_502 = vector.broadcast %broadcast_in_dim3A_501 : i32 to vector<16xi32>
        %gather3A_503 = tpu.vector_load_idx %arg7[%add3A_103, %broadcast_in_dim3A_502] : memref<256x81xf32, #tpu.memory_space<vmem>>[vector<16xi32>, vector<16xi32>], vector<16xf32>,
        %exp3A_504 = math.exp %gather3A_503 : vector<16xf32>
        %add3A_505 = arith.addf %add3A_500, %exp3A_504 : vector<16xf32>
        %bitcast3A = vector.bitcast %add3A_505 : vector<16xf32> to vector<16xi32>
        %shift_right_arithmetic3A = arith.constant 23 : i32
        %shift_right_arithmetic3A_506 = vector.broadcast %shift_right_arithmetic3A : i32 to vector<16xi32>
        %shift_right_arithmetic3A_507 = arith.shrsi %bitcast3A, %shift_right_arithmetic3A_506 : vector<16xi32>
        %sub3A_508 = arith.constant 127 : i32
        %sub3A_509 = vector.broadcast %sub3A_508 : i32 to vector<16xi32>
        %sub3A_510 = arith.subi %shift_right_arithmetic3A_507, %sub3A_509 : vector<16xi32>
        %and3A_511 = arith.constant 8388607 : i32
        %and3A_512 = vector.broadcast %and3A_511 : i32 to vector<16xi32>
        %and3A_513 = arith.andi %bitcast3A, %and3A_512 : vector<16xi32>
        %or3A = arith.constant 1065353216 : i32
        %or3A_514 = vector.broadcast %or3A : i32 to vector<16xi32>
        %or3A_515 = arith.ori %and3A_513, %or3A_514 : vector<16xi32>
        %bitcast3A_516 = vector.bitcast %or3A_515 : vector<16xi32> to vector<16xf32>
        %gt3A = arith.constant 1.41421354 : f32
        %gt3A_517 = vector.broadcast %gt3A : f32 to vector<16xf32>
        %gt3A_518 = arith.cmpf ogt, %bitcast3A_516, %gt3A_517 : vector<16xf32>
        %mul3A_519 = arith.constant 5.000000e-01 : f32
        %mul3A_520 = vector.broadcast %mul3A_519 : f32 to vector<16xf32>
        %mul3A_521 = arith.mulf %bitcast3A_516, %mul3A_520 : vector<16xf32>
        %select_n3A_522 = arith.select %gt3A_518, %mul3A_521, %bitcast3A_516 : vector<16xi1>, vector<16xf32>
        %add3A_523 = arith.constant 1 : i32
        %add3A_524 = vector.broadcast %add3A_523 : i32 to vector<16xi32>
        %add3A_525 = arith.addi %sub3A_510, %add3A_524 : vector<16xi32>
        %select_n3A_526 = arith.select %gt3A_518, %add3A_525, %sub3A_510 : vector<16xi1>, vector<16xi32>
        %sub3A_527 = arith.constant 1.000000e+00 : f32
        %sub3A_528 = vector.broadcast %sub3A_527 : f32 to vector<16xf32>
        %sub3A_529 = arith.subf %select_n3A_522, %sub3A_528 : vector<16xf32>
        %add3A_530 = arith.constant 1.000000e+00 : f32
        %add3A_531 = vector.broadcast %add3A_530 : f32 to vector<16xf32>
        %add3A_532 = arith.addf %select_n3A_522, %add3A_531 : vector<16xf32>
        %div3A_533 = arith.divf %sub3A_529, %add3A_532 : vector<16xf32>
        %mul3A_534 = arith.mulf %div3A_533, %div3A_533 : vector<16xf32>
        %mul3A_535 = arith.constant 0.111111112 : f32
        %mul3A_536 = vector.broadcast %mul3A_535 : f32 to vector<16xf32>
        %mul3A_537 = arith.mulf %mul3A_536, %mul3A_534 : vector<16xf32>
        %add3A_538 = arith.constant 0.142857149 : f32
        %add3A_539 = vector.broadcast %add3A_538 : f32 to vector<16xf32>
        %add3A_540 = arith.addf %mul3A_537, %add3A_539 : vector<16xf32>
        %mul3A_541 = arith.mulf %add3A_540, %mul3A_534 : vector<16xf32>
        %add3A_542 = arith.constant 2.000000e-01 : f32
        %add3A_543 = vector.broadcast %add3A_542 : f32 to vector<16xf32>
        %add3A_544 = arith.addf %mul3A_541, %add3A_543 : vector<16xf32>
        %mul3A_545 = arith.mulf %add3A_544, %mul3A_534 : vector<16xf32>
        %add3A_546 = arith.constant 0.333333343 : f32
        %add3A_547 = vector.broadcast %add3A_546 : f32 to vector<16xf32>
        %add3A_548 = arith.addf %mul3A_545, %add3A_547 : vector<16xf32>
        %mul3A_549 = arith.mulf %add3A_548, %mul3A_534 : vector<16xf32>
        %add3A_550 = arith.constant 1.000000e+00 : f32
        %add3A_551 = vector.broadcast %add3A_550 : f32 to vector<16xf32>
        %add3A_552 = arith.addf %mul3A_549, %add3A_551 : vector<16xf32>
        %convert_element_type3A_553 = arith.sitofp %select_n3A_526 : vector<16xi32> to vector<16xf32>
        %mul3A_554 = arith.constant 0.693147182 : f32
        %mul3A_555 = vector.broadcast %mul3A_554 : f32 to vector<16xf32>
        %mul3A_556 = arith.mulf %convert_element_type3A_553, %mul3A_555 : vector<16xf32>
        %mul3A_557 = arith.constant 2.000000e+00 : f32
        %mul3A_558 = vector.broadcast %mul3A_557 : f32 to vector<16xf32>
        %mul3A_559 = arith.mulf %mul3A_558, %div3A_533 : vector<16xf32>
        %mul3A_560 = arith.mulf %mul3A_559, %add3A_552 : vector<16xf32>
        %add3A_561 = arith.addf %mul3A_556, %mul3A_560 : vector<16xf32>
        %sub3A_562 = arith.subf %add3A_561, %gather3A : vector<16xf32>
        %mul3A_563 = arith.constant 256 : i32
        %mul3A_564 = arith.muli %add3A_54, %mul3A_563 : i32
        %mul3A_565 = arith.constant 16 : i32
        %mul3A_566 = arith.muli %scan3A_98, %mul3A_565 : i32
        %add3A_567 = arith.addi %mul3A_564, %mul3A_566 : i32
        %get3A = arith.index_cast %add3A_567 : i32 to index
        %get3A_568 = tpu.vector_load %arg8[%get3A] {strides = array<i32>} : memref<4096xi32, #tpu.memory_space<vmem>>, vector<16xi32>,
        %gt3A_569 = arith.constant 0 : i32
        %gt3A_570 = vector.broadcast %gt3A_569 : i32 to vector<16xi32>
        %gt3A_571 = arith.cmpi sgt, %get3A_568, %gt3A_570 : vector<16xi32>
        %select_n3A_572 = arith.select %gt3A_571, %broadcast_in_dim3A_35, %sub3A_562 : vector<16xi1>, vector<16xf32>
        %swap3A_573 = arith.index_cast %add3A_567 : i32 to index
        %swap3A_574 = tpu.vector_load %arg9[%swap3A_573] {strides = array<i32>} : memref<4096xf32, #tpu.memory_space<vmem>>, vector<16xf32>,
        tpu.vector_store %arg9[%swap3A_573], %select_n3A_572 {strides = array<i32>} : memref<4096xf32, #tpu.memory_space<vmem>>, vector<16xf32>,
        %max3A = arith.maximumf %scan3A_99, %select_n3A_572 : vector<16xf32>
        scf.yield %max3A : vector<16xf32>
      }
      %scan3A_97 = arith.constant 16 : i32
      scf.yield %scan3A_96 : vector<16xf32>
    }
    %scan3A_45 = arith.constant 8 : i32
    %swap3A = arith.constant 0 : index
    %swap3A_46 = tpu.vector_load %arg10[%swap3A] {strides = array<i32>} : memref<16xf32, #tpu.memory_space<vmem>>, vector<16xf32>,
    tpu.vector_store %arg10[%swap3A], %scan3A_44 {strides = array<i32>} : memref<16xf32, #tpu.memory_space<vmem>>, vector<16xf32>,
    "tpu.region"() ({
      %run_scoped3A = tpu.sem_alloc : memref<!tpu.dma_semaphore, #tpu.memory_space<semaphore_mem>>
      %dma_start3A_49 = arith.constant 0 : i32
      %dma_start3A_50 = tpu.memref_slice %arg5[%add3A, %dma_start3A_49] : memref<32x16xf32, #tpu.memory_space<hbm>> -> memref<1x16xf32, #tpu.memory_space<hbm>>
      %dma_start3A_51 = tpu.memref_squeeze %dma_start3A_50 : memref<1x16xf32, #tpu.memory_space<hbm>> -> memref<16xf32, #tpu.memory_space<hbm>>
      %dma_start3A_52 = arith.constant 0 : i32
      %dma_start3A_53 = tpu.memref_slice %arg5[%add3A, %dma_start3A_52] : memref<32x16xf32, #tpu.memory_space<hbm>> -> memref<1x16xf32, #tpu.memory_space<hbm>>
      %dma_start3A_54 = tpu.memref_squeeze %dma_start3A_53 : memref<1x16xf32, #tpu.memory_space<hbm>> -> memref<16xf32, #tpu.memory_space<hbm>>
      tpu.enqueue_dma source(%arg10 : memref<16xf32, #tpu.memory_space<vmem>>) target(%dma_start3A_54 : memref<16xf32, #tpu.memory_space<hbm>>) target_semaphore(%run_scoped3A : memref<!tpu.dma_semaphore, #tpu.memory_space<semaphore_mem>>)
      %dma_wait3A = arith.constant 0 : i32
      %dma_wait3A_55 = tpu.memref_slice %arg5[%add3A, %dma_wait3A] : memref<32x16xf32, #tpu.memory_space<hbm>> -> memref<1x16xf32, #tpu.memory_space<hbm>>
      %dma_wait3A_56 = tpu.memref_squeeze %dma_wait3A_55 : memref<1x16xf32, #tpu.memory_space<hbm>> -> memref<16xf32, #tpu.memory_space<hbm>>
      %dma_wait3A_57 = arith.constant 0 : i32
      %dma_wait3A_58 = tpu.memref_slice %arg5[%add3A, %dma_wait3A_57] : memref<32x16xf32, #tpu.memory_space<hbm>> -> memref<1x16xf32, #tpu.memory_space<hbm>>
      %dma_wait3A_59 = tpu.memref_squeeze %dma_wait3A_58 : memref<1x16xf32, #tpu.memory_space<hbm>> -> memref<16xf32, #tpu.memory_space<hbm>>
      tpu.wait_dma2 semaphore(%run_scoped3A : memref<!tpu.dma_semaphore, #tpu.memory_space<semaphore_mem>>) src(%arg10 : memref<16xf32, #tpu.memory_space<vmem>>) dst(%dma_wait3A_59 : memref<16xf32, #tpu.memory_space<hbm>>)
      tpu.yield
    }) : () -> ()
    %sub3A_47 = arith.constant 24 : i32
    %sub3A_48 = arith.subi %add3A_18, %sub3A_47 : i32
    "tpu.region"() ({
      %run_scoped3A = tpu.sem_alloc : memref<!tpu.dma_semaphore, #tpu.memory_space<semaphore_mem>>
      %dma_start3A_49 = tpu.memref_slice %arg4[%sub3A_48, %mul3A_34] : memref<8x16384xf32, #tpu.memory_space<hbm>> -> memref<1x4096xf32, #tpu.memory_space<hbm>>
      %dma_start3A_50 = tpu.memref_squeeze %dma_start3A_49 : memref<1x4096xf32, #tpu.memory_space<hbm>> -> memref<4096xf32, #tpu.memory_space<hbm>>
      %dma_start3A_51 = tpu.memref_slice %arg4[%sub3A_48, %mul3A_34] : memref<8x16384xf32, #tpu.memory_space<hbm>> -> memref<1x4096xf32, #tpu.memory_space<hbm>>
      %dma_start3A_52 = tpu.memref_squeeze %dma_start3A_51 : memref<1x4096xf32, #tpu.memory_space<hbm>> -> memref<4096xf32, #tpu.memory_space<hbm>>
      tpu.enqueue_dma source(%arg9 : memref<4096xf32, #tpu.memory_space<vmem>>) target(%dma_start3A_52 : memref<4096xf32, #tpu.memory_space<hbm>>) target_semaphore(%run_scoped3A : memref<!tpu.dma_semaphore, #tpu.memory_space<semaphore_mem>>)
      %dma_wait3A = tpu.memref_slice %arg4[%sub3A_48, %mul3A_34] : memref<8x16384xf32, #tpu.memory_space<hbm>> -> memref<1x4096xf32, #tpu.memory_space<hbm>>
      %dma_wait3A_53 = tpu.memref_squeeze %dma_wait3A : memref<1x4096xf32, #tpu.memory_space<hbm>> -> memref<4096xf32, #tpu.memory_space<hbm>>
      %dma_wait3A_54 = tpu.memref_slice %arg4[%sub3A_48, %mul3A_34] : memref<8x16384xf32, #tpu.memory_space<hbm>> -> memref<1x4096xf32, #tpu.memory_space<hbm>>
      %dma_wait3A_55 = tpu.memref_squeeze %dma_wait3A_54 : memref<1x4096xf32, #tpu.memory_space<hbm>> -> memref<4096xf32, #tpu.memory_space<hbm>>
      tpu.wait_dma2 semaphore(%run_scoped3A : memref<!tpu.dma_semaphore, #tpu.memory_space<semaphore_mem>>) src(%arg9 : memref<4096xf32, #tpu.memory_space<vmem>>) dst(%dma_wait3A_55 : memref<4096xf32, #tpu.memory_space<hbm>>)
      tpu.yield
    }) : () -> ()
    return
  }
}

module attributes {stable_mosaic.version = 14 : i64} {
  func.func @_tc_body(%arg0: i32, %arg1: memref<1x16384x81xf32, #tpu.memory_space<vmem>>, %arg2: memref<1x1x16384xf32, #tpu.memory_space<vmem>>, %arg3: memref<1x1x16384xf32, #tpu.memory_space<vmem>>) attributes {dimension_semantics = [#tpu.dimension_semantics<arbitrary>], iteration_bounds = array<i64: 24>, scalar_prefetch = 0 : i64, scratch_operands = 0 : i64, tpu.core_type = #tpu.core_type<tc>, window_params = [{transform_indices = @transform_0, window_bounds = array<i64: 1, 16384, 81>}, {transform_indices = @transform_1, window_bounds = array<i64: 1, 1, 16384>}, {transform_indices = @transform_2, window_bounds = array<i64: 1, 1, 16384>}]} {
    %get3A = arith.constant 0 : index
    %get3A_0 = arith.constant 0 : index
    %get3A_1 = arith.constant 0 : index
    %get3A_2 = vector.load %arg1[%get3A, %get3A_0, %get3A_1] : memref<1x16384x81xf32, #tpu.memory_space<vmem>>, vector<1x16384x81xf32>
    %get3A_3 = vector.shape_cast %get3A_2 : vector<1x16384x81xf32> to vector<16384x81xf32>
    %exp3A = math.exp %get3A_3 : vector<16384x81xf32>
    %broadcast_in_dim3A = arith.constant 1.000000e+00 : f32
    %broadcast_in_dim3A_4 = vector.broadcast %broadcast_in_dim3A : f32 to vector<1x81xf32>
    %dot_general3A = arith.constant dense<0.000000e+00> : vector<1x16384xf32>
    %dot_general3A_5 = tpu.matmul %broadcast_in_dim3A_4, %exp3A, %dot_general3A {dimension_numbers = #tpu.dot_dimension_numbers<[1], [1], [0], [0], [0, 0, 1, 0], [], []>, precision = #tpu.contract_precision<fp32>, transpose_lhs_hint = false} : vector<1x81xf32>, vector<16384x81xf32>, vector<1x16384xf32> -> vector<1x16384xf32>
    %iota3A = tpu.iota {dimensions = array<i32: 1>} : vector<1x81xi32>
    %eq3A = arith.constant 0 : i32
    %eq3A_6 = vector.broadcast %eq3A : i32 to vector<1x81xi32>
    %eq3A_7 = arith.cmpi eq, %iota3A, %eq3A_6 : vector<1x81xi32>
    %convert_element_type3A = arith.extui %eq3A_7 : vector<1x81xi1> to vector<1x81xi32>
    %convert_element_type3A_8 = arith.sitofp %convert_element_type3A : vector<1x81xi32> to vector<1x81xf32>
    %dot_general3A_9 = arith.constant dense<0.000000e+00> : vector<1x16384xf32>
    %dot_general3A_10 = tpu.matmul %convert_element_type3A_8, %get3A_3, %dot_general3A_9 {dimension_numbers = #tpu.dot_dimension_numbers<[1], [1], [0], [0], [0, 0, 1, 0], [], []>, precision = #tpu.contract_precision<fp32>, transpose_lhs_hint = false} : vector<1x81xf32>, vector<16384x81xf32>, vector<1x16384xf32> -> vector<1x16384xf32>
    %log3A = math.log %dot_general3A_5 : vector<1x16384xf32>
    %sub3A = arith.subf %log3A, %dot_general3A_10 : vector<1x16384xf32>
    %get3A_11 = arith.constant 0 : index
    %get3A_12 = arith.constant 0 : index
    %get3A_13 = arith.constant 0 : index
    %get3A_14 = vector.load %arg2[%get3A_11, %get3A_12, %get3A_13] : memref<1x1x16384xf32, #tpu.memory_space<vmem>>, vector<1x1x16384xf32>
    %get3A_15 = vector.shape_cast %get3A_14 : vector<1x1x16384xf32> to vector<1x16384xf32>
    %add3A = arith.addf %sub3A, %get3A_15 : vector<1x16384xf32>
    %reduce_max3A = vector.shape_cast %add3A : vector<1x16384xf32> to vector<1x1x16384xf32>
    %reduce_max3A_16 = arith.constant dense<0xFF800000> : vector<1xf32>
    %reduce_max3A_17 = vector.multi_reduction <maximumf>, %reduce_max3A, %reduce_max3A_16 [1, 2] : vector<1x1x16384xf32> to vector<1xf32>
    %reduce_max3A_18 = vector.shape_cast %reduce_max3A_17 : vector<1xf32> to vector<1x1x1xf32>
    %reduce_max3A_19 = vector.extract %reduce_max3A_18[0, 0, 0] : f32 from vector<1x1x1xf32>
    %mul3A = arith.constant 0.000000e+00 : f32
    %mul3A_20 = arith.mulf %reduce_max3A_19, %mul3A : f32
    %mul3A_21 = arith.constant 0.000000e+00 : f32
    %mul3A_22 = arith.mulf %mul3A_20, %mul3A_21 : f32
    %add3A_23 = vector.broadcast %mul3A_22 : f32 to vector<1x16384xf32>
    %add3A_24 = arith.addf %add3A, %add3A_23 : vector<1x16384xf32>
    %swap3A = arith.constant 0 : index
    %swap3A_25 = arith.constant 0 : index
    %swap3A_26 = arith.constant 0 : index
    %swap3A_27 = vector.load %arg3[%swap3A, %swap3A_25, %swap3A_26] : memref<1x1x16384xf32, #tpu.memory_space<vmem>>, vector<1x1x16384xf32>
    %swap3A_28 = vector.shape_cast %swap3A_27 : vector<1x1x16384xf32> to vector<1x16384xf32>
    %swap3A_29 = vector.shape_cast %add3A_24 : vector<1x16384xf32> to vector<1x1x16384xf32>
    tpu.vector_store %arg3[%swap3A, %swap3A_25, %swap3A_26], %swap3A_29 {strides = array<i32>} : memref<1x1x16384xf32, #tpu.memory_space<vmem>>, vector<1x1x16384xf32>,
    return
  }
  func.func @transform_0(%arg0: i32) -> (i32, i32, i32) {
    %c0_i32 = arith.constant 0 : i32
    %c0_i32_0 = arith.constant 0 : i32
    %c0_i32_1 = arith.constant 0 : i32
    return %arg0, %c0_i32, %c0_i32_0 : i32, i32, i32
  }
  func.func @transform_1(%arg0: i32) -> (i32, i32, i32) {
    %c0_i32 = arith.constant 0 : i32
    %c0_i32_0 = arith.constant 0 : i32
    %c0_i32_1 = arith.constant 0 : i32
    return %arg0, %c0_i32, %c0_i32_0 : i32, i32, i32
  }
  func.func @transform_2(%arg0: i32) -> (i32, i32, i32) {
    %c0_i32 = arith.constant 0 : i32
    %c0_i32_0 = arith.constant 0 : i32
    %c0_i32_1 = arith.constant 0 : i32
    return %arg0, %c0_i32, %c0_i32_0 : i32, i32, i32
  }
}

</mosaic_0001>

<sc_bundles>
// kernel: kernel.4.cloned.1.call-start
scs
__scs_entry_jumppad:
0x0: {  	(pc) =	sbr.rel $0x88, $3  }
0x1: {  	(tag) =	ssettag $0x0;
	lr =	simm.s32 $0x1  }
0x2: {  	[smem:$0x3F9F] =	sst lr;
	_ =	strace $0xD0000000  }
0x3: {  	_ = 	snop  }
0x4: {  	_ = 	snop  }
0x5: {  	_ = 	snop  }
0x6: {  	_ = 	snop  }
0x7: {  	_ = 	snop  }
__scs_overlays_trampoline_lowered:
0x8: {  	[smem:$0x3FAE] =	sst s0  }
0x9: {  	[smem:$0x3FAF] =	sst s1  }
0xa: {  	[smem:$0x3FB0] =	sst s2  }
0xb: {  	[smem:$0x3FB1] =	sst s3  }
0xc: {  	[smem:$0x3FB2] =	sst s4  }
0xd: {  	[smem:$0x3FB3] =	sst s5  }
0xe: {  	[smem:$0x3FB4] =	sst s6  }
0xf: {  	[smem:$0x3FB5] =	sst s7  }
0x10: {  	[smem:$0x3FB6] =	sst s8  }
0x11: {  	[smem:$0x3FB7] =	sst s9;
	s0 =	simm.s32 @!p0 $0x0  }
0x12: {  	s1 =	sld [smem:$0x3F9D];
	s0 =	simm.s32 @p0 $0x1  }
0x13: {  	[smem:$0x3FB8] =	sst s0;
	s0 =	simm.s32 @!p1 $0x0  }
0x14: {  	s2 =	sld [smem:$0x3F9C];
	s0 =	simm.s32 @p1 $0x1  }
0x15: {  	[smem:$0x3FB9] =	sst s0;
	s0 =	simm.s32 @!p2 $0x0  }
0x16: {  	s3 =	sld [smem:$0x3FDB];
	s0 =	simm.s32 @p2 $0x1  }
0x17: {  	s4 =	simm.s32 $0x1BF5;
	[smem:$0x3FBB] =	sst s0  }
0x18: {  	s0 =	sld [smem:$0x3F9E];
	_ =	swait.ge [sflag:s4], $0x0  }
0x19: {  	s7 =	sld [smem:$0x3F9F]  }
0x1a: {  	s8 =	sadd.s32 $0xFFFFE003, lr  }
0x1b: {  	s9 =	sadd.s32 $0xFFFFFEF7, lr;
	s5 =	simm.s32 $0xFFFFFFFF;
	p2 =	slt.u32 s8, $0xFFFFF086  }
0x1c: {  	p1 =	slt.u32 s9, $0xF7A;
	s5 =	simm.s32 @!p2 $0x0  }
0x1d: {  	s5 =	simm.s32 @p1 $0x1;
	p0 =	seq.s32 s7, s2  }
0x1e: {  	s7 =	smul.u32 @!p0 $0xF7A, s2;
	p2 =	seq.s32 @!p0 s5, $0x0  }
0x1f: {  	s9 =	smul.u32 $0xF7A, s1;
	s8 =	simm.s32 @!p0 $0x1BF5;
	p2 =	por !p2, p0  }
0x20: {  	[sflag:s8] =	ssyncset.s32 @!p0 $0xFFFFF086;
	s6 =	sadd.s32 @!p0 s3, s7;
	s7 =	simm.s32 @!p0 $0x108  }
0x21: {  	s3 =	sadd.s32 s3, s9;
	s6 =	sadd.s32 @!p0 $0x88, s6;
	s7 =	simm.s32 @p2 $0x1082  }
0x22: {  	[simem:s7], [sflag:s8] =	dma.local @!p0 [hbm:s6], $0xF7A  }
0x23: {  	s9 =	sor.u32 $0xD0000000, s2;
	s6 =	simm.s32 $0x108;
	_ =	swait.ge @!p0 [sflag:s8], $0x0  }
0x24: {  	s3 =	sadd.s32 $0x88, s3;
	s6 =	simm.s32 @!p1 $0x1082;
	[sflag:s4] =	ssyncset.s32 $0xFFFFF086  }
0x25: {  	[simem:s6], [sflag:s4] =	dma.local [hbm:s3], $0xF7A  }
0x26: {  	[smem:$0x3F9F] =	sst s1;
	(tag) =	ssettag s2;
	_ =	strace s9  }
0x27: {  	s1 =	sld [smem:$0x3FAF]  }
0x28: {  	s2 =	sld [smem:$0x3FB0]  }
0x29: {  	s4 =	sld [smem:$0x3FB2]  }
0x2a: {  	p0 =	seq.s32 s5, $0x0;
	s5 =	sld [smem:$0x3FB3]  }
0x2b: {  	s6 =	sld [smem:$0x3FB4]  }
0x2c: {  	s7 =	sld [smem:$0x3FB5]  }
0x2d: {  	s3 =	simm.s32 $0x108;
	s8 =	sld [smem:$0x3FB6]  }
0x2e: {  	s3 =	simm.s32 @!p0 $0x1082;
	s9 =	sld [smem:$0x3FB7]  }
0x2f: {  	lr =	sadd.s32 s0, s3;
	s0 =	sld [smem:$0x3FAE]  }
0x30: {  	s3 =	sld [smem:$0x3FB1]  }
0x31: {  	[smem:$0x3FBA] =	sst s10  }
0x32: {  	s10 =	sld [smem:$0x3FB8];
	_ =	sdelay $0x3  }
0x33: {  	p0 =	seq.s32 s10, $0x1;
	s10 =	sld [smem:$0x3FBA];
	_ =	sdelay $0x3  }
0x34: {  	[smem:$0x3FBA] =	sst s10  }
0x35: {  	s10 =	sld [smem:$0x3FB9];
	_ =	sdelay $0x3  }
0x36: {  	p1 =	seq.s32 s10, $0x1;
	s10 =	sld [smem:$0x3FBA];
	_ =	sdelay $0x3  }
0x37: {  	[smem:$0x3FBA] =	sst s10  }
0x38: {  	s10 =	sld [smem:$0x3FBB]  }
0x39: {  	_ = 	snop;
	(pc) =	sbr.ind lr, $3  }
0x3a: {  	_ = 	snop  }
0x3b: {  	_ = 	snop  }
0x3c: {  	p2 =	seq.s32 s10, $0x1;
	s10 =	sld [smem:$0x3FBA]  }
0x3d: {  	_ =	shalt  }
0x3e: {  	_ =	shalt  }
0x3f: {  	_ =	shalt  }
0x40: {  	_ =	shalt  }
0x41: {  	_ =	shalt  }
0x42: {  	_ =	shalt  }
0x43: {  	_ =	shalt  }
0x44: {  	_ =	shalt  }
0x45: {  	_ =	shalt  }
0x46: {  	_ =	shalt  }
0x47: {  	_ =	shalt  }
0x48: {  	_ =	shalt  }
0x49: {  	_ =	shalt  }
0x4a: {  	_ =	shalt  }
0x4b: {  	_ =	shalt  }
0x4c: {  	_ =	shalt  }
0x4d: {  	_ =	shalt  }
0x4e: {  	_ =	shalt  }
0x4f: {  	_ =	shalt  }
0x50: {  	_ =	shalt  }
0x51: {  	_ =	shalt  }
0x52: {  	_ =	shalt  }
0x53: {  	_ =	shalt  }
0x54: {  	_ =	shalt  }
0x55: {  	_ =	shalt  }
0x56: {  	_ =	shalt  }
0x57: {  	_ =	shalt  }
0x58: {  	_ =	shalt  }
0x59: {  	_ =	shalt  }
0x5a: {  	_ =	shalt  }
0x5b: {  	_ =	shalt  }
0x5c: {  	_ =	shalt  }
0x5d: {  	_ =	shalt  }
0x5e: {  	_ =	shalt  }
0x5f: {  	_ =	shalt  }
0x60: {  	_ =	shalt  }
0x61: {  	_ =	shalt  }
0x62: {  	_ =	shalt  }
0x63: {  	_ =	shalt  }
0x64: {  	_ =	shalt  }
0x65: {  	_ =	shalt  }
0x66: {  	_ =	shalt  }
0x67: {  	_ =	shalt  }
0x68: {  	_ =	shalt  }
0x69: {  	_ =	shalt  }
0x6a: {  	_ =	shalt  }
0x6b: {  	_ =	shalt  }
0x6c: {  	_ =	shalt  }
0x6d: {  	_ =	shalt  }
0x6e: {  	_ =	shalt  }
0x6f: {  	_ =	shalt  }
0x70: {  	_ =	shalt  }
0x71: {  	_ =	shalt  }
0x72: {  	_ =	shalt  }
0x73: {  	_ =	shalt  }
0x74: {  	_ =	shalt  }
0x75: {  	_ =	shalt  }
0x76: {  	_ =	shalt  }
0x77: {  	_ =	shalt  }
0x78: {  	_ =	shalt  }
0x79: {  	_ =	shalt  }
0x7a: {  	_ =	shalt  }
0x7b: {  	_ =	shalt  }
0x7c: {  	_ =	shalt  }
0x7d: {  	_ =	shalt  }
0x7e: {  	_ =	shalt  }
0x7f: {  	_ =	shalt  }
0x80: {  	_ =	shalt  }
0x81: {  	_ =	shalt  }
0x82: {  	_ =	shalt  }
0x83: {  	_ =	shalt  }
0x84: {  	_ =	shalt  }
0x85: {  	_ =	shalt  }
0x86: {  	_ =	shalt  }
0x87: {  	_ =	shalt  }
.Lfunc_end0:
.L_simem_size_0:
called_computation_lowered:
.L_overlay_start_0:
0x88: {  	s2 =	sld [smem:$0x3FD9]  }
0x89: {  	s3 =	sld [smem:$0x3FFE];
	_ =	sdelay $0x1  }
0x8a: {  	s1 =	srdreg.scid  }
0x8b: {  	s0 =	sand.u32 $0x1, s1  }
0x8c: {  	s17 =	sshll.u32 s0, $0xA;
	s2 =	sadd.s32 s3, s2  }
0x8d: {  	s2 =	sadd.s32 s2, s17  }
0x8e: {  	[smem:$0x3FC6] =	sst s2  }
0x8f: {  	_ = 	snop  }
0x90: {  	s2 =	sld [smem:$0x3FC8]  }
0x91: {  	s18 =	sld [smem:$0x3FD0];
	(tm) =	ssettm $0x1  }
0x92: {  	s4 =	sld [smem:$0x3FFB];
	_ =	sdelay $0x3  }
0x93: {  	_ =	strace s4  }
0x94: {  	s4 =	sld [smem:$0x3FFC];
	_ =	sdelay $0x3  }
0x95: {  	_ =	strace s4  }
0x96: {  	s4 =	sld [smem:$0x3FFD];
	_ =	sdelay $0x3  }
0x97: {  	_ =	strace s4  }
0x98: {  	_ =	strace $0x8FFFFFFF  }
0x99: {  	s19 =	sld [smem:$0x3FDB];
	_ =	sdelay $0x1  }
0x9a: {  	s5 =	simm.s32 $_scs_section_size  }
0x9b: {  	s6 =	simm.s32 $_size__tile_overlayer_lowered;
	s7 =	simm.s32 $_tile_overlayer_lowered  }
0x9c: {  	s22 =	simm.s32 $0x1BFF;
	s21 =	sshll.u32 s7, $0x1;
	s4 =	sadd.s32 s5, s19  }
0x9d: {  	s8 =	simm.s32 $0x0;
	s20 =	sshll.u32 s6, $0x1;
	s6 =	sadd.s32 s21, s4  }
0x9e: {  	[timem:s8], [sflag:s22] =	dma.local [hbm:s6], s20  }
0x9f: {  	_ =	swait.ge [sflag:s22], s20  }
0xa0: {  	s5 =	ssub.s32 $0x0, s20;
	[sflag:s22] =	ssyncset.done $0x0  }
0xa1: {  	[sflag:s22] =	ssyncadd.s32 s5;
	_ =	sdelay $0x1  }
0xa2: {  	s23 =	simm.s32 $0x1B8B  }
0xa3: {  	_ =	swait.ge [sflag:s23], $0x1  }
0xa4: {  	[sflag:s23] =	ssyncset.done $0x0  }
0xa5: {  	s25 =	simm.s32 $0x1B8E;
	s24 =	sld [smem:$0x3FFE];
	[sflag:s23] =	ssyncadd.s32 $0xFFFFFFFF  }
0xa6: {  	s26 =	simm.s32 $execute0_lowered;
	[smem:$0x3FD2] =	sst s25  }
0xa7: {  	s6 =	sshll.u32 s26, $0x1;
	_ =	strace $0x80000046;
	[dreg:$0x1] =	wrdreg $0xFFFFFFFF  }
0xa8: {  	s28 =	simm.s32 $_size_execute0_lowered;
	s4 =	sadd.s32 s4, s6;
	[dreg:$0x0] =	wrdreg $0x0  }
0xa9: {  	s6 =	sshll.u32 s28, $0x1;
	[dreg:$0x2] =	wrdreg s4  }
0xaa: {  	[dreg:$0x3] =	wrdreg s6  }
0xab: {  	[dreg:$0x4] =	wrdreg $0xC0  }
0xac: {  	_ =	task [dreg:s8], $0x5FFFF  }
0xad: {  	[dreg:$0x1] =	wrdreg $0xFFFFFFFF  }
0xae: {  	[dreg:$0x0] =	wrdreg $0x60  }
0xaf: {  	[dreg:$0x2] =	wrdreg s24  }
0xb0: {  	[dreg:$0x3] =	wrdreg s2  }
0xb1: {  	[dreg:$0x4] =	wrdreg s18  }
0xb2: {  	[dreg:$0x5] =	wrdreg $0x9  }
0xb3: {  	_ =	task.clear_ibuf [dreg:s8], $0x6FFFF;
	_ =	strace $0x90000046  }
0xb4: {  	s29 =	simm.s32 $0x9;
	_ =	strace $0x80000048  }
0xb5: {  	_ =	swait.ge [sflag:s29], $0x1  }
0xb6: {  	[sflag:s29] =	ssyncadd.s32 $0xFFFFFFFF  }
0xb7: {  	_ =	strace $0x90000048  }
0xb8: {  	_ =	sfence  }
0xb9: {  	s30 =	sld [smem:$0x0];
	_ =	sdelay $0x2  }
0xba: {  	s31 =	sshll.u32 s1, $0xD;
	s1 =	sshrl.u32 s1, $0x2  }
0xbb: {  	s3 =	sand.u32 $0x4000, s31;
	s1 =	sadd.s32 s1, s30  }
0xbc: {  	s0 =	sor.u32 s3, s0;
	s1 =	sshll.u32 s1, $0x11  }
0xbd: {  	s0 =	sor.u32 s1, s0  }
0xbe: {  	s0 =	sadd.s32 $0x8F2B, s0  }
0xbf: {  	[sflag:s0] =	ssyncadd.remote.s32 $0x1  }
0xc0: {  	_ =	sfence.sel $0xFFFF  }
0xc1: {  	[dreg:$0x0] =	wrdreg $0xFFFFFFFF;
	(pc) =	sbr.abs _section_cstart, $3  }
0xc2: {  	[dreg:$0x1] =	wrdreg $0xFFFFFFFF  }
0xc3: {  	_ =	task.clear_ibuf [dreg:s8], $0x2FFFF;
	_ =	strace $0x9FFFFFFF  }
0xc4: {  	(tm) =	ssettm $0x7FFFFFFF  }
0xc5: {  	_ =	shalt  }
tec
execute0_lowered:
.L_overlay_start_1:
0x0: {  	(tag) =	ssettag $0x1  }
0x1: {  	s1 =	rddreg [dreg:$0x0]  }
0x2: {  	s6 =	rddreg [dreg:$0x1];
	s2 =	srdreg.scid  }
0x3: {  	s0 =	stileid.u32;
	s10 =	rddreg [dreg:$0x2]  }
0x4: {  	s3 =	simm.s32 $0x0;
	s15 =	simm.s32 $0x8000;
	s16 =	simm.s32 $0x1  }
0x5: {  	s17 =	simm.s32 $0x2;
	s18 =	simm.s32 $0x12000;
	s19 =	simm.s32 $0x11000  }
0x6: {  	s20 =	simm.s32 $0x0;
	s4 =	sand.u32 $0x1, s2;
	s2 =	rddreg [dreg:$0x3]  }
0x7: {  	s5 =	sshll.u32 s0, $0x1;
	[smem:$0x7FF] =	sst s3;
	s8 =	sshrl.u32 s0, $0x1  }
0x8: {  	s5 =	sor.u32 s4, s5;
	_ =	strace $0x80000047;
	s29 =	ssub.s32 $0x2, s4  }
0x9: {  	s13 =	sshll.u32 s8, $0x15;
	s8 =	sshll.u32 s8, $0x4;
	s7 =	sshll.u32 s5, $0x4  }
0xa: {  	s11 =	sand.u32 $0x3, s5;
	s12 =	sshrl.u32 s29, $0x1;
	s5 =	sor.u32 $0x3000000, s13  }
0xb: {  	s9 =	sadd.s32 s7, s1;
	s4 =	sshll.u32 s11, $0xC;
	s11 =	sshll.u32 s11, $0x13  }
0xc: {  	s12 =	ssub.s32 s29, s12;
	s14 =	sor.u32 s8, s4;
	s30 =	sor.u32 s5, s11  }
0xd: {  	s31 =	sor.u32 s11, s13;
	s9 =	sadd.s32 $0x800000, s9;
	s11 =	smax.u32 s12, $0x1  }
0xe: {  	v0 =	vlaneseq.u32;
	s12 =	simm.s32 $0x80;
	s13 =	simm.s32 $0x400;
	s6 =	sadd.s32 s14, s6  }
0xf: {  	v0 =	vmul.u32 $0x80, v0;
	s7 =	sshrl.u32 s30, $0x3;
	s8 =	sor.u32 $0x3010000, s31;
	s10 =	sadd.s32 s10, s14  }
0x10: {  	v1 =	vimm.s32 $0xFFFFFF81;
	s14 =	simm.s32 $0x3;
	s6 =	sadd.s32 $0xC000, s6;
	s7 =	sadd.s32 s1, s7  }
.LBB2_1:
0x11: {  	s21 =	simm.s32 $0x10000  }
0x12: {  	[tilespmem:s21], [sflag:$0x3] =	stream.strided.gather [hbm4b:s6+s12], $0x1000, s13, s12, $0x38;
	[tilespmem:$0x12080] =	vst v63  }
0x13: {  	_ =	swait.ge [sflag:s14], $0x1000  }
0x14: {  	s22 =	simm.s32 $0x11100;
	s23 =	simm.s32 $0x10100;
	[sflag:s14] =	ssyncset.done $0x0  }
0x15: {  	s24 =	simm.s32 $0x11000;
	s25 =	simm.s32 $0x0;
	[sflag:s14] =	ssyncadd.s32 $0xFFFFF000  }
0x16: {  	v2 =	vimm.f32 $-Inf;
	[tilespmem:s3], [sflag:$0x1] =	stream.linear.gather [hbm4b:s7+s3], $0x8000, $0x38;
	[tilespmem:$0x12080] =	vst v63  }
.LBB2_2:
0x17: {  	s26 =	sshll.u32 s25, $0x9  }
0x18: {  	s26 =	sadd.s32 s26, s4  }
0x19: {  	s28 =	simm.s32 $0x0;
	s26 =	sshll.u32 s26, $0x7  }
0x1a: {  	v3 =	vmov s28;
	s26 =	sadd.s32 s5, s26  }
0x1b: {  	v3 =	vshll.u32 v3, $0x7;
	s26 =	sadd.s32 $0x8000, s26  }
0x1c: {  	v4 =	vor.u32 v0, v3;
	s26 =	sshrl.u32 s26, $0x3  }
0x1d: {  	v3 =	vor.u32 $0x1, v4;
	s26 =	sadd.s32 s1, s26  }
0x1e: {  	[tilespmem:s15], [sflag:$0x2] =	stream.linear.gather [hbm4b:s26+s28], $0x8000, $0x38;
	[tilespmem:$0x12080] =	vst v63  }
0x1f: {  	_ =	swait.ge [sflag:s16], $0x8000  }
0x20: {  	v5 =	vor.u32 $0x2, v4;
	[sflag:s16] =	ssyncset.done $0x0  }
0x21: {  	[sflag:s16] =	ssyncadd.s32 $0xFFFF8000  }
0x22: {  	v7 =	vor.u32 $0x3, v4;
	v6 =	vld.idx.msk [tilespmem:v3+s3+$0x0], $0xffff  }
0x23: {  	v3 =	vld.idx.msk [tilespmem:v4+s3+$0x0], $0xffff  }
0x24: {  	v8 =	vor.u32 $0x4, v4  }
0x25: {  	v5 =	vld.idx.msk [tilespmem:v5+s3+$0x0], $0xffff  }
0x26: {  	v9 =	vor.u32 $0x5, v4  }
0x27: {  	v7 =	vld.idx.msk [tilespmem:v7+s3+$0x0], $0xffff;
	v6 =	vmul.f32 $1.442695020e+00, v6  }
0x28: {  	v10 =	vor.u32 $0x6, v4;
	v11 =	vmul.f32 $1.442695020e+00, v3  }
0x29: {  	v8 =	vld.idx.msk [tilespmem:v8+s3+$0x0], $0xffff;
	(erf) = vpow2.f32 v6  }
0x2a: {  	v5 =	vmul.f32 $1.442695020e+00, v5;
	v6 =	vor.u32 $0x7, v4;
	(erf) = vpow2.f32 v11  }
0x2b: {  	v9 =	vld.idx.msk [tilespmem:v9+s3+$0x0], $0xffff  }
0x2c: {  	v7 =	vmul.f32 $1.442695020e+00, v7;
	v11 =	vor.u32 $0x8, v4;
	(erf) = vpow2.f32 v5  }
0x2d: {  	v5 =	vld.idx.msk [tilespmem:v10+s3+$0x0], $0xffff  }
0x2e: {  	v8 =	vmul.f32 $1.442695020e+00, v8;
	v10 =	vor.u32 $0x9, v4;
	(erf) = vpow2.f32 v7  }
0x2f: {  	v6 =	vld.idx.msk [tilespmem:v6+s3+$0x0], $0xffff  }
0x30: {  	v9 =	vmul.f32 $1.442695020e+00, v9;
	v7 =	vor.u32 $0xA, v4;
	(erf) = vpow2.f32 v8  }
0x31: {  	v8 =	vld.idx.msk [tilespmem:v11+s3+$0x0], $0xffff  }
0x32: {  	v11 =	vor.u32 $0xB, v4;
	v5 =	vmul.f32 $1.442695020e+00, v5;
	v12 =	vpop (erf);
	(erf) = vpow2.f32 v9  }
0x33: {  	v9 =	vld.idx.msk [tilespmem:v10+s3+$0x0], $0xffff;
	v10 =	vor.u32 $0xC, v4;
	v13 =	vpop (erf)  }
0x34: {  	v6 =	vmul.f32 $1.442695020e+00, v6;
	(erf) = vpow2.f32 v5;
	v12 =	vadd.f32 v12, v13  }
0x35: {  	v5 =	vld.idx.msk [tilespmem:v7+s3+$0x0], $0xffff;
	v7 =	vor.u32 $0xD, v4;
	v17 =	vpop (erf)  }
0x36: {  	v8 =	vmul.f32 $1.442695020e+00, v8;
	(erf) = vpow2.f32 v6;
	v12 =	vadd.f32 v17, v12  }
0x37: {  	v6 =	vld.idx.msk [tilespmem:v11+s3+$0x0], $0xffff;
	v11 =	vor.u32 $0xE, v4;
	v18 =	vpop (erf)  }
0x38: {  	(erf) = vpow2.f32 v8;
	v9 =	vmul.f32 $1.442695020e+00, v9;
	v12 =	vadd.f32 v18, v12  }
0x39: {  	v19 =	vpop (erf);
	v8 =	vld.idx.msk [tilespmem:v10+s3+$0x0], $0xffff;
	v10 =	vor.u32 $0xF, v4  }
0x3a: {  	v5 =	vmul.f32 $1.442695020e+00, v5;
	(erf) = vpow2.f32 v9;
	v12 =	vadd.f32 v19, v12  }
0x3b: {  	v7 =	vld.idx.msk [tilespmem:v7+s3+$0x0], $0xffff;
	v9 =	vor.u32 $0x10, v4;
	v20 =	vpop (erf)  }
0x3c: {  	v6 =	vmul.f32 $1.442695020e+00, v6;
	(erf) = vpow2.f32 v5;
	v12 =	vadd.f32 v20, v12  }
0x3d: {  	v5 =	vld.idx.msk [tilespmem:v11+s3+$0x0], $0xffff;
	v11 =	vor.u32 $0x11, v4;
	v21 =	vpop (erf)  }
0x3e: {  	v8 =	vmul.f32 $1.442695020e+00, v8;
	(erf) = vpow2.f32 v6;
	v12 =	vadd.f32 v21, v12  }
0x3f: {  	v6 =	vld.idx.msk [tilespmem:v10+s3+$0x0], $0xffff;
	v10 =	vor.u32 $0x12, v4;
	v22 =	vpop (erf)  }
0x40: {  	v7 =	vmul.f32 $1.442695020e+00, v7;
	(erf) = vpow2.f32 v8;
	v12 =	vadd.f32 v22, v12  }
0x41: {  	v8 =	vld.idx.msk [tilespmem:v9+s3+$0x0], $0xffff;
	v9 =	vor.u32 $0x13, v4;
	v23 =	vpop (erf)  }
0x42: {  	(erf) = vpow2.f32 v7;
	v5 =	vmul.f32 $1.442695020e+00, v5;
	v12 =	vadd.f32 v23, v12  }
0x43: {  	v7 =	vld.idx.msk [tilespmem:v11+s3+$0x0], $0xffff;
	v11 =	vor.u32 $0x14, v4;
	v24 =	vpop (erf)  }
0x44: {  	v6 =	vmul.f32 $1.442695020e+00, v6;
	(erf) = vpow2.f32 v5;
	v12 =	vadd.f32 v24, v12  }
0x45: {  	v5 =	vld.idx.msk [tilespmem:v10+s3+$0x0], $0xffff;
	v10 =	vor.u32 $0x15, v4;
	v25 =	vpop (erf)  }
0x46: {  	v8 =	vmul.f32 $1.442695020e+00, v8;
	(erf) = vpow2.f32 v6;
	v12 =	vadd.f32 v25, v12  }
0x47: {  	v6 =	vld.idx.msk [tilespmem:v9+s3+$0x0], $0xffff;
	v9 =	vor.u32 $0x16, v4;
	v26 =	vpop (erf)  }
0x48: {  	v7 =	vmul.f32 $1.442695020e+00, v7;
	(erf) = vpow2.f32 v8;
	v12 =	vadd.f32 v26, v12  }
0x49: {  	v8 =	vld.idx.msk [tilespmem:v11+s3+$0x0], $0xffff;
	v11 =	vor.u32 $0x17, v4;
	v27 =	vpop (erf)  }
0x4a: {  	v5 =	vmul.f32 $1.442695020e+00, v5;
	(erf) = vpow2.f32 v7;
	v12 =	vadd.f32 v27, v12  }
0x4b: {  	v7 =	vld.idx.msk [tilespmem:v10+s3+$0x0], $0xffff;
	v10 =	vor.u32 $0x18, v4;
	v28 =	vpop (erf)  }
0x4c: {  	v6 =	vmul.f32 $1.442695020e+00, v6;
	(erf) = vpow2.f32 v5;
	v12 =	vadd.f32 v28, v12  }
0x4d: {  	v5 =	vld.idx.msk [tilespmem:v9+s3+$0x0], $0xffff;
	v9 =	vor.u32 $0x19, v4;
	v29 =	vpop (erf)  }
0x4e: {  	v8 =	vmul.f32 $1.442695020e+00, v8;
	(erf) = vpow2.f32 v6;
	v12 =	vadd.f32 v29, v12  }
0x4f: {  	v6 =	vld.idx.msk [tilespmem:v11+s3+$0x0], $0xffff;
	v11 =	vor.u32 $0x1A, v4;
	v30 =	vpop (erf)  }
0x50: {  	v7 =	vmul.f32 $1.442695020e+00, v7;
	(erf) = vpow2.f32 v8;
	v12 =	vadd.f32 v30, v12  }
0x51: {  	v8 =	vld.idx.msk [tilespmem:v10+s3+$0x0], $0xffff;
	v10 =	vor.u32 $0x1B, v4;
	v31 =	vpop (erf)  }
0x52: {  	v5 =	vmul.f32 $1.442695020e+00, v5;
	(erf) = vpow2.f32 v7;
	v12 =	vadd.f32 v31, v12  }
0x53: {  	v7 =	vld.idx.msk [tilespmem:v9+s3+$0x0], $0xffff;
	v9 =	vor.u32 $0x1C, v4;
	v32 =	vpop (erf)  }
0x54: {  	v6 =	vmul.f32 $1.442695020e+00, v6;
	(erf) = vpow2.f32 v5;
	v12 =	vadd.f32 v32, v12  }
0x55: {  	v5 =	vld.idx.msk [tilespmem:v11+s3+$0x0], $0xffff;
	v11 =	vor.u32 $0x1D, v4;
	v33 =	vpop (erf)  }
0x56: {  	v8 =	vmul.f32 $1.442695020e+00, v8;
	(erf) = vpow2.f32 v6;
	v12 =	vadd.f32 v33, v12  }
0x57: {  	v6 =	vld.idx.msk [tilespmem:v10+s3+$0x0], $0xffff;
	v10 =	vor.u32 $0x1E, v4;
	v34 =	vpop (erf)  }
0x58: {  	v7 =	vmul.f32 $1.442695020e+00, v7;
	(erf) = vpow2.f32 v8;
	v12 =	vadd.f32 v34, v12  }
0x59: {  	v8 =	vld.idx.msk [tilespmem:v9+s3+$0x0], $0xffff;
	v9 =	vor.u32 $0x1F, v4;
	v35 =	vpop (erf)  }
0x5a: {  	v5 =	vmul.f32 $1.442695020e+00, v5;
	(erf) = vpow2.f32 v7;
	v12 =	vadd.f32 v35, v12  }
0x5b: {  	v7 =	vld.idx.msk [tilespmem:v11+s3+$0x0], $0xffff;
	v11 =	vor.u32 $0x20, v4;
	v36 =	vpop (erf)  }
0x5c: {  	v6 =	vmul.f32 $1.442695020e+00, v6;
	(erf) = vpow2.f32 v5;
	v12 =	vadd.f32 v36, v12  }
0x5d: {  	v5 =	vld.idx.msk [tilespmem:v10+s3+$0x0], $0xffff;
	v10 =	vor.u32 $0x21, v4;
	v37 =	vpop (erf)  }
0x5e: {  	v8 =	vmul.f32 $1.442695020e+00, v8;
	(erf) = vpow2.f32 v6;
	v12 =	vadd.f32 v37, v12  }
0x5f: {  	v6 =	vld.idx.msk [tilespmem:v9+s3+$0x0], $0xffff;
	v9 =	vor.u32 $0x22, v4;
	v38 =	vpop (erf)  }
0x60: {  	v7 =	vmul.f32 $1.442695020e+00, v7;
	(erf) = vpow2.f32 v8;
	v12 =	vadd.f32 v38, v12  }
0x61: {  	v8 =	vld.idx.msk [tilespmem:v11+s3+$0x0], $0xffff;
	v11 =	vor.u32 $0x23, v4;
	v39 =	vpop (erf)  }
0x62: {  	v5 =	vmul.f32 $1.442695020e+00, v5;
	(erf) = vpow2.f32 v7;
	v12 =	vadd.f32 v39, v12  }
0x63: {  	v7 =	vld.idx.msk [tilespmem:v10+s3+$0x0], $0xffff;
	v10 =	vor.u32 $0x24, v4;
	v40 =	vpop (erf)  }
0x64: {  	v6 =	vmul.f32 $1.442695020e+00, v6;
	(erf) = vpow2.f32 v5;
	v12 =	vadd.f32 v40, v12  }
0x65: {  	v5 =	vld.idx.msk [tilespmem:v9+s3+$0x0], $0xffff;
	v9 =	vor.u32 $0x25, v4;
	v41 =	vpop (erf)  }
0x66: {  	v8 =	vmul.f32 $1.442695020e+00, v8;
	(erf) = vpow2.f32 v6;
	v12 =	vadd.f32 v41, v12  }
0x67: {  	v6 =	vld.idx.msk [tilespmem:v11+s3+$0x0], $0xffff;
	v11 =	vor.u32 $0x26, v4;
	v42 =	vpop (erf)  }
0x68: {  	v7 =	vmul.f32 $1.442695020e+00, v7;
	(erf) = vpow2.f32 v8;
	v12 =	vadd.f32 v42, v12  }
0x69: {  	v8 =	vld.idx.msk [tilespmem:v10+s3+$0x0], $0xffff;
	v10 =	vor.u32 $0x27, v4;
	v43 =	vpop (erf)  }
0x6a: {  	v5 =	vmul.f32 $1.442695020e+00, v5;
	(erf) = vpow2.f32 v7;
	v12 =	vadd.f32 v43, v12  }
0x6b: {  	v7 =	vld.idx.msk [tilespmem:v9+s3+$0x0], $0xffff;
	v9 =	vor.u32 $0x28, v4;
	v44 =	vpop (erf)  }
0x6c: {  	v6 =	vmul.f32 $1.442695020e+00, v6;
	(erf) = vpow2.f32 v5;
	v12 =	vadd.f32 v44, v12  }
0x6d: {  	v5 =	vld.idx.msk [tilespmem:v11+s3+$0x0], $0xffff;
	v11 =	vor.u32 $0x29, v4;
	v45 =	vpop (erf)  }
0x6e: {  	v8 =	vmul.f32 $1.442695020e+00, v8;
	(erf) = vpow2.f32 v6;
	v12 =	vadd.f32 v45, v12  }
0x6f: {  	v6 =	vld.idx.msk [tilespmem:v10+s3+$0x0], $0xffff;
	v10 =	vor.u32 $0x2A, v4;
	v46 =	vpop (erf)  }
0x70: {  	v7 =	vmul.f32 $1.442695020e+00, v7;
	(erf) = vpow2.f32 v8;
	v12 =	vadd.f32 v46, v12  }
0x71: {  	v8 =	vld.idx.msk [tilespmem:v9+s3+$0x0], $0xffff;
	v9 =	vor.u32 $0x2B, v4;
	v47 =	vpop (erf)  }
0x72: {  	v5 =	vmul.f32 $1.442695020e+00, v5;
	(erf) = vpow2.f32 v7;
	v12 =	vadd.f32 v47, v12  }
0x73: {  	v7 =	vld.idx.msk [tilespmem:v11+s3+$0x0], $0xffff;
	v11 =	vor.u32 $0x2C, v4;
	v48 =	vpop (erf)  }
0x74: {  	v6 =	vmul.f32 $1.442695020e+00, v6;
	(erf) = vpow2.f32 v5;
	v12 =	vadd.f32 v48, v12  }
0x75: {  	v5 =	vld.idx.msk [tilespmem:v10+s3+$0x0], $0xffff;
	v10 =	vor.u32 $0x2D, v4;
	v49 =	vpop (erf)  }
0x76: {  	v8 =	vmul.f32 $1.442695020e+00, v8;
	(erf) = vpow2.f32 v6;
	v12 =	vadd.f32 v49, v12  }
0x77: {  	v6 =	vld.idx.msk [tilespmem:v9+s3+$0x0], $0xffff;
	v9 =	vor.u32 $0x2E, v4;
	v50 =	vpop (erf)  }
0x78: {  	v7 =	vmul.f32 $1.442695020e+00, v7;
	(erf) = vpow2.f32 v8;
	v12 =	vadd.f32 v50, v12  }
0x79: {  	v8 =	vld.idx.msk [tilespmem:v11+s3+$0x0], $0xffff;
	v11 =	vor.u32 $0x2F, v4;
	v51 =	vpop (erf)  }
0x7a: {  	v5 =	vmul.f32 $1.442695020e+00, v5;
	(erf) = vpow2.f32 v7;
	v12 =	vadd.f32 v51, v12  }
0x7b: {  	v7 =	vld.idx.msk [tilespmem:v10+s3+$0x0], $0xffff;
	v10 =	vor.u32 $0x30, v4;
	v52 =	vpop (erf)  }
0x7c: {  	v6 =	vmul.f32 $1.442695020e+00, v6;
	(erf) = vpow2.f32 v5;
	v12 =	vadd.f32 v52, v12  }
0x7d: {  	v5 =	vld.idx.msk [tilespmem:v9+s3+$0x0], $0xffff;
	v9 =	vor.u32 $0x31, v4;
	v53 =	vpop (erf)  }
0x7e: {  	v8 =	vmul.f32 $1.442695020e+00, v8;
	(erf) = vpow2.f32 v6;
	v12 =	vadd.f32 v53, v12  }
0x7f: {  	v6 =	vld.idx.msk [tilespmem:v11+s3+$0x0], $0xffff;
	v11 =	vor.u32 $0x32, v4;
	v54 =	vpop (erf)  }
0x80: {  	v7 =	vmul.f32 $1.442695020e+00, v7;
	(erf) = vpow2.f32 v8;
	v12 =	vadd.f32 v54, v12  }
0x81: {  	v8 =	vld.idx.msk [tilespmem:v10+s3+$0x0], $0xffff;
	v10 =	vor.u32 $0x33, v4;
	v55 =	vpop (erf)  }
0x82: {  	v5 =	vmul.f32 $1.442695020e+00, v5;
	(erf) = vpow2.f32 v7;
	v12 =	vadd.f32 v55, v12  }
0x83: {  	v7 =	vld.idx.msk [tilespmem:v9+s3+$0x0], $0xffff;
	v9 =	vor.u32 $0x34, v4;
	v56 =	vpop (erf)  }
0x84: {  	v6 =	vmul.f32 $1.442695020e+00, v6;
	(erf) = vpow2.f32 v5;
	v12 =	vadd.f32 v56, v12  }
0x85: {  	v5 =	vld.idx.msk [tilespmem:v11+s3+$0x0], $0xffff;
	v11 =	vor.u32 $0x35, v4;
	v57 =	vpop (erf)  }
0x86: {  	v8 =	vmul.f32 $1.442695020e+00, v8;
	(erf) = vpow2.f32 v6;
	v12 =	vadd.f32 v57, v12  }
0x87: {  	v6 =	vld.idx.msk [tilespmem:v10+s3+$0x0], $0xffff;
	v10 =	vor.u32 $0x36, v4;
	v58 =	vpop (erf)  }
0x88: {  	v7 =	vmul.f32 $1.442695020e+00, v7;
	(erf) = vpow2.f32 v8;
	v12 =	vadd.f32 v58, v12  }
0x89: {  	v8 =	vld.idx.msk [tilespmem:v9+s3+$0x0], $0xffff;
	v9 =	vor.u32 $0x37, v4;
	v59 =	vpop (erf)  }
0x8a: {  	v5 =	vmul.f32 $1.442695020e+00, v5;
	(erf) = vpow2.f32 v7;
	v12 =	vadd.f32 v59, v12  }
0x8b: {  	v7 =	vld.idx.msk [tilespmem:v11+s3+$0x0], $0xffff;
	v11 =	vor.u32 $0x38, v4;
	v60 =	vpop (erf)  }
0x8c: {  	v6 =	vmul.f32 $1.442695020e+00, v6;
	(erf) = vpow2.f32 v5;
	v12 =	vadd.f32 v60, v12  }
0x8d: {  	v5 =	vld.idx.msk [tilespmem:v10+s3+$0x0], $0xffff;
	v10 =	vor.u32 $0x39, v4;
	v61 =	vpop (erf)  }
0x8e: {  	v8 =	vmul.f32 $1.442695020e+00, v8;
	(erf) = vpow2.f32 v6;
	v12 =	vadd.f32 v61, v12  }
0x8f: {  	v6 =	vld.idx.msk [tilespmem:v9+s3+$0x0], $0xffff;
	v9 =	vor.u32 $0x3A, v4;
	v62 =	vpop (erf)  }
0x90: {  	v7 =	vmul.f32 $1.442695020e+00, v7;
	(erf) = vpow2.f32 v8;
	v12 =	vadd.f32 v62, v12  }
0x91: {  	v8 =	vld.idx.msk [tilespmem:v11+s3+$0x0], $0xffff;
	v11 =	vor.u32 $0x3B, v4;
	v63 =	vpop (erf)  }
0x92: {  	v5 =	vmul.f32 $1.442695020e+00, v5;
	(erf) = vpow2.f32 v7;
	v12 =	vadd.f32 v63, v12  }
0x93: {  	v7 =	vld.idx.msk [tilespmem:v10+s3+$0x0], $0xffff;
	v10 =	vor.u32 $0x3C, v4;
	v16 =	vpop (erf)  }
0x94: {  	v6 =	vmul.f32 $1.442695020e+00, v6;
	(erf) = vpow2.f32 v5;
	v12 =	vadd.f32 v16, v12  }
0x95: {  	v5 =	vld.idx.msk [tilespmem:v9+s3+$0x0], $0xffff;
	v9 =	vor.u32 $0x3D, v4;
	v17 =	vpop (erf)  }
0x96: {  	v8 =	vmul.f32 $1.442695020e+00, v8;
	(erf) = vpow2.f32 v6;
	v12 =	vadd.f32 v17, v12  }
0x97: {  	v6 =	vld.idx.msk [tilespmem:v11+s3+$0x0], $0xffff;
	v11 =	vor.u32 $0x3E, v4;
	v18 =	vpop (erf)  }
0x98: {  	v7 =	vmul.f32 $1.442695020e+00, v7;
	(erf) = vpow2.f32 v8;
	v12 =	vadd.f32 v18, v12  }
0x99: {  	v8 =	vld.idx.msk [tilespmem:v10+s3+$0x0], $0xffff;
	v10 =	vor.u32 $0x3F, v4;
	v19 =	vpop (erf)  }
0x9a: {  	v5 =	vmul.f32 $1.442695020e+00, v5;
	(erf) = vpow2.f32 v7;
	v12 =	vadd.f32 v19, v12  }
0x9b: {  	v7 =	vld.idx.msk [tilespmem:v9+s3+$0x0], $0xffff;
	v9 =	vor.u32 $0x40, v4;
	v20 =	vpop (erf)  }
0x9c: {  	v6 =	vmul.f32 $1.442695020e+00, v6;
	(erf) = vpow2.f32 v5;
	v12 =	vadd.f32 v20, v12  }
0x9d: {  	v5 =	vld.idx.msk [tilespmem:v11+s3+$0x0], $0xffff;
	v11 =	vor.u32 $0x41, v4;
	v21 =	vpop (erf)  }
0x9e: {  	v8 =	vmul.f32 $1.442695020e+00, v8;
	(erf) = vpow2.f32 v6;
	v12 =	vadd.f32 v21, v12  }
0x9f: {  	v6 =	vld.idx.msk [tilespmem:v10+s3+$0x0], $0xffff;
	v10 =	vor.u32 $0x42, v4;
	v22 =	vpop (erf)  }
0xa0: {  	v7 =	vmul.f32 $1.442695020e+00, v7;
	(erf) = vpow2.f32 v8;
	v12 =	vadd.f32 v22, v12  }
0xa1: {  	v8 =	vld.idx.msk [tilespmem:v9+s3+$0x0], $0xffff;
	v9 =	vor.u32 $0x43, v4;
	v23 =	vpop (erf)  }
0xa2: {  	v5 =	vmul.f32 $1.442695020e+00, v5;
	(erf) = vpow2.f32 v7;
	v12 =	vadd.f32 v23, v12  }
0xa3: {  	v7 =	vld.idx.msk [tilespmem:v11+s3+$0x0], $0xffff;
	v11 =	vor.u32 $0x44, v4;
	v24 =	vpop (erf)  }
0xa4: {  	v6 =	vmul.f32 $1.442695020e+00, v6;
	(erf) = vpow2.f32 v5;
	v12 =	vadd.f32 v24, v12  }
0xa5: {  	v5 =	vld.idx.msk [tilespmem:v10+s3+$0x0], $0xffff;
	v10 =	vor.u32 $0x45, v4;
	v25 =	vpop (erf)  }
0xa6: {  	v8 =	vmul.f32 $1.442695020e+00, v8;
	(erf) = vpow2.f32 v6;
	v12 =	vadd.f32 v25, v12  }
0xa7: {  	v6 =	vld.idx.msk [tilespmem:v9+s3+$0x0], $0xffff;
	v9 =	vor.u32 $0x46, v4;
	v26 =	vpop (erf)  }
0xa8: {  	v7 =	vmul.f32 $1.442695020e+00, v7;
	(erf) = vpow2.f32 v8;
	v12 =	vadd.f32 v26, v12  }
0xa9: {  	v8 =	vld.idx.msk [tilespmem:v11+s3+$0x0], $0xffff;
	v11 =	vor.u32 $0x47, v4;
	v27 =	vpop (erf)  }
0xaa: {  	v5 =	vmul.f32 $1.442695020e+00, v5;
	(erf) = vpow2.f32 v7;
	v12 =	vadd.f32 v27, v12  }
0xab: {  	v7 =	vld.idx.msk [tilespmem:v10+s3+$0x0], $0xffff;
	v10 =	vor.u32 $0x48, v4;
	v28 =	vpop (erf)  }
0xac: {  	v6 =	vmul.f32 $1.442695020e+00, v6;
	(erf) = vpow2.f32 v5;
	v12 =	vadd.f32 v28, v12  }
0xad: {  	v5 =	vld.idx.msk [tilespmem:v9+s3+$0x0], $0xffff;
	v9 =	vor.u32 $0x49, v4;
	v29 =	vpop (erf)  }
0xae: {  	v8 =	vmul.f32 $1.442695020e+00, v8;
	(erf) = vpow2.f32 v6;
	v12 =	vadd.f32 v29, v12  }
0xaf: {  	v6 =	vld.idx.msk [tilespmem:v11+s3+$0x0], $0xffff;
	v11 =	vor.u32 $0x4A, v4;
	v30 =	vpop (erf)  }
0xb0: {  	v7 =	vmul.f32 $1.442695020e+00, v7;
	(erf) = vpow2.f32 v8;
	v12 =	vadd.f32 v30, v12  }
0xb1: {  	v8 =	vld.idx.msk [tilespmem:v10+s3+$0x0], $0xffff;
	v10 =	vor.u32 $0x4B, v4;
	v31 =	vpop (erf)  }
0xb2: {  	v5 =	vmul.f32 $1.442695020e+00, v5;
	(erf) = vpow2.f32 v7;
	v12 =	vadd.f32 v31, v12  }
0xb3: {  	v7 =	vld.idx.msk [tilespmem:v9+s3+$0x0], $0xffff;
	v9 =	vor.u32 $0x4C, v4;
	v32 =	vpop (erf)  }
0xb4: {  	v6 =	vmul.f32 $1.442695020e+00, v6;
	(erf) = vpow2.f32 v5;
	v12 =	vadd.f32 v32, v12  }
0xb5: {  	v5 =	vld.idx.msk [tilespmem:v11+s3+$0x0], $0xffff;
	v11 =	vor.u32 $0x4D, v4;
	v33 =	vpop (erf)  }
0xb6: {  	v8 =	vmul.f32 $1.442695020e+00, v8;
	(erf) = vpow2.f32 v6;
	v12 =	vadd.f32 v33, v12  }
0xb7: {  	v6 =	vld.idx.msk [tilespmem:v10+s3+$0x0], $0xffff;
	v10 =	vor.u32 $0x4E, v4;
	v34 =	vpop (erf)  }
0xb8: {  	v7 =	vmul.f32 $1.442695020e+00, v7;
	(erf) = vpow2.f32 v8;
	v8 =	vld.idx.msk [tilespmem:v9+s3+$0x0], $0xffff;
	v12 =	vadd.f32 v34, v12  }
0xb9: {  	v9 =	vor.u32 $0x4F, v4;
	v35 =	vpop (erf)  }
0xba: {  	v5 =	vmul.f32 $1.442695020e+00, v5;
	(erf) = vpow2.f32 v7;
	v7 =	vld.idx.msk [tilespmem:v11+s3+$0x0], $0xffff;
	v12 =	vadd.f32 v35, v12  }
0xbb: {  	v4 =	vor.u32 $0x50, v4;
	v11 =	vpop (erf)  }
0xbc: {  	v6 =	vmul.f32 $1.442695020e+00, v6;
	(erf) = vpow2.f32 v5;
	v5 =	vld.idx.msk [tilespmem:v10+s3+$0x0], $0xffff;
	v11 =	vadd.f32 v11, v12  }
0xbd: {  	v8 =	vmul.f32 $1.442695020e+00, v8;
	v10 =	vpop (erf)  }
0xbe: {  	(erf) = vpow2.f32 v6;
	v6 =	vld.idx.msk [tilespmem:v9+s3+$0x0], $0xffff;
	v10 =	vadd.f32 v10, v11  }
0xbf: {  	v9 =	vpop (erf);
	v7 =	vmul.f32 $1.442695020e+00, v7  }
0xc0: {  	v9 =	vadd.f32 v9, v10  }
0xc1: {  	v4 =	vld.idx.msk [tilespmem:v4+s3+$0x0], $0xffff;
	(erf) = vpow2.f32 v8;
	v8 =	vpop (erf);
	v5 =	vmul.f32 $1.442695020e+00, v5  }
0xc2: {  	v8 =	vadd.f32 v8, v9  }
0xc3: {  	(erf) = vpow2.f32 v7;
	v7 =	vpop (erf);
	v6 =	vmul.f32 $1.442695020e+00, v6  }
0xc4: {  	v7 =	vadd.f32 v7, v8  }
0xc5: {  	(erf) = vpow2.f32 v5;
	v5 =	vpop (erf)  }
0xc6: {  	v4 =	vmul.f32 $1.442695020e+00, v4;
	v5 =	vadd.f32 v5, v7  }
0xc7: {  	(erf) = vpow2.f32 v6;
	v6 =	vpop (erf)  }
0xc8: {  	v5 =	vadd.f32 v6, v5  }
0xc9: {  	(erf) = vpow2.f32 v4  }
0xca: {  	v4 =	vpop (erf)  }
0xcb: {  	v4 =	vadd.f32 v4, v5  }
0xcc: {  	v5 =	vpop (erf)  }
0xcd: {  	v4 =	vadd.f32 v5, v4  }
0xce: {  	v5 =	vpop (erf)  }
0xcf: {  	v4 =	vadd.f32 v5, v4  }
0xd0: {  	v5 =	vpop (erf)  }
0xd1: {  	v4 =	vadd.f32 v5, v4  }
0xd2: {  	v5 =	vpop (erf)  }
0xd3: {  	v4 =	vadd.f32 v5, v4;
	_ =	sdelay $0x1  }
0xd4: {  	v5 =	vand.u32 $0x7FFFFF, v4  }
0xd5: {  	v5 =	vor.u32 $0x3F800000, v5  }
0xd6: {  	v6 =	vmul.f32 $5.000000000e-01, v5  }
0xd7: {  	vm0 =	vgt.f32 v5, $1.414213540e+00  }
0xd8: {  	v5 =	vsel vm0, v6, v5  }
0xd9: {  	v6 =	vadd.f32 $1.000000000e+00, v5;
	_ =	sdelay $0x1  }
0xda: {  	(erf) = vrcp.f32 v6;
	_ =	sdelay $0x7  }
0xdb: {  	v5 =	vadd.f32 $-1.000000000e+00, v5  }
0xdc: {  	v6 =	vpop (erf)  }
0xdd: {  	v5 =	vmul.f32 v6, v5;
	_ =	sdelay $0x1  }
0xde: {  	v6 =	vmul.f32 v5, v5;
	_ =	sdelay $0x1  }
0xdf: {  	v7 =	vmul.f32 $1.111111120e-01, v6;
	_ =	sdelay $0x1  }
0xe0: {  	v7 =	vadd.f32 $1.428571490e-01, v7;
	_ =	sdelay $0x1  }
0xe1: {  	v7 =	vmul.f32 v7, v6;
	_ =	sdelay $0x1  }
0xe2: {  	v7 =	vadd.f32 $2.000000030e-01, v7;
	_ =	sdelay $0x1  }
0xe3: {  	v7 =	vmul.f32 v7, v6;
	_ =	sdelay $0x1  }
0xe4: {  	v7 =	vadd.f32 $3.333333430e-01, v7;
	_ =	sdelay $0x1  }
0xe5: {  	v4 =	vshra.s32 v4, $0x17;
	v8 =	vsel vm0, $0xFFFFFF82, v1;
	v6 =	vmul.f32 v7, v6  }
0xe6: {  	v4 =	vadd.s32 v4, v8  }
0xe7: {  	v4 =	vcvt.s32.f32 v4;
	v5 =	vadd.f32 v5, v5;
	v6 =	vadd.f32 $1.000000000e+00, v6  }
0xe8: {  	s31 =	simm.s32 $0x10  }
0xe9: {  	v8 =	vld [tilespmem:s21+$0x0];
	v4 =	vmul.f32 $6.931471820e-01, v4;
	v7 =	vmov s31;
	v6 =	vmul.f32 v6, v5  }
0xea: {  	v5 =	vshll.u32 v7, $0x7  }
0xeb: {  	v5 =	vor.u32 v0, v5;
	v4 =	vadd.f32 v6, v4  }
0xec: {  	v6 =	vor.u32 $0x1, v5  }
0xed: {  	v3 =	vsub.f32 v4, v3  }
0xee: {  	vm14 =	vgt.s32 v8, $0x0  }
0xef: {  	v7 =	vor.u32 $0x2, v5;
	v4 =	vsel vm14, $0xFF800000, v3  }
0xf0: {  	[tilespmem:s24+$0x0] =	vst v4  }
0xf1: {  	v8 =	vor.u32 $0x3, v5;
	v6 =	vld.idx.msk [tilespmem:v6+s3+$0x0], $0xffff  }
0xf2: {  	v3 =	vld.idx.msk [tilespmem:v5+s3+$0x0], $0xffff  }
0xf3: {  	v9 =	vor.u32 $0x4, v5  }
0xf4: {  	v10 =	vor.u32 $0x5, v5;
	v7 =	vld.idx.msk [tilespmem:v7+s3+$0x0], $0xffff;
	_ =	sdelay $0x1  }
0xf5: {  	v36 =	vor.u32 $0x6, v5;
	v8 =	vld.idx.msk [tilespmem:v8+s3+$0x0], $0xffff;
	v6 =	vmul.f32 $1.442695020e+00, v6  }
0xf6: {  	v11 =	vmul.f32 $1.442695020e+00, v3  }
0xf7: {  	(erf) = vpow2.f32 v6;
	v6 =	vld.idx.msk [tilespmem:v9+s3+$0x0], $0xffff  }
0xf8: {  	v10 =	vld.idx.msk [tilespmem:v10+s3+$0x0], $0xffff;
	v7 =	vmul.f32 $1.442695020e+00, v7;
	v9 =	vor.u32 $0x7, v5;
	(erf) = vpow2.f32 v11;
	_ =	sdelay $0x1  }
0xf9: {  	v8 =	vmul.f32 $1.442695020e+00, v8;
	v11 =	vld.idx.msk [tilespmem:v36+s3+$0x0], $0xffff;
	(erf) = vpow2.f32 v7;
	v7 =	vor.u32 $0x8, v5;
	_ =	sdelay $0x1  }
0xfa: {  	(erf) = vpow2.f32 v8;
	v6 =	vmul.f32 $1.442695020e+00, v6  }
0xfb: {  	v37 =	vor.u32 $0x9, v5;
	v10 =	vmul.f32 $1.442695020e+00, v10;
	v8 =	vld.idx.msk [tilespmem:v9+s3+$0x0], $0xffff  }
0xfc: {  	v9 =	vor.u32 $0xA, v5;
	(erf) = vpow2.f32 v6  }
0xfd: {  	v38 =	vor.u32 $0xB, v5;
	v11 =	vmul.f32 $1.442695020e+00, v11;
	v6 =	vld.idx.msk [tilespmem:v7+s3+$0x0], $0xffff  }
0xfe: {  	v7 =	vpop (erf);
	(erf) = vpow2.f32 v10  }
0xff: {  	v10 =	vpop (erf)  }
0x100: {  	v12 =	vld.idx.msk [tilespmem:v37+s3+$0x0], $0xffff;
	v8 =	vmul.f32 $1.442695020e+00, v8;
	(erf) = vpow2.f32 v11;
	v7 =	vadd.f32 v7, v10  }
0x101: {  	v9 =	vld.idx.msk [tilespmem:v9+s3+$0x0], $0xffff;
	v10 =	vor.u32 $0xC, v5;
	v11 =	vpop (erf)  }
0x102: {  	v6 =	vmul.f32 $1.442695020e+00, v6;
	(erf) = vpow2.f32 v8;
	v8 =	vld.idx.msk [tilespmem:v38+s3+$0x0], $0xffff;
	v7 =	vadd.f32 v11, v7  }
0x103: {  	v39 =	vpop (erf);
	v11 =	vor.u32 $0xD, v5  }
0x104: {  	(erf) = vpow2.f32 v6;
	v6 =	vor.u32 $0xE, v5;
	v7 =	vadd.f32 v39, v7  }
0x105: {  	v12 =	vmul.f32 $1.442695020e+00, v12;
	v40 =	vpop (erf)  }
0x106: {  	v9 =	vmul.f32 $1.442695020e+00, v9;
	v10 =	vld.idx.msk [tilespmem:v10+s3+$0x0], $0xffff;
	v7 =	vadd.f32 v40, v7  }
0x107: {  	v41 =	vor.u32 $0xF, v5;
	(erf) = vpow2.f32 v12;
	v8 =	vmul.f32 $1.442695020e+00, v8;
	v42 =	vpop (erf)  }
0x108: {  	v11 =	vld.idx.msk [tilespmem:v11+s3+$0x0], $0xffff;
	(erf) = vpow2.f32 v9;
	v9 =	vor.u32 $0x10, v5;
	v7 =	vadd.f32 v42, v7  }
0x109: {  	v43 =	vpop (erf);
	v6 =	vld.idx.msk [tilespmem:v6+s3+$0x0], $0xffff  }
0x10a: {  	(erf) = vpow2.f32 v8;
	v8 =	vor.u32 $0x11, v5;
	v7 =	vadd.f32 v43, v7  }
0x10b: {  	v10 =	vmul.f32 $1.442695020e+00, v10;
	v44 =	vpop (erf)  }
0x10c: {  	v12 =	vld.idx.msk [tilespmem:v41+s3+$0x0], $0xffff;
	v7 =	vadd.f32 v44, v7  }
0x10d: {  	v11 =	vmul.f32 $1.442695020e+00, v11;
	(erf) = vpow2.f32 v10;
	v10 =	vor.u32 $0x12, v5;
	v9 =	vld.idx.msk [tilespmem:v9+s3+$0x0], $0xffff  }
0x10e: {  	v45 =	vpop (erf);
	v6 =	vmul.f32 $1.442695020e+00, v6  }
0x10f: {  	v8 =	vld.idx.msk [tilespmem:v8+s3+$0x0], $0xffff;
	v7 =	vadd.f32 v45, v7;
	(erf) = vpow2.f32 v11;
	v11 =	vor.u32 $0x13, v5  }
0x110: {  	v46 =	vpop (erf)  }
0x111: {  	v12 =	vmul.f32 $1.442695020e+00, v12;
	(erf) = vpow2.f32 v6;
	v7 =	vadd.f32 v46, v7  }
0x112: {  	v47 =	vor.u32 $0x14, v5;
	v6 =	vpop (erf);
	v10 =	vld.idx.msk [tilespmem:v10+s3+$0x0], $0xffff;
	v9 =	vmul.f32 $1.442695020e+00, v9  }
0x113: {  	(erf) = vpow2.f32 v12;
	v6 =	vadd.f32 v6, v7;
	v7 =	vor.u32 $0x15, v5  }
0x114: {  	v49 =	vor.u32 $0x16, v5;
	v48 =	vpop (erf);
	v8 =	vmul.f32 $1.442695020e+00, v8;
	v11 =	vld.idx.msk [tilespmem:v11+s3+$0x0], $0xffff  }
0x115: {  	(erf) = vpow2.f32 v9;
	v6 =	vadd.f32 v48, v6  }
0x116: {  	v9 =	vpop (erf)  }
0x117: {  	v13 =	vld.idx.msk [tilespmem:v47+s3+$0x0], $0xffff;
	(erf) = vpow2.f32 v8;
	v6 =	vadd.f32 v9, v6;
	v10 =	vmul.f32 $1.442695020e+00, v10  }
0x118: {  	v9 =	vor.u32 $0x17, v5;
	v8 =	vpop (erf);
	v7 =	vld.idx.msk [tilespmem:v7+s3+$0x0], $0xffff  }
0x119: {  	v6 =	vadd.f32 v8, v6;
	v11 =	vmul.f32 $1.442695020e+00, v11;
	(erf) = vpow2.f32 v10;
	v10 =	vld.idx.msk [tilespmem:v49+s3+$0x0], $0xffff  }
0x11a: {  	v8 =	vor.u32 $0x18, v5;
	v50 =	vpop (erf)  }
0x11b: {  	v6 =	vadd.f32 v50, v6;
	(erf) = vpow2.f32 v11;
	v11 =	vor.u32 $0x19, v5  }
0x11c: {  	v51 =	vmul.f32 $1.442695020e+00, v13;
	v52 =	vpop (erf)  }
0x11d: {  	v9 =	vld.idx.msk [tilespmem:v9+s3+$0x0], $0xffff;
	v6 =	vadd.f32 v52, v6;
	v7 =	vmul.f32 $1.442695020e+00, v7  }
0x11e: {  	v53 =	vor.u32 $0x1A, v5;
	(erf) = vpow2.f32 v51;
	v54 =	vpop (erf);
	v10 =	vmul.f32 $1.442695020e+00, v10  }
0x11f: {  	v8 =	vld.idx.msk [tilespmem:v8+s3+$0x0], $0xffff;
	v6 =	vadd.f32 v54, v6;
	(erf) = vpow2.f32 v7;
	v7 =	vor.u32 $0x1B, v5  }
0x120: {  	v55 =	vpop (erf);
	v11 =	vld.idx.msk [tilespmem:v11+s3+$0x0], $0xffff  }
0x121: {  	(erf) = vpow2.f32 v10;
	v10 =	vor.u32 $0x1C, v5;
	v6 =	vadd.f32 v55, v6  }
0x122: {  	v9 =	vmul.f32 $1.442695020e+00, v9;
	v56 =	vpop (erf)  }
0x123: {  	v12 =	vld.idx.msk [tilespmem:v53+s3+$0x0], $0xffff;
	v6 =	vadd.f32 v56, v6  }
0x124: {  	v8 =	vmul.f32 $1.442695020e+00, v8;
	(erf) = vpow2.f32 v9;
	v9 =	vor.u32 $0x1D, v5;
	v7 =	vld.idx.msk [tilespmem:v7+s3+$0x0], $0xffff  }
0x125: {  	v57 =	vpop (erf);
	v11 =	vmul.f32 $1.442695020e+00, v11  }
0x126: {  	v6 =	vadd.f32 v57, v6;
	(erf) = vpow2.f32 v8;
	v8 =	vor.u32 $0x1E, v5;
	v10 =	vld.idx.msk [tilespmem:v10+s3+$0x0], $0xffff  }
0x127: {  	v58 =	vpop (erf)  }
0x128: {  	v12 =	vmul.f32 $1.442695020e+00, v12;
	v6 =	vadd.f32 v58, v6;
	(erf) = vpow2.f32 v11  }
0x129: {  	v59 =	vor.u32 $0x1F, v5;
	v9 =	vld.idx.msk [tilespmem:v9+s3+$0x0], $0xffff;
	v11 =	vpop (erf);
	v7 =	vmul.f32 $1.442695020e+00, v7  }
0x12a: {  	(erf) = vpow2.f32 v12;
	v6 =	vadd.f32 v11, v6  }
0x12b: {  	v11 =	vor.u32 $0x20, v5;
	v60 =	vpop (erf);
	v8 =	vld.idx.msk [tilespmem:v8+s3+$0x0], $0xffff;
	v10 =	vmul.f32 $1.442695020e+00, v10  }
0x12c: {  	(erf) = vpow2.f32 v7;
	v6 =	vadd.f32 v60, v6  }
0x12d: {  	v61 =	vor.u32 $0x21, v5;
	v7 =	vpop (erf)  }
0x12e: {  	v13 =	vld.idx.msk [tilespmem:v59+s3+$0x0], $0xffff;
	v9 =	vmul.f32 $1.442695020e+00, v9;
	(erf) = vpow2.f32 v10;
	v6 =	vadd.f32 v7, v6  }
0x12f: {  	v7 =	vor.u32 $0x22, v5;
	v10 =	vpop (erf)  }
0x130: {  	v11 =	vld.idx.msk [tilespmem:v11+s3+$0x0], $0xffff;
	v8 =	vmul.f32 $1.442695020e+00, v8;
	(erf) = vpow2.f32 v9;
	v6 =	vadd.f32 v10, v6  }
0x131: {  	v10 =	vor.u32 $0x23, v5;
	v62 =	vpop (erf)  }
0x132: {  	v9 =	vld.idx.msk [tilespmem:v61+s3+$0x0], $0xffff;
	(erf) = vpow2.f32 v8;
	v8 =	vor.u32 $0x24, v5;
	v6 =	vadd.f32 v62, v6  }
0x133: {  	v63 =	vmul.f32 $1.442695020e+00, v13;
	v16 =	vpop (erf)  }
0x134: {  	v7 =	vld.idx.msk [tilespmem:v7+s3+$0x0], $0xffff;
	v6 =	vadd.f32 v16, v6  }
0x135: {  	(erf) = vpow2.f32 v63;
	v11 =	vmul.f32 $1.442695020e+00, v11;
	v18 =	vpop (erf)  }
0x136: {  	v17 =	vor.u32 $0x25, v5;
	v10 =	vld.idx.msk [tilespmem:v10+s3+$0x0], $0xffff;
	v6 =	vadd.f32 v18, v6  }
0x137: {  	v9 =	vmul.f32 $1.442695020e+00, v9;
	(erf) = vpow2.f32 v11;
	v11 =	vor.u32 $0x26, v5;
	v19 =	vpop (erf);
	v8 =	vld.idx.msk [tilespmem:v8+s3+$0x0], $0xffff  }
0x138: {  	v6 =	vadd.f32 v19, v6  }
0x139: {  	(erf) = vpow2.f32 v9;
	v9 =	vor.u32 $0x27, v5;
	v7 =	vmul.f32 $1.442695020e+00, v7;
	v20 =	vpop (erf)  }
0x13a: {  	v6 =	vadd.f32 v20, v6  }
0x13b: {  	v12 =	vld.idx.msk [tilespmem:v17+s3+$0x0], $0xffff;
	v10 =	vmul.f32 $1.442695020e+00, v10;
	(erf) = vpow2.f32 v7;
	v7 =	vor.u32 $0x28, v5  }
0x13c: {  	v21 =	vpop (erf);
	v11 =	vld.idx.msk [tilespmem:v11+s3+$0x0], $0xffff;
	v8 =	vmul.f32 $1.442695020e+00, v8  }
0x13d: {  	v6 =	vadd.f32 v21, v6;
	(erf) = vpow2.f32 v10;
	v10 =	vor.u32 $0x29, v5  }
0x13e: {  	v22 =	vpop (erf);
	v9 =	vld.idx.msk [tilespmem:v9+s3+$0x0], $0xffff  }
0x13f: {  	v6 =	vadd.f32 v22, v6  }
0x140: {  	v23 =	vor.u32 $0x2A, v5;
	v12 =	vmul.f32 $1.442695020e+00, v12;
	(erf) = vpow2.f32 v8;
	v8 =	vpop (erf);
	v7 =	vld.idx.msk [tilespmem:v7+s3+$0x0], $0xffff  }
0x141: {  	v6 =	vadd.f32 v8, v6;
	v8 =	vor.u32 $0x2B, v5;
	v11 =	vmul.f32 $1.442695020e+00, v11  }
0x142: {  	(erf) = vpow2.f32 v12;
	v10 =	vld.idx.msk [tilespmem:v10+s3+$0x0], $0xffff  }
0x143: {  	v25 =	vor.u32 $0x2C, v5;
	v24 =	vpop (erf);
	v9 =	vmul.f32 $1.442695020e+00, v9  }
0x144: {  	v6 =	vadd.f32 v24, v6;
	(erf) = vpow2.f32 v11  }
0x145: {  	v13 =	vld.idx.msk [tilespmem:v23+s3+$0x0], $0xffff;
	v11 =	vpop (erf);
	v7 =	vmul.f32 $1.442695020e+00, v7  }
0x146: {  	(erf) = vpow2.f32 v9;
	v6 =	vadd.f32 v11, v6;
	v11 =	vor.u32 $0x2D, v5;
	v8 =	vld.idx.msk [tilespmem:v8+s3+$0x0], $0xffff  }
0x147: {  	v9 =	vpop (erf);
	v10 =	vmul.f32 $1.442695020e+00, v10  }
0x148: {  	(erf) = vpow2.f32 v7;
	v7 =	vld.idx.msk [tilespmem:v25+s3+$0x0], $0xffff;
	v6 =	vadd.f32 v9, v6;
	v9 =	vor.u32 $0x2E, v5  }
0x149: {  	v26 =	vpop (erf);
	(erf) = vpow2.f32 v10;
	v10 =	vor.u32 $0x2F, v5  }
0x14a: {  	v27 =	vmul.f32 $1.442695020e+00, v13;
	v6 =	vadd.f32 v26, v6  }
0x14b: {  	v28 =	vpop (erf);
	v11 =	vld.idx.msk [tilespmem:v11+s3+$0x0], $0xffff;
	v8 =	vmul.f32 $1.442695020e+00, v8  }
0x14c: {  	v29 =	vor.u32 $0x30, v5;
	(erf) = vpow2.f32 v27;
	v6 =	vadd.f32 v28, v6  }
0x14d: {  	v30 =	vpop (erf);
	v7 =	vmul.f32 $1.442695020e+00, v7;
	v9 =	vld.idx.msk [tilespmem:v9+s3+$0x0], $0xffff;
	(erf) = vpow2.f32 v8;
	v8 =	vor.u32 $0x31, v5  }
0x14e: {  	v6 =	vadd.f32 v30, v6;
	v10 =	vld.idx.msk [tilespmem:v10+s3+$0x0], $0xffff  }
0x14f: {  	v31 =	vpop (erf);
	(erf) = vpow2.f32 v7;
	v7 =	vor.u32 $0x32, v5  }
0x150: {  	v6 =	vadd.f32 v31, v6;
	v11 =	vmul.f32 $1.442695020e+00, v11  }
0x151: {  	v12 =	vld.idx.msk [tilespmem:v29+s3+$0x0], $0xffff;
	v32 =	vpop (erf)  }
0x152: {  	v6 =	vadd.f32 v32, v6;
	v9 =	vmul.f32 $1.442695020e+00, v9;
	(erf) = vpow2.f32 v11;
	v8 =	vld.idx.msk [tilespmem:v8+s3+$0x0], $0xffff  }
0x153: {  	v11 =	vor.u32 $0x33, v5;
	v33 =	vpop (erf);
	v10 =	vmul.f32 $1.442695020e+00, v10  }
0x154: {  	v7 =	vld.idx.msk [tilespmem:v7+s3+$0x0], $0xffff;
	v6 =	vadd.f32 v33, v6;
	(erf) = vpow2.f32 v9;
	v9 =	vor.u32 $0x34, v5  }
0x155: {  	v34 =	vpop (erf)  }
0x156: {  	v12 =	vmul.f32 $1.442695020e+00, v12;
	v6 =	vadd.f32 v34, v6  }
0x157: {  	v35 =	vor.u32 $0x35, v5;
	(erf) = vpow2.f32 v10;
	v10 =	vpop (erf);
	v8 =	vmul.f32 $1.442695020e+00, v8  }
0x158: {  	v11 =	vld.idx.msk [tilespmem:v11+s3+$0x0], $0xffff;
	v6 =	vadd.f32 v10, v6;
	v10 =	vor.u32 $0x36, v5  }
0x159: {  	(erf) = vpow2.f32 v12;
	v36 =	vpop (erf);
	v7 =	vmul.f32 $1.442695020e+00, v7;
	v9 =	vld.idx.msk [tilespmem:v9+s3+$0x0], $0xffff  }
0x15a: {  	v37 =	vor.u32 $0x37, v5;
	v6 =	vadd.f32 v36, v6  }
0x15b: {  	(erf) = vpow2.f32 v8;
	v8 =	vpop (erf)  }
0x15c: {  	v13 =	vld.idx.msk [tilespmem:v35+s3+$0x0], $0xffff;
	v6 =	vadd.f32 v8, v6  }
0x15d: {  	(erf) = vpow2.f32 v7;
	v8 =	vor.u32 $0x38, v5;
	v11 =	vmul.f32 $1.442695020e+00, v11;
	v7 =	vpop (erf);
	v10 =	vld.idx.msk [tilespmem:v10+s3+$0x0], $0xffff  }
0x15e: {  	v6 =	vadd.f32 v7, v6;
	v7 =	vor.u32 $0x39, v5;
	v9 =	vmul.f32 $1.442695020e+00, v9  }
0x15f: {  	(erf) = vpow2.f32 v11;
	v11 =	vld.idx.msk [tilespmem:v37+s3+$0x0], $0xffff  }
0x160: {  	v38 =	vpop (erf);
	(erf) = vpow2.f32 v9;
	v9 =	vor.u32 $0x3A, v5  }
0x161: {  	v39 =	vmul.f32 $1.442695020e+00, v13;
	v6 =	vadd.f32 v38, v6  }
0x162: {  	v40 =	vpop (erf);
	v8 =	vld.idx.msk [tilespmem:v8+s3+$0x0], $0xffff;
	v10 =	vmul.f32 $1.442695020e+00, v10  }
0x163: {  	v41 =	vor.u32 $0x3B, v5;
	(erf) = vpow2.f32 v39;
	v6 =	vadd.f32 v40, v6;
	v7 =	vld.idx.msk [tilespmem:v7+s3+$0x0], $0xffff  }
0x164: {  	v42 =	vpop (erf);
	v11 =	vmul.f32 $1.442695020e+00, v11;
	(erf) = vpow2.f32 v10;
	v10 =	vor.u32 $0x3C, v5  }
0x165: {  	v6 =	vadd.f32 v42, v6;
	v9 =	vld.idx.msk [tilespmem:v9+s3+$0x0], $0xffff  }
0x166: {  	v43 =	vpop (erf);
	(erf) = vpow2.f32 v11;
	v11 =	vor.u32 $0x3D, v5  }
0x167: {  	v6 =	vadd.f32 v43, v6;
	v8 =	vmul.f32 $1.442695020e+00, v8  }
0x168: {  	v12 =	vld.idx.msk [tilespmem:v41+s3+$0x0], $0xffff;
	v44 =	vpop (erf);
	v7 =	vmul.f32 $1.442695020e+00, v7  }
0x169: {  	v6 =	vadd.f32 v44, v6;
	(erf) = vpow2.f32 v8;
	v8 =	vor.u32 $0x3E, v5;
	v10 =	vld.idx.msk [tilespmem:v10+s3+$0x0], $0xffff  }
0x16a: {  	v45 =	vpop (erf);
	(erf) = vpow2.f32 v7;
	v7 =	vor.u32 $0x3F, v5;
	v9 =	vmul.f32 $1.442695020e+00, v9  }
0x16b: {  	v6 =	vadd.f32 v45, v6;
	v11 =	vld.idx.msk [tilespmem:v11+s3+$0x0], $0xffff  }
0x16c: {  	v47 =	vor.u32 $0x40, v5;
	v46 =	vpop (erf)  }
0x16d: {  	v12 =	vmul.f32 $1.442695020e+00, v12;
	v6 =	vadd.f32 v46, v6;
	(erf) = vpow2.f32 v9  }
0x16e: {  	v8 =	vld.idx.msk [tilespmem:v8+s3+$0x0], $0xffff;
	v9 =	vpop (erf);
	v10 =	vmul.f32 $1.442695020e+00, v10  }
0x16f: {  	(erf) = vpow2.f32 v12;
	v6 =	vadd.f32 v9, v6;
	v9 =	vor.u32 $0x41, v5;
	v7 =	vld.idx.msk [tilespmem:v7+s3+$0x0], $0xffff  }
0x170: {  	v49 =	vor.u32 $0x42, v5;
	v48 =	vpop (erf);
	v11 =	vmul.f32 $1.442695020e+00, v11  }
0x171: {  	(erf) = vpow2.f32 v10;
	v6 =	vadd.f32 v48, v6  }
0x172: {  	v13 =	vld.idx.msk [tilespmem:v47+s3+$0x0], $0xffff;
	v10 =	vpop (erf)  }
0x173: {  	v8 =	vmul.f32 $1.442695020e+00, v8;
	(erf) = vpow2.f32 v11;
	v6 =	vadd.f32 v10, v6  }
0x174: {  	v10 =	vor.u32 $0x43, v5;
	v11 =	vpop (erf);
	v9 =	vld.idx.msk [tilespmem:v9+s3+$0x0], $0xffff;
	v7 =	vmul.f32 $1.442695020e+00, v7  }
0x175: {  	(erf) = vpow2.f32 v8;
	v8 =	vld.idx.msk [tilespmem:v49+s3+$0x0], $0xffff;
	v6 =	vadd.f32 v11, v6;
	v11 =	vor.u32 $0x44, v5  }
0x176: {  	v50 =	vpop (erf);
	(erf) = vpow2.f32 v7;
	v7 =	vor.u32 $0x45, v5  }
0x177: {  	v51 =	vmul.f32 $1.442695020e+00, v13;
	v6 =	vadd.f32 v50, v6  }
0x178: {  	v52 =	vpop (erf)  }
0x179: {  	(erf) = vpow2.f32 v51;
	v10 =	vld.idx.msk [tilespmem:v10+s3+$0x0], $0xffff;
	v6 =	vadd.f32 v52, v6;
	v9 =	vmul.f32 $1.442695020e+00, v9  }
0x17a: {  	v53 =	vor.u32 $0x46, v5;
	v54 =	vpop (erf);
	v8 =	vmul.f32 $1.442695020e+00, v8;
	v11 =	vld.idx.msk [tilespmem:v11+s3+$0x0], $0xffff  }
0x17b: {  	v6 =	vadd.f32 v54, v6;
	(erf) = vpow2.f32 v9;
	v9 =	vor.u32 $0x47, v5;
	v7 =	vld.idx.msk [tilespmem:v7+s3+$0x0], $0xffff  }
0x17c: {  	v55 =	vpop (erf)  }
0x17d: {  	(erf) = vpow2.f32 v8;
	v8 =	vor.u32 $0x48, v5;
	v6 =	vadd.f32 v55, v6  }
0x17e: {  	v10 =	vmul.f32 $1.442695020e+00, v10;
	v56 =	vpop (erf)  }
0x17f: {  	v12 =	vld.idx.msk [tilespmem:v53+s3+$0x0], $0xffff;
	v6 =	vadd.f32 v56, v6;
	v11 =	vmul.f32 $1.442695020e+00, v11  }
0x180: {  	(erf) = vpow2.f32 v10;
	v10 =	vor.u32 $0x49, v5;
	v57 =	vpop (erf);
	v9 =	vld.idx.msk [tilespmem:v9+s3+$0x0], $0xffff;
	v7 =	vmul.f32 $1.442695020e+00, v7  }
0x181: {  	v6 =	vadd.f32 v57, v6;
	(erf) = vpow2.f32 v11;
	v11 =	vor.u32 $0x4A, v5  }
0x182: {  	v58 =	vpop (erf);
	v8 =	vld.idx.msk [tilespmem:v8+s3+$0x0], $0xffff  }
0x183: {  	v6 =	vadd.f32 v58, v6  }
0x184: {  	v59 =	vor.u32 $0x4B, v5;
	v12 =	vmul.f32 $1.442695020e+00, v12;
	(erf) = vpow2.f32 v7;
	v7 =	vpop (erf)  }
0x185: {  	v10 =	vld.idx.msk [tilespmem:v10+s3+$0x0], $0xffff;
	v6 =	vadd.f32 v7, v6;
	v7 =	vor.u32 $0x4C, v5;
	v9 =	vmul.f32 $1.442695020e+00, v9  }
0x186: {  	(erf) = vpow2.f32 v12;
	v11 =	vld.idx.msk [tilespmem:v11+s3+$0x0], $0xffff  }
0x187: {  	v60 =	vpop (erf);
	v8 =	vmul.f32 $1.442695020e+00, v8  }
0x188: {  	v6 =	vadd.f32 v60, v6;
	(erf) = vpow2.f32 v9  }
0x189: {  	v13 =	vld.idx.msk [tilespmem:v59+s3+$0x0], $0xffff;
	v61 =	vor.u32 $0x4D, v5;
	v9 =	vpop (erf)  }
0x18a: {  	(erf) = vpow2.f32 v8;
	v6 =	vadd.f32 v9, v6;
	v9 =	vor.u32 $0x4E, v5;
	v7 =	vld.idx.msk [tilespmem:v7+s3+$0x0], $0xffff  }
0x18b: {  	v10 =	vmul.f32 $1.442695020e+00, v10;
	v8 =	vpop (erf);
	v11 =	vmul.f32 $1.442695020e+00, v11  }
0x18c: {  	v6 =	vadd.f32 v8, v6  }
0x18d: {  	(erf) = vpow2.f32 v10;
	v62 =	vpop (erf)  }
0x18e: {  	v63 =	vmul.f32 $1.442695020e+00, v13;
	v10 =	vld.idx.msk [tilespmem:v61+s3+$0x0], $0xffff;
	v8 =	vor.u32 $0x4F, v5;
	v6 =	vadd.f32 v62, v6  }
0x18f: {  	v5 =	vor.u32 $0x50, v5;
	(erf) = vpow2.f32 v11;
	v9 =	vld.idx.msk [tilespmem:v9+s3+$0x0], $0xffff;
	v11 =	vpop (erf);
	v7 =	vmul.f32 $1.442695020e+00, v7  }
0x190: {  	v6 =	vadd.f32 v11, v6  }
0x191: {  	(erf) = vpow2.f32 v63;
	v11 =	vpop (erf)  }
0x192: {  	v6 =	vadd.f32 v11, v6  }
0x193: {  	v8 =	vld.idx.msk [tilespmem:v8+s3+$0x0], $0xffff;
	(erf) = vpow2.f32 v7;
	v7 =	vpop (erf)  }
0x194: {  	v10 =	vmul.f32 $1.442695020e+00, v10;
	v5 =	vld.idx.msk [tilespmem:v5+s3+$0x0], $0xffff;
	v6 =	vadd.f32 v7, v6;
	v7 =	vmul.f32 $1.442695020e+00, v9;
	_ =	sdelay $0x1  }
0x195: {  	(erf) = vpow2.f32 v10;
	v9 =	vpop (erf)  }
0x196: {  	v6 =	vadd.f32 v9, v6  }
0x197: {  	v8 =	vmul.f32 $1.442695020e+00, v8;
	(erf) = vpow2.f32 v7;
	v7 =	vpop (erf)  }
0x198: {  	v5 =	vmul.f32 $1.442695020e+00, v5;
	v6 =	vadd.f32 v7, v6  }
0x199: {  	(erf) = vpow2.f32 v8;
	v7 =	vpop (erf)  }
0x19a: {  	v6 =	vadd.f32 v7, v6  }
0x19b: {  	(erf) = vpow2.f32 v5  }
0x19c: {  	v5 =	vpop (erf)  }
0x19d: {  	v5 =	vadd.f32 v5, v6  }
0x19e: {  	v6 =	vpop (erf)  }
0x19f: {  	v5 =	vadd.f32 v6, v5  }
0x1a0: {  	v6 =	vpop (erf)  }
0x1a1: {  	v5 =	vadd.f32 v6, v5  }
0x1a2: {  	v6 =	vpop (erf)  }
0x1a3: {  	v5 =	vadd.f32 v6, v5  }
0x1a4: {  	v6 =	vpop (erf)  }
0x1a5: {  	v5 =	vadd.f32 v6, v5;
	_ =	sdelay $0x1  }
0x1a6: {  	v6 =	vand.u32 $0x7FFFFF, v5  }
0x1a7: {  	v6 =	vor.u32 $0x3F800000, v6  }
0x1a8: {  	v7 =	vmul.f32 $5.000000000e-01, v6  }
0x1a9: {  	vm15 =	vgt.f32 v6, $1.414213540e+00  }
0x1aa: {  	v6 =	vsel vm15, v7, v6  }
0x1ab: {  	v7 =	vadd.f32 $1.000000000e+00, v6;
	_ =	sdelay $0x1  }
0x1ac: {  	(erf) = vrcp.f32 v7;
	_ =	sdelay $0x7  }
0x1ad: {  	v6 =	vadd.f32 $-1.000000000e+00, v6  }
0x1ae: {  	v7 =	vpop (erf)  }
0x1af: {  	v6 =	vmul.f32 v7, v6;
	_ =	sdelay $0x1  }
0x1b0: {  	v7 =	vmul.f32 v6, v6;
	_ =	sdelay $0x1  }
0x1b1: {  	v8 =	vmul.f32 $1.111111120e-01, v7;
	_ =	sdelay $0x1  }
0x1b2: {  	v8 =	vadd.f32 $1.428571490e-01, v8;
	_ =	sdelay $0x1  }
0x1b3: {  	v8 =	vmul.f32 v8, v7;
	_ =	sdelay $0x1  }
0x1b4: {  	v8 =	vadd.f32 $2.000000030e-01, v8;
	_ =	sdelay $0x1  }
0x1b5: {  	v8 =	vmul.f32 v8, v7;
	_ =	sdelay $0x1  }
0x1b6: {  	v8 =	vadd.f32 $3.333333430e-01, v8;
	_ =	sdelay $0x1  }
0x1b7: {  	v5 =	vshra.s32 v5, $0x17;
	v9 =	vsel vm15, $0xFFFFFF82, v1;
	v7 =	vmul.f32 v8, v7  }
0x1b8: {  	v5 =	vadd.s32 v5, v9  }
0x1b9: {  	v5 =	vcvt.s32.f32 v5;
	v6 =	vadd.f32 v6, v6;
	v8 =	vadd.f32 $1.000000000e+00, v7  }
0x1ba: {  	s28 =	simm.s32 $0x20;
	s26 =	sadd.s32 $0x10, s21;
	v2 =	vmax.f32 v2, v4  }
0x1bb: {  	v4 =	vmov s28;
	v7 =	vmul.f32 $6.931471820e-01, v5;
	v8 =	vmul.f32 v8, v6;
	v6 =	vld [tilespmem:s26+$0x0]  }
0x1bc: {  	s29 =	simm.s32 $0x30;
	s28 =	smov.u32 s24;
	v4 =	vshll.u32 v4, $0x7  }
.LBB2_3:
0x1bd: {  	p0 =	sne.s32 s29, $0xF0;
	v4 =	vor.u32 v0, v4;
	v5 =	vadd.f32 v8, v7  }
0x1be: {  	v7 =	vor.u32 $0x1, v4  }
0x1bf: {  	v3 =	vsub.f32 v5, v3  }
0x1c0: {  	vm0 =	vgt.s32 v6, $0x0  }
0x1c1: {  	s28 =	sadd.s32 $0x10, s28;
	v5 =	vor.u32 $0x2, v4;
	v3 =	vsel vm0, $0xFF800000, v3  }
0x1c2: {  	[tilespmem:s28+$0x0] =	vst v3;
	v2 =	vmax.f32 v2, v3  }
0x1c3: {  	v6 =	vld.idx.msk [tilespmem:v7+s3+$0x0], $0xffff;
	v7 =	vor.u32 $0x3, v4  }
0x1c4: {  	v3 =	vld.idx.msk [tilespmem:v4+s3+$0x0], $0xffff  }
0x1c5: {  	v8 =	vor.u32 $0x4, v4  }
0x1c6: {  	v5 =	vld.idx.msk [tilespmem:v5+s3+$0x0], $0xffff  }
0x1c7: {  	v9 =	vor.u32 $0x5, v4  }
0x1c8: {  	v7 =	vld.idx.msk [tilespmem:v7+s3+$0x0], $0xffff  }
0x1c9: {  	v10 =	vor.u32 $0x6, v4;
	v6 =	vmul.f32 $1.442695020e+00, v6  }
0x1ca: {  	v11 =	vmul.f32 $1.442695020e+00, v3;
	v8 =	vld.idx.msk [tilespmem:v8+s3+$0x0], $0xffff  }
0x1cb: {  	v12 =	vor.u32 $0x7, v4;
	(erf) = vpow2.f32 v6  }
0x1cc: {  	v5 =	vmul.f32 $1.442695020e+00, v5;
	v6 =	vld.idx.msk [tilespmem:v9+s3+$0x0], $0xffff;
	(erf) = vpow2.f32 v11  }
0x1cd: {  	v9 =	vor.u32 $0x8, v4  }
0x1ce: {  	v7 =	vmul.f32 $1.442695020e+00, v7;
	v10 =	vld.idx.msk [tilespmem:v10+s3+$0x0], $0xffff;
	(erf) = vpow2.f32 v5  }
0x1cf: {  	v5 =	vor.u32 $0x9, v4  }
0x1d0: {  	v8 =	vmul.f32 $1.442695020e+00, v8;
	v11 =	vld.idx.msk [tilespmem:v12+s3+$0x0], $0xffff;
	(erf) = vpow2.f32 v7  }
0x1d1: {  	v7 =	vor.u32 $0xA, v4  }
0x1d2: {  	v6 =	vmul.f32 $1.442695020e+00, v6;
	v9 =	vld.idx.msk [tilespmem:v9+s3+$0x0], $0xffff;
	(erf) = vpow2.f32 v8  }
0x1d3: {  	v8 =	vor.u32 $0xB, v4  }
0x1d4: {  	v10 =	vmul.f32 $1.442695020e+00, v10;
	v5 =	vld.idx.msk [tilespmem:v5+s3+$0x0], $0xffff;
	v12 =	vpop (erf);
	(erf) = vpow2.f32 v6  }
0x1d5: {  	v6 =	vor.u32 $0xC, v4;
	v13 =	vpop (erf)  }
0x1d6: {  	v11 =	vmul.f32 $1.442695020e+00, v11;
	v12 =	vadd.f32 v12, v13;
	v7 =	vld.idx.msk [tilespmem:v7+s3+$0x0], $0xffff;
	(erf) = vpow2.f32 v10  }
0x1d7: {  	v10 =	vor.u32 $0xD, v4;
	v13 =	vpop (erf)  }
0x1d8: {  	v9 =	vmul.f32 $1.442695020e+00, v9;
	v12 =	vadd.f32 v13, v12;
	v8 =	vld.idx.msk [tilespmem:v8+s3+$0x0], $0xffff;
	(erf) = vpow2.f32 v11  }
0x1d9: {  	v11 =	vor.u32 $0xE, v4;
	v13 =	vpop (erf)  }
0x1da: {  	v5 =	vmul.f32 $1.442695020e+00, v5;
	v12 =	vadd.f32 v13, v12;
	v6 =	vld.idx.msk [tilespmem:v6+s3+$0x0], $0xffff;
	(erf) = vpow2.f32 v9  }
0x1db: {  	v9 =	vor.u32 $0xF, v4;
	v13 =	vpop (erf)  }
0x1dc: {  	v7 =	vmul.f32 $1.442695020e+00, v7;
	v12 =	vadd.f32 v13, v12;
	v10 =	vld.idx.msk [tilespmem:v10+s3+$0x0], $0xffff;
	(erf) = vpow2.f32 v5  }
0x1dd: {  	v5 =	vor.u32 $0x10, v4;
	v13 =	vpop (erf)  }
0x1de: {  	v8 =	vmul.f32 $1.442695020e+00, v8;
	v12 =	vadd.f32 v13, v12;
	v11 =	vld.idx.msk [tilespmem:v11+s3+$0x0], $0xffff;
	(erf) = vpow2.f32 v7  }
0x1df: {  	v7 =	vor.u32 $0x11, v4;
	v13 =	vpop (erf)  }
0x1e0: {  	v6 =	vmul.f32 $1.442695020e+00, v6;
	v12 =	vadd.f32 v13, v12;
	v9 =	vld.idx.msk [tilespmem:v9+s3+$0x0], $0xffff;
	(erf) = vpow2.f32 v8  }
0x1e1: {  	v8 =	vor.u32 $0x12, v4;
	v13 =	vpop (erf)  }
0x1e2: {  	v10 =	vmul.f32 $1.442695020e+00, v10;
	v12 =	vadd.f32 v13, v12;
	v5 =	vld.idx.msk [tilespmem:v5+s3+$0x0], $0xffff;
	(erf) = vpow2.f32 v6  }
0x1e3: {  	v6 =	vor.u32 $0x13, v4;
	v13 =	vpop (erf)  }
0x1e4: {  	v11 =	vmul.f32 $1.442695020e+00, v11;
	v12 =	vadd.f32 v13, v12;
	v7 =	vld.idx.msk [tilespmem:v7+s3+$0x0], $0xffff;
	(erf) = vpow2.f32 v10  }
0x1e5: {  	v10 =	vor.u32 $0x14, v4;
	v13 =	vpop (erf)  }
0x1e6: {  	v9 =	vmul.f32 $1.442695020e+00, v9;
	v12 =	vadd.f32 v13, v12;
	v8 =	vld.idx.msk [tilespmem:v8+s3+$0x0], $0xffff;
	(erf) = vpow2.f32 v11  }
0x1e7: {  	v11 =	vor.u32 $0x15, v4;
	v13 =	vpop (erf)  }
0x1e8: {  	v5 =	vmul.f32 $1.442695020e+00, v5;
	v12 =	vadd.f32 v13, v12;
	v6 =	vld.idx.msk [tilespmem:v6+s3+$0x0], $0xffff;
	(erf) = vpow2.f32 v9  }
0x1e9: {  	v9 =	vor.u32 $0x16, v4;
	v13 =	vpop (erf)  }
0x1ea: {  	v7 =	vmul.f32 $1.442695020e+00, v7;
	v12 =	vadd.f32 v13, v12;
	v10 =	vld.idx.msk [tilespmem:v10+s3+$0x0], $0xffff;
	(erf) = vpow2.f32 v5  }
0x1eb: {  	v5 =	vor.u32 $0x17, v4;
	v13 =	vpop (erf)  }
0x1ec: {  	v8 =	vmul.f32 $1.442695020e+00, v8;
	v12 =	vadd.f32 v13, v12;
	v11 =	vld.idx.msk [tilespmem:v11+s3+$0x0], $0xffff;
	(erf) = vpow2.f32 v7  }
0x1ed: {  	v7 =	vor.u32 $0x18, v4;
	v13 =	vpop (erf)  }
0x1ee: {  	v6 =	vmul.f32 $1.442695020e+00, v6;
	v12 =	vadd.f32 v13, v12;
	v9 =	vld.idx.msk [tilespmem:v9+s3+$0x0], $0xffff;
	(erf) = vpow2.f32 v8  }
0x1ef: {  	v8 =	vor.u32 $0x19, v4;
	v13 =	vpop (erf)  }
0x1f0: {  	v10 =	vmul.f32 $1.442695020e+00, v10;
	v12 =	vadd.f32 v13, v12;
	v5 =	vld.idx.msk [tilespmem:v5+s3+$0x0], $0xffff;
	(erf) = vpow2.f32 v6  }
0x1f1: {  	v6 =	vor.u32 $0x1A, v4;
	v13 =	vpop (erf)  }
0x1f2: {  	v11 =	vmul.f32 $1.442695020e+00, v11;
	v12 =	vadd.f32 v13, v12;
	v7 =	vld.idx.msk [tilespmem:v7+s3+$0x0], $0xffff;
	(erf) = vpow2.f32 v10  }
0x1f3: {  	v10 =	vor.u32 $0x1B, v4;
	v13 =	vpop (erf)  }
0x1f4: {  	v9 =	vmul.f32 $1.442695020e+00, v9;
	v12 =	vadd.f32 v13, v12;
	v8 =	vld.idx.msk [tilespmem:v8+s3+$0x0], $0xffff;
	(erf) = vpow2.f32 v11  }
0x1f5: {  	v11 =	vor.u32 $0x1C, v4;
	v13 =	vpop (erf)  }
0x1f6: {  	v5 =	vmul.f32 $1.442695020e+00, v5;
	v12 =	vadd.f32 v13, v12;
	v6 =	vld.idx.msk [tilespmem:v6+s3+$0x0], $0xffff;
	(erf) = vpow2.f32 v9  }
0x1f7: {  	v9 =	vor.u32 $0x1D, v4;
	v13 =	vpop (erf)  }
0x1f8: {  	v7 =	vmul.f32 $1.442695020e+00, v7;
	v12 =	vadd.f32 v13, v12;
	v10 =	vld.idx.msk [tilespmem:v10+s3+$0x0], $0xffff;
	(erf) = vpow2.f32 v5  }
0x1f9: {  	v5 =	vor.u32 $0x1E, v4;
	v13 =	vpop (erf)  }
0x1fa: {  	v8 =	vmul.f32 $1.442695020e+00, v8;
	v12 =	vadd.f32 v13, v12;
	v11 =	vld.idx.msk [tilespmem:v11+s3+$0x0], $0xffff;
	(erf) = vpow2.f32 v7  }
0x1fb: {  	v7 =	vor.u32 $0x1F, v4;
	v13 =	vpop (erf)  }
0x1fc: {  	v6 =	vmul.f32 $1.442695020e+00, v6;
	v12 =	vadd.f32 v13, v12;
	v9 =	vld.idx.msk [tilespmem:v9+s3+$0x0], $0xffff;
	(erf) = vpow2.f32 v8  }
0x1fd: {  	v8 =	vor.u32 $0x20, v4;
	v13 =	vpop (erf)  }
0x1fe: {  	v10 =	vmul.f32 $1.442695020e+00, v10;
	v12 =	vadd.f32 v13, v12;
	v5 =	vld.idx.msk [tilespmem:v5+s3+$0x0], $0xffff;
	(erf) = vpow2.f32 v6  }
0x1ff: {  	v6 =	vor.u32 $0x21, v4;
	v13 =	vpop (erf)  }
0x200: {  	v11 =	vmul.f32 $1.442695020e+00, v11;
	v12 =	vadd.f32 v13, v12;
	v7 =	vld.idx.msk [tilespmem:v7+s3+$0x0], $0xffff;
	(erf) = vpow2.f32 v10  }
0x201: {  	v10 =	vor.u32 $0x22, v4;
	v13 =	vpop (erf)  }
0x202: {  	v9 =	vmul.f32 $1.442695020e+00, v9;
	v12 =	vadd.f32 v13, v12;
	v8 =	vld.idx.msk [tilespmem:v8+s3+$0x0], $0xffff;
	(erf) = vpow2.f32 v11  }
0x203: {  	v11 =	vor.u32 $0x23, v4;
	v13 =	vpop (erf)  }
0x204: {  	v5 =	vmul.f32 $1.442695020e+00, v5;
	v12 =	vadd.f32 v13, v12;
	v6 =	vld.idx.msk [tilespmem:v6+s3+$0x0], $0xffff;
	(erf) = vpow2.f32 v9  }
0x205: {  	v9 =	vor.u32 $0x24, v4;
	v13 =	vpop (erf)  }
0x206: {  	v7 =	vmul.f32 $1.442695020e+00, v7;
	v12 =	vadd.f32 v13, v12;
	v10 =	vld.idx.msk [tilespmem:v10+s3+$0x0], $0xffff;
	(erf) = vpow2.f32 v5  }
0x207: {  	v5 =	vor.u32 $0x25, v4;
	v13 =	vpop (erf)  }
0x208: {  	v8 =	vmul.f32 $1.442695020e+00, v8;
	v12 =	vadd.f32 v13, v12;
	v11 =	vld.idx.msk [tilespmem:v11+s3+$0x0], $0xffff;
	(erf) = vpow2.f32 v7  }
0x209: {  	v7 =	vor.u32 $0x26, v4;
	v13 =	vpop (erf)  }
0x20a: {  	v6 =	vmul.f32 $1.442695020e+00, v6;
	v12 =	vadd.f32 v13, v12;
	v9 =	vld.idx.msk [tilespmem:v9+s3+$0x0], $0xffff;
	(erf) = vpow2.f32 v8  }
0x20b: {  	v8 =	vor.u32 $0x27, v4;
	v13 =	vpop (erf)  }
0x20c: {  	v10 =	vmul.f32 $1.442695020e+00, v10;
	v12 =	vadd.f32 v13, v12;
	v5 =	vld.idx.msk [tilespmem:v5+s3+$0x0], $0xffff;
	(erf) = vpow2.f32 v6  }
0x20d: {  	v6 =	vor.u32 $0x28, v4;
	v13 =	vpop (erf)  }
0x20e: {  	v11 =	vmul.f32 $1.442695020e+00, v11;
	v12 =	vadd.f32 v13, v12;
	v7 =	vld.idx.msk [tilespmem:v7+s3+$0x0], $0xffff;
	(erf) = vpow2.f32 v10  }
0x20f: {  	v10 =	vor.u32 $0x29, v4;
	v13 =	vpop (erf)  }
0x210: {  	v9 =	vmul.f32 $1.442695020e+00, v9;
	v12 =	vadd.f32 v13, v12;
	v8 =	vld.idx.msk [tilespmem:v8+s3+$0x0], $0xffff;
	(erf) = vpow2.f32 v11  }
0x211: {  	v11 =	vor.u32 $0x2A, v4;
	v13 =	vpop (erf)  }
0x212: {  	v5 =	vmul.f32 $1.442695020e+00, v5;
	v12 =	vadd.f32 v13, v12;
	v6 =	vld.idx.msk [tilespmem:v6+s3+$0x0], $0xffff;
	(erf) = vpow2.f32 v9  }
0x213: {  	v9 =	vor.u32 $0x2B, v4;
	v13 =	vpop (erf)  }
0x214: {  	v7 =	vmul.f32 $1.442695020e+00, v7;
	v12 =	vadd.f32 v13, v12;
	v10 =	vld.idx.msk [tilespmem:v10+s3+$0x0], $0xffff;
	(erf) = vpow2.f32 v5  }
0x215: {  	v5 =	vor.u32 $0x2C, v4;
	v13 =	vpop (erf)  }
0x216: {  	v8 =	vmul.f32 $1.442695020e+00, v8;
	v12 =	vadd.f32 v13, v12;
	v11 =	vld.idx.msk [tilespmem:v11+s3+$0x0], $0xffff;
	(erf) = vpow2.f32 v7  }
0x217: {  	v7 =	vor.u32 $0x2D, v4;
	v13 =	vpop (erf)  }
0x218: {  	v6 =	vmul.f32 $1.442695020e+00, v6;
	v12 =	vadd.f32 v13, v12;
	v9 =	vld.idx.msk [tilespmem:v9+s3+$0x0], $0xffff;
	(erf) = vpow2.f32 v8  }
0x219: {  	v8 =	vor.u32 $0x2E, v4;
	v13 =	vpop (erf)  }
0x21a: {  	v10 =	vmul.f32 $1.442695020e+00, v10;
	v12 =	vadd.f32 v13, v12;
	v5 =	vld.idx.msk [tilespmem:v5+s3+$0x0], $0xffff;
	(erf) = vpow2.f32 v6  }
0x21b: {  	v6 =	vor.u32 $0x2F, v4;
	v13 =	vpop (erf)  }
0x21c: {  	v11 =	vmul.f32 $1.442695020e+00, v11;
	v12 =	vadd.f32 v13, v12;
	v7 =	vld.idx.msk [tilespmem:v7+s3+$0x0], $0xffff;
	(erf) = vpow2.f32 v10  }
0x21d: {  	v10 =	vor.u32 $0x30, v4;
	v13 =	vpop (erf)  }
0x21e: {  	v9 =	vmul.f32 $1.442695020e+00, v9;
	v12 =	vadd.f32 v13, v12;
	v8 =	vld.idx.msk [tilespmem:v8+s3+$0x0], $0xffff;
	(erf) = vpow2.f32 v11  }
0x21f: {  	v11 =	vor.u32 $0x31, v4;
	v13 =	vpop (erf)  }
0x220: {  	v5 =	vmul.f32 $1.442695020e+00, v5;
	v12 =	vadd.f32 v13, v12;
	v6 =	vld.idx.msk [tilespmem:v6+s3+$0x0], $0xffff;
	(erf) = vpow2.f32 v9  }
0x221: {  	v9 =	vor.u32 $0x32, v4;
	v13 =	vpop (erf)  }
0x222: {  	v7 =	vmul.f32 $1.442695020e+00, v7;
	v12 =	vadd.f32 v13, v12;
	v10 =	vld.idx.msk [tilespmem:v10+s3+$0x0], $0xffff;
	(erf) = vpow2.f32 v5  }
0x223: {  	v5 =	vor.u32 $0x33, v4;
	v13 =	vpop (erf)  }
0x224: {  	v8 =	vmul.f32 $1.442695020e+00, v8;
	v12 =	vadd.f32 v13, v12;
	v11 =	vld.idx.msk [tilespmem:v11+s3+$0x0], $0xffff;
	(erf) = vpow2.f32 v7  }
0x225: {  	v7 =	vor.u32 $0x34, v4;
	v13 =	vpop (erf)  }
0x226: {  	v6 =	vmul.f32 $1.442695020e+00, v6;
	v12 =	vadd.f32 v13, v12;
	v9 =	vld.idx.msk [tilespmem:v9+s3+$0x0], $0xffff;
	(erf) = vpow2.f32 v8  }
0x227: {  	v8 =	vor.u32 $0x35, v4;
	v13 =	vpop (erf)  }
0x228: {  	v10 =	vmul.f32 $1.442695020e+00, v10;
	v12 =	vadd.f32 v13, v12;
	v5 =	vld.idx.msk [tilespmem:v5+s3+$0x0], $0xffff;
	(erf) = vpow2.f32 v6  }
0x229: {  	v6 =	vor.u32 $0x36, v4;
	v13 =	vpop (erf)  }
0x22a: {  	v11 =	vmul.f32 $1.442695020e+00, v11;
	v12 =	vadd.f32 v13, v12;
	v7 =	vld.idx.msk [tilespmem:v7+s3+$0x0], $0xffff;
	(erf) = vpow2.f32 v10  }
0x22b: {  	v10 =	vor.u32 $0x37, v4;
	v13 =	vpop (erf)  }
0x22c: {  	v9 =	vmul.f32 $1.442695020e+00, v9;
	v12 =	vadd.f32 v13, v12;
	v8 =	vld.idx.msk [tilespmem:v8+s3+$0x0], $0xffff;
	(erf) = vpow2.f32 v11  }
0x22d: {  	v11 =	vor.u32 $0x38, v4;
	v13 =	vpop (erf)  }
0x22e: {  	v5 =	vmul.f32 $1.442695020e+00, v5;
	v12 =	vadd.f32 v13, v12;
	v6 =	vld.idx.msk [tilespmem:v6+s3+$0x0], $0xffff;
	(erf) = vpow2.f32 v9  }
0x22f: {  	v9 =	vor.u32 $0x39, v4;
	v13 =	vpop (erf)  }
0x230: {  	v7 =	vmul.f32 $1.442695020e+00, v7;
	v12 =	vadd.f32 v13, v12;
	v10 =	vld.idx.msk [tilespmem:v10+s3+$0x0], $0xffff;
	(erf) = vpow2.f32 v5  }
0x231: {  	v5 =	vor.u32 $0x3A, v4;
	v13 =	vpop (erf)  }
0x232: {  	v8 =	vmul.f32 $1.442695020e+00, v8;
	v12 =	vadd.f32 v13, v12;
	v11 =	vld.idx.msk [tilespmem:v11+s3+$0x0], $0xffff;
	(erf) = vpow2.f32 v7  }
0x233: {  	v7 =	vor.u32 $0x3B, v4;
	v13 =	vpop (erf)  }
0x234: {  	v6 =	vmul.f32 $1.442695020e+00, v6;
	v12 =	vadd.f32 v13, v12;
	v9 =	vld.idx.msk [tilespmem:v9+s3+$0x0], $0xffff;
	(erf) = vpow2.f32 v8  }
0x235: {  	v8 =	vor.u32 $0x3C, v4;
	v13 =	vpop (erf)  }
0x236: {  	v10 =	vmul.f32 $1.442695020e+00, v10;
	v12 =	vadd.f32 v13, v12;
	v5 =	vld.idx.msk [tilespmem:v5+s3+$0x0], $0xffff;
	(erf) = vpow2.f32 v6  }
0x237: {  	v6 =	vor.u32 $0x3D, v4;
	v13 =	vpop (erf)  }
0x238: {  	v11 =	vmul.f32 $1.442695020e+00, v11;
	v12 =	vadd.f32 v13, v12;
	v7 =	vld.idx.msk [tilespmem:v7+s3+$0x0], $0xffff;
	(erf) = vpow2.f32 v10  }
0x239: {  	v10 =	vor.u32 $0x3E, v4;
	v13 =	vpop (erf)  }
0x23a: {  	v9 =	vmul.f32 $1.442695020e+00, v9;
	v12 =	vadd.f32 v13, v12;
	v8 =	vld.idx.msk [tilespmem:v8+s3+$0x0], $0xffff;
	(erf) = vpow2.f32 v11  }
0x23b: {  	v11 =	vor.u32 $0x3F, v4;
	v13 =	vpop (erf)  }
0x23c: {  	v5 =	vmul.f32 $1.442695020e+00, v5;
	v12 =	vadd.f32 v13, v12;
	v6 =	vld.idx.msk [tilespmem:v6+s3+$0x0], $0xffff;
	(erf) = vpow2.f32 v9  }
0x23d: {  	v9 =	vor.u32 $0x40, v4;
	v13 =	vpop (erf)  }
0x23e: {  	v7 =	vmul.f32 $1.442695020e+00, v7;
	v12 =	vadd.f32 v13, v12;
	v10 =	vld.idx.msk [tilespmem:v10+s3+$0x0], $0xffff;
	(erf) = vpow2.f32 v5  }
0x23f: {  	v5 =	vor.u32 $0x41, v4;
	v13 =	vpop (erf)  }
0x240: {  	v8 =	vmul.f32 $1.442695020e+00, v8;
	v12 =	vadd.f32 v13, v12;
	v11 =	vld.idx.msk [tilespmem:v11+s3+$0x0], $0xffff;
	(erf) = vpow2.f32 v7  }
0x241: {  	v7 =	vor.u32 $0x42, v4;
	v13 =	vpop (erf)  }
0x242: {  	v6 =	vmul.f32 $1.442695020e+00, v6;
	v12 =	vadd.f32 v13, v12;
	v9 =	vld.idx.msk [tilespmem:v9+s3+$0x0], $0xffff;
	(erf) = vpow2.f32 v8  }
0x243: {  	v8 =	vor.u32 $0x43, v4;
	v13 =	vpop (erf)  }
0x244: {  	v10 =	vmul.f32 $1.442695020e+00, v10;
	v12 =	vadd.f32 v13, v12;
	v5 =	vld.idx.msk [tilespmem:v5+s3+$0x0], $0xffff;
	(erf) = vpow2.f32 v6  }
0x245: {  	v6 =	vor.u32 $0x44, v4;
	v13 =	vpop (erf)  }
0x246: {  	v11 =	vmul.f32 $1.442695020e+00, v11;
	v12 =	vadd.f32 v13, v12;
	v7 =	vld.idx.msk [tilespmem:v7+s3+$0x0], $0xffff;
	(erf) = vpow2.f32 v10  }
0x247: {  	v10 =	vor.u32 $0x45, v4;
	v13 =	vpop (erf)  }
0x248: {  	v9 =	vmul.f32 $1.442695020e+00, v9;
	v12 =	vadd.f32 v13, v12;
	v8 =	vld.idx.msk [tilespmem:v8+s3+$0x0], $0xffff;
	(erf) = vpow2.f32 v11  }
0x249: {  	v11 =	vor.u32 $0x46, v4;
	v13 =	vpop (erf)  }
0x24a: {  	v5 =	vmul.f32 $1.442695020e+00, v5;
	v12 =	vadd.f32 v13, v12;
	v6 =	vld.idx.msk [tilespmem:v6+s3+$0x0], $0xffff;
	(erf) = vpow2.f32 v9  }
0x24b: {  	v9 =	vor.u32 $0x47, v4;
	v13 =	vpop (erf)  }
0x24c: {  	v7 =	vmul.f32 $1.442695020e+00, v7;
	v12 =	vadd.f32 v13, v12;
	v10 =	vld.idx.msk [tilespmem:v10+s3+$0x0], $0xffff;
	(erf) = vpow2.f32 v5  }
0x24d: {  	v5 =	vor.u32 $0x48, v4;
	v13 =	vpop (erf)  }
0x24e: {  	v8 =	vmul.f32 $1.442695020e+00, v8;
	v12 =	vadd.f32 v13, v12;
	v11 =	vld.idx.msk [tilespmem:v11+s3+$0x0], $0xffff;
	(erf) = vpow2.f32 v7  }
0x24f: {  	v7 =	vor.u32 $0x49, v4;
	v13 =	vpop (erf)  }
0x250: {  	v6 =	vmul.f32 $1.442695020e+00, v6;
	v12 =	vadd.f32 v13, v12;
	v9 =	vld.idx.msk [tilespmem:v9+s3+$0x0], $0xffff;
	(erf) = vpow2.f32 v8  }
0x251: {  	v8 =	vor.u32 $0x4A, v4;
	v13 =	vpop (erf)  }
0x252: {  	v10 =	vmul.f32 $1.442695020e+00, v10;
	v12 =	vadd.f32 v13, v12;
	v5 =	vld.idx.msk [tilespmem:v5+s3+$0x0], $0xffff;
	(erf) = vpow2.f32 v6  }
0x253: {  	v6 =	vor.u32 $0x4B, v4;
	v13 =	vpop (erf)  }
0x254: {  	v11 =	vmul.f32 $1.442695020e+00, v11;
	v12 =	vadd.f32 v13, v12;
	v7 =	vld.idx.msk [tilespmem:v7+s3+$0x0], $0xffff;
	(erf) = vpow2.f32 v10  }
0x255: {  	v10 =	vor.u32 $0x4C, v4;
	v13 =	vpop (erf)  }
0x256: {  	v9 =	vmul.f32 $1.442695020e+00, v9;
	v12 =	vadd.f32 v13, v12;
	v8 =	vld.idx.msk [tilespmem:v8+s3+$0x0], $0xffff;
	(erf) = vpow2.f32 v11  }
0x257: {  	v11 =	vor.u32 $0x4D, v4;
	v13 =	vpop (erf)  }
0x258: {  	v5 =	vmul.f32 $1.442695020e+00, v5;
	v12 =	vadd.f32 v13, v12;
	v6 =	vld.idx.msk [tilespmem:v6+s3+$0x0], $0xffff;
	(erf) = vpow2.f32 v9  }
0x259: {  	v9 =	vor.u32 $0x4E, v4;
	v13 =	vpop (erf)  }
0x25a: {  	v14 =	vmul.f32 $1.442695020e+00, v7;
	v12 =	vadd.f32 v13, v12;
	v10 =	vld.idx.msk [tilespmem:v10+s3+$0x0], $0xffff;
	(erf) = vpow2.f32 v5  }
0x25b: {  	v5 =	vor.u32 $0x4F, v4;
	v13 =	vpop (erf)  }
0x25c: {  	v12 =	vadd.f32 v13, v12;
	v13 =	vmul.f32 $1.442695020e+00, v8;
	v11 =	vld.idx.msk [tilespmem:v11+s3+$0x0], $0xffff;
	(erf) = vpow2.f32 v14  }
0x25d: {  	v4 =	vor.u32 $0x50, v4;
	v7 =	vpop (erf)  }
0x25e: {  	v7 =	vadd.f32 v7, v12;
	v12 =	vmul.f32 $1.442695020e+00, v6;
	v9 =	vld.idx.msk [tilespmem:v9+s3+$0x0], $0xffff;
	(erf) = vpow2.f32 v13  }
0x25f: {  	v8 =	vpop (erf)  }
0x260: {  	v10 =	vmul.f32 $1.442695020e+00, v10;
	v7 =	vadd.f32 v8, v7;
	v5 =	vld.idx.msk [tilespmem:v5+s3+$0x0], $0xffff;
	(erf) = vpow2.f32 v12  }
0x261: {  	v6 =	vpop (erf)  }
0x262: {  	v11 =	vmul.f32 $1.442695020e+00, v11;
	v6 =	vadd.f32 v6, v7;
	v4 =	vld.idx.msk [tilespmem:v4+s3+$0x0], $0xffff;
	(erf) = vpow2.f32 v10  }
0x263: {  	v8 =	vpop (erf)  }
0x264: {  	v6 =	vadd.f32 v8, v6;
	v8 =	vmul.f32 $1.442695020e+00, v9;
	(erf) = vpow2.f32 v11  }
0x265: {  	v7 =	vpop (erf)  }
0x266: {  	v9 =	vmul.f32 $1.442695020e+00, v5;
	v6 =	vadd.f32 v7, v6;
	(erf) = vpow2.f32 v8  }
0x267: {  	v7 =	vpop (erf)  }
0x268: {  	v6 =	vadd.f32 v7, v6;
	v7 =	vmul.f32 $1.442695020e+00, v4;
	(erf) = vpow2.f32 v9  }
0x269: {  	v5 =	vpop (erf)  }
0x26a: {  	v6 =	vadd.f32 v5, v6;
	(erf) = vpow2.f32 v7  }
0x26b: {  	v4 =	vpop (erf)  }
0x26c: {  	v4 =	vadd.f32 v4, v6  }
0x26d: {  	v5 =	vpop (erf)  }
0x26e: {  	v4 =	vadd.f32 v5, v4  }
0x26f: {  	v5 =	vpop (erf)  }
0x270: {  	v4 =	vadd.f32 v5, v4  }
0x271: {  	v5 =	vpop (erf)  }
0x272: {  	v4 =	vadd.f32 v5, v4  }
0x273: {  	v5 =	vpop (erf)  }
0x274: {  	v4 =	vadd.f32 v5, v4;
	_ =	sdelay $0x1  }
0x275: {  	v5 =	vand.u32 $0x7FFFFF, v4  }
0x276: {  	v5 =	vor.u32 $0x3F800000, v5  }
0x277: {  	v6 =	vmul.f32 $5.000000000e-01, v5  }
0x278: {  	vm0 =	vgt.f32 v5, $1.414213540e+00  }
0x279: {  	v5 =	vsel vm0, v6, v5  }
0x27a: {  	v6 =	vadd.f32 $1.000000000e+00, v5;
	_ =	sdelay $0x1  }
0x27b: {  	(erf) = vrcp.f32 v6;
	_ =	sdelay $0x7  }
0x27c: {  	v5 =	vadd.f32 $-1.000000000e+00, v5  }
0x27d: {  	v6 =	vpop (erf)  }
0x27e: {  	v5 =	vmul.f32 v6, v5;
	_ =	sdelay $0x1  }
0x27f: {  	v6 =	vmul.f32 v5, v5;
	v5 =	vadd.f32 v5, v5;
	_ =	sdelay $0x1  }
0x280: {  	v7 =	vmul.f32 $1.111111120e-01, v6;
	_ =	sdelay $0x1  }
0x281: {  	v7 =	vadd.f32 $1.428571490e-01, v7;
	_ =	sdelay $0x1  }
0x282: {  	v7 =	vmul.f32 v7, v6;
	_ =	sdelay $0x1  }
0x283: {  	v7 =	vadd.f32 $2.000000030e-01, v7;
	_ =	sdelay $0x1  }
0x284: {  	v7 =	vmul.f32 v7, v6;
	_ =	sdelay $0x1  }
0x285: {  	v7 =	vadd.f32 $3.333333430e-01, v7;
	_ =	sdelay $0x1  }
0x286: {  	v4 =	vshra.s32 v4, $0x17;
	v8 =	vsel vm0, $0xFFFFFF82, v1;
	v6 =	vmul.f32 v7, v6  }
.Ltmp0:
0x287: {  	v4 =	vadd.s32 v4, v8;
	(pc) =	sbr.rel @p0 .LBB2_3-.Ltmp0, $4  }
0x288: {  	v4 =	vcvt.s32.f32 v4;
	v6 =	vadd.f32 $1.000000000e+00, v6  }
0x289: {  	s26 =	sadd.s32 $0x10, s26  }
0x28a: {  	v9 =	vmov s29;
	v7 =	vmul.f32 $6.931471820e-01, v4;
	v8 =	vmul.f32 v6, v5;
	v6 =	vld [tilespmem:s26+$0x0]  }
0x28b: {  	s29 =	sadd.s32 $0x10, s29;
	v4 =	vshll.u32 v9, $0x7  }
0x28c: {  	v5 =	vor.u32 v0, v4;
	v4 =	vadd.f32 v8, v7  }
0x28d: {  	v7 =	vor.u32 $0x1, v5  }
0x28e: {  	v3 =	vsub.f32 v4, v3  }
0x28f: {  	vm0 =	vgt.s32 v6, $0x0  }
0x290: {  	s28 =	sadd.s32 $0x10, s28;
	v6 =	vor.u32 $0x2, v5;
	v3 =	vsel vm0, $0xFF800000, v3  }
0x291: {  	[tilespmem:s28+$0x0] =	vst v3  }
0x292: {  	v8 =	vor.u32 $0x3, v5;
	v7 =	vld.idx.msk [tilespmem:v7+s3+$0x0], $0xffff  }
0x293: {  	v4 =	vld.idx.msk [tilespmem:v5+s3+$0x0], $0xffff  }
0x294: {  	v9 =	vor.u32 $0x4, v5  }
0x295: {  	v6 =	vld.idx.msk [tilespmem:v6+s3+$0x0], $0xffff  }
0x296: {  	v10 =	vor.u32 $0x5, v5  }
0x297: {  	v8 =	vld.idx.msk [tilespmem:v8+s3+$0x0], $0xffff;
	v7 =	vmul.f32 $1.442695020e+00, v7  }
0x298: {  	v11 =	vor.u32 $0x6, v5;
	v12 =	vmul.f32 $1.442695020e+00, v4  }
0x299: {  	v9 =	vld.idx.msk [tilespmem:v9+s3+$0x0], $0xffff;
	(erf) = vpow2.f32 v7  }
0x29a: {  	v7 =	vor.u32 $0x7, v5;
	v6 =	vmul.f32 $1.442695020e+00, v6;
	(erf) = vpow2.f32 v12  }
0x29b: {  	v19 =	vor.u32 $0x8, v5;
	v10 =	vld.idx.msk [tilespmem:v10+s3+$0x0], $0xffff  }
0x29c: {  	v8 =	vmul.f32 $1.442695020e+00, v8;
	(erf) = vpow2.f32 v6  }
0x29d: {  	v6 =	vld.idx.msk [tilespmem:v11+s3+$0x0], $0xffff  }
0x29e: {  	v9 =	vmul.f32 $1.442695020e+00, v9;
	v11 =	vor.u32 $0x9, v5;
	(erf) = vpow2.f32 v8  }
0x29f: {  	v7 =	vld.idx.msk [tilespmem:v7+s3+$0x0], $0xffff  }
0x2a0: {  	v10 =	vmul.f32 $1.442695020e+00, v10;
	v8 =	vor.u32 $0xA, v5;
	(erf) = vpow2.f32 v9;
	v9 =	vld.idx.msk [tilespmem:v19+s3+$0x0], $0xffff;
	_ =	sdelay $0x1  }
0x2a1: {  	v20 =	vor.u32 $0xB, v5;
	v6 =	vmul.f32 $1.442695020e+00, v6;
	v13 =	vpop (erf);
	(erf) = vpow2.f32 v10  }
0x2a2: {  	v10 =	vld.idx.msk [tilespmem:v11+s3+$0x0], $0xffff;
	v11 =	vor.u32 $0xC, v5;
	v14 =	vpop (erf)  }
0x2a3: {  	v7 =	vmul.f32 $1.442695020e+00, v7;
	(erf) = vpow2.f32 v6;
	v13 =	vadd.f32 v13, v14  }
0x2a4: {  	v9 =	vmul.f32 $1.442695020e+00, v9;
	v6 =	vld.idx.msk [tilespmem:v8+s3+$0x0], $0xffff;
	v21 =	vpop (erf)  }
0x2a5: {  	v8 =	vor.u32 $0xD, v5;
	(erf) = vpow2.f32 v7;
	v13 =	vadd.f32 v21, v13  }
0x2a6: {  	v22 =	vor.u32 $0xE, v5;
	v7 =	vld.idx.msk [tilespmem:v20+s3+$0x0], $0xffff;
	v23 =	vpop (erf)  }
0x2a7: {  	(erf) = vpow2.f32 v9;
	v10 =	vmul.f32 $1.442695020e+00, v10;
	v13 =	vadd.f32 v23, v13  }
0x2a8: {  	v24 =	vpop (erf);
	v9 =	vld.idx.msk [tilespmem:v11+s3+$0x0], $0xffff;
	v11 =	vor.u32 $0xF, v5  }
0x2a9: {  	v6 =	vmul.f32 $1.442695020e+00, v6;
	(erf) = vpow2.f32 v10;
	v13 =	vadd.f32 v24, v13  }
0x2aa: {  	v8 =	vld.idx.msk [tilespmem:v8+s3+$0x0], $0xffff;
	v10 =	vor.u32 $0x10, v5;
	v25 =	vpop (erf)  }
0x2ab: {  	v7 =	vmul.f32 $1.442695020e+00, v7;
	(erf) = vpow2.f32 v6;
	v13 =	vadd.f32 v25, v13  }
0x2ac: {  	v26 =	vor.u32 $0x11, v5;
	v6 =	vld.idx.msk [tilespmem:v22+s3+$0x0], $0xffff;
	v27 =	vpop (erf)  }
0x2ad: {  	v9 =	vmul.f32 $1.442695020e+00, v9;
	(erf) = vpow2.f32 v7;
	v13 =	vadd.f32 v27, v13  }
0x2ae: {  	v7 =	vld.idx.msk [tilespmem:v11+s3+$0x0], $0xffff;
	v11 =	vor.u32 $0x12, v5;
	v28 =	vpop (erf)  }
0x2af: {  	v8 =	vmul.f32 $1.442695020e+00, v8;
	(erf) = vpow2.f32 v9;
	v13 =	vadd.f32 v28, v13  }
0x2b0: {  	v9 =	vld.idx.msk [tilespmem:v10+s3+$0x0], $0xffff;
	v10 =	vor.u32 $0x13, v5;
	v29 =	vpop (erf)  }
0x2b1: {  	(erf) = vpow2.f32 v8;
	v6 =	vmul.f32 $1.442695020e+00, v6;
	v13 =	vadd.f32 v29, v13  }
0x2b2: {  	v30 =	vor.u32 $0x14, v5;
	v8 =	vld.idx.msk [tilespmem:v26+s3+$0x0], $0xffff;
	v31 =	vpop (erf)  }
0x2b3: {  	v7 =	vmul.f32 $1.442695020e+00, v7;
	(erf) = vpow2.f32 v6;
	v13 =	vadd.f32 v31, v13  }
0x2b4: {  	v6 =	vld.idx.msk [tilespmem:v11+s3+$0x0], $0xffff;
	v11 =	vor.u32 $0x15, v5;
	v32 =	vpop (erf)  }
0x2b5: {  	v9 =	vmul.f32 $1.442695020e+00, v9;
	(erf) = vpow2.f32 v7;
	v13 =	vadd.f32 v32, v13  }
0x2b6: {  	v7 =	vld.idx.msk [tilespmem:v10+s3+$0x0], $0xffff;
	v10 =	vor.u32 $0x16, v5;
	v33 =	vpop (erf)  }
0x2b7: {  	v8 =	vmul.f32 $1.442695020e+00, v8;
	(erf) = vpow2.f32 v9;
	v13 =	vadd.f32 v33, v13  }
0x2b8: {  	v34 =	vor.u32 $0x17, v5;
	v9 =	vld.idx.msk [tilespmem:v30+s3+$0x0], $0xffff;
	v35 =	vpop (erf)  }
0x2b9: {  	v6 =	vmul.f32 $1.442695020e+00, v6;
	(erf) = vpow2.f32 v8;
	v13 =	vadd.f32 v35, v13  }
0x2ba: {  	v8 =	vld.idx.msk [tilespmem:v11+s3+$0x0], $0xffff;
	v11 =	vor.u32 $0x18, v5;
	v36 =	vpop (erf)  }
0x2bb: {  	v7 =	vmul.f32 $1.442695020e+00, v7;
	(erf) = vpow2.f32 v6;
	v13 =	vadd.f32 v36, v13  }
0x2bc: {  	v6 =	vld.idx.msk [tilespmem:v10+s3+$0x0], $0xffff;
	v10 =	vor.u32 $0x19, v5;
	v37 =	vpop (erf)  }
0x2bd: {  	v9 =	vmul.f32 $1.442695020e+00, v9;
	(erf) = vpow2.f32 v7;
	v13 =	vadd.f32 v37, v13  }
0x2be: {  	v38 =	vor.u32 $0x1A, v5;
	v7 =	vld.idx.msk [tilespmem:v34+s3+$0x0], $0xffff;
	v39 =	vpop (erf)  }
0x2bf: {  	v8 =	vmul.f32 $1.442695020e+00, v8;
	(erf) = vpow2.f32 v9;
	v13 =	vadd.f32 v39, v13  }
0x2c0: {  	v9 =	vld.idx.msk [tilespmem:v11+s3+$0x0], $0xffff;
	v11 =	vor.u32 $0x1B, v5;
	v40 =	vpop (erf)  }
0x2c1: {  	v6 =	vmul.f32 $1.442695020e+00, v6;
	(erf) = vpow2.f32 v8;
	v13 =	vadd.f32 v40, v13  }
0x2c2: {  	v8 =	vld.idx.msk [tilespmem:v10+s3+$0x0], $0xffff;
	v10 =	vor.u32 $0x1C, v5;
	v41 =	vpop (erf)  }
0x2c3: {  	v7 =	vmul.f32 $1.442695020e+00, v7;
	(erf) = vpow2.f32 v6;
	v13 =	vadd.f32 v41, v13  }
0x2c4: {  	v42 =	vor.u32 $0x1D, v5;
	v6 =	vld.idx.msk [tilespmem:v38+s3+$0x0], $0xffff;
	v43 =	vpop (erf)  }
0x2c5: {  	v9 =	vmul.f32 $1.442695020e+00, v9;
	(erf) = vpow2.f32 v7;
	v13 =	vadd.f32 v43, v13  }
0x2c6: {  	v7 =	vld.idx.msk [tilespmem:v11+s3+$0x0], $0xffff;
	v11 =	vor.u32 $0x1E, v5;
	v44 =	vpop (erf)  }
0x2c7: {  	v8 =	vmul.f32 $1.442695020e+00, v8;
	(erf) = vpow2.f32 v9;
	v13 =	vadd.f32 v44, v13  }
0x2c8: {  	v9 =	vld.idx.msk [tilespmem:v10+s3+$0x0], $0xffff;
	v10 =	vor.u32 $0x1F, v5;
	v45 =	vpop (erf)  }
0x2c9: {  	v6 =	vmul.f32 $1.442695020e+00, v6;
	(erf) = vpow2.f32 v8;
	v13 =	vadd.f32 v45, v13  }
0x2ca: {  	v46 =	vor.u32 $0x20, v5;
	v8 =	vld.idx.msk [tilespmem:v42+s3+$0x0], $0xffff;
	v47 =	vpop (erf)  }
0x2cb: {  	v7 =	vmul.f32 $1.442695020e+00, v7;
	(erf) = vpow2.f32 v6;
	v13 =	vadd.f32 v47, v13  }
0x2cc: {  	v6 =	vld.idx.msk [tilespmem:v11+s3+$0x0], $0xffff;
	v11 =	vor.u32 $0x21, v5;
	v48 =	vpop (erf)  }
0x2cd: {  	v9 =	vmul.f32 $1.442695020e+00, v9;
	(erf) = vpow2.f32 v7;
	v13 =	vadd.f32 v48, v13  }
0x2ce: {  	v7 =	vld.idx.msk [tilespmem:v10+s3+$0x0], $0xffff;
	v10 =	vor.u32 $0x22, v5;
	v49 =	vpop (erf)  }
0x2cf: {  	v8 =	vmul.f32 $1.442695020e+00, v8;
	(erf) = vpow2.f32 v9;
	v13 =	vadd.f32 v49, v13  }
0x2d0: {  	v50 =	vor.u32 $0x23, v5;
	v9 =	vld.idx.msk [tilespmem:v46+s3+$0x0], $0xffff;
	v51 =	vpop (erf)  }
0x2d1: {  	v6 =	vmul.f32 $1.442695020e+00, v6;
	(erf) = vpow2.f32 v8;
	v13 =	vadd.f32 v51, v13  }
0x2d2: {  	v8 =	vld.idx.msk [tilespmem:v11+s3+$0x0], $0xffff;
	v11 =	vor.u32 $0x24, v5;
	v52 =	vpop (erf)  }
0x2d3: {  	v7 =	vmul.f32 $1.442695020e+00, v7;
	(erf) = vpow2.f32 v6;
	v13 =	vadd.f32 v52, v13  }
0x2d4: {  	v6 =	vld.idx.msk [tilespmem:v10+s3+$0x0], $0xffff;
	v10 =	vor.u32 $0x25, v5;
	v53 =	vpop (erf)  }
0x2d5: {  	v9 =	vmul.f32 $1.442695020e+00, v9;
	(erf) = vpow2.f32 v7;
	v13 =	vadd.f32 v53, v13  }
0x2d6: {  	v54 =	vor.u32 $0x26, v5;
	v7 =	vld.idx.msk [tilespmem:v50+s3+$0x0], $0xffff;
	v55 =	vpop (erf)  }
0x2d7: {  	v8 =	vmul.f32 $1.442695020e+00, v8;
	(erf) = vpow2.f32 v9;
	v13 =	vadd.f32 v55, v13  }
0x2d8: {  	v9 =	vld.idx.msk [tilespmem:v11+s3+$0x0], $0xffff;
	v11 =	vor.u32 $0x27, v5;
	v56 =	vpop (erf)  }
0x2d9: {  	v6 =	vmul.f32 $1.442695020e+00, v6;
	(erf) = vpow2.f32 v8;
	v13 =	vadd.f32 v56, v13  }
0x2da: {  	v8 =	vld.idx.msk [tilespmem:v10+s3+$0x0], $0xffff;
	v10 =	vor.u32 $0x28, v5;
	v57 =	vpop (erf)  }
0x2db: {  	v7 =	vmul.f32 $1.442695020e+00, v7;
	(erf) = vpow2.f32 v6;
	v13 =	vadd.f32 v57, v13  }
0x2dc: {  	v58 =	vor.u32 $0x29, v5;
	v6 =	vld.idx.msk [tilespmem:v54+s3+$0x0], $0xffff;
	v59 =	vpop (erf)  }
0x2dd: {  	v9 =	vmul.f32 $1.442695020e+00, v9;
	(erf) = vpow2.f32 v7;
	v13 =	vadd.f32 v59, v13  }
0x2de: {  	v7 =	vld.idx.msk [tilespmem:v11+s3+$0x0], $0xffff;
	v11 =	vor.u32 $0x2A, v5;
	v60 =	vpop (erf)  }
0x2df: {  	v8 =	vmul.f32 $1.442695020e+00, v8;
	(erf) = vpow2.f32 v9;
	v13 =	vadd.f32 v60, v13  }
0x2e0: {  	v9 =	vld.idx.msk [tilespmem:v10+s3+$0x0], $0xffff;
	v10 =	vor.u32 $0x2B, v5;
	v61 =	vpop (erf)  }
0x2e1: {  	v6 =	vmul.f32 $1.442695020e+00, v6;
	(erf) = vpow2.f32 v8;
	v13 =	vadd.f32 v61, v13  }
0x2e2: {  	v62 =	vor.u32 $0x2C, v5;
	v8 =	vld.idx.msk [tilespmem:v58+s3+$0x0], $0xffff;
	v63 =	vpop (erf)  }
0x2e3: {  	v7 =	vmul.f32 $1.442695020e+00, v7;
	(erf) = vpow2.f32 v6;
	v13 =	vadd.f32 v63, v13  }
0x2e4: {  	v6 =	vld.idx.msk [tilespmem:v11+s3+$0x0], $0xffff;
	v11 =	vor.u32 $0x2D, v5;
	v16 =	vpop (erf)  }
0x2e5: {  	v9 =	vmul.f32 $1.442695020e+00, v9;
	(erf) = vpow2.f32 v7;
	v13 =	vadd.f32 v16, v13  }
0x2e6: {  	v7 =	vld.idx.msk [tilespmem:v10+s3+$0x0], $0xffff;
	v10 =	vor.u32 $0x2E, v5;
	v17 =	vpop (erf)  }
0x2e7: {  	v8 =	vmul.f32 $1.442695020e+00, v8;
	(erf) = vpow2.f32 v9;
	v13 =	vadd.f32 v17, v13  }
0x2e8: {  	v18 =	vor.u32 $0x2F, v5;
	v9 =	vld.idx.msk [tilespmem:v62+s3+$0x0], $0xffff;
	v19 =	vpop (erf)  }
0x2e9: {  	v6 =	vmul.f32 $1.442695020e+00, v6;
	(erf) = vpow2.f32 v8;
	v13 =	vadd.f32 v19, v13  }
0x2ea: {  	v8 =	vld.idx.msk [tilespmem:v11+s3+$0x0], $0xffff;
	v11 =	vor.u32 $0x30, v5;
	v20 =	vpop (erf)  }
0x2eb: {  	v7 =	vmul.f32 $1.442695020e+00, v7;
	(erf) = vpow2.f32 v6;
	v13 =	vadd.f32 v20, v13  }
0x2ec: {  	v6 =	vld.idx.msk [tilespmem:v10+s3+$0x0], $0xffff;
	v10 =	vor.u32 $0x31, v5;
	v21 =	vpop (erf)  }
0x2ed: {  	v9 =	vmul.f32 $1.442695020e+00, v9;
	(erf) = vpow2.f32 v7;
	v13 =	vadd.f32 v21, v13  }
0x2ee: {  	v22 =	vor.u32 $0x32, v5;
	v7 =	vld.idx.msk [tilespmem:v18+s3+$0x0], $0xffff;
	v23 =	vpop (erf)  }
0x2ef: {  	v8 =	vmul.f32 $1.442695020e+00, v8;
	(erf) = vpow2.f32 v9;
	v13 =	vadd.f32 v23, v13  }
0x2f0: {  	v9 =	vld.idx.msk [tilespmem:v11+s3+$0x0], $0xffff;
	v11 =	vor.u32 $0x33, v5;
	v24 =	vpop (erf)  }
0x2f1: {  	v6 =	vmul.f32 $1.442695020e+00, v6;
	(erf) = vpow2.f32 v8;
	v13 =	vadd.f32 v24, v13  }
0x2f2: {  	v8 =	vld.idx.msk [tilespmem:v10+s3+$0x0], $0xffff;
	v10 =	vor.u32 $0x34, v5;
	v25 =	vpop (erf)  }
0x2f3: {  	v7 =	vmul.f32 $1.442695020e+00, v7;
	(erf) = vpow2.f32 v6;
	v13 =	vadd.f32 v25, v13  }
0x2f4: {  	v26 =	vor.u32 $0x35, v5;
	v6 =	vld.idx.msk [tilespmem:v22+s3+$0x0], $0xffff;
	v27 =	vpop (erf)  }
0x2f5: {  	v9 =	vmul.f32 $1.442695020e+00, v9;
	(erf) = vpow2.f32 v7;
	v13 =	vadd.f32 v27, v13  }
0x2f6: {  	v7 =	vld.idx.msk [tilespmem:v11+s3+$0x0], $0xffff;
	v11 =	vor.u32 $0x36, v5;
	v28 =	vpop (erf)  }
0x2f7: {  	v8 =	vmul.f32 $1.442695020e+00, v8;
	(erf) = vpow2.f32 v9;
	v13 =	vadd.f32 v28, v13  }
0x2f8: {  	v9 =	vld.idx.msk [tilespmem:v10+s3+$0x0], $0xffff;
	v10 =	vor.u32 $0x37, v5;
	v29 =	vpop (erf)  }
0x2f9: {  	v6 =	vmul.f32 $1.442695020e+00, v6;
	(erf) = vpow2.f32 v8;
	v13 =	vadd.f32 v29, v13  }
0x2fa: {  	v30 =	vor.u32 $0x38, v5;
	v8 =	vld.idx.msk [tilespmem:v26+s3+$0x0], $0xffff;
	v31 =	vpop (erf)  }
0x2fb: {  	v7 =	vmul.f32 $1.442695020e+00, v7;
	(erf) = vpow2.f32 v6;
	v13 =	vadd.f32 v31, v13  }
0x2fc: {  	v6 =	vld.idx.msk [tilespmem:v11+s3+$0x0], $0xffff;
	v11 =	vor.u32 $0x39, v5;
	v32 =	vpop (erf)  }
0x2fd: {  	v9 =	vmul.f32 $1.442695020e+00, v9;
	(erf) = vpow2.f32 v7;
	v13 =	vadd.f32 v32, v13  }
0x2fe: {  	v7 =	vld.idx.msk [tilespmem:v10+s3+$0x0], $0xffff;
	v10 =	vor.u32 $0x3A, v5;
	v33 =	vpop (erf)  }
0x2ff: {  	v8 =	vmul.f32 $1.442695020e+00, v8;
	(erf) = vpow2.f32 v9;
	v13 =	vadd.f32 v33, v13  }
0x300: {  	v34 =	vor.u32 $0x3B, v5;
	v9 =	vld.idx.msk [tilespmem:v30+s3+$0x0], $0xffff;
	v35 =	vpop (erf)  }
0x301: {  	v6 =	vmul.f32 $1.442695020e+00, v6;
	(erf) = vpow2.f32 v8;
	v13 =	vadd.f32 v35, v13  }
0x302: {  	v8 =	vld.idx.msk [tilespmem:v11+s3+$0x0], $0xffff;
	v11 =	vor.u32 $0x3C, v5;
	v36 =	vpop (erf)  }
0x303: {  	v7 =	vmul.f32 $1.442695020e+00, v7;
	(erf) = vpow2.f32 v6;
	v13 =	vadd.f32 v36, v13  }
0x304: {  	v6 =	vld.idx.msk [tilespmem:v10+s3+$0x0], $0xffff;
	v10 =	vor.u32 $0x3D, v5;
	v37 =	vpop (erf)  }
0x305: {  	v9 =	vmul.f32 $1.442695020e+00, v9;
	(erf) = vpow2.f32 v7;
	v13 =	vadd.f32 v37, v13  }
0x306: {  	v38 =	vor.u32 $0x3E, v5;
	v7 =	vld.idx.msk [tilespmem:v34+s3+$0x0], $0xffff;
	v39 =	vpop (erf)  }
0x307: {  	v8 =	vmul.f32 $1.442695020e+00, v8;
	(erf) = vpow2.f32 v9;
	v13 =	vadd.f32 v39, v13  }
0x308: {  	v9 =	vld.idx.msk [tilespmem:v11+s3+$0x0], $0xffff;
	v11 =	vor.u32 $0x3F, v5;
	v40 =	vpop (erf)  }
0x309: {  	v6 =	vmul.f32 $1.442695020e+00, v6;
	(erf) = vpow2.f32 v8;
	v13 =	vadd.f32 v40, v13  }
0x30a: {  	v8 =	vld.idx.msk [tilespmem:v10+s3+$0x0], $0xffff;
	v10 =	vor.u32 $0x40, v5;
	v41 =	vpop (erf)  }
0x30b: {  	v7 =	vmul.f32 $1.442695020e+00, v7;
	(erf) = vpow2.f32 v6;
	v13 =	vadd.f32 v41, v13  }
0x30c: {  	v42 =	vor.u32 $0x41, v5;
	v6 =	vld.idx.msk [tilespmem:v38+s3+$0x0], $0xffff;
	v43 =	vpop (erf)  }
0x30d: {  	v9 =	vmul.f32 $1.442695020e+00, v9;
	(erf) = vpow2.f32 v7;
	v13 =	vadd.f32 v43, v13  }
0x30e: {  	v7 =	vld.idx.msk [tilespmem:v11+s3+$0x0], $0xffff;
	v11 =	vor.u32 $0x42, v5;
	v44 =	vpop (erf)  }
0x30f: {  	v8 =	vmul.f32 $1.442695020e+00, v8;
	(erf) = vpow2.f32 v9;
	v13 =	vadd.f32 v44, v13  }
0x310: {  	v9 =	vld.idx.msk [tilespmem:v10+s3+$0x0], $0xffff;
	v10 =	vor.u32 $0x43, v5;
	v45 =	vpop (erf)  }
0x311: {  	v6 =	vmul.f32 $1.442695020e+00, v6;
	(erf) = vpow2.f32 v8;
	v13 =	vadd.f32 v45, v13  }
0x312: {  	v46 =	vor.u32 $0x44, v5;
	v8 =	vld.idx.msk [tilespmem:v42+s3+$0x0], $0xffff;
	v47 =	vpop (erf)  }
0x313: {  	v7 =	vmul.f32 $1.442695020e+00, v7;
	(erf) = vpow2.f32 v6;
	v13 =	vadd.f32 v47, v13  }
0x314: {  	v6 =	vld.idx.msk [tilespmem:v11+s3+$0x0], $0xffff;
	v11 =	vor.u32 $0x45, v5;
	v48 =	vpop (erf)  }
0x315: {  	v9 =	vmul.f32 $1.442695020e+00, v9;
	(erf) = vpow2.f32 v7;
	v13 =	vadd.f32 v48, v13  }
0x316: {  	v7 =	vld.idx.msk [tilespmem:v10+s3+$0x0], $0xffff;
	v10 =	vor.u32 $0x46, v5;
	v49 =	vpop (erf)  }
0x317: {  	v8 =	vmul.f32 $1.442695020e+00, v8;
	(erf) = vpow2.f32 v9;
	v13 =	vadd.f32 v49, v13  }
0x318: {  	v50 =	vor.u32 $0x47, v5;
	v9 =	vld.idx.msk [tilespmem:v46+s3+$0x0], $0xffff;
	v51 =	vpop (erf)  }
0x319: {  	v6 =	vmul.f32 $1.442695020e+00, v6;
	(erf) = vpow2.f32 v8;
	v13 =	vadd.f32 v51, v13  }
0x31a: {  	v8 =	vld.idx.msk [tilespmem:v11+s3+$0x0], $0xffff;
	v11 =	vor.u32 $0x48, v5;
	v52 =	vpop (erf)  }
0x31b: {  	v7 =	vmul.f32 $1.442695020e+00, v7;
	(erf) = vpow2.f32 v6;
	v13 =	vadd.f32 v52, v13  }
0x31c: {  	v6 =	vld.idx.msk [tilespmem:v10+s3+$0x0], $0xffff;
	v10 =	vor.u32 $0x49, v5;
	v53 =	vpop (erf)  }
0x31d: {  	v9 =	vmul.f32 $1.442695020e+00, v9;
	(erf) = vpow2.f32 v7;
	v13 =	vadd.f32 v53, v13  }
0x31e: {  	v54 =	vor.u32 $0x4A, v5;
	v7 =	vld.idx.msk [tilespmem:v50+s3+$0x0], $0xffff;
	v55 =	vpop (erf)  }
0x31f: {  	v8 =	vmul.f32 $1.442695020e+00, v8;
	(erf) = vpow2.f32 v9;
	v13 =	vadd.f32 v55, v13  }
0x320: {  	v9 =	vld.idx.msk [tilespmem:v11+s3+$0x0], $0xffff;
	v11 =	vor.u32 $0x4B, v5;
	v56 =	vpop (erf)  }
0x321: {  	v6 =	vmul.f32 $1.442695020e+00, v6;
	(erf) = vpow2.f32 v8;
	v13 =	vadd.f32 v56, v13  }
0x322: {  	v8 =	vld.idx.msk [tilespmem:v10+s3+$0x0], $0xffff;
	v10 =	vor.u32 $0x4C, v5;
	v57 =	vpop (erf)  }
0x323: {  	v7 =	vmul.f32 $1.442695020e+00, v7;
	(erf) = vpow2.f32 v6;
	v13 =	vadd.f32 v57, v13  }
0x324: {  	v58 =	vor.u32 $0x4D, v5;
	v6 =	vld.idx.msk [tilespmem:v54+s3+$0x0], $0xffff;
	v59 =	vpop (erf)  }
0x325: {  	v9 =	vmul.f32 $1.442695020e+00, v9;
	(erf) = vpow2.f32 v7;
	v13 =	vadd.f32 v59, v13  }
0x326: {  	v7 =	vld.idx.msk [tilespmem:v11+s3+$0x0], $0xffff;
	v11 =	vor.u32 $0x4E, v5;
	v60 =	vpop (erf)  }
0x327: {  	v8 =	vmul.f32 $1.442695020e+00, v8;
	(erf) = vpow2.f32 v9;
	v9 =	vld.idx.msk [tilespmem:v10+s3+$0x0], $0xffff;
	v13 =	vadd.f32 v60, v13  }
0x328: {  	v10 =	vor.u32 $0x4F, v5;
	v61 =	vpop (erf)  }
0x329: {  	v6 =	vmul.f32 $1.442695020e+00, v6;
	(erf) = vpow2.f32 v8;
	v8 =	vld.idx.msk [tilespmem:v58+s3+$0x0], $0xffff;
	v13 =	vadd.f32 v61, v13  }
0x32a: {  	v5 =	vor.u32 $0x50, v5;
	v62 =	vpop (erf)  }
0x32b: {  	v7 =	vmul.f32 $1.442695020e+00, v7;
	(erf) = vpow2.f32 v6;
	v6 =	vld.idx.msk [tilespmem:v11+s3+$0x0], $0xffff;
	v12 =	vadd.f32 v62, v13  }
0x32c: {  	v9 =	vmul.f32 $1.442695020e+00, v9;
	v11 =	vpop (erf)  }
0x32d: {  	(erf) = vpow2.f32 v7;
	v7 =	vld.idx.msk [tilespmem:v10+s3+$0x0], $0xffff;
	v11 =	vadd.f32 v11, v12  }
0x32e: {  	v10 =	vpop (erf);
	v8 =	vmul.f32 $1.442695020e+00, v8  }
0x32f: {  	v10 =	vadd.f32 v10, v11  }
0x330: {  	v5 =	vld.idx.msk [tilespmem:v5+s3+$0x0], $0xffff;
	(erf) = vpow2.f32 v9;
	v9 =	vpop (erf);
	v6 =	vmul.f32 $1.442695020e+00, v6  }
0x331: {  	v9 =	vadd.f32 v9, v10  }
0x332: {  	(erf) = vpow2.f32 v8;
	v8 =	vpop (erf);
	v7 =	vmul.f32 $1.442695020e+00, v7  }
0x333: {  	v8 =	vadd.f32 v8, v9  }
0x334: {  	(erf) = vpow2.f32 v6;
	v6 =	vpop (erf)  }
0x335: {  	v5 =	vmul.f32 $1.442695020e+00, v5;
	v6 =	vadd.f32 v6, v8  }
0x336: {  	(erf) = vpow2.f32 v7;
	v7 =	vpop (erf)  }
0x337: {  	v6 =	vadd.f32 v7, v6  }
0x338: {  	(erf) = vpow2.f32 v5  }
0x339: {  	v5 =	vpop (erf)  }
0x33a: {  	v5 =	vadd.f32 v5, v6  }
0x33b: {  	v6 =	vpop (erf)  }
0x33c: {  	v5 =	vadd.f32 v6, v5  }
0x33d: {  	v6 =	vpop (erf)  }
0x33e: {  	v5 =	vadd.f32 v6, v5  }
0x33f: {  	v6 =	vpop (erf)  }
0x340: {  	v5 =	vadd.f32 v6, v5  }
0x341: {  	v6 =	vpop (erf)  }
0x342: {  	v5 =	vadd.f32 v6, v5;
	_ =	sdelay $0x1  }
0x343: {  	v6 =	vand.u32 $0x7FFFFF, v5  }
0x344: {  	v6 =	vor.u32 $0x3F800000, v6  }
0x345: {  	v7 =	vmul.f32 $5.000000000e-01, v6  }
0x346: {  	vm11 =	vgt.f32 v6, $1.414213540e+00  }
0x347: {  	v6 =	vsel vm11, v7, v6  }
0x348: {  	v7 =	vadd.f32 $1.000000000e+00, v6;
	_ =	sdelay $0x1  }
0x349: {  	(erf) = vrcp.f32 v7;
	_ =	sdelay $0x7  }
0x34a: {  	v6 =	vadd.f32 $-1.000000000e+00, v6  }
0x34b: {  	v7 =	vpop (erf)  }
0x34c: {  	v6 =	vmul.f32 v7, v6;
	_ =	sdelay $0x1  }
0x34d: {  	v7 =	vmul.f32 v6, v6;
	_ =	sdelay $0x1  }
0x34e: {  	v8 =	vmul.f32 $1.111111120e-01, v7;
	_ =	sdelay $0x1  }
0x34f: {  	v8 =	vadd.f32 $1.428571490e-01, v8;
	_ =	sdelay $0x1  }
0x350: {  	v8 =	vmul.f32 v8, v7;
	_ =	sdelay $0x1  }
0x351: {  	v8 =	vadd.f32 $2.000000030e-01, v8;
	_ =	sdelay $0x1  }
0x352: {  	v8 =	vmul.f32 v8, v7;
	_ =	sdelay $0x1  }
0x353: {  	v8 =	vadd.f32 $3.333333430e-01, v8;
	_ =	sdelay $0x1  }
0x354: {  	v5 =	vshra.s32 v5, $0x17;
	v9 =	vsel vm11, $0xFFFFFF82, v1;
	v7 =	vmul.f32 v8, v7  }
0x355: {  	v5 =	vadd.s32 v5, v9  }
0x356: {  	v5 =	vcvt.s32.f32 v5;
	v6 =	vadd.f32 v6, v6;
	v7 =	vadd.f32 $1.000000000e+00, v7  }
0x357: {  	s26 =	sadd.s32 $0x10, s26  }
0x358: {  	v5 =	vmul.f32 $6.931471820e-01, v5;
	v6 =	vmul.f32 v7, v6;
	v7 =	vld [tilespmem:s26+$0x0];
	_ =	sdelay $0x1  }
0x359: {  	v5 =	vadd.f32 v6, v5  }
0x35a: {  	p0 =	seq.s32 s25, $0x7;
	s30 =	simm.s32 $0x0  }
0x35b: {  	s29 =	sshll.u32 @!p0 s25, $0x10;
	v4 =	vsub.f32 v5, v4;
	v5 =	vmov s30  }
0x35c: {  	s26 =	sadd.s32 @!p0 s29, s8;
	vm12 =	vgt.s32 v7, $0x0;
	v6 =	vshll.u32 v5, $0x7  }
0x35d: {  	s28 =	sadd.s32 $0x10, s28;
	s26 =	sshrl.u32 @!p0 s26, $0x3;
	v5 =	vsel vm12, $0xFF800000, v4;
	v6 =	vor.u32 v0, v6  }
0x35e: {  	s26 =	sadd.s32 @!p0 s1, s26;
	[tilespmem:s28+$0x0] =	vst v5;
	s28 =	simm.s32 @!p0 $0x0;
	v4 =	vor.u32 $0x1, v6  }
0x35f: {  	[tilespmem:s28], [sflag:$0x1] =	stream.linear.gather @!p0 [hbm4b:s26+s28], $0x8000, $0x38;
	[tilespmem:$0x12080] =	vst v63  }
0x360: {  	_ =	swait.ge [sflag:s17], $0x8000  }
0x361: {  	v7 =	vor.u32 $0x2, v6;
	[sflag:s17] =	ssyncset.done $0x0  }
0x362: {  	[sflag:s17] =	ssyncadd.s32 $0xFFFF8000  }
0x363: {  	v9 =	vor.u32 $0x3, v6;
	v8 =	vld.idx.msk [tilespmem:v4+s15+$0x0], $0xffff  }
0x364: {  	v4 =	vld.idx.msk [tilespmem:v6+s15+$0x0], $0xffff  }
0x365: {  	v10 =	vor.u32 $0x4, v6  }
0x366: {  	v7 =	vld.idx.msk [tilespmem:v7+s15+$0x0], $0xffff  }
0x367: {  	v11 =	vor.u32 $0x5, v6  }
0x368: {  	v9 =	vld.idx.msk [tilespmem:v9+s15+$0x0], $0xffff;
	v8 =	vmul.f32 $1.442695020e+00, v8  }
0x369: {  	v63 =	vor.u32 $0x6, v6;
	v16 =	vmul.f32 $1.442695020e+00, v4  }
0x36a: {  	v10 =	vld.idx.msk [tilespmem:v10+s15+$0x0], $0xffff;
	(erf) = vpow2.f32 v8  }
0x36b: {  	v7 =	vmul.f32 $1.442695020e+00, v7;
	v8 =	vor.u32 $0x7, v6;
	(erf) = vpow2.f32 v16  }
0x36c: {  	v17 =	vor.u32 $0x8, v6;
	v11 =	vld.idx.msk [tilespmem:v11+s15+$0x0], $0xffff  }
0x36d: {  	v9 =	vmul.f32 $1.442695020e+00, v9;
	(erf) = vpow2.f32 v7  }
0x36e: {  	v7 =	vld.idx.msk [tilespmem:v63+s15+$0x0], $0xffff  }
0x36f: {  	v18 =	vor.u32 $0x9, v6;
	v10 =	vmul.f32 $1.442695020e+00, v10;
	(erf) = vpow2.f32 v9  }
0x370: {  	v8 =	vld.idx.msk [tilespmem:v8+s15+$0x0], $0xffff  }
0x371: {  	v11 =	vmul.f32 $1.442695020e+00, v11;
	v9 =	vor.u32 $0xA, v6;
	(erf) = vpow2.f32 v10;
	v10 =	vld.idx.msk [tilespmem:v17+s15+$0x0], $0xffff;
	_ =	sdelay $0x1  }
0x372: {  	v19 =	vor.u32 $0xB, v6;
	v7 =	vmul.f32 $1.442695020e+00, v7;
	v20 =	vpop (erf);
	(erf) = vpow2.f32 v11  }
0x373: {  	v21 =	vor.u32 $0xC, v6;
	v11 =	vld.idx.msk [tilespmem:v18+s15+$0x0], $0xffff;
	v15 =	vpop (erf)  }
0x374: {  	v8 =	vmul.f32 $1.442695020e+00, v8;
	(erf) = vpow2.f32 v7;
	v14 =	vadd.f32 v20, v15  }
0x375: {  	v10 =	vmul.f32 $1.442695020e+00, v10;
	v7 =	vld.idx.msk [tilespmem:v9+s15+$0x0], $0xffff;
	v22 =	vpop (erf)  }
0x376: {  	v9 =	vor.u32 $0xD, v6;
	(erf) = vpow2.f32 v8;
	v14 =	vadd.f32 v22, v14  }
0x377: {  	v23 =	vor.u32 $0xE, v6;
	v8 =	vld.idx.msk [tilespmem:v19+s15+$0x0], $0xffff;
	v24 =	vpop (erf)  }
0x378: {  	(erf) = vpow2.f32 v10;
	v11 =	vmul.f32 $1.442695020e+00, v11;
	v14 =	vadd.f32 v24, v14  }
0x379: {  	v25 =	vor.u32 $0xF, v6;
	v10 =	vld.idx.msk [tilespmem:v21+s15+$0x0], $0xffff;
	v26 =	vpop (erf)  }
0x37a: {  	v7 =	vmul.f32 $1.442695020e+00, v7;
	(erf) = vpow2.f32 v11;
	v14 =	vadd.f32 v26, v14  }
0x37b: {  	v9 =	vld.idx.msk [tilespmem:v9+s15+$0x0], $0xffff;
	v11 =	vor.u32 $0x10, v6;
	v27 =	vpop (erf)  }
0x37c: {  	v8 =	vmul.f32 $1.442695020e+00, v8;
	(erf) = vpow2.f32 v7;
	v14 =	vadd.f32 v27, v14  }
0x37d: {  	v28 =	vor.u32 $0x11, v6;
	v7 =	vld.idx.msk [tilespmem:v23+s15+$0x0], $0xffff;
	v29 =	vpop (erf)  }
0x37e: {  	v10 =	vmul.f32 $1.442695020e+00, v10;
	(erf) = vpow2.f32 v8;
	v14 =	vadd.f32 v29, v14  }
0x37f: {  	v30 =	vor.u32 $0x12, v6;
	v8 =	vld.idx.msk [tilespmem:v25+s15+$0x0], $0xffff;
	v31 =	vpop (erf)  }
0x380: {  	v9 =	vmul.f32 $1.442695020e+00, v9;
	(erf) = vpow2.f32 v10;
	v14 =	vadd.f32 v31, v14  }
0x381: {  	v10 =	vld.idx.msk [tilespmem:v11+s15+$0x0], $0xffff;
	v11 =	vor.u32 $0x13, v6;
	v32 =	vpop (erf)  }
0x382: {  	(erf) = vpow2.f32 v9;
	v7 =	vmul.f32 $1.442695020e+00, v7;
	v14 =	vadd.f32 v32, v14  }
0x383: {  	v33 =	vor.u32 $0x14, v6;
	v9 =	vld.idx.msk [tilespmem:v28+s15+$0x0], $0xffff;
	v34 =	vpop (erf)  }
0x384: {  	v8 =	vmul.f32 $1.442695020e+00, v8;
	(erf) = vpow2.f32 v7;
	v14 =	vadd.f32 v34, v14  }
0x385: {  	v35 =	vor.u32 $0x15, v6;
	v7 =	vld.idx.msk [tilespmem:v30+s15+$0x0], $0xffff;
	v36 =	vpop (erf)  }
0x386: {  	v10 =	vmul.f32 $1.442695020e+00, v10;
	(erf) = vpow2.f32 v8;
	v14 =	vadd.f32 v36, v14  }
0x387: {  	v8 =	vld.idx.msk [tilespmem:v11+s15+$0x0], $0xffff;
	v11 =	vor.u32 $0x16, v6;
	v37 =	vpop (erf)  }
0x388: {  	v9 =	vmul.f32 $1.442695020e+00, v9;
	(erf) = vpow2.f32 v10;
	v14 =	vadd.f32 v37, v14  }
0x389: {  	v38 =	vor.u32 $0x17, v6;
	v10 =	vld.idx.msk [tilespmem:v33+s15+$0x0], $0xffff;
	v39 =	vpop (erf)  }
0x38a: {  	v7 =	vmul.f32 $1.442695020e+00, v7;
	(erf) = vpow2.f32 v9;
	v14 =	vadd.f32 v39, v14  }
0x38b: {  	v40 =	vor.u32 $0x18, v6;
	v9 =	vld.idx.msk [tilespmem:v35+s15+$0x0], $0xffff;
	v41 =	vpop (erf)  }
0x38c: {  	v8 =	vmul.f32 $1.442695020e+00, v8;
	(erf) = vpow2.f32 v7;
	v14 =	vadd.f32 v41, v14  }
0x38d: {  	v7 =	vld.idx.msk [tilespmem:v11+s15+$0x0], $0xffff;
	v11 =	vor.u32 $0x19, v6;
	v42 =	vpop (erf)  }
0x38e: {  	v10 =	vmul.f32 $1.442695020e+00, v10;
	(erf) = vpow2.f32 v8;
	v14 =	vadd.f32 v42, v14  }
0x38f: {  	v43 =	vor.u32 $0x1A, v6;
	v8 =	vld.idx.msk [tilespmem:v38+s15+$0x0], $0xffff;
	v44 =	vpop (erf)  }
0x390: {  	v9 =	vmul.f32 $1.442695020e+00, v9;
	(erf) = vpow2.f32 v10;
	v14 =	vadd.f32 v44, v14  }
0x391: {  	v45 =	vor.u32 $0x1B, v6;
	v10 =	vld.idx.msk [tilespmem:v40+s15+$0x0], $0xffff;
	v46 =	vpop (erf)  }
0x392: {  	v7 =	vmul.f32 $1.442695020e+00, v7;
	(erf) = vpow2.f32 v9;
	v14 =	vadd.f32 v46, v14  }
0x393: {  	v9 =	vld.idx.msk [tilespmem:v11+s15+$0x0], $0xffff;
	v11 =	vor.u32 $0x1C, v6;
	v47 =	vpop (erf)  }
0x394: {  	v8 =	vmul.f32 $1.442695020e+00, v8;
	(erf) = vpow2.f32 v7;
	v14 =	vadd.f32 v47, v14  }
0x395: {  	v48 =	vor.u32 $0x1D, v6;
	v7 =	vld.idx.msk [tilespmem:v43+s15+$0x0], $0xffff;
	v49 =	vpop (erf)  }
0x396: {  	v10 =	vmul.f32 $1.442695020e+00, v10;
	(erf) = vpow2.f32 v8;
	v14 =	vadd.f32 v49, v14  }
0x397: {  	v50 =	vor.u32 $0x1E, v6;
	v8 =	vld.idx.msk [tilespmem:v45+s15+$0x0], $0xffff;
	v51 =	vpop (erf)  }
0x398: {  	v9 =	vmul.f32 $1.442695020e+00, v9;
	(erf) = vpow2.f32 v10;
	v14 =	vadd.f32 v51, v14  }
0x399: {  	v10 =	vld.idx.msk [tilespmem:v11+s15+$0x0], $0xffff;
	v11 =	vor.u32 $0x1F, v6;
	v52 =	vpop (erf)  }
0x39a: {  	v7 =	vmul.f32 $1.442695020e+00, v7;
	(erf) = vpow2.f32 v9;
	v14 =	vadd.f32 v52, v14  }
0x39b: {  	v53 =	vor.u32 $0x20, v6;
	v9 =	vld.idx.msk [tilespmem:v48+s15+$0x0], $0xffff;
	v54 =	vpop (erf)  }
0x39c: {  	v8 =	vmul.f32 $1.442695020e+00, v8;
	(erf) = vpow2.f32 v7;
	v14 =	vadd.f32 v54, v14  }
0x39d: {  	v55 =	vor.u32 $0x21, v6;
	v7 =	vld.idx.msk [tilespmem:v50+s15+$0x0], $0xffff;
	v56 =	vpop (erf)  }
0x39e: {  	v10 =	vmul.f32 $1.442695020e+00, v10;
	(erf) = vpow2.f32 v8;
	v14 =	vadd.f32 v56, v14  }
0x39f: {  	v8 =	vld.idx.msk [tilespmem:v11+s15+$0x0], $0xffff;
	v11 =	vor.u32 $0x22, v6;
	v57 =	vpop (erf)  }
0x3a0: {  	v9 =	vmul.f32 $1.442695020e+00, v9;
	(erf) = vpow2.f32 v10;
	v14 =	vadd.f32 v57, v14  }
0x3a1: {  	v58 =	vor.u32 $0x23, v6;
	v10 =	vld.idx.msk [tilespmem:v53+s15+$0x0], $0xffff;
	v59 =	vpop (erf)  }
0x3a2: {  	v7 =	vmul.f32 $1.442695020e+00, v7;
	(erf) = vpow2.f32 v9;
	v14 =	vadd.f32 v59, v14  }
0x3a3: {  	v60 =	vor.u32 $0x24, v6;
	v9 =	vld.idx.msk [tilespmem:v55+s15+$0x0], $0xffff;
	v61 =	vpop (erf)  }
0x3a4: {  	v8 =	vmul.f32 $1.442695020e+00, v8;
	(erf) = vpow2.f32 v7;
	v14 =	vadd.f32 v61, v14  }
0x3a5: {  	v7 =	vld.idx.msk [tilespmem:v11+s15+$0x0], $0xffff;
	v11 =	vor.u32 $0x25, v6;
	v62 =	vpop (erf)  }
0x3a6: {  	v10 =	vmul.f32 $1.442695020e+00, v10;
	(erf) = vpow2.f32 v8;
	v14 =	vadd.f32 v62, v14  }
0x3a7: {  	v63 =	vor.u32 $0x26, v6;
	v8 =	vld.idx.msk [tilespmem:v58+s15+$0x0], $0xffff;
	v18 =	vpop (erf)  }
0x3a8: {  	v9 =	vmul.f32 $1.442695020e+00, v9;
	(erf) = vpow2.f32 v10;
	v14 =	vadd.f32 v18, v14  }
0x3a9: {  	v19 =	vor.u32 $0x27, v6;
	v10 =	vld.idx.msk [tilespmem:v60+s15+$0x0], $0xffff;
	v20 =	vpop (erf)  }
0x3aa: {  	v7 =	vmul.f32 $1.442695020e+00, v7;
	(erf) = vpow2.f32 v9;
	v14 =	vadd.f32 v20, v14  }
0x3ab: {  	v9 =	vld.idx.msk [tilespmem:v11+s15+$0x0], $0xffff;
	v11 =	vor.u32 $0x28, v6;
	v21 =	vpop (erf)  }
0x3ac: {  	v8 =	vmul.f32 $1.442695020e+00, v8;
	(erf) = vpow2.f32 v7;
	v14 =	vadd.f32 v21, v14  }
0x3ad: {  	v22 =	vor.u32 $0x29, v6;
	v7 =	vld.idx.msk [tilespmem:v63+s15+$0x0], $0xffff;
	v23 =	vpop (erf)  }
0x3ae: {  	v10 =	vmul.f32 $1.442695020e+00, v10;
	(erf) = vpow2.f32 v8;
	v14 =	vadd.f32 v23, v14  }
0x3af: {  	v24 =	vor.u32 $0x2A, v6;
	v8 =	vld.idx.msk [tilespmem:v19+s15+$0x0], $0xffff;
	v25 =	vpop (erf)  }
0x3b0: {  	v9 =	vmul.f32 $1.442695020e+00, v9;
	(erf) = vpow2.f32 v10;
	v14 =	vadd.f32 v25, v14  }
0x3b1: {  	v10 =	vld.idx.msk [tilespmem:v11+s15+$0x0], $0xffff;
	v11 =	vor.u32 $0x2B, v6;
	v26 =	vpop (erf)  }
0x3b2: {  	v7 =	vmul.f32 $1.442695020e+00, v7;
	(erf) = vpow2.f32 v9;
	v14 =	vadd.f32 v26, v14  }
0x3b3: {  	v27 =	vor.u32 $0x2C, v6;
	v9 =	vld.idx.msk [tilespmem:v22+s15+$0x0], $0xffff;
	v28 =	vpop (erf)  }
0x3b4: {  	v8 =	vmul.f32 $1.442695020e+00, v8;
	(erf) = vpow2.f32 v7;
	v14 =	vadd.f32 v28, v14  }
0x3b5: {  	v29 =	vor.u32 $0x2D, v6;
	v7 =	vld.idx.msk [tilespmem:v24+s15+$0x0], $0xffff;
	v30 =	vpop (erf)  }
0x3b6: {  	v10 =	vmul.f32 $1.442695020e+00, v10;
	(erf) = vpow2.f32 v8;
	v14 =	vadd.f32 v30, v14  }
0x3b7: {  	v8 =	vld.idx.msk [tilespmem:v11+s15+$0x0], $0xffff;
	v11 =	vor.u32 $0x2E, v6;
	v31 =	vpop (erf)  }
0x3b8: {  	v9 =	vmul.f32 $1.442695020e+00, v9;
	(erf) = vpow2.f32 v10;
	v14 =	vadd.f32 v31, v14  }
0x3b9: {  	v32 =	vor.u32 $0x2F, v6;
	v10 =	vld.idx.msk [tilespmem:v27+s15+$0x0], $0xffff;
	v33 =	vpop (erf)  }
0x3ba: {  	v7 =	vmul.f32 $1.442695020e+00, v7;
	(erf) = vpow2.f32 v9;
	v14 =	vadd.f32 v33, v14  }
0x3bb: {  	v34 =	vor.u32 $0x30, v6;
	v9 =	vld.idx.msk [tilespmem:v29+s15+$0x0], $0xffff;
	v35 =	vpop (erf)  }
0x3bc: {  	v8 =	vmul.f32 $1.442695020e+00, v8;
	(erf) = vpow2.f32 v7;
	v14 =	vadd.f32 v35, v14  }
0x3bd: {  	v7 =	vld.idx.msk [tilespmem:v11+s15+$0x0], $0xffff;
	v11 =	vor.u32 $0x31, v6;
	v36 =	vpop (erf)  }
0x3be: {  	v10 =	vmul.f32 $1.442695020e+00, v10;
	(erf) = vpow2.f32 v8;
	v14 =	vadd.f32 v36, v14  }
0x3bf: {  	v37 =	vor.u32 $0x32, v6;
	v8 =	vld.idx.msk [tilespmem:v32+s15+$0x0], $0xffff;
	v38 =	vpop (erf)  }
0x3c0: {  	v9 =	vmul.f32 $1.442695020e+00, v9;
	(erf) = vpow2.f32 v10;
	v14 =	vadd.f32 v38, v14  }
0x3c1: {  	v39 =	vor.u32 $0x33, v6;
	v10 =	vld.idx.msk [tilespmem:v34+s15+$0x0], $0xffff;
	v40 =	vpop (erf)  }
0x3c2: {  	v7 =	vmul.f32 $1.442695020e+00, v7;
	(erf) = vpow2.f32 v9;
	v14 =	vadd.f32 v40, v14  }
0x3c3: {  	v9 =	vld.idx.msk [tilespmem:v11+s15+$0x0], $0xffff;
	v11 =	vor.u32 $0x34, v6;
	v41 =	vpop (erf)  }
0x3c4: {  	v8 =	vmul.f32 $1.442695020e+00, v8;
	(erf) = vpow2.f32 v7;
	v14 =	vadd.f32 v41, v14  }
0x3c5: {  	v42 =	vor.u32 $0x35, v6;
	v7 =	vld.idx.msk [tilespmem:v37+s15+$0x0], $0xffff;
	v43 =	vpop (erf)  }
0x3c6: {  	v10 =	vmul.f32 $1.442695020e+00, v10;
	(erf) = vpow2.f32 v8;
	v14 =	vadd.f32 v43, v14  }
0x3c7: {  	v44 =	vor.u32 $0x36, v6;
	v8 =	vld.idx.msk [tilespmem:v39+s15+$0x0], $0xffff;
	v45 =	vpop (erf)  }
0x3c8: {  	v9 =	vmul.f32 $1.442695020e+00, v9;
	(erf) = vpow2.f32 v10;
	v14 =	vadd.f32 v45, v14  }
0x3c9: {  	v10 =	vld.idx.msk [tilespmem:v11+s15+$0x0], $0xffff;
	v11 =	vor.u32 $0x37, v6;
	v46 =	vpop (erf)  }
0x3ca: {  	v7 =	vmul.f32 $1.442695020e+00, v7;
	(erf) = vpow2.f32 v9;
	v14 =	vadd.f32 v46, v14  }
0x3cb: {  	v47 =	vor.u32 $0x38, v6;
	v9 =	vld.idx.msk [tilespmem:v42+s15+$0x0], $0xffff;
	v48 =	vpop (erf)  }
0x3cc: {  	v8 =	vmul.f32 $1.442695020e+00, v8;
	(erf) = vpow2.f32 v7;
	v14 =	vadd.f32 v48, v14  }
0x3cd: {  	v49 =	vor.u32 $0x39, v6;
	v7 =	vld.idx.msk [tilespmem:v44+s15+$0x0], $0xffff;
	v50 =	vpop (erf)  }
0x3ce: {  	v10 =	vmul.f32 $1.442695020e+00, v10;
	(erf) = vpow2.f32 v8;
	v14 =	vadd.f32 v50, v14  }
0x3cf: {  	v8 =	vld.idx.msk [tilespmem:v11+s15+$0x0], $0xffff;
	v11 =	vor.u32 $0x3A, v6;
	v51 =	vpop (erf)  }
0x3d0: {  	v9 =	vmul.f32 $1.442695020e+00, v9;
	(erf) = vpow2.f32 v10;
	v14 =	vadd.f32 v51, v14  }
0x3d1: {  	v52 =	vor.u32 $0x3B, v6;
	v10 =	vld.idx.msk [tilespmem:v47+s15+$0x0], $0xffff;
	v53 =	vpop (erf)  }
0x3d2: {  	v7 =	vmul.f32 $1.442695020e+00, v7;
	(erf) = vpow2.f32 v9;
	v14 =	vadd.f32 v53, v14  }
0x3d3: {  	v54 =	vor.u32 $0x3C, v6;
	v9 =	vld.idx.msk [tilespmem:v49+s15+$0x0], $0xffff;
	v55 =	vpop (erf)  }
0x3d4: {  	v8 =	vmul.f32 $1.442695020e+00, v8;
	(erf) = vpow2.f32 v7;
	v14 =	vadd.f32 v55, v14  }
0x3d5: {  	v7 =	vld.idx.msk [tilespmem:v11+s15+$0x0], $0xffff;
	v11 =	vor.u32 $0x3D, v6;
	v56 =	vpop (erf)  }
0x3d6: {  	v10 =	vmul.f32 $1.442695020e+00, v10;
	(erf) = vpow2.f32 v8;
	v14 =	vadd.f32 v56, v14  }
0x3d7: {  	v57 =	vor.u32 $0x3E, v6;
	v8 =	vld.idx.msk [tilespmem:v52+s15+$0x0], $0xffff;
	v58 =	vpop (erf)  }
0x3d8: {  	v9 =	vmul.f32 $1.442695020e+00, v9;
	(erf) = vpow2.f32 v10;
	v14 =	vadd.f32 v58, v14  }
0x3d9: {  	v59 =	vor.u32 $0x3F, v6;
	v10 =	vld.idx.msk [tilespmem:v54+s15+$0x0], $0xffff;
	v60 =	vpop (erf)  }
0x3da: {  	v7 =	vmul.f32 $1.442695020e+00, v7;
	(erf) = vpow2.f32 v9;
	v14 =	vadd.f32 v60, v14  }
0x3db: {  	v9 =	vld.idx.msk [tilespmem:v11+s15+$0x0], $0xffff;
	v11 =	vor.u32 $0x40, v6;
	v61 =	vpop (erf)  }
0x3dc: {  	v8 =	vmul.f32 $1.442695020e+00, v8;
	(erf) = vpow2.f32 v7;
	v14 =	vadd.f32 v61, v14  }
0x3dd: {  	v62 =	vor.u32 $0x41, v6;
	v7 =	vld.idx.msk [tilespmem:v57+s15+$0x0], $0xffff;
	v63 =	vpop (erf)  }
0x3de: {  	v10 =	vmul.f32 $1.442695020e+00, v10;
	(erf) = vpow2.f32 v8;
	v14 =	vadd.f32 v63, v14  }
0x3df: {  	v18 =	vor.u32 $0x42, v6;
	v8 =	vld.idx.msk [tilespmem:v59+s15+$0x0], $0xffff;
	v19 =	vpop (erf)  }
0x3e0: {  	v9 =	vmul.f32 $1.442695020e+00, v9;
	(erf) = vpow2.f32 v10;
	v14 =	vadd.f32 v19, v14  }
0x3e1: {  	v10 =	vld.idx.msk [tilespmem:v11+s15+$0x0], $0xffff;
	v11 =	vor.u32 $0x43, v6;
	v20 =	vpop (erf)  }
0x3e2: {  	v7 =	vmul.f32 $1.442695020e+00, v7;
	(erf) = vpow2.f32 v9;
	v14 =	vadd.f32 v20, v14  }
0x3e3: {  	v21 =	vor.u32 $0x44, v6;
	v9 =	vld.idx.msk [tilespmem:v62+s15+$0x0], $0xffff;
	v22 =	vpop (erf)  }
0x3e4: {  	v8 =	vmul.f32 $1.442695020e+00, v8;
	(erf) = vpow2.f32 v7;
	v14 =	vadd.f32 v22, v14  }
0x3e5: {  	v23 =	vor.u32 $0x45, v6;
	v7 =	vld.idx.msk [tilespmem:v18+s15+$0x0], $0xffff;
	v24 =	vpop (erf)  }
0x3e6: {  	v10 =	vmul.f32 $1.442695020e+00, v10;
	(erf) = vpow2.f32 v8;
	v14 =	vadd.f32 v24, v14  }
0x3e7: {  	v8 =	vld.idx.msk [tilespmem:v11+s15+$0x0], $0xffff;
	v11 =	vor.u32 $0x46, v6;
	v25 =	vpop (erf)  }
0x3e8: {  	v9 =	vmul.f32 $1.442695020e+00, v9;
	(erf) = vpow2.f32 v10;
	v14 =	vadd.f32 v25, v14  }
0x3e9: {  	v26 =	vor.u32 $0x47, v6;
	v10 =	vld.idx.msk [tilespmem:v21+s15+$0x0], $0xffff;
	v27 =	vpop (erf)  }
0x3ea: {  	v7 =	vmul.f32 $1.442695020e+00, v7;
	(erf) = vpow2.f32 v9;
	v14 =	vadd.f32 v27, v14  }
0x3eb: {  	v28 =	vor.u32 $0x48, v6;
	v9 =	vld.idx.msk [tilespmem:v23+s15+$0x0], $0xffff;
	v29 =	vpop (erf)  }
0x3ec: {  	v8 =	vmul.f32 $1.442695020e+00, v8;
	(erf) = vpow2.f32 v7;
	v14 =	vadd.f32 v29, v14  }
0x3ed: {  	v7 =	vld.idx.msk [tilespmem:v11+s15+$0x0], $0xffff;
	v11 =	vor.u32 $0x49, v6;
	v30 =	vpop (erf)  }
0x3ee: {  	v10 =	vmul.f32 $1.442695020e+00, v10;
	(erf) = vpow2.f32 v8;
	v14 =	vadd.f32 v30, v14  }
0x3ef: {  	v31 =	vor.u32 $0x4A, v6;
	v8 =	vld.idx.msk [tilespmem:v26+s15+$0x0], $0xffff;
	v32 =	vpop (erf)  }
0x3f0: {  	v9 =	vmul.f32 $1.442695020e+00, v9;
	(erf) = vpow2.f32 v10;
	v14 =	vadd.f32 v32, v14  }
0x3f1: {  	v33 =	vor.u32 $0x4B, v6;
	v10 =	vld.idx.msk [tilespmem:v28+s15+$0x0], $0xffff;
	v34 =	vpop (erf)  }
0x3f2: {  	v7 =	vmul.f32 $1.442695020e+00, v7;
	(erf) = vpow2.f32 v9;
	v14 =	vadd.f32 v34, v14  }
0x3f3: {  	v9 =	vld.idx.msk [tilespmem:v11+s15+$0x0], $0xffff;
	v11 =	vor.u32 $0x4C, v6;
	v35 =	vpop (erf)  }
0x3f4: {  	v8 =	vmul.f32 $1.442695020e+00, v8;
	(erf) = vpow2.f32 v7;
	v14 =	vadd.f32 v35, v14  }
0x3f5: {  	v36 =	vor.u32 $0x4D, v6;
	v7 =	vld.idx.msk [tilespmem:v31+s15+$0x0], $0xffff;
	v37 =	vpop (erf)  }
0x3f6: {  	v10 =	vmul.f32 $1.442695020e+00, v10;
	(erf) = vpow2.f32 v8;
	v14 =	vadd.f32 v37, v14  }
0x3f7: {  	v38 =	vor.u32 $0x4E, v6;
	v8 =	vld.idx.msk [tilespmem:v33+s15+$0x0], $0xffff;
	v39 =	vpop (erf)  }
0x3f8: {  	v9 =	vmul.f32 $1.442695020e+00, v9;
	(erf) = vpow2.f32 v10;
	v10 =	vld.idx.msk [tilespmem:v11+s15+$0x0], $0xffff;
	v14 =	vadd.f32 v39, v14  }
0x3f9: {  	v11 =	vor.u32 $0x4F, v6;
	v40 =	vpop (erf)  }
0x3fa: {  	v7 =	vmul.f32 $1.442695020e+00, v7;
	(erf) = vpow2.f32 v9;
	v9 =	vld.idx.msk [tilespmem:v36+s15+$0x0], $0xffff;
	v14 =	vadd.f32 v40, v14  }
0x3fb: {  	v6 =	vor.u32 $0x50, v6;
	v41 =	vpop (erf)  }
0x3fc: {  	v8 =	vmul.f32 $1.442695020e+00, v8;
	(erf) = vpow2.f32 v7;
	v7 =	vld.idx.msk [tilespmem:v38+s15+$0x0], $0xffff;
	v13 =	vadd.f32 v41, v14  }
0x3fd: {  	v10 =	vmul.f32 $1.442695020e+00, v10;
	v42 =	vpop (erf)  }
0x3fe: {  	(erf) = vpow2.f32 v8;
	v8 =	vld.idx.msk [tilespmem:v11+s15+$0x0], $0xffff;
	v12 =	vadd.f32 v42, v13  }
0x3ff: {  	v11 =	vpop (erf);
	v9 =	vmul.f32 $1.442695020e+00, v9  }
0x400: {  	v11 =	vadd.f32 v11, v12  }
0x401: {  	v6 =	vld.idx.msk [tilespmem:v6+s15+$0x0], $0xffff;
	(erf) = vpow2.f32 v10;
	v10 =	vpop (erf);
	v7 =	vmul.f32 $1.442695020e+00, v7  }
0x402: {  	v10 =	vadd.f32 v10, v11  }
0x403: {  	(erf) = vpow2.f32 v9;
	v9 =	vpop (erf);
	v8 =	vmul.f32 $1.442695020e+00, v8  }
0x404: {  	v9 =	vadd.f32 v9, v10  }
0x405: {  	(erf) = vpow2.f32 v7;
	v7 =	vpop (erf)  }
0x406: {  	v6 =	vmul.f32 $1.442695020e+00, v6;
	v7 =	vadd.f32 v7, v9  }
0x407: {  	(erf) = vpow2.f32 v8;
	v8 =	vpop (erf)  }
0x408: {  	v7 =	vadd.f32 v8, v7  }
0x409: {  	(erf) = vpow2.f32 v6  }
0x40a: {  	v6 =	vpop (erf)  }
0x40b: {  	v6 =	vadd.f32 v6, v7  }
0x40c: {  	v7 =	vpop (erf)  }
0x40d: {  	v6 =	vadd.f32 v7, v6  }
0x40e: {  	v7 =	vpop (erf)  }
0x40f: {  	v6 =	vadd.f32 v7, v6  }
0x410: {  	v7 =	vpop (erf)  }
0x411: {  	v6 =	vadd.f32 v7, v6  }
0x412: {  	v7 =	vpop (erf)  }
0x413: {  	v6 =	vadd.f32 v7, v6;
	_ =	sdelay $0x1  }
0x414: {  	v7 =	vand.u32 $0x7FFFFF, v6  }
0x415: {  	v7 =	vor.u32 $0x3F800000, v7  }
0x416: {  	v8 =	vmul.f32 $5.000000000e-01, v7  }
0x417: {  	vm13 =	vgt.f32 v7, $1.414213540e+00  }
0x418: {  	v7 =	vsel vm13, v8, v7  }
0x419: {  	v8 =	vadd.f32 $1.000000000e+00, v7;
	_ =	sdelay $0x1  }
0x41a: {  	(erf) = vrcp.f32 v8;
	_ =	sdelay $0x7  }
0x41b: {  	v7 =	vadd.f32 $-1.000000000e+00, v7  }
0x41c: {  	v8 =	vpop (erf)  }
0x41d: {  	v7 =	vmul.f32 v8, v7;
	_ =	sdelay $0x1  }
0x41e: {  	v8 =	vmul.f32 v7, v7;
	_ =	sdelay $0x1  }
0x41f: {  	v9 =	vmul.f32 $1.111111120e-01, v8;
	_ =	sdelay $0x1  }
0x420: {  	v9 =	vadd.f32 $1.428571490e-01, v9;
	_ =	sdelay $0x1  }
0x421: {  	v9 =	vmul.f32 v9, v8;
	_ =	sdelay $0x1  }
0x422: {  	v9 =	vadd.f32 $2.000000030e-01, v9;
	_ =	sdelay $0x1  }
0x423: {  	v9 =	vmul.f32 v9, v8;
	_ =	sdelay $0x1  }
0x424: {  	v9 =	vadd.f32 $3.333333430e-01, v9;
	_ =	sdelay $0x1  }
0x425: {  	v6 =	vshra.s32 v6, $0x17;
	v10 =	vsel vm13, $0xFFFFFF82, v1;
	v8 =	vmul.f32 v9, v8  }
0x426: {  	v6 =	vadd.s32 v6, v10  }
0x427: {  	v6 =	vcvt.s32.f32 v6;
	v7 =	vadd.f32 v7, v7;
	v8 =	vadd.f32 $1.000000000e+00, v8  }
0x428: {  	s31 =	simm.s32 $0x10  }
0x429: {  	v10 =	vld [tilespmem:s23+$0x0];
	v6 =	vmul.f32 $6.931471820e-01, v6;
	v9 =	vmov s31;
	v8 =	vmul.f32 v8, v7  }
0x42a: {  	v7 =	vshll.u32 v9, $0x7  }
0x42b: {  	v7 =	vor.u32 v0, v7;
	v6 =	vadd.f32 v8, v6  }
0x42c: {  	v8 =	vor.u32 $0x1, v7  }
0x42d: {  	v4 =	vsub.f32 v6, v4  }
0x42e: {  	vm14 =	vgt.s32 v10, $0x0  }
0x42f: {  	v9 =	vor.u32 $0x2, v7;
	v6 =	vsel vm14, $0xFF800000, v4  }
0x430: {  	v10 =	vor.u32 $0x3, v7;
	[tilespmem:s22+$0x0] =	vst v6  }
0x431: {  	v8 =	vld.idx.msk [tilespmem:v8+s15+$0x0], $0xffff  }
0x432: {  	v4 =	vld.idx.msk [tilespmem:v7+s15+$0x0], $0xffff  }
0x433: {  	v11 =	vor.u32 $0x4, v7  }
0x434: {  	v9 =	vld.idx.msk [tilespmem:v9+s15+$0x0], $0xffff  }
0x435: {  	v43 =	vor.u32 $0x5, v7;
	v10 =	vld.idx.msk [tilespmem:v10+s15+$0x0], $0xffff  }
0x436: {  	v8 =	vmul.f32 $1.442695020e+00, v8  }
0x437: {  	v45 =	vor.u32 $0x6, v7;
	v44 =	vmul.f32 $1.442695020e+00, v4  }
0x438: {  	(erf) = vpow2.f32 v8;
	v8 =	vld.idx.msk [tilespmem:v11+s15+$0x0], $0xffff;
	v11 =	vor.u32 $0x7, v7  }
0x439: {  	v9 =	vmul.f32 $1.442695020e+00, v9;
	(erf) = vpow2.f32 v44  }
0x43a: {  	v12 =	vld.idx.msk [tilespmem:v43+s15+$0x0], $0xffff;
	v10 =	vmul.f32 $1.442695020e+00, v10  }
0x43b: {  	(erf) = vpow2.f32 v9;
	v9 =	vor.u32 $0x8, v7  }
0x43c: {  	v46 =	vld.idx.msk [tilespmem:v45+s15+$0x0], $0xffff;
	(erf) = vpow2.f32 v10;
	v10 =	vor.u32 $0x9, v7  }
0x43d: {  	v8 =	vmul.f32 $1.442695020e+00, v8;
	v11 =	vld.idx.msk [tilespmem:v11+s15+$0x0], $0xffff;
	_ =	sdelay $0x1  }
0x43e: {  	v47 =	vor.u32 $0xA, v7;
	v12 =	vmul.f32 $1.442695020e+00, v12;
	(erf) = vpow2.f32 v8  }
0x43f: {  	v8 =	vld.idx.msk [tilespmem:v9+s15+$0x0], $0xffff  }
0x440: {  	v48 =	vor.u32 $0xB, v7;
	v13 =	vmul.f32 $1.442695020e+00, v46;
	v10 =	vld.idx.msk [tilespmem:v10+s15+$0x0], $0xffff;
	v9 =	vpop (erf);
	(erf) = vpow2.f32 v12  }
0x441: {  	v50 =	vor.u32 $0xC, v7;
	v49 =	vpop (erf);
	v11 =	vmul.f32 $1.442695020e+00, v11  }
0x442: {  	(erf) = vpow2.f32 v13;
	v9 =	vadd.f32 v9, v49  }
0x443: {  	v52 =	vor.u32 $0xD, v7;
	v14 =	vld.idx.msk [tilespmem:v47+s15+$0x0], $0xffff;
	v51 =	vpop (erf)  }
0x444: {  	v8 =	vmul.f32 $1.442695020e+00, v8;
	(erf) = vpow2.f32 v11;
	v9 =	vadd.f32 v51, v9  }
0x445: {  	v15 =	vld.idx.msk [tilespmem:v48+s15+$0x0], $0xffff;
	v10 =	vmul.f32 $1.442695020e+00, v10;
	v11 =	vpop (erf)  }
0x446: {  	(erf) = vpow2.f32 v8;
	v8 =	vld.idx.msk [tilespmem:v50+s15+$0x0], $0xffff;
	v9 =	vadd.f32 v11, v9;
	v11 =	vor.u32 $0xE, v7  }
0x447: {  	v53 =	vpop (erf);
	(erf) = vpow2.f32 v10;
	v10 =	vor.u32 $0xF, v7  }
0x448: {  	v54 =	vmul.f32 $1.442695020e+00, v14;
	v9 =	vadd.f32 v53, v9  }
0x449: {  	v13 =	vld.idx.msk [tilespmem:v52+s15+$0x0], $0xffff;
	v55 =	vpop (erf)  }
0x44a: {  	v56 =	vmul.f32 $1.442695020e+00, v15;
	(erf) = vpow2.f32 v54;
	v9 =	vadd.f32 v55, v9  }
0x44b: {  	v57 =	vor.u32 $0x10, v7;
	v58 =	vpop (erf);
	v8 =	vmul.f32 $1.442695020e+00, v8;
	v11 =	vld.idx.msk [tilespmem:v11+s15+$0x0], $0xffff  }
0x44c: {  	v59 =	vor.u32 $0x11, v7;
	(erf) = vpow2.f32 v56;
	v9 =	vadd.f32 v58, v9;
	v10 =	vld.idx.msk [tilespmem:v10+s15+$0x0], $0xffff  }
0x44d: {  	v60 =	vpop (erf);
	(erf) = vpow2.f32 v8;
	v8 =	vor.u32 $0x12, v7  }
0x44e: {  	v13 =	vmul.f32 $1.442695020e+00, v13;
	v9 =	vadd.f32 v60, v9  }
0x44f: {  	v61 =	vpop (erf)  }
0x450: {  	v12 =	vld.idx.msk [tilespmem:v57+s15+$0x0], $0xffff;
	(erf) = vpow2.f32 v13;
	v9 =	vadd.f32 v61, v9;
	v11 =	vmul.f32 $1.442695020e+00, v11  }
0x451: {  	v62 =	vor.u32 $0x13, v7;
	v14 =	vld.idx.msk [tilespmem:v59+s15+$0x0], $0xffff;
	v63 =	vpop (erf);
	v10 =	vmul.f32 $1.442695020e+00, v10  }
0x452: {  	v8 =	vld.idx.msk [tilespmem:v8+s15+$0x0], $0xffff;
	v9 =	vadd.f32 v63, v9;
	(erf) = vpow2.f32 v11;
	v11 =	vor.u32 $0x14, v7  }
0x453: {  	v18 =	vpop (erf)  }
0x454: {  	v9 =	vadd.f32 v18, v9  }
0x455: {  	v19 =	vor.u32 $0x15, v7;
	v12 =	vmul.f32 $1.442695020e+00, v12;
	(erf) = vpow2.f32 v10;
	v10 =	vpop (erf)  }
0x456: {  	v14 =	vmul.f32 $1.442695020e+00, v14;
	v13 =	vld.idx.msk [tilespmem:v62+s15+$0x0], $0xffff;
	v9 =	vadd.f32 v10, v9;
	v10 =	vor.u32 $0x16, v7  }
0x457: {  	(erf) = vpow2.f32 v12;
	v20 =	vpop (erf);
	v8 =	vmul.f32 $1.442695020e+00, v8;
	v11 =	vld.idx.msk [tilespmem:v11+s15+$0x0], $0xffff  }
0x458: {  	v9 =	vadd.f32 v20, v9  }
0x459: {  	v21 =	vor.u32 $0x17, v7;
	(erf) = vpow2.f32 v14;
	v22 =	vpop (erf)  }
0x45a: {  	v15 =	vld.idx.msk [tilespmem:v19+s15+$0x0], $0xffff;
	v9 =	vadd.f32 v22, v9  }
0x45b: {  	v23 =	vor.u32 $0x18, v7;
	v13 =	vmul.f32 $1.442695020e+00, v13;
	(erf) = vpow2.f32 v8;
	v8 =	vpop (erf);
	v10 =	vld.idx.msk [tilespmem:v10+s15+$0x0], $0xffff  }
0x45c: {  	v8 =	vadd.f32 v8, v9;
	v9 =	vor.u32 $0x19, v7;
	v11 =	vmul.f32 $1.442695020e+00, v11  }
0x45d: {  	(erf) = vpow2.f32 v13  }
0x45e: {  	v12 =	vld.idx.msk [tilespmem:v21+s15+$0x0], $0xffff;
	v24 =	vpop (erf);
	(erf) = vpow2.f32 v11;
	v11 =	vor.u32 $0x1A, v7  }
0x45f: {  	v25 =	vmul.f32 $1.442695020e+00, v15;
	v8 =	vadd.f32 v24, v8  }
0x460: {  	v14 =	vld.idx.msk [tilespmem:v23+s15+$0x0], $0xffff;
	v26 =	vpop (erf);
	v10 =	vmul.f32 $1.442695020e+00, v10  }
0x461: {  	v27 =	vor.u32 $0x1B, v7;
	(erf) = vpow2.f32 v25;
	v8 =	vadd.f32 v26, v8;
	v9 =	vld.idx.msk [tilespmem:v9+s15+$0x0], $0xffff  }
0x462: {  	v28 =	vpop (erf);
	(erf) = vpow2.f32 v10;
	v10 =	vor.u32 $0x1C, v7  }
0x463: {  	v12 =	vmul.f32 $1.442695020e+00, v12;
	v8 =	vadd.f32 v28, v8;
	v11 =	vld.idx.msk [tilespmem:v11+s15+$0x0], $0xffff  }
0x464: {  	v30 =	vor.u32 $0x1D, v7;
	v29 =	vpop (erf)  }
0x465: {  	v14 =	vmul.f32 $1.442695020e+00, v14;
	(erf) = vpow2.f32 v12;
	v8 =	vadd.f32 v29, v8  }
0x466: {  	v32 =	vor.u32 $0x1E, v7;
	v13 =	vld.idx.msk [tilespmem:v27+s15+$0x0], $0xffff;
	v31 =	vpop (erf);
	v9 =	vmul.f32 $1.442695020e+00, v9  }
0x467: {  	(erf) = vpow2.f32 v14;
	v8 =	vadd.f32 v31, v8;
	v10 =	vld.idx.msk [tilespmem:v10+s15+$0x0], $0xffff  }
0x468: {  	v33 =	vpop (erf);
	(erf) = vpow2.f32 v9;
	v9 =	vor.u32 $0x1F, v7;
	v11 =	vmul.f32 $1.442695020e+00, v11  }
0x469: {  	v8 =	vadd.f32 v33, v8  }
0x46a: {  	v35 =	vor.u32 $0x20, v7;
	v12 =	vld.idx.msk [tilespmem:v30+s15+$0x0], $0xffff;
	v34 =	vpop (erf)  }
0x46b: {  	v13 =	vmul.f32 $1.442695020e+00, v13;
	v14 =	vld.idx.msk [tilespmem:v32+s15+$0x0], $0xffff;
	v8 =	vadd.f32 v34, v8;
	(erf) = vpow2.f32 v11  }
0x46c: {  	v11 =	vpop (erf);
	v10 =	vmul.f32 $1.442695020e+00, v10  }
0x46d: {  	(erf) = vpow2.f32 v13;
	v8 =	vadd.f32 v11, v8;
	v11 =	vor.u32 $0x21, v7;
	v9 =	vld.idx.msk [tilespmem:v9+s15+$0x0], $0xffff  }
0x46e: {  	v36 =	vpop (erf)  }
0x46f: {  	v12 =	vmul.f32 $1.442695020e+00, v12;
	(erf) = vpow2.f32 v10;
	v8 =	vadd.f32 v36, v8  }
0x470: {  	v37 =	vor.u32 $0x22, v7;
	v15 =	vld.idx.msk [tilespmem:v35+s15+$0x0], $0xffff;
	v14 =	vmul.f32 $1.442695020e+00, v14;
	v10 =	vpop (erf)  }
0x471: {  	(erf) = vpow2.f32 v12;
	v8 =	vadd.f32 v10, v8;
	v10 =	vor.u32 $0x23, v7  }
0x472: {  	v38 =	vpop (erf);
	v11 =	vld.idx.msk [tilespmem:v11+s15+$0x0], $0xffff;
	v9 =	vmul.f32 $1.442695020e+00, v9  }
0x473: {  	v39 =	vor.u32 $0x24, v7;
	(erf) = vpow2.f32 v14;
	v8 =	vadd.f32 v38, v8  }
0x474: {  	v40 =	vpop (erf);
	(erf) = vpow2.f32 v9;
	v9 =	vor.u32 $0x25, v7  }
0x475: {  	v41 =	vmul.f32 $1.442695020e+00, v15;
	v13 =	vld.idx.msk [tilespmem:v37+s15+$0x0], $0xffff;
	v8 =	vadd.f32 v40, v8  }
0x476: {  	v42 =	vpop (erf);
	v10 =	vld.idx.msk [tilespmem:v10+s15+$0x0], $0xffff  }
0x477: {  	(erf) = vpow2.f32 v41;
	v8 =	vadd.f32 v42, v8;
	v11 =	vmul.f32 $1.442695020e+00, v11  }
0x478: {  	v43 =	vor.u32 $0x26, v7;
	v12 =	vld.idx.msk [tilespmem:v39+s15+$0x0], $0xffff;
	v44 =	vpop (erf)  }
0x479: {  	v8 =	vadd.f32 v44, v8;
	(erf) = vpow2.f32 v11;
	v11 =	vor.u32 $0x27, v7;
	v9 =	vld.idx.msk [tilespmem:v9+s15+$0x0], $0xffff  }
0x47a: {  	v13 =	vmul.f32 $1.442695020e+00, v13;
	v45 =	vpop (erf)  }
0x47b: {  	v8 =	vadd.f32 v45, v8;
	v10 =	vmul.f32 $1.442695020e+00, v10  }
0x47c: {  	v46 =	vor.u32 $0x28, v7;
	(erf) = vpow2.f32 v13;
	v47 =	vpop (erf)  }
0x47d: {  	v14 =	vld.idx.msk [tilespmem:v43+s15+$0x0], $0xffff;
	v8 =	vadd.f32 v47, v8;
	(erf) = vpow2.f32 v10;
	v10 =	vor.u32 $0x29, v7  }
0x47e: {  	v12 =	vmul.f32 $1.442695020e+00, v12;
	v48 =	vpop (erf);
	v11 =	vld.idx.msk [tilespmem:v11+s15+$0x0], $0xffff;
	v9 =	vmul.f32 $1.442695020e+00, v9  }
0x47f: {  	v8 =	vadd.f32 v48, v8  }
0x480: {  	v49 =	vor.u32 $0x2A, v7;
	(erf) = vpow2.f32 v12;
	v50 =	vpop (erf)  }
0x481: {  	v13 =	vld.idx.msk [tilespmem:v46+s15+$0x0], $0xffff;
	v8 =	vadd.f32 v50, v8  }
0x482: {  	v51 =	vor.u32 $0x2B, v7;
	v14 =	vmul.f32 $1.442695020e+00, v14;
	(erf) = vpow2.f32 v9;
	v9 =	vpop (erf);
	v10 =	vld.idx.msk [tilespmem:v10+s15+$0x0], $0xffff  }
0x483: {  	v8 =	vadd.f32 v9, v8;
	v9 =	vor.u32 $0x2C, v7;
	v11 =	vmul.f32 $1.442695020e+00, v11  }
0x484: {  	(erf) = vpow2.f32 v14  }
0x485: {  	v53 =	vor.u32 $0x2D, v7;
	v12 =	vld.idx.msk [tilespmem:v49+s15+$0x0], $0xffff;
	v52 =	vpop (erf)  }
0x486: {  	v13 =	vmul.f32 $1.442695020e+00, v13;
	v8 =	vadd.f32 v52, v8;
	(erf) = vpow2.f32 v11  }
0x487: {  	v15 =	vld.idx.msk [tilespmem:v51+s15+$0x0], $0xffff;
	v11 =	vpop (erf);
	v10 =	vmul.f32 $1.442695020e+00, v10  }
0x488: {  	(erf) = vpow2.f32 v13;
	v8 =	vadd.f32 v11, v8;
	v11 =	vor.u32 $0x2E, v7;
	v9 =	vld.idx.msk [tilespmem:v9+s15+$0x0], $0xffff  }
0x489: {  	v55 =	vor.u32 $0x2F, v7;
	v54 =	vpop (erf)  }
0x48a: {  	v12 =	vmul.f32 $1.442695020e+00, v12;
	(erf) = vpow2.f32 v10;
	v10 =	vld.idx.msk [tilespmem:v53+s15+$0x0], $0xffff;
	v8 =	vadd.f32 v54, v8  }
0x48b: {  	v56 =	vpop (erf)  }
0x48c: {  	v57 =	vmul.f32 $1.442695020e+00, v15;
	(erf) = vpow2.f32 v12;
	v8 =	vadd.f32 v56, v8  }
0x48d: {  	v58 =	vor.u32 $0x30, v7;
	v59 =	vpop (erf);
	v11 =	vld.idx.msk [tilespmem:v11+s15+$0x0], $0xffff;
	v9 =	vmul.f32 $1.442695020e+00, v9  }
0x48e: {  	v60 =	vor.u32 $0x31, v7;
	(erf) = vpow2.f32 v57;
	v8 =	vadd.f32 v59, v8  }
0x48f: {  	v13 =	vld.idx.msk [tilespmem:v55+s15+$0x0], $0xffff;
	v61 =	vpop (erf);
	v10 =	vmul.f32 $1.442695020e+00, v10;
	(erf) = vpow2.f32 v9;
	v9 =	vor.u32 $0x32, v7  }
0x490: {  	v8 =	vadd.f32 v61, v8  }
0x491: {  	v62 =	vpop (erf);
	(erf) = vpow2.f32 v10;
	v10 =	vor.u32 $0x33, v7  }
0x492: {  	v12 =	vld.idx.msk [tilespmem:v58+s15+$0x0], $0xffff;
	v8 =	vadd.f32 v62, v8;
	v11 =	vmul.f32 $1.442695020e+00, v11  }
0x493: {  	v14 =	vld.idx.msk [tilespmem:v60+s15+$0x0], $0xffff;
	v63 =	vpop (erf)  }
0x494: {  	v13 =	vmul.f32 $1.442695020e+00, v13;
	v8 =	vadd.f32 v63, v8;
	(erf) = vpow2.f32 v11;
	v9 =	vld.idx.msk [tilespmem:v9+s15+$0x0], $0xffff  }
0x495: {  	v18 =	vpop (erf);
	v11 =	vor.u32 $0x34, v7  }
0x496: {  	(erf) = vpow2.f32 v13;
	v10 =	vld.idx.msk [tilespmem:v10+s15+$0x0], $0xffff;
	v8 =	vadd.f32 v18, v8  }
0x497: {  	v19 =	vor.u32 $0x35, v7;
	v12 =	vmul.f32 $1.442695020e+00, v12;
	v20 =	vpop (erf)  }
0x498: {  	v21 =	vor.u32 $0x36, v7;
	v14 =	vmul.f32 $1.442695020e+00, v14;
	v8 =	vadd.f32 v20, v8  }
0x499: {  	(erf) = vpow2.f32 v12;
	v22 =	vpop (erf);
	v9 =	vmul.f32 $1.442695020e+00, v9  }
0x49a: {  	v11 =	vld.idx.msk [tilespmem:v11+s15+$0x0], $0xffff;
	v8 =	vadd.f32 v22, v8  }
0x49b: {  	v23 =	vor.u32 $0x37, v7;
	(erf) = vpow2.f32 v14;
	v24 =	vpop (erf);
	v10 =	vmul.f32 $1.442695020e+00, v10  }
0x49c: {  	v25 =	vor.u32 $0x38, v7;
	v13 =	vld.idx.msk [tilespmem:v19+s15+$0x0], $0xffff;
	v8 =	vadd.f32 v24, v8  }
0x49d: {  	v15 =	vld.idx.msk [tilespmem:v21+s15+$0x0], $0xffff;
	(erf) = vpow2.f32 v9;
	v9 =	vpop (erf)  }
0x49e: {  	v8 =	vadd.f32 v9, v8  }
0x49f: {  	(erf) = vpow2.f32 v10;
	v9 =	vor.u32 $0x39, v7;
	v11 =	vmul.f32 $1.442695020e+00, v11;
	v10 =	vpop (erf)  }
0x4a0: {  	v12 =	vld.idx.msk [tilespmem:v23+s15+$0x0], $0xffff;
	v8 =	vadd.f32 v10, v8;
	v10 =	vor.u32 $0x3A, v7  }
0x4a1: {  	v13 =	vmul.f32 $1.442695020e+00, v13;
	(erf) = vpow2.f32 v11;
	v11 =	vld.idx.msk [tilespmem:v25+s15+$0x0], $0xffff  }
0x4a2: {  	v27 =	vmul.f32 $1.442695020e+00, v15;
	v26 =	vpop (erf)  }
0x4a3: {  	v28 =	vor.u32 $0x3B, v7;
	(erf) = vpow2.f32 v13;
	v8 =	vadd.f32 v26, v8  }
0x4a4: {  	v30 =	vor.u32 $0x3C, v7;
	v29 =	vpop (erf);
	v9 =	vld.idx.msk [tilespmem:v9+s15+$0x0], $0xffff  }
0x4a5: {  	v12 =	vmul.f32 $1.442695020e+00, v12;
	(erf) = vpow2.f32 v27;
	v8 =	vadd.f32 v29, v8;
	v10 =	vld.idx.msk [tilespmem:v10+s15+$0x0], $0xffff  }
0x4a6: {  	v31 =	vpop (erf);
	v11 =	vmul.f32 $1.442695020e+00, v11  }
0x4a7: {  	v32 =	vor.u32 $0x3D, v7;
	(erf) = vpow2.f32 v12;
	v8 =	vadd.f32 v31, v8  }
0x4a8: {  	v13 =	vld.idx.msk [tilespmem:v28+s15+$0x0], $0xffff;
	v33 =	vpop (erf);
	(erf) = vpow2.f32 v11;
	v11 =	vor.u32 $0x3E, v7  }
0x4a9: {  	v8 =	vadd.f32 v33, v8;
	v9 =	vmul.f32 $1.442695020e+00, v9  }
0x4aa: {  	v14 =	vld.idx.msk [tilespmem:v30+s15+$0x0], $0xffff;
	v34 =	vpop (erf);
	v10 =	vmul.f32 $1.442695020e+00, v10  }
0x4ab: {  	v8 =	vadd.f32 v34, v8;
	(erf) = vpow2.f32 v9;
	v9 =	vor.u32 $0x3F, v7  }
0x4ac: {  	v12 =	vld.idx.msk [tilespmem:v32+s15+$0x0], $0xffff;
	v35 =	vpop (erf);
	(erf) = vpow2.f32 v10;
	v10 =	vor.u32 $0x40, v7  }
0x4ad: {  	v13 =	vmul.f32 $1.442695020e+00, v13;
	v8 =	vadd.f32 v35, v8;
	v11 =	vld.idx.msk [tilespmem:v11+s15+$0x0], $0xffff  }
0x4ae: {  	v37 =	vor.u32 $0x41, v7;
	v36 =	vpop (erf)  }
0x4af: {  	v14 =	vmul.f32 $1.442695020e+00, v14;
	(erf) = vpow2.f32 v13;
	v8 =	vadd.f32 v36, v8  }
0x4b0: {  	v39 =	vor.u32 $0x42, v7;
	v38 =	vpop (erf);
	v9 =	vld.idx.msk [tilespmem:v9+s15+$0x0], $0xffff  }
0x4b1: {  	v12 =	vmul.f32 $1.442695020e+00, v12;
	(erf) = vpow2.f32 v14;
	v8 =	vadd.f32 v38, v8;
	v10 =	vld.idx.msk [tilespmem:v10+s15+$0x0], $0xffff  }
0x4b2: {  	v41 =	vor.u32 $0x43, v7;
	v40 =	vpop (erf);
	v11 =	vmul.f32 $1.442695020e+00, v11  }
0x4b3: {  	(erf) = vpow2.f32 v12;
	v8 =	vadd.f32 v40, v8  }
0x4b4: {  	v15 =	vld.idx.msk [tilespmem:v37+s15+$0x0], $0xffff;
	v43 =	vor.u32 $0x44, v7;
	v42 =	vpop (erf)  }
0x4b5: {  	(erf) = vpow2.f32 v11;
	v8 =	vadd.f32 v42, v8;
	v9 =	vmul.f32 $1.442695020e+00, v9  }
0x4b6: {  	v13 =	vld.idx.msk [tilespmem:v39+s15+$0x0], $0xffff;
	v11 =	vpop (erf);
	v10 =	vmul.f32 $1.442695020e+00, v10  }
0x4b7: {  	v8 =	vadd.f32 v11, v8;
	v11 =	vor.u32 $0x45, v7;
	(erf) = vpow2.f32 v9;
	v9 =	vld.idx.msk [tilespmem:v41+s15+$0x0], $0xffff  }
0x4b8: {  	v44 =	vpop (erf);
	(erf) = vpow2.f32 v10;
	v10 =	vor.u32 $0x46, v7  }
0x4b9: {  	v45 =	vmul.f32 $1.442695020e+00, v15;
	v8 =	vadd.f32 v44, v8  }
0x4ba: {  	v12 =	vld.idx.msk [tilespmem:v43+s15+$0x0], $0xffff;
	v46 =	vpop (erf)  }
0x4bb: {  	v13 =	vmul.f32 $1.442695020e+00, v13;
	(erf) = vpow2.f32 v45;
	v8 =	vadd.f32 v46, v8  }
0x4bc: {  	v48 =	vpop (erf);
	v11 =	vld.idx.msk [tilespmem:v11+s15+$0x0], $0xffff;
	v9 =	vmul.f32 $1.442695020e+00, v9  }
0x4bd: {  	v47 =	vor.u32 $0x47, v7;
	(erf) = vpow2.f32 v13;
	v8 =	vadd.f32 v48, v8;
	v10 =	vld.idx.msk [tilespmem:v10+s15+$0x0], $0xffff  }
0x4be: {  	v50 =	vpop (erf);
	(erf) = vpow2.f32 v9;
	v9 =	vor.u32 $0x49, v7  }
0x4bf: {  	v49 =	vor.u32 $0x48, v7;
	v12 =	vmul.f32 $1.442695020e+00, v12;
	v8 =	vadd.f32 v50, v8  }
0x4c0: {  	v51 =	vpop (erf)  }
0x4c1: {  	(erf) = vpow2.f32 v12;
	v8 =	vadd.f32 v51, v8;
	v11 =	vmul.f32 $1.442695020e+00, v11  }
0x4c2: {  	v14 =	vld.idx.msk [tilespmem:v47+s15+$0x0], $0xffff;
	v53 =	vpop (erf);
	v10 =	vmul.f32 $1.442695020e+00, v10  }
0x4c3: {  	v8 =	vadd.f32 v53, v8;
	(erf) = vpow2.f32 v11;
	v9 =	vld.idx.msk [tilespmem:v9+s15+$0x0], $0xffff  }
0x4c4: {  	v52 =	vor.u32 $0x4A, v7;
	v13 =	vld.idx.msk [tilespmem:v49+s15+$0x0], $0xffff;
	v54 =	vpop (erf)  }
0x4c5: {  	v8 =	vadd.f32 v54, v8  }
0x4c6: {  	v11 =	vor.u32 $0x4B, v7;
	(erf) = vpow2.f32 v10;
	v10 =	vpop (erf)  }
0x4c7: {  	v14 =	vmul.f32 $1.442695020e+00, v14;
	v8 =	vadd.f32 v10, v8  }
0x4c8: {  	v55 =	vor.u32 $0x4C, v7;
	v10 =	vor.u32 $0x4D, v7;
	v56 =	vpop (erf);
	v9 =	vmul.f32 $1.442695020e+00, v9  }
0x4c9: {  	v12 =	vld.idx.msk [tilespmem:v52+s15+$0x0], $0xffff;
	v13 =	vmul.f32 $1.442695020e+00, v13;
	(erf) = vpow2.f32 v14;
	v8 =	vadd.f32 v56, v8  }
0x4ca: {  	v58 =	vpop (erf)  }
0x4cb: {  	v11 =	vld.idx.msk [tilespmem:v11+s15+$0x0], $0xffff;
	(erf) = vpow2.f32 v13;
	v8 =	vadd.f32 v58, v8  }
0x4cc: {  	v57 =	vor.u32 $0x4E, v7;
	(erf) = vpow2.f32 v9;
	v9 =	vpop (erf)  }
0x4cd: {  	v59 =	vor.u32 $0x4F, v7;
	v8 =	vadd.f32 v9, v8;
	v9 =	vld.idx.msk [tilespmem:v10+s15+$0x0], $0xffff  }
0x4ce: {  	v15 =	vld.idx.msk [tilespmem:v55+s15+$0x0], $0xffff;
	v12 =	vmul.f32 $1.442695020e+00, v12;
	_ =	sdelay $0x1  }
0x4cf: {  	v7 =	vor.u32 $0x50, v7;
	(erf) = vpow2.f32 v12;
	v10 =	vmul.f32 $1.442695020e+00, v11;
	v60 =	vpop (erf)  }
0x4d0: {  	v11 =	vld.idx.msk [tilespmem:v57+s15+$0x0], $0xffff;
	v8 =	vadd.f32 v60, v8  }
0x4d1: {  	(erf) = vpow2.f32 v10;
	v10 =	vld.idx.msk [tilespmem:v59+s15+$0x0], $0xffff;
	v62 =	vpop (erf);
	v9 =	vmul.f32 $1.442695020e+00, v9  }
0x4d2: {  	v61 =	vmul.f32 $1.442695020e+00, v15;
	v8 =	vadd.f32 v62, v8  }
0x4d3: {  	v63 =	vpop (erf)  }
0x4d4: {  	v7 =	vld.idx.msk [tilespmem:v7+s15+$0x0], $0xffff;
	(erf) = vpow2.f32 v61;
	v8 =	vadd.f32 v63, v8  }
0x4d5: {  	(erf) = vpow2.f32 v9;
	v9 =	vpop (erf)  }
0x4d6: {  	v11 =	vmul.f32 $1.442695020e+00, v11;
	v8 =	vadd.f32 v9, v8;
	v9 =	vmul.f32 $1.442695020e+00, v10;
	_ =	sdelay $0x1  }
0x4d7: {  	(erf) = vpow2.f32 v11;
	v10 =	vpop (erf)  }
0x4d8: {  	v7 =	vmul.f32 $1.442695020e+00, v7;
	v8 =	vadd.f32 v10, v8  }
0x4d9: {  	(erf) = vpow2.f32 v9;
	v9 =	vpop (erf)  }
0x4da: {  	v8 =	vadd.f32 v9, v8  }
0x4db: {  	(erf) = vpow2.f32 v7  }
0x4dc: {  	v7 =	vpop (erf)  }
0x4dd: {  	v7 =	vadd.f32 v7, v8  }
0x4de: {  	v8 =	vpop (erf)  }
0x4df: {  	v7 =	vadd.f32 v8, v7  }
0x4e0: {  	v8 =	vpop (erf)  }
0x4e1: {  	v7 =	vadd.f32 v8, v7  }
0x4e2: {  	v8 =	vpop (erf)  }
0x4e3: {  	v7 =	vadd.f32 v8, v7  }
0x4e4: {  	v8 =	vpop (erf)  }
0x4e5: {  	v7 =	vadd.f32 v8, v7;
	_ =	sdelay $0x1  }
0x4e6: {  	v8 =	vand.u32 $0x7FFFFF, v7  }
0x4e7: {  	v8 =	vor.u32 $0x3F800000, v8  }
0x4e8: {  	v9 =	vmul.f32 $5.000000000e-01, v8  }
0x4e9: {  	vm15 =	vgt.f32 v8, $1.414213540e+00  }
0x4ea: {  	v8 =	vsel vm15, v9, v8  }
0x4eb: {  	v9 =	vadd.f32 $1.000000000e+00, v8;
	_ =	sdelay $0x1  }
0x4ec: {  	(erf) = vrcp.f32 v9;
	_ =	sdelay $0x7  }
0x4ed: {  	v8 =	vadd.f32 $-1.000000000e+00, v8  }
0x4ee: {  	v9 =	vpop (erf)  }
0x4ef: {  	v8 =	vmul.f32 v9, v8;
	_ =	sdelay $0x1  }
0x4f0: {  	v9 =	vmul.f32 v8, v8;
	_ =	sdelay $0x1  }
0x4f1: {  	v10 =	vmul.f32 $1.111111120e-01, v9;
	_ =	sdelay $0x1  }
0x4f2: {  	v10 =	vadd.f32 $1.428571490e-01, v10;
	_ =	sdelay $0x1  }
0x4f3: {  	v10 =	vmul.f32 v10, v9;
	_ =	sdelay $0x1  }
0x4f4: {  	v10 =	vadd.f32 $2.000000030e-01, v10;
	_ =	sdelay $0x1  }
0x4f5: {  	v10 =	vmul.f32 v10, v9;
	_ =	sdelay $0x1  }
0x4f6: {  	v10 =	vadd.f32 $3.333333430e-01, v10  }
0x4f7: {  	v2 =	vmax.f32 v2, v3  }
0x4f8: {  	v3 =	vshra.s32 v7, $0x17;
	v7 =	vsel vm15, $0xFFFFFF82, v1;
	v9 =	vmul.f32 v10, v9  }
0x4f9: {  	v2 =	vmax.f32 v2, v5;
	v3 =	vadd.s32 v3, v7  }
0x4fa: {  	v3 =	vcvt.s32.f32 v3;
	v5 =	vadd.f32 v8, v8;
	v8 =	vadd.f32 $1.000000000e+00, v9  }
0x4fb: {  	s28 =	simm.s32 $0x20;
	s26 =	sadd.s32 $0x10, s23;
	v2 =	vmax.f32 v2, v6  }
0x4fc: {  	v6 =	vld [tilespmem:s26+$0x0];
	v7 =	vmul.f32 $6.931471820e-01, v3;
	v9 =	vmov s28;
	v8 =	vmul.f32 v8, v5  }
0x4fd: {  	s29 =	simm.s32 $0x30;
	s28 =	smov.u32 s22;
	v3 =	vshll.u32 v9, $0x7  }
.LBB2_5:
0x4fe: {  	p0 =	sne.s32 s29, $0xF0;
	v3 =	vor.u32 v0, v3;
	v5 =	vadd.f32 v8, v7  }
0x4ff: {  	v7 =	vor.u32 $0x1, v3  }
0x500: {  	v4 =	vsub.f32 v5, v4  }
0x501: {  	vm0 =	vgt.s32 v6, $0x0  }
0x502: {  	s28 =	sadd.s32 $0x10, s28;
	v5 =	vor.u32 $0x2, v3;
	v4 =	vsel vm0, $0xFF800000, v4  }
0x503: {  	[tilespmem:s28+$0x0] =	vst v4;
	v2 =	vmax.f32 v2, v4  }
0x504: {  	v6 =	vld.idx.msk [tilespmem:v7+s15+$0x0], $0xffff;
	v7 =	vor.u32 $0x3, v3  }
0x505: {  	v4 =	vld.idx.msk [tilespmem:v3+s15+$0x0], $0xffff  }
0x506: {  	v8 =	vor.u32 $0x4, v3  }
0x507: {  	v5 =	vld.idx.msk [tilespmem:v5+s15+$0x0], $0xffff  }
0x508: {  	v9 =	vor.u32 $0x5, v3  }
0x509: {  	v7 =	vld.idx.msk [tilespmem:v7+s15+$0x0], $0xffff  }
0x50a: {  	v10 =	vor.u32 $0x6, v3;
	v6 =	vmul.f32 $1.442695020e+00, v6  }
0x50b: {  	v11 =	vmul.f32 $1.442695020e+00, v4;
	v8 =	vld.idx.msk [tilespmem:v8+s15+$0x0], $0xffff  }
0x50c: {  	v12 =	vor.u32 $0x7, v3;
	(erf) = vpow2.f32 v6  }
0x50d: {  	v5 =	vmul.f32 $1.442695020e+00, v5;
	v6 =	vld.idx.msk [tilespmem:v9+s15+$0x0], $0xffff;
	(erf) = vpow2.f32 v11  }
0x50e: {  	v9 =	vor.u32 $0x8, v3  }
0x50f: {  	v7 =	vmul.f32 $1.442695020e+00, v7;
	v10 =	vld.idx.msk [tilespmem:v10+s15+$0x0], $0xffff;
	(erf) = vpow2.f32 v5  }
0x510: {  	v5 =	vor.u32 $0x9, v3  }
0x511: {  	v8 =	vmul.f32 $1.442695020e+00, v8;
	v11 =	vld.idx.msk [tilespmem:v12+s15+$0x0], $0xffff;
	(erf) = vpow2.f32 v7  }
0x512: {  	v7 =	vor.u32 $0xA, v3  }
0x513: {  	v6 =	vmul.f32 $1.442695020e+00, v6;
	v9 =	vld.idx.msk [tilespmem:v9+s15+$0x0], $0xffff;
	(erf) = vpow2.f32 v8  }
0x514: {  	v8 =	vor.u32 $0xB, v3  }
0x515: {  	v10 =	vmul.f32 $1.442695020e+00, v10;
	v5 =	vld.idx.msk [tilespmem:v5+s15+$0x0], $0xffff;
	v12 =	vpop (erf);
	(erf) = vpow2.f32 v6  }
0x516: {  	v6 =	vor.u32 $0xC, v3;
	v13 =	vpop (erf)  }
0x517: {  	v11 =	vmul.f32 $1.442695020e+00, v11;
	v12 =	vadd.f32 v12, v13;
	v7 =	vld.idx.msk [tilespmem:v7+s15+$0x0], $0xffff;
	(erf) = vpow2.f32 v10  }
0x518: {  	v10 =	vor.u32 $0xD, v3;
	v13 =	vpop (erf)  }
0x519: {  	v9 =	vmul.f32 $1.442695020e+00, v9;
	v12 =	vadd.f32 v13, v12;
	v8 =	vld.idx.msk [tilespmem:v8+s15+$0x0], $0xffff;
	(erf) = vpow2.f32 v11  }
0x51a: {  	v11 =	vor.u32 $0xE, v3;
	v13 =	vpop (erf)  }
0x51b: {  	v5 =	vmul.f32 $1.442695020e+00, v5;
	v12 =	vadd.f32 v13, v12;
	v6 =	vld.idx.msk [tilespmem:v6+s15+$0x0], $0xffff;
	(erf) = vpow2.f32 v9  }
0x51c: {  	v9 =	vor.u32 $0xF, v3;
	v13 =	vpop (erf)  }
0x51d: {  	v7 =	vmul.f32 $1.442695020e+00, v7;
	v12 =	vadd.f32 v13, v12;
	v10 =	vld.idx.msk [tilespmem:v10+s15+$0x0], $0xffff;
	(erf) = vpow2.f32 v5  }
0x51e: {  	v5 =	vor.u32 $0x10, v3;
	v13 =	vpop (erf)  }
0x51f: {  	v8 =	vmul.f32 $1.442695020e+00, v8;
	v12 =	vadd.f32 v13, v12;
	v11 =	vld.idx.msk [tilespmem:v11+s15+$0x0], $0xffff;
	(erf) = vpow2.f32 v7  }
0x520: {  	v7 =	vor.u32 $0x11, v3;
	v13 =	vpop (erf)  }
0x521: {  	v6 =	vmul.f32 $1.442695020e+00, v6;
	v12 =	vadd.f32 v13, v12;
	v9 =	vld.idx.msk [tilespmem:v9+s15+$0x0], $0xffff;
	(erf) = vpow2.f32 v8  }
0x522: {  	v8 =	vor.u32 $0x12, v3;
	v13 =	vpop (erf)  }
0x523: {  	v10 =	vmul.f32 $1.442695020e+00, v10;
	v12 =	vadd.f32 v13, v12;
	v5 =	vld.idx.msk [tilespmem:v5+s15+$0x0], $0xffff;
	(erf) = vpow2.f32 v6  }
0x524: {  	v6 =	vor.u32 $0x13, v3;
	v13 =	vpop (erf)  }
0x525: {  	v11 =	vmul.f32 $1.442695020e+00, v11;
	v12 =	vadd.f32 v13, v12;
	v7 =	vld.idx.msk [tilespmem:v7+s15+$0x0], $0xffff;
	(erf) = vpow2.f32 v10  }
0x526: {  	v10 =	vor.u32 $0x14, v3;
	v13 =	vpop (erf)  }
0x527: {  	v9 =	vmul.f32 $1.442695020e+00, v9;
	v12 =	vadd.f32 v13, v12;
	v8 =	vld.idx.msk [tilespmem:v8+s15+$0x0], $0xffff;
	(erf) = vpow2.f32 v11  }
0x528: {  	v11 =	vor.u32 $0x15, v3;
	v13 =	vpop (erf)  }
0x529: {  	v5 =	vmul.f32 $1.442695020e+00, v5;
	v12 =	vadd.f32 v13, v12;
	v6 =	vld.idx.msk [tilespmem:v6+s15+$0x0], $0xffff;
	(erf) = vpow2.f32 v9  }
0x52a: {  	v9 =	vor.u32 $0x16, v3;
	v13 =	vpop (erf)  }
0x52b: {  	v7 =	vmul.f32 $1.442695020e+00, v7;
	v12 =	vadd.f32 v13, v12;
	v10 =	vld.idx.msk [tilespmem:v10+s15+$0x0], $0xffff;
	(erf) = vpow2.f32 v5  }
0x52c: {  	v5 =	vor.u32 $0x17, v3;
	v13 =	vpop (erf)  }
0x52d: {  	v8 =	vmul.f32 $1.442695020e+00, v8;
	v12 =	vadd.f32 v13, v12;
	v11 =	vld.idx.msk [tilespmem:v11+s15+$0x0], $0xffff;
	(erf) = vpow2.f32 v7  }
0x52e: {  	v7 =	vor.u32 $0x18, v3;
	v13 =	vpop (erf)  }
0x52f: {  	v6 =	vmul.f32 $1.442695020e+00, v6;
	v12 =	vadd.f32 v13, v12;
	v9 =	vld.idx.msk [tilespmem:v9+s15+$0x0], $0xffff;
	(erf) = vpow2.f32 v8  }
0x530: {  	v8 =	vor.u32 $0x19, v3;
	v13 =	vpop (erf)  }
0x531: {  	v10 =	vmul.f32 $1.442695020e+00, v10;
	v12 =	vadd.f32 v13, v12;
	v5 =	vld.idx.msk [tilespmem:v5+s15+$0x0], $0xffff;
	(erf) = vpow2.f32 v6  }
0x532: {  	v6 =	vor.u32 $0x1A, v3;
	v13 =	vpop (erf)  }
0x533: {  	v11 =	vmul.f32 $1.442695020e+00, v11;
	v12 =	vadd.f32 v13, v12;
	v7 =	vld.idx.msk [tilespmem:v7+s15+$0x0], $0xffff;
	(erf) = vpow2.f32 v10  }
0x534: {  	v10 =	vor.u32 $0x1B, v3;
	v13 =	vpop (erf)  }
0x535: {  	v9 =	vmul.f32 $1.442695020e+00, v9;
	v12 =	vadd.f32 v13, v12;
	v8 =	vld.idx.msk [tilespmem:v8+s15+$0x0], $0xffff;
	(erf) = vpow2.f32 v11  }
0x536: {  	v11 =	vor.u32 $0x1C, v3;
	v13 =	vpop (erf)  }
0x537: {  	v5 =	vmul.f32 $1.442695020e+00, v5;
	v12 =	vadd.f32 v13, v12;
	v6 =	vld.idx.msk [tilespmem:v6+s15+$0x0], $0xffff;
	(erf) = vpow2.f32 v9  }
0x538: {  	v9 =	vor.u32 $0x1D, v3;
	v13 =	vpop (erf)  }
0x539: {  	v7 =	vmul.f32 $1.442695020e+00, v7;
	v12 =	vadd.f32 v13, v12;
	v10 =	vld.idx.msk [tilespmem:v10+s15+$0x0], $0xffff;
	(erf) = vpow2.f32 v5  }
0x53a: {  	v5 =	vor.u32 $0x1E, v3;
	v13 =	vpop (erf)  }
0x53b: {  	v8 =	vmul.f32 $1.442695020e+00, v8;
	v12 =	vadd.f32 v13, v12;
	v11 =	vld.idx.msk [tilespmem:v11+s15+$0x0], $0xffff;
	(erf) = vpow2.f32 v7  }
0x53c: {  	v7 =	vor.u32 $0x1F, v3;
	v13 =	vpop (erf)  }
0x53d: {  	v6 =	vmul.f32 $1.442695020e+00, v6;
	v12 =	vadd.f32 v13, v12;
	v9 =	vld.idx.msk [tilespmem:v9+s15+$0x0], $0xffff;
	(erf) = vpow2.f32 v8  }
0x53e: {  	v8 =	vor.u32 $0x20, v3;
	v13 =	vpop (erf)  }
0x53f: {  	v10 =	vmul.f32 $1.442695020e+00, v10;
	v12 =	vadd.f32 v13, v12;
	v5 =	vld.idx.msk [tilespmem:v5+s15+$0x0], $0xffff;
	(erf) = vpow2.f32 v6  }
0x540: {  	v6 =	vor.u32 $0x21, v3;
	v13 =	vpop (erf)  }
0x541: {  	v11 =	vmul.f32 $1.442695020e+00, v11;
	v12 =	vadd.f32 v13, v12;
	v7 =	vld.idx.msk [tilespmem:v7+s15+$0x0], $0xffff;
	(erf) = vpow2.f32 v10  }
0x542: {  	v10 =	vor.u32 $0x22, v3;
	v13 =	vpop (erf)  }
0x543: {  	v9 =	vmul.f32 $1.442695020e+00, v9;
	v12 =	vadd.f32 v13, v12;
	v8 =	vld.idx.msk [tilespmem:v8+s15+$0x0], $0xffff;
	(erf) = vpow2.f32 v11  }
0x544: {  	v11 =	vor.u32 $0x23, v3;
	v13 =	vpop (erf)  }
0x545: {  	v5 =	vmul.f32 $1.442695020e+00, v5;
	v12 =	vadd.f32 v13, v12;
	v6 =	vld.idx.msk [tilespmem:v6+s15+$0x0], $0xffff;
	(erf) = vpow2.f32 v9  }
0x546: {  	v9 =	vor.u32 $0x24, v3;
	v13 =	vpop (erf)  }
0x547: {  	v7 =	vmul.f32 $1.442695020e+00, v7;
	v12 =	vadd.f32 v13, v12;
	v10 =	vld.idx.msk [tilespmem:v10+s15+$0x0], $0xffff;
	(erf) = vpow2.f32 v5  }
0x548: {  	v5 =	vor.u32 $0x25, v3;
	v13 =	vpop (erf)  }
0x549: {  	v8 =	vmul.f32 $1.442695020e+00, v8;
	v12 =	vadd.f32 v13, v12;
	v11 =	vld.idx.msk [tilespmem:v11+s15+$0x0], $0xffff;
	(erf) = vpow2.f32 v7  }
0x54a: {  	v7 =	vor.u32 $0x26, v3;
	v13 =	vpop (erf)  }
0x54b: {  	v6 =	vmul.f32 $1.442695020e+00, v6;
	v12 =	vadd.f32 v13, v12;
	v9 =	vld.idx.msk [tilespmem:v9+s15+$0x0], $0xffff;
	(erf) = vpow2.f32 v8  }
0x54c: {  	v8 =	vor.u32 $0x27, v3;
	v13 =	vpop (erf)  }
0x54d: {  	v10 =	vmul.f32 $1.442695020e+00, v10;
	v12 =	vadd.f32 v13, v12;
	v5 =	vld.idx.msk [tilespmem:v5+s15+$0x0], $0xffff;
	(erf) = vpow2.f32 v6  }
0x54e: {  	v6 =	vor.u32 $0x28, v3;
	v13 =	vpop (erf)  }
0x54f: {  	v11 =	vmul.f32 $1.442695020e+00, v11;
	v12 =	vadd.f32 v13, v12;
	v7 =	vld.idx.msk [tilespmem:v7+s15+$0x0], $0xffff;
	(erf) = vpow2.f32 v10  }
0x550: {  	v10 =	vor.u32 $0x29, v3;
	v13 =	vpop (erf)  }
0x551: {  	v9 =	vmul.f32 $1.442695020e+00, v9;
	v12 =	vadd.f32 v13, v12;
	v8 =	vld.idx.msk [tilespmem:v8+s15+$0x0], $0xffff;
	(erf) = vpow2.f32 v11  }
0x552: {  	v11 =	vor.u32 $0x2A, v3;
	v13 =	vpop (erf)  }
0x553: {  	v5 =	vmul.f32 $1.442695020e+00, v5;
	v12 =	vadd.f32 v13, v12;
	v6 =	vld.idx.msk [tilespmem:v6+s15+$0x0], $0xffff;
	(erf) = vpow2.f32 v9  }
0x554: {  	v9 =	vor.u32 $0x2B, v3;
	v13 =	vpop (erf)  }
0x555: {  	v7 =	vmul.f32 $1.442695020e+00, v7;
	v12 =	vadd.f32 v13, v12;
	v10 =	vld.idx.msk [tilespmem:v10+s15+$0x0], $0xffff;
	(erf) = vpow2.f32 v5  }
0x556: {  	v5 =	vor.u32 $0x2C, v3;
	v13 =	vpop (erf)  }
0x557: {  	v8 =	vmul.f32 $1.442695020e+00, v8;
	v12 =	vadd.f32 v13, v12;
	v11 =	vld.idx.msk [tilespmem:v11+s15+$0x0], $0xffff;
	(erf) = vpow2.f32 v7  }
0x558: {  	v7 =	vor.u32 $0x2D, v3;
	v13 =	vpop (erf)  }
0x559: {  	v6 =	vmul.f32 $1.442695020e+00, v6;
	v12 =	vadd.f32 v13, v12;
	v9 =	vld.idx.msk [tilespmem:v9+s15+$0x0], $0xffff;
	(erf) = vpow2.f32 v8  }
0x55a: {  	v8 =	vor.u32 $0x2E, v3;
	v13 =	vpop (erf)  }
0x55b: {  	v10 =	vmul.f32 $1.442695020e+00, v10;
	v12 =	vadd.f32 v13, v12;
	v5 =	vld.idx.msk [tilespmem:v5+s15+$0x0], $0xffff;
	(erf) = vpow2.f32 v6  }
0x55c: {  	v6 =	vor.u32 $0x2F, v3;
	v13 =	vpop (erf)  }
0x55d: {  	v11 =	vmul.f32 $1.442695020e+00, v11;
	v12 =	vadd.f32 v13, v12;
	v7 =	vld.idx.msk [tilespmem:v7+s15+$0x0], $0xffff;
	(erf) = vpow2.f32 v10  }
0x55e: {  	v10 =	vor.u32 $0x30, v3;
	v13 =	vpop (erf)  }
0x55f: {  	v9 =	vmul.f32 $1.442695020e+00, v9;
	v12 =	vadd.f32 v13, v12;
	v8 =	vld.idx.msk [tilespmem:v8+s15+$0x0], $0xffff;
	(erf) = vpow2.f32 v11  }
0x560: {  	v11 =	vor.u32 $0x31, v3;
	v13 =	vpop (erf)  }
0x561: {  	v5 =	vmul.f32 $1.442695020e+00, v5;
	v12 =	vadd.f32 v13, v12;
	v6 =	vld.idx.msk [tilespmem:v6+s15+$0x0], $0xffff;
	(erf) = vpow2.f32 v9  }
0x562: {  	v9 =	vor.u32 $0x32, v3;
	v13 =	vpop (erf)  }
0x563: {  	v7 =	vmul.f32 $1.442695020e+00, v7;
	v12 =	vadd.f32 v13, v12;
	v10 =	vld.idx.msk [tilespmem:v10+s15+$0x0], $0xffff;
	(erf) = vpow2.f32 v5  }
0x564: {  	v5 =	vor.u32 $0x33, v3;
	v13 =	vpop (erf)  }
0x565: {  	v8 =	vmul.f32 $1.442695020e+00, v8;
	v12 =	vadd.f32 v13, v12;
	v11 =	vld.idx.msk [tilespmem:v11+s15+$0x0], $0xffff;
	(erf) = vpow2.f32 v7  }
0x566: {  	v7 =	vor.u32 $0x34, v3;
	v13 =	vpop (erf)  }
0x567: {  	v6 =	vmul.f32 $1.442695020e+00, v6;
	v12 =	vadd.f32 v13, v12;
	v9 =	vld.idx.msk [tilespmem:v9+s15+$0x0], $0xffff;
	(erf) = vpow2.f32 v8  }
0x568: {  	v8 =	vor.u32 $0x35, v3;
	v13 =	vpop (erf)  }
0x569: {  	v10 =	vmul.f32 $1.442695020e+00, v10;
	v12 =	vadd.f32 v13, v12;
	v5 =	vld.idx.msk [tilespmem:v5+s15+$0x0], $0xffff;
	(erf) = vpow2.f32 v6  }
0x56a: {  	v6 =	vor.u32 $0x36, v3;
	v13 =	vpop (erf)  }
0x56b: {  	v11 =	vmul.f32 $1.442695020e+00, v11;
	v12 =	vadd.f32 v13, v12;
	v7 =	vld.idx.msk [tilespmem:v7+s15+$0x0], $0xffff;
	(erf) = vpow2.f32 v10  }
0x56c: {  	v10 =	vor.u32 $0x37, v3;
	v13 =	vpop (erf)  }
0x56d: {  	v9 =	vmul.f32 $1.442695020e+00, v9;
	v12 =	vadd.f32 v13, v12;
	v8 =	vld.idx.msk [tilespmem:v8+s15+$0x0], $0xffff;
	(erf) = vpow2.f32 v11  }
0x56e: {  	v11 =	vor.u32 $0x38, v3;
	v13 =	vpop (erf)  }
0x56f: {  	v5 =	vmul.f32 $1.442695020e+00, v5;
	v12 =	vadd.f32 v13, v12;
	v6 =	vld.idx.msk [tilespmem:v6+s15+$0x0], $0xffff;
	(erf) = vpow2.f32 v9  }
0x570: {  	v9 =	vor.u32 $0x39, v3;
	v13 =	vpop (erf)  }
0x571: {  	v7 =	vmul.f32 $1.442695020e+00, v7;
	v12 =	vadd.f32 v13, v12;
	v10 =	vld.idx.msk [tilespmem:v10+s15+$0x0], $0xffff;
	(erf) = vpow2.f32 v5  }
0x572: {  	v5 =	vor.u32 $0x3A, v3;
	v13 =	vpop (erf)  }
0x573: {  	v8 =	vmul.f32 $1.442695020e+00, v8;
	v12 =	vadd.f32 v13, v12;
	v11 =	vld.idx.msk [tilespmem:v11+s15+$0x0], $0xffff;
	(erf) = vpow2.f32 v7  }
0x574: {  	v7 =	vor.u32 $0x3B, v3;
	v13 =	vpop (erf)  }
0x575: {  	v6 =	vmul.f32 $1.442695020e+00, v6;
	v12 =	vadd.f32 v13, v12;
	v9 =	vld.idx.msk [tilespmem:v9+s15+$0x0], $0xffff;
	(erf) = vpow2.f32 v8  }
0x576: {  	v8 =	vor.u32 $0x3C, v3;
	v13 =	vpop (erf)  }
0x577: {  	v10 =	vmul.f32 $1.442695020e+00, v10;
	v12 =	vadd.f32 v13, v12;
	v5 =	vld.idx.msk [tilespmem:v5+s15+$0x0], $0xffff;
	(erf) = vpow2.f32 v6  }
0x578: {  	v6 =	vor.u32 $0x3D, v3;
	v13 =	vpop (erf)  }
0x579: {  	v11 =	vmul.f32 $1.442695020e+00, v11;
	v12 =	vadd.f32 v13, v12;
	v7 =	vld.idx.msk [tilespmem:v7+s15+$0x0], $0xffff;
	(erf) = vpow2.f32 v10  }
0x57a: {  	v10 =	vor.u32 $0x3E, v3;
	v13 =	vpop (erf)  }
0x57b: {  	v9 =	vmul.f32 $1.442695020e+00, v9;
	v12 =	vadd.f32 v13, v12;
	v8 =	vld.idx.msk [tilespmem:v8+s15+$0x0], $0xffff;
	(erf) = vpow2.f32 v11  }
0x57c: {  	v11 =	vor.u32 $0x3F, v3;
	v13 =	vpop (erf)  }
0x57d: {  	v5 =	vmul.f32 $1.442695020e+00, v5;
	v12 =	vadd.f32 v13, v12;
	v6 =	vld.idx.msk [tilespmem:v6+s15+$0x0], $0xffff;
	(erf) = vpow2.f32 v9  }
0x57e: {  	v9 =	vor.u32 $0x40, v3;
	v13 =	vpop (erf)  }
0x57f: {  	v7 =	vmul.f32 $1.442695020e+00, v7;
	v12 =	vadd.f32 v13, v12;
	v10 =	vld.idx.msk [tilespmem:v10+s15+$0x0], $0xffff;
	(erf) = vpow2.f32 v5  }
0x580: {  	v5 =	vor.u32 $0x41, v3;
	v13 =	vpop (erf)  }
0x581: {  	v8 =	vmul.f32 $1.442695020e+00, v8;
	v12 =	vadd.f32 v13, v12;
	v11 =	vld.idx.msk [tilespmem:v11+s15+$0x0], $0xffff;
	(erf) = vpow2.f32 v7  }
0x582: {  	v7 =	vor.u32 $0x42, v3;
	v13 =	vpop (erf)  }
0x583: {  	v6 =	vmul.f32 $1.442695020e+00, v6;
	v12 =	vadd.f32 v13, v12;
	v9 =	vld.idx.msk [tilespmem:v9+s15+$0x0], $0xffff;
	(erf) = vpow2.f32 v8  }
0x584: {  	v8 =	vor.u32 $0x43, v3;
	v13 =	vpop (erf)  }
0x585: {  	v10 =	vmul.f32 $1.442695020e+00, v10;
	v12 =	vadd.f32 v13, v12;
	v5 =	vld.idx.msk [tilespmem:v5+s15+$0x0], $0xffff;
	(erf) = vpow2.f32 v6  }
0x586: {  	v6 =	vor.u32 $0x44, v3;
	v13 =	vpop (erf)  }
0x587: {  	v11 =	vmul.f32 $1.442695020e+00, v11;
	v12 =	vadd.f32 v13, v12;
	v7 =	vld.idx.msk [tilespmem:v7+s15+$0x0], $0xffff;
	(erf) = vpow2.f32 v10  }
0x588: {  	v10 =	vor.u32 $0x45, v3;
	v13 =	vpop (erf)  }
0x589: {  	v9 =	vmul.f32 $1.442695020e+00, v9;
	v12 =	vadd.f32 v13, v12;
	v8 =	vld.idx.msk [tilespmem:v8+s15+$0x0], $0xffff;
	(erf) = vpow2.f32 v11  }
0x58a: {  	v11 =	vor.u32 $0x46, v3;
	v13 =	vpop (erf)  }
0x58b: {  	v5 =	vmul.f32 $1.442695020e+00, v5;
	v12 =	vadd.f32 v13, v12;
	v6 =	vld.idx.msk [tilespmem:v6+s15+$0x0], $0xffff;
	(erf) = vpow2.f32 v9  }
0x58c: {  	v9 =	vor.u32 $0x47, v3;
	v13 =	vpop (erf)  }
0x58d: {  	v7 =	vmul.f32 $1.442695020e+00, v7;
	v12 =	vadd.f32 v13, v12;
	v10 =	vld.idx.msk [tilespmem:v10+s15+$0x0], $0xffff;
	(erf) = vpow2.f32 v5  }
0x58e: {  	v5 =	vor.u32 $0x48, v3;
	v13 =	vpop (erf)  }
0x58f: {  	v8 =	vmul.f32 $1.442695020e+00, v8;
	v12 =	vadd.f32 v13, v12;
	v11 =	vld.idx.msk [tilespmem:v11+s15+$0x0], $0xffff;
	(erf) = vpow2.f32 v7  }
0x590: {  	v7 =	vor.u32 $0x49, v3;
	v13 =	vpop (erf)  }
0x591: {  	v6 =	vmul.f32 $1.442695020e+00, v6;
	v12 =	vadd.f32 v13, v12;
	v9 =	vld.idx.msk [tilespmem:v9+s15+$0x0], $0xffff;
	(erf) = vpow2.f32 v8  }
0x592: {  	v8 =	vor.u32 $0x4A, v3;
	v13 =	vpop (erf)  }
0x593: {  	v10 =	vmul.f32 $1.442695020e+00, v10;
	v12 =	vadd.f32 v13, v12;
	v5 =	vld.idx.msk [tilespmem:v5+s15+$0x0], $0xffff;
	(erf) = vpow2.f32 v6  }
0x594: {  	v6 =	vor.u32 $0x4B, v3;
	v13 =	vpop (erf)  }
0x595: {  	v11 =	vmul.f32 $1.442695020e+00, v11;
	v12 =	vadd.f32 v13, v12;
	v7 =	vld.idx.msk [tilespmem:v7+s15+$0x0], $0xffff;
	(erf) = vpow2.f32 v10  }
0x596: {  	v10 =	vor.u32 $0x4C, v3;
	v13 =	vpop (erf)  }
0x597: {  	v9 =	vmul.f32 $1.442695020e+00, v9;
	v12 =	vadd.f32 v13, v12;
	v8 =	vld.idx.msk [tilespmem:v8+s15+$0x0], $0xffff;
	(erf) = vpow2.f32 v11  }
0x598: {  	v11 =	vor.u32 $0x4D, v3;
	v13 =	vpop (erf)  }
0x599: {  	v5 =	vmul.f32 $1.442695020e+00, v5;
	v12 =	vadd.f32 v13, v12;
	v6 =	vld.idx.msk [tilespmem:v6+s15+$0x0], $0xffff;
	(erf) = vpow2.f32 v9  }
0x59a: {  	v9 =	vor.u32 $0x4E, v3;
	v13 =	vpop (erf)  }
0x59b: {  	v14 =	vmul.f32 $1.442695020e+00, v7;
	v12 =	vadd.f32 v13, v12;
	v10 =	vld.idx.msk [tilespmem:v10+s15+$0x0], $0xffff;
	(erf) = vpow2.f32 v5  }
0x59c: {  	v5 =	vor.u32 $0x4F, v3;
	v13 =	vpop (erf)  }
0x59d: {  	v12 =	vadd.f32 v13, v12;
	v13 =	vmul.f32 $1.442695020e+00, v8;
	v11 =	vld.idx.msk [tilespmem:v11+s15+$0x0], $0xffff;
	(erf) = vpow2.f32 v14  }
0x59e: {  	v3 =	vor.u32 $0x50, v3;
	v7 =	vpop (erf)  }
0x59f: {  	v7 =	vadd.f32 v7, v12;
	v12 =	vmul.f32 $1.442695020e+00, v6;
	v9 =	vld.idx.msk [tilespmem:v9+s15+$0x0], $0xffff;
	(erf) = vpow2.f32 v13  }
0x5a0: {  	v8 =	vpop (erf)  }
0x5a1: {  	v10 =	vmul.f32 $1.442695020e+00, v10;
	v7 =	vadd.f32 v8, v7;
	v5 =	vld.idx.msk [tilespmem:v5+s15+$0x0], $0xffff;
	(erf) = vpow2.f32 v12  }
0x5a2: {  	v6 =	vpop (erf)  }
0x5a3: {  	v11 =	vmul.f32 $1.442695020e+00, v11;
	v6 =	vadd.f32 v6, v7;
	v3 =	vld.idx.msk [tilespmem:v3+s15+$0x0], $0xffff;
	(erf) = vpow2.f32 v10  }
0x5a4: {  	v8 =	vpop (erf)  }
0x5a5: {  	v6 =	vadd.f32 v8, v6;
	v8 =	vmul.f32 $1.442695020e+00, v9;
	(erf) = vpow2.f32 v11  }
0x5a6: {  	v7 =	vpop (erf)  }
0x5a7: {  	v9 =	vmul.f32 $1.442695020e+00, v5;
	v6 =	vadd.f32 v7, v6;
	(erf) = vpow2.f32 v8  }
0x5a8: {  	v7 =	vpop (erf)  }
0x5a9: {  	v6 =	vadd.f32 v7, v6;
	v7 =	vmul.f32 $1.442695020e+00, v3;
	(erf) = vpow2.f32 v9  }
0x5aa: {  	v5 =	vpop (erf)  }
0x5ab: {  	v6 =	vadd.f32 v5, v6;
	(erf) = vpow2.f32 v7  }
0x5ac: {  	v3 =	vpop (erf)  }
0x5ad: {  	v3 =	vadd.f32 v3, v6  }
0x5ae: {  	v5 =	vpop (erf)  }
0x5af: {  	v3 =	vadd.f32 v5, v3  }
0x5b0: {  	v5 =	vpop (erf)  }
0x5b1: {  	v3 =	vadd.f32 v5, v3  }
0x5b2: {  	v5 =	vpop (erf)  }
0x5b3: {  	v3 =	vadd.f32 v5, v3  }
0x5b4: {  	v5 =	vpop (erf)  }
0x5b5: {  	v3 =	vadd.f32 v5, v3;
	_ =	sdelay $0x1  }
0x5b6: {  	v5 =	vand.u32 $0x7FFFFF, v3  }
0x5b7: {  	v5 =	vor.u32 $0x3F800000, v5  }
0x5b8: {  	v6 =	vmul.f32 $5.000000000e-01, v5  }
0x5b9: {  	vm0 =	vgt.f32 v5, $1.414213540e+00  }
0x5ba: {  	v5 =	vsel vm0, v6, v5  }
0x5bb: {  	v6 =	vadd.f32 $1.000000000e+00, v5;
	_ =	sdelay $0x1  }
0x5bc: {  	(erf) = vrcp.f32 v6;
	_ =	sdelay $0x7  }
0x5bd: {  	v5 =	vadd.f32 $-1.000000000e+00, v5  }
0x5be: {  	v6 =	vpop (erf)  }
0x5bf: {  	v5 =	vmul.f32 v6, v5;
	_ =	sdelay $0x1  }
0x5c0: {  	v6 =	vmul.f32 v5, v5;
	v5 =	vadd.f32 v5, v5;
	_ =	sdelay $0x1  }
0x5c1: {  	v7 =	vmul.f32 $1.111111120e-01, v6;
	_ =	sdelay $0x1  }
0x5c2: {  	v7 =	vadd.f32 $1.428571490e-01, v7;
	_ =	sdelay $0x1  }
0x5c3: {  	v7 =	vmul.f32 v7, v6;
	_ =	sdelay $0x1  }
0x5c4: {  	v7 =	vadd.f32 $2.000000030e-01, v7;
	_ =	sdelay $0x1  }
0x5c5: {  	v7 =	vmul.f32 v7, v6;
	_ =	sdelay $0x1  }
0x5c6: {  	v7 =	vadd.f32 $3.333333430e-01, v7;
	_ =	sdelay $0x1  }
0x5c7: {  	v3 =	vshra.s32 v3, $0x17;
	v8 =	vsel vm0, $0xFFFFFF82, v1;
	v6 =	vmul.f32 v7, v6  }
.Ltmp1:
0x5c8: {  	v3 =	vadd.s32 v3, v8;
	(pc) =	sbr.rel @p0 .LBB2_5-.Ltmp1, $4  }
0x5c9: {  	v3 =	vcvt.s32.f32 v3;
	v6 =	vadd.f32 $1.000000000e+00, v6  }
0x5ca: {  	s26 =	sadd.s32 $0x10, s26  }
0x5cb: {  	v9 =	vmov s29;
	v7 =	vmul.f32 $6.931471820e-01, v3;
	v8 =	vmul.f32 v6, v5;
	v6 =	vld [tilespmem:s26+$0x0]  }
0x5cc: {  	s29 =	sadd.s32 $0x10, s29;
	v3 =	vshll.u32 v9, $0x7  }
0x5cd: {  	v5 =	vor.u32 v0, v3;
	v3 =	vadd.f32 v8, v7  }
0x5ce: {  	v31 =	vor.u32 $0x1, v5  }
0x5cf: {  	v3 =	vsub.f32 v3, v4  }
0x5d0: {  	vm0 =	vgt.s32 v6, $0x0  }
0x5d1: {  	s28 =	sadd.s32 $0x10, s28;
	v32 =	vor.u32 $0x2, v5;
	v3 =	vsel vm0, $0xFF800000, v3  }
0x5d2: {  	[tilespmem:s28+$0x0] =	vst v3  }
0x5d3: {  	v33 =	vor.u32 $0x3, v5;
	v7 =	vld.idx.msk [tilespmem:v31+s15+$0x0], $0xffff  }
0x5d4: {  	v4 =	vld.idx.msk [tilespmem:v5+s15+$0x0], $0xffff  }
0x5d5: {  	v9 =	vor.u32 $0x4, v5  }
0x5d6: {  	v6 =	vld.idx.msk [tilespmem:v32+s15+$0x0], $0xffff  }
0x5d7: {  	v10 =	vor.u32 $0x5, v5  }
0x5d8: {  	v8 =	vld.idx.msk [tilespmem:v33+s15+$0x0], $0xffff;
	v7 =	vmul.f32 $1.442695020e+00, v7  }
0x5d9: {  	v12 =	vor.u32 $0x6, v5;
	v11 =	vmul.f32 $1.442695020e+00, v4  }
0x5da: {  	v34 =	vld.idx.msk [tilespmem:v9+s15+$0x0], $0xffff;
	(erf) = vpow2.f32 v7  }
0x5db: {  	v35 =	vor.u32 $0x7, v5;
	v6 =	vmul.f32 $1.442695020e+00, v6;
	(erf) = vpow2.f32 v11  }
0x5dc: {  	v10 =	vld.idx.msk [tilespmem:v10+s15+$0x0], $0xffff  }
0x5dd: {  	v36 =	vor.u32 $0x8, v5;
	v8 =	vmul.f32 $1.442695020e+00, v8;
	(erf) = vpow2.f32 v6  }
0x5de: {  	v37 =	vld.idx.msk [tilespmem:v12+s15+$0x0], $0xffff  }
0x5df: {  	v38 =	vor.u32 $0x9, v5;
	v7 =	vmul.f32 $1.442695020e+00, v34;
	(erf) = vpow2.f32 v8  }
0x5e0: {  	v39 =	vld.idx.msk [tilespmem:v35+s15+$0x0], $0xffff  }
0x5e1: {  	v40 =	vor.u32 $0xA, v5;
	v10 =	vmul.f32 $1.442695020e+00, v10;
	(erf) = vpow2.f32 v7  }
0x5e2: {  	v6 =	vld.idx.msk [tilespmem:v36+s15+$0x0], $0xffff  }
0x5e3: {  	v13 =	vor.u32 $0xB, v5;
	v11 =	vmul.f32 $1.442695020e+00, v37;
	v41 =	vpop (erf);
	(erf) = vpow2.f32 v10  }
0x5e4: {  	v43 =	vor.u32 $0xC, v5;
	v12 =	vld.idx.msk [tilespmem:v38+s15+$0x0], $0xffff;
	v42 =	vpop (erf)  }
0x5e5: {  	v8 =	vmul.f32 $1.442695020e+00, v39;
	(erf) = vpow2.f32 v11;
	v7 =	vadd.f32 v41, v42  }
0x5e6: {  	v45 =	vor.u32 $0xD, v5;
	v9 =	vld.idx.msk [tilespmem:v40+s15+$0x0], $0xffff;
	v44 =	vpop (erf)  }
0x5e7: {  	v6 =	vmul.f32 $1.442695020e+00, v6;
	(erf) = vpow2.f32 v8;
	v7 =	vadd.f32 v44, v7  }
0x5e8: {  	v48 =	vor.u32 $0xE, v5;
	v46 =	vld.idx.msk [tilespmem:v13+s15+$0x0], $0xffff;
	v47 =	vpop (erf)  }
0x5e9: {  	v12 =	vmul.f32 $1.442695020e+00, v12;
	(erf) = vpow2.f32 v6;
	v7 =	vadd.f32 v47, v7  }
0x5ea: {  	v50 =	vor.u32 $0xF, v5;
	v10 =	vld.idx.msk [tilespmem:v43+s15+$0x0], $0xffff;
	v49 =	vpop (erf)  }
0x5eb: {  	v9 =	vmul.f32 $1.442695020e+00, v9;
	(erf) = vpow2.f32 v12;
	v7 =	vadd.f32 v49, v7  }
0x5ec: {  	v52 =	vor.u32 $0x10, v5;
	v11 =	vld.idx.msk [tilespmem:v45+s15+$0x0], $0xffff;
	v51 =	vpop (erf)  }
0x5ed: {  	v8 =	vmul.f32 $1.442695020e+00, v46;
	(erf) = vpow2.f32 v9;
	v7 =	vadd.f32 v51, v7  }
0x5ee: {  	v54 =	vor.u32 $0x11, v5;
	v6 =	vld.idx.msk [tilespmem:v48+s15+$0x0], $0xffff;
	v53 =	vpop (erf)  }
0x5ef: {  	v10 =	vmul.f32 $1.442695020e+00, v10;
	(erf) = vpow2.f32 v8;
	v7 =	vadd.f32 v53, v7  }
0x5f0: {  	v56 =	vor.u32 $0x12, v5;
	v12 =	vld.idx.msk [tilespmem:v50+s15+$0x0], $0xffff;
	v55 =	vpop (erf)  }
0x5f1: {  	v11 =	vmul.f32 $1.442695020e+00, v11;
	(erf) = vpow2.f32 v10;
	v7 =	vadd.f32 v55, v7  }
0x5f2: {  	v58 =	vor.u32 $0x13, v5;
	v9 =	vld.idx.msk [tilespmem:v52+s15+$0x0], $0xffff;
	v57 =	vpop (erf)  }
0x5f3: {  	v6 =	vmul.f32 $1.442695020e+00, v6;
	(erf) = vpow2.f32 v11;
	v7 =	vadd.f32 v57, v7  }
0x5f4: {  	v60 =	vor.u32 $0x14, v5;
	v8 =	vld.idx.msk [tilespmem:v54+s15+$0x0], $0xffff;
	v59 =	vpop (erf)  }
0x5f5: {  	v12 =	vmul.f32 $1.442695020e+00, v12;
	(erf) = vpow2.f32 v6;
	v7 =	vadd.f32 v59, v7  }
0x5f6: {  	v62 =	vor.u32 $0x15, v5;
	v10 =	vld.idx.msk [tilespmem:v56+s15+$0x0], $0xffff;
	v61 =	vpop (erf)  }
0x5f7: {  	v9 =	vmul.f32 $1.442695020e+00, v9;
	(erf) = vpow2.f32 v12;
	v6 =	vadd.f32 v61, v7  }
0x5f8: {  	v16 =	vor.u32 $0x16, v5;
	v11 =	vld.idx.msk [tilespmem:v58+s15+$0x0], $0xffff;
	v63 =	vpop (erf)  }
0x5f9: {  	v8 =	vmul.f32 $1.442695020e+00, v8;
	(erf) = vpow2.f32 v9;
	v6 =	vadd.f32 v63, v6  }
0x5fa: {  	v18 =	vor.u32 $0x17, v5;
	v13 =	vld.idx.msk [tilespmem:v60+s15+$0x0], $0xffff;
	v17 =	vpop (erf)  }
0x5fb: {  	v10 =	vmul.f32 $1.442695020e+00, v10;
	(erf) = vpow2.f32 v8;
	v6 =	vadd.f32 v17, v6  }
0x5fc: {  	v20 =	vor.u32 $0x18, v5;
	v7 =	vld.idx.msk [tilespmem:v62+s15+$0x0], $0xffff;
	v19 =	vpop (erf)  }
0x5fd: {  	v11 =	vmul.f32 $1.442695020e+00, v11;
	(erf) = vpow2.f32 v10;
	v6 =	vadd.f32 v19, v6  }
0x5fe: {  	v24 =	vor.u32 $0x19, v5;
	v21 =	vld.idx.msk [tilespmem:v16+s15+$0x0], $0xffff;
	v22 =	vpop (erf)  }
0x5ff: {  	v23 =	vmul.f32 $1.442695020e+00, v13;
	(erf) = vpow2.f32 v11;
	v6 =	vadd.f32 v22, v6  }
0x600: {  	v26 =	vor.u32 $0x1A, v5;
	v9 =	vld.idx.msk [tilespmem:v18+s15+$0x0], $0xffff;
	v25 =	vpop (erf)  }
0x601: {  	v7 =	vmul.f32 $1.442695020e+00, v7;
	(erf) = vpow2.f32 v23;
	v6 =	vadd.f32 v25, v6  }
0x602: {  	v28 =	vor.u32 $0x1B, v5;
	v8 =	vld.idx.msk [tilespmem:v20+s15+$0x0], $0xffff;
	v27 =	vpop (erf)  }
0x603: {  	v10 =	vmul.f32 $1.442695020e+00, v21;
	(erf) = vpow2.f32 v7;
	v6 =	vadd.f32 v27, v6  }
0x604: {  	v30 =	vor.u32 $0x1C, v5;
	v11 =	vld.idx.msk [tilespmem:v24+s15+$0x0], $0xffff;
	v29 =	vpop (erf)  }
0x605: {  	v9 =	vmul.f32 $1.442695020e+00, v9;
	(erf) = vpow2.f32 v10;
	v6 =	vadd.f32 v29, v6  }
0x606: {  	v32 =	vor.u32 $0x1D, v5;
	v12 =	vld.idx.msk [tilespmem:v26+s15+$0x0], $0xffff;
	v31 =	vpop (erf)  }
0x607: {  	v8 =	vmul.f32 $1.442695020e+00, v8;
	(erf) = vpow2.f32 v9;
	v6 =	vadd.f32 v31, v6  }
0x608: {  	v34 =	vor.u32 $0x1E, v5;
	v7 =	vld.idx.msk [tilespmem:v28+s15+$0x0], $0xffff;
	v33 =	vpop (erf)  }
0x609: {  	v11 =	vmul.f32 $1.442695020e+00, v11;
	(erf) = vpow2.f32 v8;
	v6 =	vadd.f32 v33, v6  }
0x60a: {  	v36 =	vor.u32 $0x1F, v5;
	v10 =	vld.idx.msk [tilespmem:v30+s15+$0x0], $0xffff;
	v35 =	vpop (erf)  }
0x60b: {  	v12 =	vmul.f32 $1.442695020e+00, v12;
	(erf) = vpow2.f32 v11;
	v6 =	vadd.f32 v35, v6  }
0x60c: {  	v38 =	vor.u32 $0x20, v5;
	v9 =	vld.idx.msk [tilespmem:v32+s15+$0x0], $0xffff;
	v37 =	vpop (erf)  }
0x60d: {  	v7 =	vmul.f32 $1.442695020e+00, v7;
	(erf) = vpow2.f32 v12;
	v6 =	vadd.f32 v37, v6  }
0x60e: {  	v40 =	vor.u32 $0x21, v5;
	v8 =	vld.idx.msk [tilespmem:v34+s15+$0x0], $0xffff;
	v39 =	vpop (erf)  }
0x60f: {  	v10 =	vmul.f32 $1.442695020e+00, v10;
	(erf) = vpow2.f32 v7;
	v6 =	vadd.f32 v39, v6  }
0x610: {  	v13 =	vld.idx.msk [tilespmem:v36+s15+$0x0], $0xffff;
	v42 =	vor.u32 $0x22, v5;
	v41 =	vpop (erf)  }
0x611: {  	v9 =	vmul.f32 $1.442695020e+00, v9;
	(erf) = vpow2.f32 v10;
	v6 =	vadd.f32 v41, v6  }
0x612: {  	v44 =	vor.u32 $0x23, v5;
	v11 =	vld.idx.msk [tilespmem:v38+s15+$0x0], $0xffff;
	v43 =	vpop (erf)  }
0x613: {  	v8 =	vmul.f32 $1.442695020e+00, v8;
	(erf) = vpow2.f32 v9;
	v6 =	vadd.f32 v43, v6  }
0x614: {  	v45 =	vld.idx.msk [tilespmem:v40+s15+$0x0], $0xffff;
	v48 =	vor.u32 $0x24, v5;
	v46 =	vpop (erf)  }
0x615: {  	v47 =	vmul.f32 $1.442695020e+00, v13;
	(erf) = vpow2.f32 v8;
	v6 =	vadd.f32 v46, v6  }
0x616: {  	v50 =	vor.u32 $0x25, v5;
	v7 =	vld.idx.msk [tilespmem:v42+s15+$0x0], $0xffff;
	v49 =	vpop (erf)  }
0x617: {  	v11 =	vmul.f32 $1.442695020e+00, v11;
	(erf) = vpow2.f32 v47;
	v6 =	vadd.f32 v49, v6  }
0x618: {  	v52 =	vor.u32 $0x26, v5;
	v10 =	vld.idx.msk [tilespmem:v44+s15+$0x0], $0xffff;
	v51 =	vpop (erf)  }
0x619: {  	v9 =	vmul.f32 $1.442695020e+00, v45;
	(erf) = vpow2.f32 v11;
	v6 =	vadd.f32 v51, v6  }
0x61a: {  	v54 =	vor.u32 $0x27, v5;
	v8 =	vld.idx.msk [tilespmem:v48+s15+$0x0], $0xffff;
	v53 =	vpop (erf)  }
0x61b: {  	v7 =	vmul.f32 $1.442695020e+00, v7;
	(erf) = vpow2.f32 v9;
	v6 =	vadd.f32 v53, v6  }
0x61c: {  	v56 =	vor.u32 $0x28, v5;
	v12 =	vld.idx.msk [tilespmem:v50+s15+$0x0], $0xffff;
	v55 =	vpop (erf)  }
0x61d: {  	v10 =	vmul.f32 $1.442695020e+00, v10;
	(erf) = vpow2.f32 v7;
	v6 =	vadd.f32 v55, v6  }
0x61e: {  	v58 =	vor.u32 $0x29, v5;
	v11 =	vld.idx.msk [tilespmem:v52+s15+$0x0], $0xffff;
	v57 =	vpop (erf)  }
0x61f: {  	v8 =	vmul.f32 $1.442695020e+00, v8;
	(erf) = vpow2.f32 v10;
	v6 =	vadd.f32 v57, v6  }
0x620: {  	v60 =	vor.u32 $0x2A, v5;
	v9 =	vld.idx.msk [tilespmem:v54+s15+$0x0], $0xffff;
	v59 =	vpop (erf)  }
0x621: {  	v12 =	vmul.f32 $1.442695020e+00, v12;
	(erf) = vpow2.f32 v8;
	v6 =	vadd.f32 v59, v6  }
0x622: {  	v62 =	vor.u32 $0x2B, v5;
	v7 =	vld.idx.msk [tilespmem:v56+s15+$0x0], $0xffff;
	v61 =	vpop (erf)  }
0x623: {  	v11 =	vmul.f32 $1.442695020e+00, v11;
	(erf) = vpow2.f32 v12;
	v6 =	vadd.f32 v61, v6  }
0x624: {  	v16 =	vor.u32 $0x2C, v5;
	v10 =	vld.idx.msk [tilespmem:v58+s15+$0x0], $0xffff;
	v63 =	vpop (erf)  }
0x625: {  	v9 =	vmul.f32 $1.442695020e+00, v9;
	(erf) = vpow2.f32 v11;
	v6 =	vadd.f32 v63, v6  }
0x626: {  	v13 =	vld.idx.msk [tilespmem:v60+s15+$0x0], $0xffff;
	v18 =	vor.u32 $0x2D, v5;
	v17 =	vpop (erf)  }
0x627: {  	v7 =	vmul.f32 $1.442695020e+00, v7;
	(erf) = vpow2.f32 v9;
	v6 =	vadd.f32 v17, v6  }
0x628: {  	v20 =	vor.u32 $0x2E, v5;
	v8 =	vld.idx.msk [tilespmem:v62+s15+$0x0], $0xffff;
	v19 =	vpop (erf)  }
0x629: {  	v10 =	vmul.f32 $1.442695020e+00, v10;
	(erf) = vpow2.f32 v7;
	v6 =	vadd.f32 v19, v6  }
0x62a: {  	v21 =	vld.idx.msk [tilespmem:v16+s15+$0x0], $0xffff;
	v24 =	vor.u32 $0x2F, v5;
	v22 =	vpop (erf)  }
0x62b: {  	v23 =	vmul.f32 $1.442695020e+00, v13;
	(erf) = vpow2.f32 v10;
	v6 =	vadd.f32 v22, v6  }
0x62c: {  	v26 =	vor.u32 $0x30, v5;
	v11 =	vld.idx.msk [tilespmem:v18+s15+$0x0], $0xffff;
	v25 =	vpop (erf)  }
0x62d: {  	v8 =	vmul.f32 $1.442695020e+00, v8;
	(erf) = vpow2.f32 v23;
	v6 =	vadd.f32 v25, v6  }
0x62e: {  	v28 =	vor.u32 $0x31, v5;
	v9 =	vld.idx.msk [tilespmem:v20+s15+$0x0], $0xffff;
	v27 =	vpop (erf)  }
0x62f: {  	v7 =	vmul.f32 $1.442695020e+00, v21;
	(erf) = vpow2.f32 v8;
	v6 =	vadd.f32 v27, v6  }
0x630: {  	v30 =	vor.u32 $0x32, v5;
	v10 =	vld.idx.msk [tilespmem:v24+s15+$0x0], $0xffff;
	v29 =	vpop (erf)  }
0x631: {  	v11 =	vmul.f32 $1.442695020e+00, v11;
	(erf) = vpow2.f32 v7;
	v6 =	vadd.f32 v29, v6  }
0x632: {  	v32 =	vor.u32 $0x33, v5;
	v12 =	vld.idx.msk [tilespmem:v26+s15+$0x0], $0xffff;
	v31 =	vpop (erf)  }
0x633: {  	v9 =	vmul.f32 $1.442695020e+00, v9;
	(erf) = vpow2.f32 v11;
	v6 =	vadd.f32 v31, v6  }
0x634: {  	v34 =	vor.u32 $0x34, v5;
	v8 =	vld.idx.msk [tilespmem:v28+s15+$0x0], $0xffff;
	v33 =	vpop (erf)  }
0x635: {  	v10 =	vmul.f32 $1.442695020e+00, v10;
	(erf) = vpow2.f32 v9;
	v6 =	vadd.f32 v33, v6  }
0x636: {  	v36 =	vor.u32 $0x35, v5;
	v7 =	vld.idx.msk [tilespmem:v30+s15+$0x0], $0xffff;
	v35 =	vpop (erf)  }
0x637: {  	v12 =	vmul.f32 $1.442695020e+00, v12;
	(erf) = vpow2.f32 v10;
	v6 =	vadd.f32 v35, v6  }
0x638: {  	v38 =	vor.u32 $0x36, v5;
	v11 =	vld.idx.msk [tilespmem:v32+s15+$0x0], $0xffff;
	v37 =	vpop (erf)  }
0x639: {  	v8 =	vmul.f32 $1.442695020e+00, v8;
	(erf) = vpow2.f32 v12;
	v6 =	vadd.f32 v37, v6  }
0x63a: {  	v40 =	vor.u32 $0x37, v5;
	v9 =	vld.idx.msk [tilespmem:v34+s15+$0x0], $0xffff;
	v39 =	vpop (erf)  }
0x63b: {  	v7 =	vmul.f32 $1.442695020e+00, v7;
	(erf) = vpow2.f32 v8;
	v6 =	vadd.f32 v39, v6  }
0x63c: {  	v13 =	vld.idx.msk [tilespmem:v36+s15+$0x0], $0xffff;
	v42 =	vor.u32 $0x38, v5;
	v41 =	vpop (erf)  }
0x63d: {  	v11 =	vmul.f32 $1.442695020e+00, v11;
	(erf) = vpow2.f32 v7;
	v6 =	vadd.f32 v41, v6  }
0x63e: {  	v44 =	vor.u32 $0x39, v5;
	v10 =	vld.idx.msk [tilespmem:v38+s15+$0x0], $0xffff;
	v43 =	vpop (erf)  }
0x63f: {  	v9 =	vmul.f32 $1.442695020e+00, v9;
	(erf) = vpow2.f32 v11;
	v6 =	vadd.f32 v43, v6  }
0x640: {  	v45 =	vld.idx.msk [tilespmem:v40+s15+$0x0], $0xffff;
	v48 =	vor.u32 $0x3A, v5;
	v46 =	vpop (erf)  }
0x641: {  	v47 =	vmul.f32 $1.442695020e+00, v13;
	(erf) = vpow2.f32 v9;
	v6 =	vadd.f32 v46, v6  }
0x642: {  	v50 =	vor.u32 $0x3B, v5;
	v8 =	vld.idx.msk [tilespmem:v42+s15+$0x0], $0xffff;
	v49 =	vpop (erf)  }
0x643: {  	v10 =	vmul.f32 $1.442695020e+00, v10;
	(erf) = vpow2.f32 v47;
	v6 =	vadd.f32 v49, v6  }
0x644: {  	v52 =	vor.u32 $0x3C, v5;
	v7 =	vld.idx.msk [tilespmem:v44+s15+$0x0], $0xffff;
	v51 =	vpop (erf)  }
0x645: {  	v11 =	vmul.f32 $1.442695020e+00, v45;
	(erf) = vpow2.f32 v10;
	v6 =	vadd.f32 v51, v6  }
0x646: {  	v54 =	vor.u32 $0x3D, v5;
	v9 =	vld.idx.msk [tilespmem:v48+s15+$0x0], $0xffff;
	v53 =	vpop (erf)  }
0x647: {  	v8 =	vmul.f32 $1.442695020e+00, v8;
	(erf) = vpow2.f32 v11;
	v6 =	vadd.f32 v53, v6  }
0x648: {  	v56 =	vor.u32 $0x3E, v5;
	v12 =	vld.idx.msk [tilespmem:v50+s15+$0x0], $0xffff;
	v55 =	vpop (erf)  }
0x649: {  	v7 =	vmul.f32 $1.442695020e+00, v7;
	(erf) = vpow2.f32 v8;
	v6 =	vadd.f32 v55, v6  }
0x64a: {  	v58 =	vor.u32 $0x3F, v5;
	v10 =	vld.idx.msk [tilespmem:v52+s15+$0x0], $0xffff;
	v57 =	vpop (erf)  }
0x64b: {  	v9 =	vmul.f32 $1.442695020e+00, v9;
	(erf) = vpow2.f32 v7;
	v6 =	vadd.f32 v57, v6  }
0x64c: {  	v60 =	vor.u32 $0x40, v5;
	v11 =	vld.idx.msk [tilespmem:v54+s15+$0x0], $0xffff;
	v59 =	vpop (erf)  }
0x64d: {  	v12 =	vmul.f32 $1.442695020e+00, v12;
	(erf) = vpow2.f32 v9;
	v6 =	vadd.f32 v59, v6  }
0x64e: {  	v62 =	vor.u32 $0x41, v5;
	v8 =	vld.idx.msk [tilespmem:v56+s15+$0x0], $0xffff;
	v61 =	vpop (erf)  }
0x64f: {  	v10 =	vmul.f32 $1.442695020e+00, v10;
	(erf) = vpow2.f32 v12;
	v6 =	vadd.f32 v61, v6  }
0x650: {  	v16 =	vor.u32 $0x42, v5;
	v7 =	vld.idx.msk [tilespmem:v58+s15+$0x0], $0xffff;
	v63 =	vpop (erf)  }
0x651: {  	v11 =	vmul.f32 $1.442695020e+00, v11;
	(erf) = vpow2.f32 v10;
	v6 =	vadd.f32 v63, v6  }
0x652: {  	v13 =	vld.idx.msk [tilespmem:v60+s15+$0x0], $0xffff;
	v18 =	vor.u32 $0x43, v5;
	v17 =	vpop (erf)  }
0x653: {  	v8 =	vmul.f32 $1.442695020e+00, v8;
	(erf) = vpow2.f32 v11;
	v6 =	vadd.f32 v17, v6  }
0x654: {  	v20 =	vor.u32 $0x44, v5;
	v9 =	vld.idx.msk [tilespmem:v62+s15+$0x0], $0xffff;
	v19 =	vpop (erf)  }
0x655: {  	v7 =	vmul.f32 $1.442695020e+00, v7;
	(erf) = vpow2.f32 v8;
	v6 =	vadd.f32 v19, v6  }
0x656: {  	v21 =	vld.idx.msk [tilespmem:v16+s15+$0x0], $0xffff;
	v24 =	vor.u32 $0x45, v5;
	v22 =	vpop (erf)  }
0x657: {  	v23 =	vmul.f32 $1.442695020e+00, v13;
	(erf) = vpow2.f32 v7;
	v6 =	vadd.f32 v22, v6  }
0x658: {  	v26 =	vor.u32 $0x46, v5;
	v10 =	vld.idx.msk [tilespmem:v18+s15+$0x0], $0xffff;
	v25 =	vpop (erf)  }
0x659: {  	v9 =	vmul.f32 $1.442695020e+00, v9;
	(erf) = vpow2.f32 v23;
	v6 =	vadd.f32 v25, v6  }
0x65a: {  	v28 =	vor.u32 $0x47, v5;
	v11 =	vld.idx.msk [tilespmem:v20+s15+$0x0], $0xffff;
	v27 =	vpop (erf)  }
0x65b: {  	v8 =	vmul.f32 $1.442695020e+00, v21;
	(erf) = vpow2.f32 v9;
	v6 =	vadd.f32 v27, v6  }
0x65c: {  	v30 =	vor.u32 $0x48, v5;
	v7 =	vld.idx.msk [tilespmem:v24+s15+$0x0], $0xffff;
	v29 =	vpop (erf)  }
0x65d: {  	v10 =	vmul.f32 $1.442695020e+00, v10;
	(erf) = vpow2.f32 v8;
	v6 =	vadd.f32 v29, v6  }
0x65e: {  	v32 =	vor.u32 $0x49, v5;
	v12 =	vld.idx.msk [tilespmem:v26+s15+$0x0], $0xffff;
	v31 =	vpop (erf)  }
0x65f: {  	v11 =	vmul.f32 $1.442695020e+00, v11;
	(erf) = vpow2.f32 v10;
	v6 =	vadd.f32 v31, v6  }
0x660: {  	v34 =	vor.u32 $0x4A, v5;
	v9 =	vld.idx.msk [tilespmem:v28+s15+$0x0], $0xffff;
	v33 =	vpop (erf)  }
0x661: {  	v7 =	vmul.f32 $1.442695020e+00, v7;
	(erf) = vpow2.f32 v11;
	v6 =	vadd.f32 v33, v6  }
0x662: {  	v36 =	vor.u32 $0x4B, v5;
	v8 =	vld.idx.msk [tilespmem:v30+s15+$0x0], $0xffff;
	v35 =	vpop (erf)  }
0x663: {  	v12 =	vmul.f32 $1.442695020e+00, v12;
	(erf) = vpow2.f32 v7;
	v6 =	vadd.f32 v35, v6  }
0x664: {  	v38 =	vor.u32 $0x4C, v5;
	v10 =	vld.idx.msk [tilespmem:v32+s15+$0x0], $0xffff;
	v37 =	vpop (erf)  }
0x665: {  	v9 =	vmul.f32 $1.442695020e+00, v9;
	(erf) = vpow2.f32 v12;
	v6 =	vadd.f32 v37, v6  }
0x666: {  	v40 =	vor.u32 $0x4D, v5;
	v11 =	vld.idx.msk [tilespmem:v34+s15+$0x0], $0xffff;
	v39 =	vpop (erf)  }
0x667: {  	v8 =	vmul.f32 $1.442695020e+00, v8;
	(erf) = vpow2.f32 v9;
	v6 =	vadd.f32 v39, v6  }
0x668: {  	v13 =	vld.idx.msk [tilespmem:v36+s15+$0x0], $0xffff;
	v42 =	vor.u32 $0x4E, v5;
	v41 =	vpop (erf)  }
0x669: {  	v10 =	vmul.f32 $1.442695020e+00, v10;
	(erf) = vpow2.f32 v8;
	v6 =	vadd.f32 v41, v6  }
0x66a: {  	v44 =	vor.u32 $0x4F, v5;
	v7 =	vld.idx.msk [tilespmem:v38+s15+$0x0], $0xffff;
	v43 =	vpop (erf)  }
0x66b: {  	v11 =	vmul.f32 $1.442695020e+00, v11;
	(erf) = vpow2.f32 v10;
	v6 =	vadd.f32 v43, v6  }
0x66c: {  	v5 =	vor.u32 $0x50, v5;
	v45 =	vld.idx.msk [tilespmem:v40+s15+$0x0], $0xffff;
	v46 =	vpop (erf)  }
0x66d: {  	v47 =	vmul.f32 $1.442695020e+00, v13;
	(erf) = vpow2.f32 v11;
	v6 =	vadd.f32 v46, v6  }
0x66e: {  	v9 =	vld.idx.msk [tilespmem:v42+s15+$0x0], $0xffff;
	v48 =	vpop (erf)  }
0x66f: {  	v7 =	vmul.f32 $1.442695020e+00, v7;
	(erf) = vpow2.f32 v47;
	v6 =	vadd.f32 v48, v6  }
0x670: {  	v8 =	vld.idx.msk [tilespmem:v44+s15+$0x0], $0xffff;
	v49 =	vpop (erf)  }
0x671: {  	v10 =	vmul.f32 $1.442695020e+00, v45;
	(erf) = vpow2.f32 v7;
	v6 =	vadd.f32 v49, v6  }
0x672: {  	v5 =	vld.idx.msk [tilespmem:v5+s15+$0x0], $0xffff;
	v50 =	vpop (erf)  }
0x673: {  	v51 =	vmul.f32 $1.442695020e+00, v9;
	(erf) = vpow2.f32 v10;
	v6 =	vadd.f32 v50, v6  }
0x674: {  	v52 =	vpop (erf)  }
0x675: {  	v8 =	vmul.f32 $1.442695020e+00, v8;
	(erf) = vpow2.f32 v51;
	v6 =	vadd.f32 v52, v6  }
0x676: {  	v53 =	vpop (erf)  }
0x677: {  	v5 =	vmul.f32 $1.442695020e+00, v5;
	(erf) = vpow2.f32 v8;
	v6 =	vadd.f32 v53, v6  }
0x678: {  	v54 =	vpop (erf)  }
0x679: {  	(erf) = vpow2.f32 v5;
	v6 =	vadd.f32 v54, v6  }
0x67a: {  	v55 =	vpop (erf)  }
0x67b: {  	v5 =	vadd.f32 v55, v6  }
0x67c: {  	v56 =	vpop (erf)  }
0x67d: {  	v5 =	vadd.f32 v56, v5  }
0x67e: {  	v57 =	vpop (erf)  }
0x67f: {  	v5 =	vadd.f32 v57, v5  }
0x680: {  	v58 =	vpop (erf)  }
0x681: {  	v5 =	vadd.f32 v58, v5  }
0x682: {  	v59 =	vpop (erf)  }
0x683: {  	v5 =	vadd.f32 v59, v5;
	_ =	sdelay $0x1  }
0x684: {  	v6 =	vand.u32 $0x7FFFFF, v5  }
0x685: {  	v6 =	vor.u32 $0x3F800000, v6  }
0x686: {  	v60 =	vmul.f32 $5.000000000e-01, v6  }
0x687: {  	vm14 =	vgt.f32 v6, $1.414213540e+00  }
0x688: {  	v6 =	vsel vm14, v60, v6  }
0x689: {  	v7 =	vadd.f32 $1.000000000e+00, v6;
	_ =	sdelay $0x1  }
0x68a: {  	(erf) = vrcp.f32 v7;
	_ =	sdelay $0x7  }
0x68b: {  	v6 =	vadd.f32 $-1.000000000e+00, v6  }
0x68c: {  	v7 =	vpop (erf)  }
0x68d: {  	v6 =	vmul.f32 v7, v6;
	_ =	sdelay $0x1  }
0x68e: {  	v7 =	vmul.f32 v6, v6;
	_ =	sdelay $0x1  }
0x68f: {  	v61 =	vmul.f32 $1.111111120e-01, v7;
	_ =	sdelay $0x1  }
0x690: {  	v8 =	vadd.f32 $1.428571490e-01, v61;
	_ =	sdelay $0x1  }
0x691: {  	v8 =	vmul.f32 v8, v7;
	_ =	sdelay $0x1  }
0x692: {  	v8 =	vadd.f32 $2.000000030e-01, v8;
	_ =	sdelay $0x1  }
0x693: {  	v8 =	vmul.f32 v8, v7;
	_ =	sdelay $0x1  }
0x694: {  	v8 =	vadd.f32 $3.333333430e-01, v8;
	_ =	sdelay $0x1  }
0x695: {  	v5 =	vshra.s32 v5, $0x17;
	v62 =	vsel vm14, $0xFFFFFF82, v1;
	v7 =	vmul.f32 v8, v7  }
0x696: {  	v5 =	vadd.s32 v5, v62  }
0x697: {  	v5 =	vcvt.s32.f32 v5;
	v6 =	vadd.f32 v6, v6;
	v7 =	vadd.f32 $1.000000000e+00, v7  }
0x698: {  	s26 =	sadd.s32 $0x10, s26  }
0x699: {  	v63 =	vld [tilespmem:s26+$0x0];
	v5 =	vmul.f32 $6.931471820e-01, v5;
	v6 =	vmul.f32 v7, v6  }
0x69a: {  	s25 =	sadd.s32 $0x1, s25  }
0x69b: {  	p0 =	sne.s32 s25, $0x8;
	v5 =	vadd.f32 v6, v5  }
.Ltmp2:
0x69c: {  	_ = 	snop;
	(pc) =	sbr.rel @p0 .LBB2_2-.Ltmp2, $4  }
0x69d: {  	v4 =	vsub.f32 v5, v4  }
0x69e: {  	vm15 =	vgt.s32 v63, $0x0  }
0x69f: {  	s24 =	sadd.s32 $0x200, s24;
	s31 =	sadd.s32 $0x10, s28;
	v2 =	vmax.f32 v2, v3;
	v3 =	vsel vm15, $0xFF800000, v4  }
0x6a0: {  	s21 =	sadd.s32 $0x200, s21;
	s22 =	sadd.s32 $0x200, s22;
	s23 =	sadd.s32 $0x200, s23;
	[tilespmem:s31+$0x0] =	vst v3;
	v2 =	vmax.f32 v2, v3  }
0x6a1: {  	[tilespmem:$0x12000] =	vst v2  }
0x6a2: {  	[hbm4b:s9+s3] =	stream.linear.scatter [tilespmem:s18], [sflag:$0x3], $0x80, $0x38;
	[tilespmem:$0x12080] =	vst v63  }
0x6a3: {  	s20 =	sadd.s32 $0x1, s20;
	_ =	swait.ge [sflag:s14], $0x80  }
0x6a4: {  	p0 =	sne.s32 s20, s11;
	[sflag:s14] =	ssyncset.done $0x0  }
.Ltmp3:
0x6a5: {  	[sflag:s14] =	ssyncadd.s32 $0xFFFFFF80;
	(pc) =	sbr.rel @p0 .LBB2_1-.Ltmp3, $4  }
0x6a6: {  	[hbm4b:s10+s12] =	stream.strided.scatter [tilespmem:s19], [sflag:$0x3], $0x1000, s13, s12, $0x38;
	[tilespmem:$0x12080] =	vst v63  }
0x6a7: {  	_ =	swait.ge [sflag:s14], $0x1000  }
0x6a8: {  	[sflag:s14] =	ssyncset.done $0x0  }
0x6a9: {  	[sflag:s14] =	ssyncadd.s32 $0xFFFFF000  }
0x6aa: {  	_ =	sfence.sel $0x180000  }
0x6ab: {  	[bflag:$0x0] =	sbarrier.arrive $0xFFFF  }
0x6ac: {  	p0 =	sne.s32 s0, $0x0;
	_ =	strace $0x90000047  }
0x6ad: {  	s0 =	sadd.s32 @!p0 $0x100000, s2;
	[bflag:$0x2] =	sbarrier.arrive $0xFFFF  }
0x6ae: {  	[sflag:s0] =	ssyncadd.tile.s32 @!p0 $0x1;
	_ =	shalt  }
.Lfunc_end2:
_tile_overlayer_lowered:
.L_overlay_start_2:
0x6af: {  	(tag) =	ssettag $0x2  }
0x6b0: {  	s0 =	rddreg [dreg:$0x0];
	s2 =	stileid.u32  }
0x6b1: {  	s1 =	rddreg [dreg:$0x1];
	p0 =	sne.s32 s2, $0x0  }
0x6b2: {  	s3 =	rddreg [dreg:$0x2];
	[bflag:$0x3] =	sbarrier.arrive $0xFFFF;
	s2 =	simm.s32 @!p0 $0x1C03  }
0x6b3: {  	[timem:s3], [sflag:s2] =	dma.local @!p0 [hbm:s0], s1  }
0x6b4: {  	s0 =	simm.s32 @!p0 $0x3  }
0x6b5: {  	_ =	swait.ge @!p0 [sflag:s0], s1  }
0x6b6: {  	s1 =	ssub.s32 @!p0 $0x0, s1;
	[sflag:s0] =	ssyncset.done @!p0 $0x0  }
0x6b7: {  	[sflag:s0] =	ssyncadd.s32 @!p0 s1  }
0x6b8: {  	[bflag:$0x3] =	sbarrier.arrive $0xFFFF  }
0x6b9: {  	_ =	shalt  }

</sc_bundles>
